<compile_context>
chip_gen: v7x
topology: tpu7x:2x2x1
jax: 0.10.2.dev20260603
libtpu: 0.0.44.dev20260713+nightly
codegen_flags: <defaults>
</compile_context>

<pallas_src>
import functools

import jax
import jax.numpy as jnp
from jax import lax
from jax.experimental import pallas as pl
from jax.experimental.pallas import tpu as pltpu
from jax.experimental.pallas import tpu_sc as plsc

B = 16384
HIST = 20
E = 32
D = 128

NC = 2
NS = 16
NW = NC * NS
B_PER_W = B // NW
CB = 64
NCHUNK = B_PER_W // CB
RC = CB * HIST
GL = 128
NG = RC // GL


def _make_gather_pool():
  mesh = plsc.VectorSubcoreMesh(core_axis_name="c", subcore_axis_name="s")

  @functools.partial(
      pl.kernel,
      mesh=mesh,
      compiler_params=pltpu.CompilerParams(use_tc_tiling_on_sc=False),
      out_type=jax.ShapeDtypeStruct((B, E), jnp.float32),
      scratch_types=[
          pltpu.VMEM((RC,), jnp.int32),
          pltpu.VMEM((RC,), jnp.int32),
          pltpu.VMEM((RC, E), jnp.float32),
          pltpu.VMEM((RC, E), jnp.float32),
          pltpu.VMEM((B_PER_W, E), jnp.float32),
          pltpu.SemaphoreType.DMA,
          pltpu.SemaphoreType.DMA,
      ],
  )
  def gather_pool(idx_hbm, table_hbm, pooled_hbm,
                  idx_v0, idx_v1, rows_v0, rows_v1, pooled_v, sem0, sem1):
    wid = lax.axis_index("s") * NC + lax.axis_index("c")
    idx0 = wid * (B_PER_W * HIST)
    idx_bufs = (idx_v0, idx_v1)
    row_bufs = (rows_v0, rows_v1)
    sems = (sem0, sem1)

    def start(c):
      ib = idx_bufs[c % 2]
      rb = row_bufs[c % 2]
      sm = sems[c % 2]
      pltpu.sync_copy(idx_hbm.at[pl.ds(idx0 + c * RC, RC)], ib)
      handles = []
      for k in range(NG):
        handles.append(
            pltpu.async_copy(table_hbm.at[ib.at[pl.ds(k * GL, GL)]],
                             rb.at[pl.ds(k * GL, GL)], sm))
      return handles

    def sum_chunk(c):
      rb = row_bufs[c % 2]

      def body(b, _):
        r0 = b * HIST
        a0 = rb[r0, pl.ds(0, 16)]
        a1 = rb[r0, pl.ds(16, 16)]
        b0 = rb[r0 + 1, pl.ds(0, 16)]
        b1 = rb[r0 + 1, pl.ds(16, 16)]
        for l in range(2, HIST, 2):
          a0 = a0 + rb[r0 + l, pl.ds(0, 16)]
          a1 = a1 + rb[r0 + l, pl.ds(16, 16)]
          b0 = b0 + rb[r0 + l + 1, pl.ds(0, 16)]
          b1 = b1 + rb[r0 + l + 1, pl.ds(16, 16)]
        pooled_v[c * CB + b, pl.ds(0, 16)] = a0 + b0
        pooled_v[c * CB + b, pl.ds(16, 16)] = a1 + b1
        return 0

      lax.fori_loop(0, CB, body, 0)

    handles = start(0)
    for c in range(NCHUNK):
      next_handles = start(c + 1) if c + 1 < NCHUNK else None
      for h in handles:
        h.wait()
      sum_chunk(c)
      handles = next_handles
    pltpu.sync_copy(pooled_v, pooled_hbm.at[pl.ds(wid * B_PER_W, B_PER_W)])

  return gather_pool


_gather_pool = _make_gather_pool()

BT = 2048


def _proj_body(x_ref, w_ref, o_ref):
  o_ref[...] = jnp.dot(x_ref[...], w_ref[...],
                       preferred_element_type=jnp.float32)


def _project(pooled, proj_wt):
  return pl.pallas_call(
      _proj_body,
      grid=(B // BT,),
      in_specs=[
          pl.BlockSpec((BT, E), lambda i: (i, 0)),
          pl.BlockSpec((E, D), lambda i: (0, 0)),
      ],
      out_specs=pl.BlockSpec((BT, D), lambda i: (i, 0)),
      out_shape=jax.ShapeDtypeStruct((B, D), jnp.float32),
  )(pooled, proj_wt)


def kernel(input, table, proj_w):
  idx = input.reshape(-1).astype(jnp.int32)
  pooled = _gather_pool(idx, table)
  return _project(pooled, proj_w.T)

# --- scband reference (transcript-rebuilt; emitter-appended) ---
"""Pipeline reference for scband-pr-embedding-bag-88081189307069 (READ-ONLY COPY).

The authoritative reference and input builder live on the scoring server;
editing this copy changes nothing except your own understanding.
"""

import jax, jax.numpy as jnp
import numpy as np

NUM_EMBEDDINGS = 1000000
EMBEDDING_DIM = 32
BASE_DIM = 128
BATCH = 16384
HIST = 20

def _xavier_uniform(key, shape):
    fan_in, fan_out = shape[1], shape[0]
    a = jnp.sqrt(6.0 / (fan_in + fan_out))
    return jax.random.uniform(key, shape, jnp.float32, -a, a)

def setup_inputs(seed: int = 0) -> dict:
    key = jax.random.key(seed)
    k1, k2, k3 = jax.random.split(key, 3)
    inp = jax.random.randint(k1, (BATCH, HIST), 0, NUM_EMBEDDINGS, dtype=jnp.int64 if jax.config.jax_enable_x64 else jnp.int32)
    # EmbeddingBag weight, xavier uniform (fan_in=embedding_dim, fan_out=num_embeddings)
    a_emb = jnp.sqrt(6.0 / (NUM_EMBEDDINGS + EMBEDDING_DIM))
    table = jax.random.uniform(k2, (NUM_EMBEDDINGS, EMBEDDING_DIM), jnp.float32, -a_emb, a_emb)
    # Linear(embedding_dim -> base_dim, bias=False): weight shape [base_dim, embedding_dim]
    proj_w = _xavier_uniform(k3, (BASE_DIM, EMBEDDING_DIM))
    return {"input": inp, "table": table, "proj_w": proj_w}

def reference(input, table, proj_w):
    # EmbeddingBag(mode='sum') on 2D input: gather then sum over bag dim
    emb = jnp.take(table, input, axis=0)          # [B, L, E]
    pooled = jnp.sum(emb, axis=1)                 # [B, E]
    out = pooled @ proj_w.T                       # [B, base_dim]
    return out

if __name__ == "__main__":
    import jax
    _d = setup_inputs()
    print(jax.jit(kernel)(*tuple(_d.values())))

</pallas_src>

<mosaic_0001>
#map = affine_map<(d0, d1) -> (0)>
#map1 = affine_map<(d0, d1) -> (0, 0)>
module attributes {stable_mosaic.version = 14 : i64} {
  func.func @gather_pool(%arg0: i32, %arg1: i32, %arg2: memref<327680xi32, #tpu.memory_space<hbm>>, %arg3: memref<1000000x32xf32, #tpu.memory_space<hbm>>, %arg4: memref<16384x32xf32, #tpu.memory_space<hbm>>, %arg5: memref<1280xi32, #tpu.memory_space<vmem>>, %arg6: memref<1280xi32, #tpu.memory_space<vmem>>, %arg7: memref<1280x32xf32, #tpu.memory_space<vmem>>, %arg8: memref<1280x32xf32, #tpu.memory_space<vmem>>, %arg9: memref<512x32xf32, #tpu.memory_space<vmem>>, %arg10: memref<!tpu.dma_semaphore, #tpu.memory_space<semaphore_mem>>, %arg11: memref<!tpu.dma_semaphore, #tpu.memory_space<semaphore_mem>>) attributes {dimension_semantics = [#tpu.dimension_semantics<core_parallel>, #tpu.dimension_semantics<subcore_parallel>], iteration_bounds = array<i64: 2, 16>, scalar_prefetch = 0 : i64, scratch_operands = 7 : i64, tpu.core_type = #tpu.core_type<sc_vector_subcore>, window_params = [{transform_indices = #map}, {transform_indices = #map1}, {transform_indices = #map1}]} {
    %mul3A = arith.constant 2 : i32
    %mul3A_0 = arith.muli %arg1, %mul3A : i32
    %add3A = arith.addi %mul3A_0, %arg0 : i32
    %mul3A_1 = arith.constant 10240 : i32
    %mul3A_2 = arith.muli %add3A, %mul3A_1 : i32
    %add3A_3 = arith.constant 0 : i32
    %add3A_4 = arith.addi %mul3A_2, %add3A_3 : i32
    "tpu.region"() ({
      %run_scoped3A = tpu.sem_alloc : memref<!tpu.dma_semaphore, #tpu.memory_space<semaphore_mem>>
      %dma_start3A_1354 = tpu.memref_slice %arg2[%add3A_4] : memref<327680xi32, #tpu.memory_space<hbm>> -> memref<1280xi32, #tpu.memory_space<hbm>>
      %dma_start3A_1355 = tpu.memref_slice %arg2[%add3A_4] : memref<327680xi32, #tpu.memory_space<hbm>> -> memref<1280xi32, #tpu.memory_space<hbm>>
      tpu.enqueue_dma source(%dma_start3A_1355 : memref<1280xi32, #tpu.memory_space<hbm>>) target(%arg5 : memref<1280xi32, #tpu.memory_space<vmem>>) target_semaphore(%run_scoped3A : memref<!tpu.dma_semaphore, #tpu.memory_space<semaphore_mem>>)
      %dma_wait3A_1356 = tpu.memref_slice %arg2[%add3A_4] : memref<327680xi32, #tpu.memory_space<hbm>> -> memref<1280xi32, #tpu.memory_space<hbm>>
      %dma_wait3A_1357 = tpu.memref_slice %arg2[%add3A_4] : memref<327680xi32, #tpu.memory_space<hbm>> -> memref<1280xi32, #tpu.memory_space<hbm>>
      tpu.wait_dma2 semaphore(%run_scoped3A : memref<!tpu.dma_semaphore, #tpu.memory_space<semaphore_mem>>) src(%dma_wait3A_1357 : memref<1280xi32, #tpu.memory_space<hbm>>) dst(%arg5 : memref<1280xi32, #tpu.memory_space<vmem>>)
      tpu.yield
    }) : () -> ()
    %dma_start3A = arith.constant 0 : i32
    %dma_start3A_5 = arith.constant 0 : i32
    %dma_start3A_6 = tpu.memref_slice %arg7[%dma_start3A, %dma_start3A_5] : memref<1280x32xf32, #tpu.memory_space<vmem>> -> memref<128x32xf32, #tpu.memory_space<vmem>>
    %dma_start3A_7 = arith.constant 0 : i32
    %dma_start3A_8 = tpu.memref_slice %arg5[%dma_start3A_7] : memref<1280xi32, #tpu.memory_space<vmem>> -> memref<128xi32, #tpu.memory_space<vmem>>
    %dma_start3A_9 = arith.constant 0 : i32
    %dma_start3A_10 = arith.constant 0 : i32
    %dma_start3A_11 = tpu.memref_slice %arg3[%dma_start3A_9, %dma_start3A_10] : memref<1000000x32xf32, #tpu.memory_space<hbm>> -> memref<1000000x32xf32, #tpu.memory_space<hbm>>
    tpu.enqueue_indirect_dma source(%dma_start3A_11 : memref<1000000x32xf32, #tpu.memory_space<hbm>>) target(%dma_start3A_6 : memref<128x32xf32, #tpu.memory_space<vmem>>) offsets(%dma_start3A_8 : memref<128xi32, #tpu.memory_space<vmem>>) semaphore(%arg10 : memref<!tpu.dma_semaphore, #tpu.memory_space<semaphore_mem>>)
    %dma_start3A_12 = arith.constant 128 : i32
    %dma_start3A_13 = arith.constant 0 : i32
    %dma_start3A_14 = tpu.memref_slice %arg7[%dma_start3A_12, %dma_start3A_13] : memref<1280x32xf32, #tpu.memory_space<vmem>> -> memref<128x32xf32, #tpu.memory_space<vmem>>
    %dma_start3A_15 = arith.constant 128 : i32
    %dma_start3A_16 = tpu.memref_slice %arg5[%dma_start3A_15] : memref<1280xi32, #tpu.memory_space<vmem>> -> memref<128xi32, #tpu.memory_space<vmem>>
    %dma_start3A_17 = arith.constant 0 : i32
    %dma_start3A_18 = arith.constant 0 : i32
    %dma_start3A_19 = tpu.memref_slice %arg3[%dma_start3A_17, %dma_start3A_18] : memref<1000000x32xf32, #tpu.memory_space<hbm>> -> memref<1000000x32xf32, #tpu.memory_space<hbm>>
    tpu.enqueue_indirect_dma source(%dma_start3A_19 : memref<1000000x32xf32, #tpu.memory_space<hbm>>) target(%dma_start3A_14 : memref<128x32xf32, #tpu.memory_space<vmem>>) offsets(%dma_start3A_16 : memref<128xi32, #tpu.memory_space<vmem>>) semaphore(%arg10 : memref<!tpu.dma_semaphore, #tpu.memory_space<semaphore_mem>>)
    %dma_start3A_20 = arith.constant 256 : i32
    %dma_start3A_21 = arith.constant 0 : i32
    %dma_start3A_22 = tpu.memref_slice %arg7[%dma_start3A_20, %dma_start3A_21] : memref<1280x32xf32, #tpu.memory_space<vmem>> -> memref<128x32xf32, #tpu.memory_space<vmem>>
    %dma_start3A_23 = arith.constant 256 : i32
    %dma_start3A_24 = tpu.memref_slice %arg5[%dma_start3A_23] : memref<1280xi32, #tpu.memory_space<vmem>> -> memref<128xi32, #tpu.memory_space<vmem>>
    %dma_start3A_25 = arith.constant 0 : i32
    %dma_start3A_26 = arith.constant 0 : i32
    %dma_start3A_27 = tpu.memref_slice %arg3[%dma_start3A_25, %dma_start3A_26] : memref<1000000x32xf32, #tpu.memory_space<hbm>> -> memref<1000000x32xf32, #tpu.memory_space<hbm>>
    tpu.enqueue_indirect_dma source(%dma_start3A_27 : memref<1000000x32xf32, #tpu.memory_space<hbm>>) target(%dma_start3A_22 : memref<128x32xf32, #tpu.memory_space<vmem>>) offsets(%dma_start3A_24 : memref<128xi32, #tpu.memory_space<vmem>>) semaphore(%arg10 : memref<!tpu.dma_semaphore, #tpu.memory_space<semaphore_mem>>)
    %dma_start3A_28 = arith.constant 384 : i32
    %dma_start3A_29 = arith.constant 0 : i32
    %dma_start3A_30 = tpu.memref_slice %arg7[%dma_start3A_28, %dma_start3A_29] : memref<1280x32xf32, #tpu.memory_space<vmem>> -> memref<128x32xf32, #tpu.memory_space<vmem>>
    %dma_start3A_31 = arith.constant 384 : i32
    %dma_start3A_32 = tpu.memref_slice %arg5[%dma_start3A_31] : memref<1280xi32, #tpu.memory_space<vmem>> -> memref<128xi32, #tpu.memory_space<vmem>>
    %dma_start3A_33 = arith.constant 0 : i32
    %dma_start3A_34 = arith.constant 0 : i32
    %dma_start3A_35 = tpu.memref_slice %arg3[%dma_start3A_33, %dma_start3A_34] : memref<1000000x32xf32, #tpu.memory_space<hbm>> -> memref<1000000x32xf32, #tpu.memory_space<hbm>>
    tpu.enqueue_indirect_dma source(%dma_start3A_35 : memref<1000000x32xf32, #tpu.memory_space<hbm>>) target(%dma_start3A_30 : memref<128x32xf32, #tpu.memory_space<vmem>>) offsets(%dma_start3A_32 : memref<128xi32, #tpu.memory_space<vmem>>) semaphore(%arg10 : memref<!tpu.dma_semaphore, #tpu.memory_space<semaphore_mem>>)
    %dma_start3A_36 = arith.constant 512 : i32
    %dma_start3A_37 = arith.constant 0 : i32
    %dma_start3A_38 = tpu.memref_slice %arg7[%dma_start3A_36, %dma_start3A_37] : memref<1280x32xf32, #tpu.memory_space<vmem>> -> memref<128x32xf32, #tpu.memory_space<vmem>>
    %dma_start3A_39 = arith.constant 512 : i32
    %dma_start3A_40 = tpu.memref_slice %arg5[%dma_start3A_39] : memref<1280xi32, #tpu.memory_space<vmem>> -> memref<128xi32, #tpu.memory_space<vmem>>
    %dma_start3A_41 = arith.constant 0 : i32
    %dma_start3A_42 = arith.constant 0 : i32
    %dma_start3A_43 = tpu.memref_slice %arg3[%dma_start3A_41, %dma_start3A_42] : memref<1000000x32xf32, #tpu.memory_space<hbm>> -> memref<1000000x32xf32, #tpu.memory_space<hbm>>
    tpu.enqueue_indirect_dma source(%dma_start3A_43 : memref<1000000x32xf32, #tpu.memory_space<hbm>>) target(%dma_start3A_38 : memref<128x32xf32, #tpu.memory_space<vmem>>) offsets(%dma_start3A_40 : memref<128xi32, #tpu.memory_space<vmem>>) semaphore(%arg10 : memref<!tpu.dma_semaphore, #tpu.memory_space<semaphore_mem>>)
    %dma_start3A_44 = arith.constant 640 : i32
    %dma_start3A_45 = arith.constant 0 : i32
    %dma_start3A_46 = tpu.memref_slice %arg7[%dma_start3A_44, %dma_start3A_45] : memref<1280x32xf32, #tpu.memory_space<vmem>> -> memref<128x32xf32, #tpu.memory_space<vmem>>
    %dma_start3A_47 = arith.constant 640 : i32
    %dma_start3A_48 = tpu.memref_slice %arg5[%dma_start3A_47] : memref<1280xi32, #tpu.memory_space<vmem>> -> memref<128xi32, #tpu.memory_space<vmem>>
    %dma_start3A_49 = arith.constant 0 : i32
    %dma_start3A_50 = arith.constant 0 : i32
    %dma_start3A_51 = tpu.memref_slice %arg3[%dma_start3A_49, %dma_start3A_50] : memref<1000000x32xf32, #tpu.memory_space<hbm>> -> memref<1000000x32xf32, #tpu.memory_space<hbm>>
    tpu.enqueue_indirect_dma source(%dma_start3A_51 : memref<1000000x32xf32, #tpu.memory_space<hbm>>) target(%dma_start3A_46 : memref<128x32xf32, #tpu.memory_space<vmem>>) offsets(%dma_start3A_48 : memref<128xi32, #tpu.memory_space<vmem>>) semaphore(%arg10 : memref<!tpu.dma_semaphore, #tpu.memory_space<semaphore_mem>>)
    %dma_start3A_52 = arith.constant 768 : i32
    %dma_start3A_53 = arith.constant 0 : i32
    %dma_start3A_54 = tpu.memref_slice %arg7[%dma_start3A_52, %dma_start3A_53] : memref<1280x32xf32, #tpu.memory_space<vmem>> -> memref<128x32xf32, #tpu.memory_space<vmem>>
    %dma_start3A_55 = arith.constant 768 : i32
    %dma_start3A_56 = tpu.memref_slice %arg5[%dma_start3A_55] : memref<1280xi32, #tpu.memory_space<vmem>> -> memref<128xi32, #tpu.memory_space<vmem>>
    %dma_start3A_57 = arith.constant 0 : i32
    %dma_start3A_58 = arith.constant 0 : i32
    %dma_start3A_59 = tpu.memref_slice %arg3[%dma_start3A_57, %dma_start3A_58] : memref<1000000x32xf32, #tpu.memory_space<hbm>> -> memref<1000000x32xf32, #tpu.memory_space<hbm>>
    tpu.enqueue_indirect_dma source(%dma_start3A_59 : memref<1000000x32xf32, #tpu.memory_space<hbm>>) target(%dma_start3A_54 : memref<128x32xf32, #tpu.memory_space<vmem>>) offsets(%dma_start3A_56 : memref<128xi32, #tpu.memory_space<vmem>>) semaphore(%arg10 : memref<!tpu.dma_semaphore, #tpu.memory_space<semaphore_mem>>)
    %dma_start3A_60 = arith.constant 896 : i32
    %dma_start3A_61 = arith.constant 0 : i32
    %dma_start3A_62 = tpu.memref_slice %arg7[%dma_start3A_60, %dma_start3A_61] : memref<1280x32xf32, #tpu.memory_space<vmem>> -> memref<128x32xf32, #tpu.memory_space<vmem>>
    %dma_start3A_63 = arith.constant 896 : i32
    %dma_start3A_64 = tpu.memref_slice %arg5[%dma_start3A_63] : memref<1280xi32, #tpu.memory_space<vmem>> -> memref<128xi32, #tpu.memory_space<vmem>>
    %dma_start3A_65 = arith.constant 0 : i32
    %dma_start3A_66 = arith.constant 0 : i32
    %dma_start3A_67 = tpu.memref_slice %arg3[%dma_start3A_65, %dma_start3A_66] : memref<1000000x32xf32, #tpu.memory_space<hbm>> -> memref<1000000x32xf32, #tpu.memory_space<hbm>>
    tpu.enqueue_indirect_dma source(%dma_start3A_67 : memref<1000000x32xf32, #tpu.memory_space<hbm>>) target(%dma_start3A_62 : memref<128x32xf32, #tpu.memory_space<vmem>>) offsets(%dma_start3A_64 : memref<128xi32, #tpu.memory_space<vmem>>) semaphore(%arg10 : memref<!tpu.dma_semaphore, #tpu.memory_space<semaphore_mem>>)
    %dma_start3A_68 = arith.constant 1024 : i32
    %dma_start3A_69 = arith.constant 0 : i32
    %dma_start3A_70 = tpu.memref_slice %arg7[%dma_start3A_68, %dma_start3A_69] : memref<1280x32xf32, #tpu.memory_space<vmem>> -> memref<128x32xf32, #tpu.memory_space<vmem>>
    %dma_start3A_71 = arith.constant 1024 : i32
    %dma_start3A_72 = tpu.memref_slice %arg5[%dma_start3A_71] : memref<1280xi32, #tpu.memory_space<vmem>> -> memref<128xi32, #tpu.memory_space<vmem>>
    %dma_start3A_73 = arith.constant 0 : i32
    %dma_start3A_74 = arith.constant 0 : i32
    %dma_start3A_75 = tpu.memref_slice %arg3[%dma_start3A_73, %dma_start3A_74] : memref<1000000x32xf32, #tpu.memory_space<hbm>> -> memref<1000000x32xf32, #tpu.memory_space<hbm>>
    tpu.enqueue_indirect_dma source(%dma_start3A_75 : memref<1000000x32xf32, #tpu.memory_space<hbm>>) target(%dma_start3A_70 : memref<128x32xf32, #tpu.memory_space<vmem>>) offsets(%dma_start3A_72 : memref<128xi32, #tpu.memory_space<vmem>>) semaphore(%arg10 : memref<!tpu.dma_semaphore, #tpu.memory_space<semaphore_mem>>)
    %dma_start3A_76 = arith.constant 1152 : i32
    %dma_start3A_77 = arith.constant 0 : i32
    %dma_start3A_78 = tpu.memref_slice %arg7[%dma_start3A_76, %dma_start3A_77] : memref<1280x32xf32, #tpu.memory_space<vmem>> -> memref<128x32xf32, #tpu.memory_space<vmem>>
    %dma_start3A_79 = arith.constant 1152 : i32
    %dma_start3A_80 = tpu.memref_slice %arg5[%dma_start3A_79] : memref<1280xi32, #tpu.memory_space<vmem>> -> memref<128xi32, #tpu.memory_space<vmem>>
    %dma_start3A_81 = arith.constant 0 : i32
    %dma_start3A_82 = arith.constant 0 : i32
    %dma_start3A_83 = tpu.memref_slice %arg3[%dma_start3A_81, %dma_start3A_82] : memref<1000000x32xf32, #tpu.memory_space<hbm>> -> memref<1000000x32xf32, #tpu.memory_space<hbm>>
    tpu.enqueue_indirect_dma source(%dma_start3A_83 : memref<1000000x32xf32, #tpu.memory_space<hbm>>) target(%dma_start3A_78 : memref<128x32xf32, #tpu.memory_space<vmem>>) offsets(%dma_start3A_80 : memref<128xi32, #tpu.memory_space<vmem>>) semaphore(%arg10 : memref<!tpu.dma_semaphore, #tpu.memory_space<semaphore_mem>>)
    %add3A_84 = arith.constant 1280 : i32
    %add3A_85 = arith.addi %mul3A_2, %add3A_84 : i32
    "tpu.region"() ({
      %run_scoped3A = tpu.sem_alloc : memref<!tpu.dma_semaphore, #tpu.memory_space<semaphore_mem>>
      %dma_start3A_1354 = tpu.memref_slice %arg2[%add3A_85] : memref<327680xi32, #tpu.memory_space<hbm>> -> memref<1280xi32, #tpu.memory_space<hbm>>
      %dma_start3A_1355 = tpu.memref_slice %arg2[%add3A_85] : memref<327680xi32, #tpu.memory_space<hbm>> -> memref<1280xi32, #tpu.memory_space<hbm>>
      tpu.enqueue_dma source(%dma_start3A_1355 : memref<1280xi32, #tpu.memory_space<hbm>>) target(%arg6 : memref<1280xi32, #tpu.memory_space<vmem>>) target_semaphore(%run_scoped3A : memref<!tpu.dma_semaphore, #tpu.memory_space<semaphore_mem>>)
      %dma_wait3A_1356 = tpu.memref_slice %arg2[%add3A_85] : memref<327680xi32, #tpu.memory_space<hbm>> -> memref<1280xi32, #tpu.memory_space<hbm>>
      %dma_wait3A_1357 = tpu.memref_slice %arg2[%add3A_85] : memref<327680xi32, #tpu.memory_space<hbm>> -> memref<1280xi32, #tpu.memory_space<hbm>>
      tpu.wait_dma2 semaphore(%run_scoped3A : memref<!tpu.dma_semaphore, #tpu.memory_space<semaphore_mem>>) src(%dma_wait3A_1357 : memref<1280xi32, #tpu.memory_space<hbm>>) dst(%arg6 : memref<1280xi32, #tpu.memory_space<vmem>>)
      tpu.yield
    }) : () -> ()
    %dma_start3A_86 = arith.constant 0 : i32
    %dma_start3A_87 = arith.constant 0 : i32
    %dma_start3A_88 = tpu.memref_slice %arg8[%dma_start3A_86, %dma_start3A_87] : memref<1280x32xf32, #tpu.memory_space<vmem>> -> memref<128x32xf32, #tpu.memory_space<vmem>>
    %dma_start3A_89 = arith.constant 0 : i32
    %dma_start3A_90 = tpu.memref_slice %arg6[%dma_start3A_89] : memref<1280xi32, #tpu.memory_space<vmem>> -> memref<128xi32, #tpu.memory_space<vmem>>
    %dma_start3A_91 = arith.constant 0 : i32
    %dma_start3A_92 = arith.constant 0 : i32
    %dma_start3A_93 = tpu.memref_slice %arg3[%dma_start3A_91, %dma_start3A_92] : memref<1000000x32xf32, #tpu.memory_space<hbm>> -> memref<1000000x32xf32, #tpu.memory_space<hbm>>
    tpu.enqueue_indirect_dma source(%dma_start3A_93 : memref<1000000x32xf32, #tpu.memory_space<hbm>>) target(%dma_start3A_88 : memref<128x32xf32, #tpu.memory_space<vmem>>) offsets(%dma_start3A_90 : memref<128xi32, #tpu.memory_space<vmem>>) semaphore(%arg11 : memref<!tpu.dma_semaphore, #tpu.memory_space<semaphore_mem>>)
    %dma_start3A_94 = arith.constant 128 : i32
    %dma_start3A_95 = arith.constant 0 : i32
    %dma_start3A_96 = tpu.memref_slice %arg8[%dma_start3A_94, %dma_start3A_95] : memref<1280x32xf32, #tpu.memory_space<vmem>> -> memref<128x32xf32, #tpu.memory_space<vmem>>
    %dma_start3A_97 = arith.constant 128 : i32
    %dma_start3A_98 = tpu.memref_slice %arg6[%dma_start3A_97] : memref<1280xi32, #tpu.memory_space<vmem>> -> memref<128xi32, #tpu.memory_space<vmem>>
    %dma_start3A_99 = arith.constant 0 : i32
    %dma_start3A_100 = arith.constant 0 : i32
    %dma_start3A_101 = tpu.memref_slice %arg3[%dma_start3A_99, %dma_start3A_100] : memref<1000000x32xf32, #tpu.memory_space<hbm>> -> memref<1000000x32xf32, #tpu.memory_space<hbm>>
    tpu.enqueue_indirect_dma source(%dma_start3A_101 : memref<1000000x32xf32, #tpu.memory_space<hbm>>) target(%dma_start3A_96 : memref<128x32xf32, #tpu.memory_space<vmem>>) offsets(%dma_start3A_98 : memref<128xi32, #tpu.memory_space<vmem>>) semaphore(%arg11 : memref<!tpu.dma_semaphore, #tpu.memory_space<semaphore_mem>>)
    %dma_start3A_102 = arith.constant 256 : i32
    %dma_start3A_103 = arith.constant 0 : i32
    %dma_start3A_104 = tpu.memref_slice %arg8[%dma_start3A_102, %dma_start3A_103] : memref<1280x32xf32, #tpu.memory_space<vmem>> -> memref<128x32xf32, #tpu.memory_space<vmem>>
    %dma_start3A_105 = arith.constant 256 : i32
    %dma_start3A_106 = tpu.memref_slice %arg6[%dma_start3A_105] : memref<1280xi32, #tpu.memory_space<vmem>> -> memref<128xi32, #tpu.memory_space<vmem>>
    %dma_start3A_107 = arith.constant 0 : i32
    %dma_start3A_108 = arith.constant 0 : i32
    %dma_start3A_109 = tpu.memref_slice %arg3[%dma_start3A_107, %dma_start3A_108] : memref<1000000x32xf32, #tpu.memory_space<hbm>> -> memref<1000000x32xf32, #tpu.memory_space<hbm>>
    tpu.enqueue_indirect_dma source(%dma_start3A_109 : memref<1000000x32xf32, #tpu.memory_space<hbm>>) target(%dma_start3A_104 : memref<128x32xf32, #tpu.memory_space<vmem>>) offsets(%dma_start3A_106 : memref<128xi32, #tpu.memory_space<vmem>>) semaphore(%arg11 : memref<!tpu.dma_semaphore, #tpu.memory_space<semaphore_mem>>)
    %dma_start3A_110 = arith.constant 384 : i32
    %dma_start3A_111 = arith.constant 0 : i32
    %dma_start3A_112 = tpu.memref_slice %arg8[%dma_start3A_110, %dma_start3A_111] : memref<1280x32xf32, #tpu.memory_space<vmem>> -> memref<128x32xf32, #tpu.memory_space<vmem>>
    %dma_start3A_113 = arith.constant 384 : i32
    %dma_start3A_114 = tpu.memref_slice %arg6[%dma_start3A_113] : memref<1280xi32, #tpu.memory_space<vmem>> -> memref<128xi32, #tpu.memory_space<vmem>>
    %dma_start3A_115 = arith.constant 0 : i32
    %dma_start3A_116 = arith.constant 0 : i32
    %dma_start3A_117 = tpu.memref_slice %arg3[%dma_start3A_115, %dma_start3A_116] : memref<1000000x32xf32, #tpu.memory_space<hbm>> -> memref<1000000x32xf32, #tpu.memory_space<hbm>>
    tpu.enqueue_indirect_dma source(%dma_start3A_117 : memref<1000000x32xf32, #tpu.memory_space<hbm>>) target(%dma_start3A_112 : memref<128x32xf32, #tpu.memory_space<vmem>>) offsets(%dma_start3A_114 : memref<128xi32, #tpu.memory_space<vmem>>) semaphore(%arg11 : memref<!tpu.dma_semaphore, #tpu.memory_space<semaphore_mem>>)
    %dma_start3A_118 = arith.constant 512 : i32
    %dma_start3A_119 = arith.constant 0 : i32
    %dma_start3A_120 = tpu.memref_slice %arg8[%dma_start3A_118, %dma_start3A_119] : memref<1280x32xf32, #tpu.memory_space<vmem>> -> memref<128x32xf32, #tpu.memory_space<vmem>>
    %dma_start3A_121 = arith.constant 512 : i32
    %dma_start3A_122 = tpu.memref_slice %arg6[%dma_start3A_121] : memref<1280xi32, #tpu.memory_space<vmem>> -> memref<128xi32, #tpu.memory_space<vmem>>
    %dma_start3A_123 = arith.constant 0 : i32
    %dma_start3A_124 = arith.constant 0 : i32
    %dma_start3A_125 = tpu.memref_slice %arg3[%dma_start3A_123, %dma_start3A_124] : memref<1000000x32xf32, #tpu.memory_space<hbm>> -> memref<1000000x32xf32, #tpu.memory_space<hbm>>
    tpu.enqueue_indirect_dma source(%dma_start3A_125 : memref<1000000x32xf32, #tpu.memory_space<hbm>>) target(%dma_start3A_120 : memref<128x32xf32, #tpu.memory_space<vmem>>) offsets(%dma_start3A_122 : memref<128xi32, #tpu.memory_space<vmem>>) semaphore(%arg11 : memref<!tpu.dma_semaphore, #tpu.memory_space<semaphore_mem>>)
    %dma_start3A_126 = arith.constant 640 : i32
    %dma_start3A_127 = arith.constant 0 : i32
    %dma_start3A_128 = tpu.memref_slice %arg8[%dma_start3A_126, %dma_start3A_127] : memref<1280x32xf32, #tpu.memory_space<vmem>> -> memref<128x32xf32, #tpu.memory_space<vmem>>
    %dma_start3A_129 = arith.constant 640 : i32
    %dma_start3A_130 = tpu.memref_slice %arg6[%dma_start3A_129] : memref<1280xi32, #tpu.memory_space<vmem>> -> memref<128xi32, #tpu.memory_space<vmem>>
    %dma_start3A_131 = arith.constant 0 : i32
    %dma_start3A_132 = arith.constant 0 : i32
    %dma_start3A_133 = tpu.memref_slice %arg3[%dma_start3A_131, %dma_start3A_132] : memref<1000000x32xf32, #tpu.memory_space<hbm>> -> memref<1000000x32xf32, #tpu.memory_space<hbm>>
    tpu.enqueue_indirect_dma source(%dma_start3A_133 : memref<1000000x32xf32, #tpu.memory_space<hbm>>) target(%dma_start3A_128 : memref<128x32xf32, #tpu.memory_space<vmem>>) offsets(%dma_start3A_130 : memref<128xi32, #tpu.memory_space<vmem>>) semaphore(%arg11 : memref<!tpu.dma_semaphore, #tpu.memory_space<semaphore_mem>>)
    %dma_start3A_134 = arith.constant 768 : i32
    %dma_start3A_135 = arith.constant 0 : i32
    %dma_start3A_136 = tpu.memref_slice %arg8[%dma_start3A_134, %dma_start3A_135] : memref<1280x32xf32, #tpu.memory_space<vmem>> -> memref<128x32xf32, #tpu.memory_space<vmem>>
    %dma_start3A_137 = arith.constant 768 : i32
    %dma_start3A_138 = tpu.memref_slice %arg6[%dma_start3A_137] : memref<1280xi32, #tpu.memory_space<vmem>> -> memref<128xi32, #tpu.memory_space<vmem>>
    %dma_start3A_139 = arith.constant 0 : i32
    %dma_start3A_140 = arith.constant 0 : i32
    %dma_start3A_141 = tpu.memref_slice %arg3[%dma_start3A_139, %dma_start3A_140] : memref<1000000x32xf32, #tpu.memory_space<hbm>> -> memref<1000000x32xf32, #tpu.memory_space<hbm>>
    tpu.enqueue_indirect_dma source(%dma_start3A_141 : memref<1000000x32xf32, #tpu.memory_space<hbm>>) target(%dma_start3A_136 : memref<128x32xf32, #tpu.memory_space<vmem>>) offsets(%dma_start3A_138 : memref<128xi32, #tpu.memory_space<vmem>>) semaphore(%arg11 : memref<!tpu.dma_semaphore, #tpu.memory_space<semaphore_mem>>)
    %dma_start3A_142 = arith.constant 896 : i32
    %dma_start3A_143 = arith.constant 0 : i32
    %dma_start3A_144 = tpu.memref_slice %arg8[%dma_start3A_142, %dma_start3A_143] : memref<1280x32xf32, #tpu.memory_space<vmem>> -> memref<128x32xf32, #tpu.memory_space<vmem>>
    %dma_start3A_145 = arith.constant 896 : i32
    %dma_start3A_146 = tpu.memref_slice %arg6[%dma_start3A_145] : memref<1280xi32, #tpu.memory_space<vmem>> -> memref<128xi32, #tpu.memory_space<vmem>>
    %dma_start3A_147 = arith.constant 0 : i32
    %dma_start3A_148 = arith.constant 0 : i32
    %dma_start3A_149 = tpu.memref_slice %arg3[%dma_start3A_147, %dma_start3A_148] : memref<1000000x32xf32, #tpu.memory_space<hbm>> -> memref<1000000x32xf32, #tpu.memory_space<hbm>>
    tpu.enqueue_indirect_dma source(%dma_start3A_149 : memref<1000000x32xf32, #tpu.memory_space<hbm>>) target(%dma_start3A_144 : memref<128x32xf32, #tpu.memory_space<vmem>>) offsets(%dma_start3A_146 : memref<128xi32, #tpu.memory_space<vmem>>) semaphore(%arg11 : memref<!tpu.dma_semaphore, #tpu.memory_space<semaphore_mem>>)
    %dma_start3A_150 = arith.constant 1024 : i32
    %dma_start3A_151 = arith.constant 0 : i32
    %dma_start3A_152 = tpu.memref_slice %arg8[%dma_start3A_150, %dma_start3A_151] : memref<1280x32xf32, #tpu.memory_space<vmem>> -> memref<128x32xf32, #tpu.memory_space<vmem>>
    %dma_start3A_153 = arith.constant 1024 : i32
    %dma_start3A_154 = tpu.memref_slice %arg6[%dma_start3A_153] : memref<1280xi32, #tpu.memory_space<vmem>> -> memref<128xi32, #tpu.memory_space<vmem>>
    %dma_start3A_155 = arith.constant 0 : i32
    %dma_start3A_156 = arith.constant 0 : i32
    %dma_start3A_157 = tpu.memref_slice %arg3[%dma_start3A_155, %dma_start3A_156] : memref<1000000x32xf32, #tpu.memory_space<hbm>> -> memref<1000000x32xf32, #tpu.memory_space<hbm>>
    tpu.enqueue_indirect_dma source(%dma_start3A_157 : memref<1000000x32xf32, #tpu.memory_space<hbm>>) target(%dma_start3A_152 : memref<128x32xf32, #tpu.memory_space<vmem>>) offsets(%dma_start3A_154 : memref<128xi32, #tpu.memory_space<vmem>>) semaphore(%arg11 : memref<!tpu.dma_semaphore, #tpu.memory_space<semaphore_mem>>)
    %dma_start3A_158 = arith.constant 1152 : i32
    %dma_start3A_159 = arith.constant 0 : i32
    %dma_start3A_160 = tpu.memref_slice %arg8[%dma_start3A_158, %dma_start3A_159] : memref<1280x32xf32, #tpu.memory_space<vmem>> -> memref<128x32xf32, #tpu.memory_space<vmem>>
    %dma_start3A_161 = arith.constant 1152 : i32
    %dma_start3A_162 = tpu.memref_slice %arg6[%dma_start3A_161] : memref<1280xi32, #tpu.memory_space<vmem>> -> memref<128xi32, #tpu.memory_space<vmem>>
    %dma_start3A_163 = arith.constant 0 : i32
    %dma_start3A_164 = arith.constant 0 : i32
    %dma_start3A_165 = tpu.memref_slice %arg3[%dma_start3A_163, %dma_start3A_164] : memref<1000000x32xf32, #tpu.memory_space<hbm>> -> memref<1000000x32xf32, #tpu.memory_space<hbm>>
    tpu.enqueue_indirect_dma source(%dma_start3A_165 : memref<1000000x32xf32, #tpu.memory_space<hbm>>) target(%dma_start3A_160 : memref<128x32xf32, #tpu.memory_space<vmem>>) offsets(%dma_start3A_162 : memref<128xi32, #tpu.memory_space<vmem>>) semaphore(%arg11 : memref<!tpu.dma_semaphore, #tpu.memory_space<semaphore_mem>>)
    %dma_wait3A = arith.constant 0 : i32
    %dma_wait3A_166 = arith.constant 0 : i32
    %dma_wait3A_167 = tpu.memref_slice %arg7[%dma_wait3A, %dma_wait3A_166] : memref<1280x32xf32, #tpu.memory_space<vmem>> -> memref<128x32xf32, #tpu.memory_space<vmem>>
    %dma_wait3A_168 = arith.constant 0 : i32
    %dma_wait3A_169 = tpu.memref_slice %arg5[%dma_wait3A_168] : memref<1280xi32, #tpu.memory_space<vmem>> -> memref<128xi32, #tpu.memory_space<vmem>>
    %dma_wait3A_170 = arith.constant 0 : i32
    %dma_wait3A_171 = arith.constant 0 : i32
    %dma_wait3A_172 = tpu.memref_slice %arg3[%dma_wait3A_170, %dma_wait3A_171] : memref<1000000x32xf32, #tpu.memory_space<hbm>> -> memref<1000000x32xf32, #tpu.memory_space<hbm>>
    tpu.wait_indirect_dma semaphore(%arg10 : memref<!tpu.dma_semaphore, #tpu.memory_space<semaphore_mem>>) src(%dma_wait3A_172 : memref<1000000x32xf32, #tpu.memory_space<hbm>>) dst(%dma_wait3A_167 : memref<128x32xf32, #tpu.memory_space<vmem>>)
    %dma_wait3A_173 = arith.constant 128 : i32
    %dma_wait3A_174 = arith.constant 0 : i32
    %dma_wait3A_175 = tpu.memref_slice %arg7[%dma_wait3A_173, %dma_wait3A_174] : memref<1280x32xf32, #tpu.memory_space<vmem>> -> memref<128x32xf32, #tpu.memory_space<vmem>>
    %dma_wait3A_176 = arith.constant 128 : i32
    %dma_wait3A_177 = tpu.memref_slice %arg5[%dma_wait3A_176] : memref<1280xi32, #tpu.memory_space<vmem>> -> memref<128xi32, #tpu.memory_space<vmem>>
    %dma_wait3A_178 = arith.constant 0 : i32
    %dma_wait3A_179 = arith.constant 0 : i32
    %dma_wait3A_180 = tpu.memref_slice %arg3[%dma_wait3A_178, %dma_wait3A_179] : memref<1000000x32xf32, #tpu.memory_space<hbm>> -> memref<1000000x32xf32, #tpu.memory_space<hbm>>
    tpu.wait_indirect_dma semaphore(%arg10 : memref<!tpu.dma_semaphore, #tpu.memory_space<semaphore_mem>>) src(%dma_wait3A_180 : memref<1000000x32xf32, #tpu.memory_space<hbm>>) dst(%dma_wait3A_175 : memref<128x32xf32, #tpu.memory_space<vmem>>)
    %dma_wait3A_181 = arith.constant 256 : i32
    %dma_wait3A_182 = arith.constant 0 : i32
    %dma_wait3A_183 = tpu.memref_slice %arg7[%dma_wait3A_181, %dma_wait3A_182] : memref<1280x32xf32, #tpu.memory_space<vmem>> -> memref<128x32xf32, #tpu.memory_space<vmem>>
    %dma_wait3A_184 = arith.constant 256 : i32
    %dma_wait3A_185 = tpu.memref_slice %arg5[%dma_wait3A_184] : memref<1280xi32, #tpu.memory_space<vmem>> -> memref<128xi32, #tpu.memory_space<vmem>>
    %dma_wait3A_186 = arith.constant 0 : i32
    %dma_wait3A_187 = arith.constant 0 : i32
    %dma_wait3A_188 = tpu.memref_slice %arg3[%dma_wait3A_186, %dma_wait3A_187] : memref<1000000x32xf32, #tpu.memory_space<hbm>> -> memref<1000000x32xf32, #tpu.memory_space<hbm>>
    tpu.wait_indirect_dma semaphore(%arg10 : memref<!tpu.dma_semaphore, #tpu.memory_space<semaphore_mem>>) src(%dma_wait3A_188 : memref<1000000x32xf32, #tpu.memory_space<hbm>>) dst(%dma_wait3A_183 : memref<128x32xf32, #tpu.memory_space<vmem>>)
    %dma_wait3A_189 = arith.constant 384 : i32
    %dma_wait3A_190 = arith.constant 0 : i32
    %dma_wait3A_191 = tpu.memref_slice %arg7[%dma_wait3A_189, %dma_wait3A_190] : memref<1280x32xf32, #tpu.memory_space<vmem>> -> memref<128x32xf32, #tpu.memory_space<vmem>>
    %dma_wait3A_192 = arith.constant 384 : i32
    %dma_wait3A_193 = tpu.memref_slice %arg5[%dma_wait3A_192] : memref<1280xi32, #tpu.memory_space<vmem>> -> memref<128xi32, #tpu.memory_space<vmem>>
    %dma_wait3A_194 = arith.constant 0 : i32
    %dma_wait3A_195 = arith.constant 0 : i32
    %dma_wait3A_196 = tpu.memref_slice %arg3[%dma_wait3A_194, %dma_wait3A_195] : memref<1000000x32xf32, #tpu.memory_space<hbm>> -> memref<1000000x32xf32, #tpu.memory_space<hbm>>
    tpu.wait_indirect_dma semaphore(%arg10 : memref<!tpu.dma_semaphore, #tpu.memory_space<semaphore_mem>>) src(%dma_wait3A_196 : memref<1000000x32xf32, #tpu.memory_space<hbm>>) dst(%dma_wait3A_191 : memref<128x32xf32, #tpu.memory_space<vmem>>)
    %dma_wait3A_197 = arith.constant 512 : i32
    %dma_wait3A_198 = arith.constant 0 : i32
    %dma_wait3A_199 = tpu.memref_slice %arg7[%dma_wait3A_197, %dma_wait3A_198] : memref<1280x32xf32, #tpu.memory_space<vmem>> -> memref<128x32xf32, #tpu.memory_space<vmem>>
    %dma_wait3A_200 = arith.constant 512 : i32
    %dma_wait3A_201 = tpu.memref_slice %arg5[%dma_wait3A_200] : memref<1280xi32, #tpu.memory_space<vmem>> -> memref<128xi32, #tpu.memory_space<vmem>>
    %dma_wait3A_202 = arith.constant 0 : i32
    %dma_wait3A_203 = arith.constant 0 : i32
    %dma_wait3A_204 = tpu.memref_slice %arg3[%dma_wait3A_202, %dma_wait3A_203] : memref<1000000x32xf32, #tpu.memory_space<hbm>> -> memref<1000000x32xf32, #tpu.memory_space<hbm>>
    tpu.wait_indirect_dma semaphore(%arg10 : memref<!tpu.dma_semaphore, #tpu.memory_space<semaphore_mem>>) src(%dma_wait3A_204 : memref<1000000x32xf32, #tpu.memory_space<hbm>>) dst(%dma_wait3A_199 : memref<128x32xf32, #tpu.memory_space<vmem>>)
    %dma_wait3A_205 = arith.constant 640 : i32
    %dma_wait3A_206 = arith.constant 0 : i32
    %dma_wait3A_207 = tpu.memref_slice %arg7[%dma_wait3A_205, %dma_wait3A_206] : memref<1280x32xf32, #tpu.memory_space<vmem>> -> memref<128x32xf32, #tpu.memory_space<vmem>>
    %dma_wait3A_208 = arith.constant 640 : i32
    %dma_wait3A_209 = tpu.memref_slice %arg5[%dma_wait3A_208] : memref<1280xi32, #tpu.memory_space<vmem>> -> memref<128xi32, #tpu.memory_space<vmem>>
    %dma_wait3A_210 = arith.constant 0 : i32
    %dma_wait3A_211 = arith.constant 0 : i32
    %dma_wait3A_212 = tpu.memref_slice %arg3[%dma_wait3A_210, %dma_wait3A_211] : memref<1000000x32xf32, #tpu.memory_space<hbm>> -> memref<1000000x32xf32, #tpu.memory_space<hbm>>
    tpu.wait_indirect_dma semaphore(%arg10 : memref<!tpu.dma_semaphore, #tpu.memory_space<semaphore_mem>>) src(%dma_wait3A_212 : memref<1000000x32xf32, #tpu.memory_space<hbm>>) dst(%dma_wait3A_207 : memref<128x32xf32, #tpu.memory_space<vmem>>)
    %dma_wait3A_213 = arith.constant 768 : i32
    %dma_wait3A_214 = arith.constant 0 : i32
    %dma_wait3A_215 = tpu.memref_slice %arg7[%dma_wait3A_213, %dma_wait3A_214] : memref<1280x32xf32, #tpu.memory_space<vmem>> -> memref<128x32xf32, #tpu.memory_space<vmem>>
    %dma_wait3A_216 = arith.constant 768 : i32
    %dma_wait3A_217 = tpu.memref_slice %arg5[%dma_wait3A_216] : memref<1280xi32, #tpu.memory_space<vmem>> -> memref<128xi32, #tpu.memory_space<vmem>>
    %dma_wait3A_218 = arith.constant 0 : i32
    %dma_wait3A_219 = arith.constant 0 : i32
    %dma_wait3A_220 = tpu.memref_slice %arg3[%dma_wait3A_218, %dma_wait3A_219] : memref<1000000x32xf32, #tpu.memory_space<hbm>> -> memref<1000000x32xf32, #tpu.memory_space<hbm>>
    tpu.wait_indirect_dma semaphore(%arg10 : memref<!tpu.dma_semaphore, #tpu.memory_space<semaphore_mem>>) src(%dma_wait3A_220 : memref<1000000x32xf32, #tpu.memory_space<hbm>>) dst(%dma_wait3A_215 : memref<128x32xf32, #tpu.memory_space<vmem>>)
    %dma_wait3A_221 = arith.constant 896 : i32
    %dma_wait3A_222 = arith.constant 0 : i32
    %dma_wait3A_223 = tpu.memref_slice %arg7[%dma_wait3A_221, %dma_wait3A_222] : memref<1280x32xf32, #tpu.memory_space<vmem>> -> memref<128x32xf32, #tpu.memory_space<vmem>>
    %dma_wait3A_224 = arith.constant 896 : i32
    %dma_wait3A_225 = tpu.memref_slice %arg5[%dma_wait3A_224] : memref<1280xi32, #tpu.memory_space<vmem>> -> memref<128xi32, #tpu.memory_space<vmem>>
    %dma_wait3A_226 = arith.constant 0 : i32
    %dma_wait3A_227 = arith.constant 0 : i32
    %dma_wait3A_228 = tpu.memref_slice %arg3[%dma_wait3A_226, %dma_wait3A_227] : memref<1000000x32xf32, #tpu.memory_space<hbm>> -> memref<1000000x32xf32, #tpu.memory_space<hbm>>
    tpu.wait_indirect_dma semaphore(%arg10 : memref<!tpu.dma_semaphore, #tpu.memory_space<semaphore_mem>>) src(%dma_wait3A_228 : memref<1000000x32xf32, #tpu.memory_space<hbm>>) dst(%dma_wait3A_223 : memref<128x32xf32, #tpu.memory_space<vmem>>)
    %dma_wait3A_229 = arith.constant 1024 : i32
    %dma_wait3A_230 = arith.constant 0 : i32
    %dma_wait3A_231 = tpu.memref_slice %arg7[%dma_wait3A_229, %dma_wait3A_230] : memref<1280x32xf32, #tpu.memory_space<vmem>> -> memref<128x32xf32, #tpu.memory_space<vmem>>
    %dma_wait3A_232 = arith.constant 1024 : i32
    %dma_wait3A_233 = tpu.memref_slice %arg5[%dma_wait3A_232] : memref<1280xi32, #tpu.memory_space<vmem>> -> memref<128xi32, #tpu.memory_space<vmem>>
    %dma_wait3A_234 = arith.constant 0 : i32
    %dma_wait3A_235 = arith.constant 0 : i32
    %dma_wait3A_236 = tpu.memref_slice %arg3[%dma_wait3A_234, %dma_wait3A_235] : memref<1000000x32xf32, #tpu.memory_space<hbm>> -> memref<1000000x32xf32, #tpu.memory_space<hbm>>
    tpu.wait_indirect_dma semaphore(%arg10 : memref<!tpu.dma_semaphore, #tpu.memory_space<semaphore_mem>>) src(%dma_wait3A_236 : memref<1000000x32xf32, #tpu.memory_space<hbm>>) dst(%dma_wait3A_231 : memref<128x32xf32, #tpu.memory_space<vmem>>)
    %dma_wait3A_237 = arith.constant 1152 : i32
    %dma_wait3A_238 = arith.constant 0 : i32
    %dma_wait3A_239 = tpu.memref_slice %arg7[%dma_wait3A_237, %dma_wait3A_238] : memref<1280x32xf32, #tpu.memory_space<vmem>> -> memref<128x32xf32, #tpu.memory_space<vmem>>
    %dma_wait3A_240 = arith.constant 1152 : i32
    %dma_wait3A_241 = tpu.memref_slice %arg5[%dma_wait3A_240] : memref<1280xi32, #tpu.memory_space<vmem>> -> memref<128xi32, #tpu.memory_space<vmem>>
    %dma_wait3A_242 = arith.constant 0 : i32
    %dma_wait3A_243 = arith.constant 0 : i32
    %dma_wait3A_244 = tpu.memref_slice %arg3[%dma_wait3A_242, %dma_wait3A_243] : memref<1000000x32xf32, #tpu.memory_space<hbm>> -> memref<1000000x32xf32, #tpu.memory_space<hbm>>
    tpu.wait_indirect_dma semaphore(%arg10 : memref<!tpu.dma_semaphore, #tpu.memory_space<semaphore_mem>>) src(%dma_wait3A_244 : memref<1000000x32xf32, #tpu.memory_space<hbm>>) dst(%dma_wait3A_239 : memref<128x32xf32, #tpu.memory_space<vmem>>)
    %scan3A = arith.constant 0 : i32
    %scan3A_245 = arith.constant 0 : i32
    %scan3A_246 = arith.constant 64 : i32
    %scan3A_247 = arith.addi %scan3A_245, %scan3A_246 : i32
    %scan3A_248 = arith.constant 1 : i32
    %scan3A_249 = scf.for %scan3A_1354 = %scan3A_245 to %scan3A_247 step %scan3A_248 iter_args(%scan3A_1355 = %scan3A) -> (i32)  : i32 {
      %mul3A_1356 = arith.constant 20 : i32
      %mul3A_1357 = arith.muli %scan3A_1354, %mul3A_1356 : i32
      %get3A = arith.index_cast %mul3A_1357 : i32 to index
      %get3A_1358 = arith.constant 0 : index
      %get3A_1359 = tpu.vector_load %arg7[%get3A, %get3A_1358] {strides = array<i32>} : memref<1280x32xf32, #tpu.memory_space<vmem>>, vector<1x16xf32>,
      %get3A_1360 = vector.shape_cast %get3A_1359 : vector<1x16xf32> to vector<16xf32>
      %get3A_1361 = arith.index_cast %mul3A_1357 : i32 to index
      %get3A_1362 = arith.constant 16 : index
      %get3A_1363 = tpu.vector_load %arg7[%get3A_1361, %get3A_1362] {strides = array<i32>} : memref<1280x32xf32, #tpu.memory_space<vmem>>, vector<1x16xf32>,
      %get3A_1364 = vector.shape_cast %get3A_1363 : vector<1x16xf32> to vector<16xf32>
      %add3A_1365 = arith.constant 1 : i32
      %add3A_1366 = arith.addi %mul3A_1357, %add3A_1365 : i32
      %get3A_1367 = arith.index_cast %add3A_1366 : i32 to index
      %get3A_1368 = arith.constant 0 : index
      %get3A_1369 = tpu.vector_load %arg7[%get3A_1367, %get3A_1368] {strides = array<i32>} : memref<1280x32xf32, #tpu.memory_space<vmem>>, vector<1x16xf32>,
      %get3A_1370 = vector.shape_cast %get3A_1369 : vector<1x16xf32> to vector<16xf32>
      %add3A_1371 = arith.constant 1 : i32
      %add3A_1372 = arith.addi %mul3A_1357, %add3A_1371 : i32
      %get3A_1373 = arith.index_cast %add3A_1372 : i32 to index
      %get3A_1374 = arith.constant 16 : index
      %get3A_1375 = tpu.vector_load %arg7[%get3A_1373, %get3A_1374] {strides = array<i32>} : memref<1280x32xf32, #tpu.memory_space<vmem>>, vector<1x16xf32>,
      %get3A_1376 = vector.shape_cast %get3A_1375 : vector<1x16xf32> to vector<16xf32>
      %add3A_1377 = arith.constant 2 : i32
      %add3A_1378 = arith.addi %mul3A_1357, %add3A_1377 : i32
      %get3A_1379 = arith.index_cast %add3A_1378 : i32 to index
      %get3A_1380 = arith.constant 0 : index
      %get3A_1381 = tpu.vector_load %arg7[%get3A_1379, %get3A_1380] {strides = array<i32>} : memref<1280x32xf32, #tpu.memory_space<vmem>>, vector<1x16xf32>,
      %get3A_1382 = vector.shape_cast %get3A_1381 : vector<1x16xf32> to vector<16xf32>
      %add3A_1383 = arith.addf %get3A_1360, %get3A_1382 : vector<16xf32>
      %add3A_1384 = arith.constant 2 : i32
      %add3A_1385 = arith.addi %mul3A_1357, %add3A_1384 : i32
      %get3A_1386 = arith.index_cast %add3A_1385 : i32 to index
      %get3A_1387 = arith.constant 16 : index
      %get3A_1388 = tpu.vector_load %arg7[%get3A_1386, %get3A_1387] {strides = array<i32>} : memref<1280x32xf32, #tpu.memory_space<vmem>>, vector<1x16xf32>,
      %get3A_1389 = vector.shape_cast %get3A_1388 : vector<1x16xf32> to vector<16xf32>
      %add3A_1390 = arith.addf %get3A_1364, %get3A_1389 : vector<16xf32>
      %add3A_1391 = arith.constant 2 : i32
      %add3A_1392 = arith.addi %mul3A_1357, %add3A_1391 : i32
      %add3A_1393 = arith.constant 1 : i32
      %add3A_1394 = arith.addi %add3A_1392, %add3A_1393 : i32
      %get3A_1395 = arith.index_cast %add3A_1394 : i32 to index
      %get3A_1396 = arith.constant 0 : index
      %get3A_1397 = tpu.vector_load %arg7[%get3A_1395, %get3A_1396] {strides = array<i32>} : memref<1280x32xf32, #tpu.memory_space<vmem>>, vector<1x16xf32>,
      %get3A_1398 = vector.shape_cast %get3A_1397 : vector<1x16xf32> to vector<16xf32>
      %add3A_1399 = arith.addf %get3A_1370, %get3A_1398 : vector<16xf32>
      %add3A_1400 = arith.constant 2 : i32
      %add3A_1401 = arith.addi %mul3A_1357, %add3A_1400 : i32
      %add3A_1402 = arith.constant 1 : i32
      %add3A_1403 = arith.addi %add3A_1401, %add3A_1402 : i32
      %get3A_1404 = arith.index_cast %add3A_1403 : i32 to index
      %get3A_1405 = arith.constant 16 : index
      %get3A_1406 = tpu.vector_load %arg7[%get3A_1404, %get3A_1405] {strides = array<i32>} : memref<1280x32xf32, #tpu.memory_space<vmem>>, vector<1x16xf32>,
      %get3A_1407 = vector.shape_cast %get3A_1406 : vector<1x16xf32> to vector<16xf32>
      %add3A_1408 = arith.addf %get3A_1376, %get3A_1407 : vector<16xf32>
      %add3A_1409 = arith.constant 4 : i32
      %add3A_1410 = arith.addi %mul3A_1357, %add3A_1409 : i32
      %get3A_1411 = arith.index_cast %add3A_1410 : i32 to index
      %get3A_1412 = arith.constant 0 : index
      %get3A_1413 = tpu.vector_load %arg7[%get3A_1411, %get3A_1412] {strides = array<i32>} : memref<1280x32xf32, #tpu.memory_space<vmem>>, vector<1x16xf32>,
      %get3A_1414 = vector.shape_cast %get3A_1413 : vector<1x16xf32> to vector<16xf32>
      %add3A_1415 = arith.addf %add3A_1383, %get3A_1414 : vector<16xf32>
      %add3A_1416 = arith.constant 4 : i32
      %add3A_1417 = arith.addi %mul3A_1357, %add3A_1416 : i32
      %get3A_1418 = arith.index_cast %add3A_1417 : i32 to index
      %get3A_1419 = arith.constant 16 : index
      %get3A_1420 = tpu.vector_load %arg7[%get3A_1418, %get3A_1419] {strides = array<i32>} : memref<1280x32xf32, #tpu.memory_space<vmem>>, vector<1x16xf32>,
      %get3A_1421 = vector.shape_cast %get3A_1420 : vector<1x16xf32> to vector<16xf32>
      %add3A_1422 = arith.addf %add3A_1390, %get3A_1421 : vector<16xf32>
      %add3A_1423 = arith.constant 4 : i32
      %add3A_1424 = arith.addi %mul3A_1357, %add3A_1423 : i32
      %add3A_1425 = arith.constant 1 : i32
      %add3A_1426 = arith.addi %add3A_1424, %add3A_1425 : i32
      %get3A_1427 = arith.index_cast %add3A_1426 : i32 to index
      %get3A_1428 = arith.constant 0 : index
      %get3A_1429 = tpu.vector_load %arg7[%get3A_1427, %get3A_1428] {strides = array<i32>} : memref<1280x32xf32, #tpu.memory_space<vmem>>, vector<1x16xf32>,
      %get3A_1430 = vector.shape_cast %get3A_1429 : vector<1x16xf32> to vector<16xf32>
      %add3A_1431 = arith.addf %add3A_1399, %get3A_1430 : vector<16xf32>
      %add3A_1432 = arith.constant 4 : i32
      %add3A_1433 = arith.addi %mul3A_1357, %add3A_1432 : i32
      %add3A_1434 = arith.constant 1 : i32
      %add3A_1435 = arith.addi %add3A_1433, %add3A_1434 : i32
      %get3A_1436 = arith.index_cast %add3A_1435 : i32 to index
      %get3A_1437 = arith.constant 16 : index
      %get3A_1438 = tpu.vector_load %arg7[%get3A_1436, %get3A_1437] {strides = array<i32>} : memref<1280x32xf32, #tpu.memory_space<vmem>>, vector<1x16xf32>,
      %get3A_1439 = vector.shape_cast %get3A_1438 : vector<1x16xf32> to vector<16xf32>
      %add3A_1440 = arith.addf %add3A_1408, %get3A_1439 : vector<16xf32>
      %add3A_1441 = arith.constant 6 : i32
      %add3A_1442 = arith.addi %mul3A_1357, %add3A_1441 : i32
      %get3A_1443 = arith.index_cast %add3A_1442 : i32 to index
      %get3A_1444 = arith.constant 0 : index
      %get3A_1445 = tpu.vector_load %arg7[%get3A_1443, %get3A_1444] {strides = array<i32>} : memref<1280x32xf32, #tpu.memory_space<vmem>>, vector<1x16xf32>,
      %get3A_1446 = vector.shape_cast %get3A_1445 : vector<1x16xf32> to vector<16xf32>
      %add3A_1447 = arith.addf %add3A_1415, %get3A_1446 : vector<16xf32>
      %add3A_1448 = arith.constant 6 : i32
      %add3A_1449 = arith.addi %mul3A_1357, %add3A_1448 : i32
      %get3A_1450 = arith.index_cast %add3A_1449 : i32 to index
      %get3A_1451 = arith.constant 16 : index
      %get3A_1452 = tpu.vector_load %arg7[%get3A_1450, %get3A_1451] {strides = array<i32>} : memref<1280x32xf32, #tpu.memory_space<vmem>>, vector<1x16xf32>,
      %get3A_1453 = vector.shape_cast %get3A_1452 : vector<1x16xf32> to vector<16xf32>
      %add3A_1454 = arith.addf %add3A_1422, %get3A_1453 : vector<16xf32>
      %add3A_1455 = arith.constant 6 : i32
      %add3A_1456 = arith.addi %mul3A_1357, %add3A_1455 : i32
      %add3A_1457 = arith.constant 1 : i32
      %add3A_1458 = arith.addi %add3A_1456, %add3A_1457 : i32
      %get3A_1459 = arith.index_cast %add3A_1458 : i32 to index
      %get3A_1460 = arith.constant 0 : index
      %get3A_1461 = tpu.vector_load %arg7[%get3A_1459, %get3A_1460] {strides = array<i32>} : memref<1280x32xf32, #tpu.memory_space<vmem>>, vector<1x16xf32>,
      %get3A_1462 = vector.shape_cast %get3A_1461 : vector<1x16xf32> to vector<16xf32>
      %add3A_1463 = arith.addf %add3A_1431, %get3A_1462 : vector<16xf32>
      %add3A_1464 = arith.constant 6 : i32
      %add3A_1465 = arith.addi %mul3A_1357, %add3A_1464 : i32
      %add3A_1466 = arith.constant 1 : i32
      %add3A_1467 = arith.addi %add3A_1465, %add3A_1466 : i32
      %get3A_1468 = arith.index_cast %add3A_1467 : i32 to index
      %get3A_1469 = arith.constant 16 : index
      %get3A_1470 = tpu.vector_load %arg7[%get3A_1468, %get3A_1469] {strides = array<i32>} : memref<1280x32xf32, #tpu.memory_space<vmem>>, vector<1x16xf32>,
      %get3A_1471 = vector.shape_cast %get3A_1470 : vector<1x16xf32> to vector<16xf32>
      %add3A_1472 = arith.addf %add3A_1440, %get3A_1471 : vector<16xf32>
      %add3A_1473 = arith.constant 8 : i32
      %add3A_1474 = arith.addi %mul3A_1357, %add3A_1473 : i32
      %get3A_1475 = arith.index_cast %add3A_1474 : i32 to index
      %get3A_1476 = arith.constant 0 : index
      %get3A_1477 = tpu.vector_load %arg7[%get3A_1475, %get3A_1476] {strides = array<i32>} : memref<1280x32xf32, #tpu.memory_space<vmem>>, vector<1x16xf32>,
      %get3A_1478 = vector.shape_cast %get3A_1477 : vector<1x16xf32> to vector<16xf32>
      %add3A_1479 = arith.addf %add3A_1447, %get3A_1478 : vector<16xf32>
      %add3A_1480 = arith.constant 8 : i32
      %add3A_1481 = arith.addi %mul3A_1357, %add3A_1480 : i32
      %get3A_1482 = arith.index_cast %add3A_1481 : i32 to index
      %get3A_1483 = arith.constant 16 : index
      %get3A_1484 = tpu.vector_load %arg7[%get3A_1482, %get3A_1483] {strides = array<i32>} : memref<1280x32xf32, #tpu.memory_space<vmem>>, vector<1x16xf32>,
      %get3A_1485 = vector.shape_cast %get3A_1484 : vector<1x16xf32> to vector<16xf32>
      %add3A_1486 = arith.addf %add3A_1454, %get3A_1485 : vector<16xf32>
      %add3A_1487 = arith.constant 8 : i32
      %add3A_1488 = arith.addi %mul3A_1357, %add3A_1487 : i32
      %add3A_1489 = arith.constant 1 : i32
      %add3A_1490 = arith.addi %add3A_1488, %add3A_1489 : i32
      %get3A_1491 = arith.index_cast %add3A_1490 : i32 to index
      %get3A_1492 = arith.constant 0 : index
      %get3A_1493 = tpu.vector_load %arg7[%get3A_1491, %get3A_1492] {strides = array<i32>} : memref<1280x32xf32, #tpu.memory_space<vmem>>, vector<1x16xf32>,
      %get3A_1494 = vector.shape_cast %get3A_1493 : vector<1x16xf32> to vector<16xf32>
      %add3A_1495 = arith.addf %add3A_1463, %get3A_1494 : vector<16xf32>
      %add3A_1496 = arith.constant 8 : i32
      %add3A_1497 = arith.addi %mul3A_1357, %add3A_1496 : i32
      %add3A_1498 = arith.constant 1 : i32
      %add3A_1499 = arith.addi %add3A_1497, %add3A_1498 : i32
      %get3A_1500 = arith.index_cast %add3A_1499 : i32 to index
      %get3A_1501 = arith.constant 16 : index
      %get3A_1502 = tpu.vector_load %arg7[%get3A_1500, %get3A_1501] {strides = array<i32>} : memref<1280x32xf32, #tpu.memory_space<vmem>>, vector<1x16xf32>,
      %get3A_1503 = vector.shape_cast %get3A_1502 : vector<1x16xf32> to vector<16xf32>
      %add3A_1504 = arith.addf %add3A_1472, %get3A_1503 : vector<16xf32>
      %add3A_1505 = arith.constant 10 : i32
      %add3A_1506 = arith.addi %mul3A_1357, %add3A_1505 : i32
      %get3A_1507 = arith.index_cast %add3A_1506 : i32 to index
      %get3A_1508 = arith.constant 0 : index
      %get3A_1509 = tpu.vector_load %arg7[%get3A_1507, %get3A_1508] {strides = array<i32>} : memref<1280x32xf32, #tpu.memory_space<vmem>>, vector<1x16xf32>,
      %get3A_1510 = vector.shape_cast %get3A_1509 : vector<1x16xf32> to vector<16xf32>
      %add3A_1511 = arith.addf %add3A_1479, %get3A_1510 : vector<16xf32>
      %add3A_1512 = arith.constant 10 : i32
      %add3A_1513 = arith.addi %mul3A_1357, %add3A_1512 : i32
      %get3A_1514 = arith.index_cast %add3A_1513 : i32 to index
      %get3A_1515 = arith.constant 16 : index
      %get3A_1516 = tpu.vector_load %arg7[%get3A_1514, %get3A_1515] {strides = array<i32>} : memref<1280x32xf32, #tpu.memory_space<vmem>>, vector<1x16xf32>,
      %get3A_1517 = vector.shape_cast %get3A_1516 : vector<1x16xf32> to vector<16xf32>
      %add3A_1518 = arith.addf %add3A_1486, %get3A_1517 : vector<16xf32>
      %add3A_1519 = arith.constant 10 : i32
      %add3A_1520 = arith.addi %mul3A_1357, %add3A_1519 : i32
      %add3A_1521 = arith.constant 1 : i32
      %add3A_1522 = arith.addi %add3A_1520, %add3A_1521 : i32
      %get3A_1523 = arith.index_cast %add3A_1522 : i32 to index
      %get3A_1524 = arith.constant 0 : index
      %get3A_1525 = tpu.vector_load %arg7[%get3A_1523, %get3A_1524] {strides = array<i32>} : memref<1280x32xf32, #tpu.memory_space<vmem>>, vector<1x16xf32>,
      %get3A_1526 = vector.shape_cast %get3A_1525 : vector<1x16xf32> to vector<16xf32>
      %add3A_1527 = arith.addf %add3A_1495, %get3A_1526 : vector<16xf32>
      %add3A_1528 = arith.constant 10 : i32
      %add3A_1529 = arith.addi %mul3A_1357, %add3A_1528 : i32
      %add3A_1530 = arith.constant 1 : i32
      %add3A_1531 = arith.addi %add3A_1529, %add3A_1530 : i32
      %get3A_1532 = arith.index_cast %add3A_1531 : i32 to index
      %get3A_1533 = arith.constant 16 : index
      %get3A_1534 = tpu.vector_load %arg7[%get3A_1532, %get3A_1533] {strides = array<i32>} : memref<1280x32xf32, #tpu.memory_space<vmem>>, vector<1x16xf32>,
      %get3A_1535 = vector.shape_cast %get3A_1534 : vector<1x16xf32> to vector<16xf32>
      %add3A_1536 = arith.addf %add3A_1504, %get3A_1535 : vector<16xf32>
      %add3A_1537 = arith.constant 12 : i32
      %add3A_1538 = arith.addi %mul3A_1357, %add3A_1537 : i32
      %get3A_1539 = arith.index_cast %add3A_1538 : i32 to index
      %get3A_1540 = arith.constant 0 : index
      %get3A_1541 = tpu.vector_load %arg7[%get3A_1539, %get3A_1540] {strides = array<i32>} : memref<1280x32xf32, #tpu.memory_space<vmem>>, vector<1x16xf32>,
      %get3A_1542 = vector.shape_cast %get3A_1541 : vector<1x16xf32> to vector<16xf32>
      %add3A_1543 = arith.addf %add3A_1511, %get3A_1542 : vector<16xf32>
      %add3A_1544 = arith.constant 12 : i32
      %add3A_1545 = arith.addi %mul3A_1357, %add3A_1544 : i32
      %get3A_1546 = arith.index_cast %add3A_1545 : i32 to index
      %get3A_1547 = arith.constant 16 : index
      %get3A_1548 = tpu.vector_load %arg7[%get3A_1546, %get3A_1547] {strides = array<i32>} : memref<1280x32xf32, #tpu.memory_space<vmem>>, vector<1x16xf32>,
      %get3A_1549 = vector.shape_cast %get3A_1548 : vector<1x16xf32> to vector<16xf32>
      %add3A_1550 = arith.addf %add3A_1518, %get3A_1549 : vector<16xf32>
      %add3A_1551 = arith.constant 12 : i32
      %add3A_1552 = arith.addi %mul3A_1357, %add3A_1551 : i32
      %add3A_1553 = arith.constant 1 : i32
      %add3A_1554 = arith.addi %add3A_1552, %add3A_1553 : i32
      %get3A_1555 = arith.index_cast %add3A_1554 : i32 to index
      %get3A_1556 = arith.constant 0 : index
      %get3A_1557 = tpu.vector_load %arg7[%get3A_1555, %get3A_1556] {strides = array<i32>} : memref<1280x32xf32, #tpu.memory_space<vmem>>, vector<1x16xf32>,
      %get3A_1558 = vector.shape_cast %get3A_1557 : vector<1x16xf32> to vector<16xf32>
      %add3A_1559 = arith.addf %add3A_1527, %get3A_1558 : vector<16xf32>
      %add3A_1560 = arith.constant 12 : i32
      %add3A_1561 = arith.addi %mul3A_1357, %add3A_1560 : i32
      %add3A_1562 = arith.constant 1 : i32
      %add3A_1563 = arith.addi %add3A_1561, %add3A_1562 : i32
      %get3A_1564 = arith.index_cast %add3A_1563 : i32 to index
      %get3A_1565 = arith.constant 16 : index
      %get3A_1566 = tpu.vector_load %arg7[%get3A_1564, %get3A_1565] {strides = array<i32>} : memref<1280x32xf32, #tpu.memory_space<vmem>>, vector<1x16xf32>,
      %get3A_1567 = vector.shape_cast %get3A_1566 : vector<1x16xf32> to vector<16xf32>
      %add3A_1568 = arith.addf %add3A_1536, %get3A_1567 : vector<16xf32>
      %add3A_1569 = arith.constant 14 : i32
      %add3A_1570 = arith.addi %mul3A_1357, %add3A_1569 : i32
      %get3A_1571 = arith.index_cast %add3A_1570 : i32 to index
      %get3A_1572 = arith.constant 0 : index
      %get3A_1573 = tpu.vector_load %arg7[%get3A_1571, %get3A_1572] {strides = array<i32>} : memref<1280x32xf32, #tpu.memory_space<vmem>>, vector<1x16xf32>,
      %get3A_1574 = vector.shape_cast %get3A_1573 : vector<1x16xf32> to vector<16xf32>
      %add3A_1575 = arith.addf %add3A_1543, %get3A_1574 : vector<16xf32>
      %add3A_1576 = arith.constant 14 : i32
      %add3A_1577 = arith.addi %mul3A_1357, %add3A_1576 : i32
      %get3A_1578 = arith.index_cast %add3A_1577 : i32 to index
      %get3A_1579 = arith.constant 16 : index
      %get3A_1580 = tpu.vector_load %arg7[%get3A_1578, %get3A_1579] {strides = array<i32>} : memref<1280x32xf32, #tpu.memory_space<vmem>>, vector<1x16xf32>,
      %get3A_1581 = vector.shape_cast %get3A_1580 : vector<1x16xf32> to vector<16xf32>
      %add3A_1582 = arith.addf %add3A_1550, %get3A_1581 : vector<16xf32>
      %add3A_1583 = arith.constant 14 : i32
      %add3A_1584 = arith.addi %mul3A_1357, %add3A_1583 : i32
      %add3A_1585 = arith.constant 1 : i32
      %add3A_1586 = arith.addi %add3A_1584, %add3A_1585 : i32
      %get3A_1587 = arith.index_cast %add3A_1586 : i32 to index
      %get3A_1588 = arith.constant 0 : index
      %get3A_1589 = tpu.vector_load %arg7[%get3A_1587, %get3A_1588] {strides = array<i32>} : memref<1280x32xf32, #tpu.memory_space<vmem>>, vector<1x16xf32>,
      %get3A_1590 = vector.shape_cast %get3A_1589 : vector<1x16xf32> to vector<16xf32>
      %add3A_1591 = arith.addf %add3A_1559, %get3A_1590 : vector<16xf32>
      %add3A_1592 = arith.constant 14 : i32
      %add3A_1593 = arith.addi %mul3A_1357, %add3A_1592 : i32
      %add3A_1594 = arith.constant 1 : i32
      %add3A_1595 = arith.addi %add3A_1593, %add3A_1594 : i32
      %get3A_1596 = arith.index_cast %add3A_1595 : i32 to index
      %get3A_1597 = arith.constant 16 : index
      %get3A_1598 = tpu.vector_load %arg7[%get3A_1596, %get3A_1597] {strides = array<i32>} : memref<1280x32xf32, #tpu.memory_space<vmem>>, vector<1x16xf32>,
      %get3A_1599 = vector.shape_cast %get3A_1598 : vector<1x16xf32> to vector<16xf32>
      %add3A_1600 = arith.addf %add3A_1568, %get3A_1599 : vector<16xf32>
      %add3A_1601 = arith.constant 16 : i32
      %add3A_1602 = arith.addi %mul3A_1357, %add3A_1601 : i32
      %get3A_1603 = arith.index_cast %add3A_1602 : i32 to index
      %get3A_1604 = arith.constant 0 : index
      %get3A_1605 = tpu.vector_load %arg7[%get3A_1603, %get3A_1604] {strides = array<i32>} : memref<1280x32xf32, #tpu.memory_space<vmem>>, vector<1x16xf32>,
      %get3A_1606 = vector.shape_cast %get3A_1605 : vector<1x16xf32> to vector<16xf32>
      %add3A_1607 = arith.addf %add3A_1575, %get3A_1606 : vector<16xf32>
      %add3A_1608 = arith.constant 16 : i32
      %add3A_1609 = arith.addi %mul3A_1357, %add3A_1608 : i32
      %get3A_1610 = arith.index_cast %add3A_1609 : i32 to index
      %get3A_1611 = arith.constant 16 : index
      %get3A_1612 = tpu.vector_load %arg7[%get3A_1610, %get3A_1611] {strides = array<i32>} : memref<1280x32xf32, #tpu.memory_space<vmem>>, vector<1x16xf32>,
      %get3A_1613 = vector.shape_cast %get3A_1612 : vector<1x16xf32> to vector<16xf32>
      %add3A_1614 = arith.addf %add3A_1582, %get3A_1613 : vector<16xf32>
      %add3A_1615 = arith.constant 16 : i32
      %add3A_1616 = arith.addi %mul3A_1357, %add3A_1615 : i32
      %add3A_1617 = arith.constant 1 : i32
      %add3A_1618 = arith.addi %add3A_1616, %add3A_1617 : i32
      %get3A_1619 = arith.index_cast %add3A_1618 : i32 to index
      %get3A_1620 = arith.constant 0 : index
      %get3A_1621 = tpu.vector_load %arg7[%get3A_1619, %get3A_1620] {strides = array<i32>} : memref<1280x32xf32, #tpu.memory_space<vmem>>, vector<1x16xf32>,
      %get3A_1622 = vector.shape_cast %get3A_1621 : vector<1x16xf32> to vector<16xf32>
      %add3A_1623 = arith.addf %add3A_1591, %get3A_1622 : vector<16xf32>
      %add3A_1624 = arith.constant 16 : i32
      %add3A_1625 = arith.addi %mul3A_1357, %add3A_1624 : i32
      %add3A_1626 = arith.constant 1 : i32
      %add3A_1627 = arith.addi %add3A_1625, %add3A_1626 : i32
      %get3A_1628 = arith.index_cast %add3A_1627 : i32 to index
      %get3A_1629 = arith.constant 16 : index
      %get3A_1630 = tpu.vector_load %arg7[%get3A_1628, %get3A_1629] {strides = array<i32>} : memref<1280x32xf32, #tpu.memory_space<vmem>>, vector<1x16xf32>,
      %get3A_1631 = vector.shape_cast %get3A_1630 : vector<1x16xf32> to vector<16xf32>
      %add3A_1632 = arith.addf %add3A_1600, %get3A_1631 : vector<16xf32>
      %add3A_1633 = arith.constant 18 : i32
      %add3A_1634 = arith.addi %mul3A_1357, %add3A_1633 : i32
      %get3A_1635 = arith.index_cast %add3A_1634 : i32 to index
      %get3A_1636 = arith.constant 0 : index
      %get3A_1637 = tpu.vector_load %arg7[%get3A_1635, %get3A_1636] {strides = array<i32>} : memref<1280x32xf32, #tpu.memory_space<vmem>>, vector<1x16xf32>,
      %get3A_1638 = vector.shape_cast %get3A_1637 : vector<1x16xf32> to vector<16xf32>
      %add3A_1639 = arith.addf %add3A_1607, %get3A_1638 : vector<16xf32>
      %add3A_1640 = arith.constant 18 : i32
      %add3A_1641 = arith.addi %mul3A_1357, %add3A_1640 : i32
      %get3A_1642 = arith.index_cast %add3A_1641 : i32 to index
      %get3A_1643 = arith.constant 16 : index
      %get3A_1644 = tpu.vector_load %arg7[%get3A_1642, %get3A_1643] {strides = array<i32>} : memref<1280x32xf32, #tpu.memory_space<vmem>>, vector<1x16xf32>,
      %get3A_1645 = vector.shape_cast %get3A_1644 : vector<1x16xf32> to vector<16xf32>
      %add3A_1646 = arith.addf %add3A_1614, %get3A_1645 : vector<16xf32>
      %add3A_1647 = arith.constant 18 : i32
      %add3A_1648 = arith.addi %mul3A_1357, %add3A_1647 : i32
      %add3A_1649 = arith.constant 1 : i32
      %add3A_1650 = arith.addi %add3A_1648, %add3A_1649 : i32
      %get3A_1651 = arith.index_cast %add3A_1650 : i32 to index
      %get3A_1652 = arith.constant 0 : index
      %get3A_1653 = tpu.vector_load %arg7[%get3A_1651, %get3A_1652] {strides = array<i32>} : memref<1280x32xf32, #tpu.memory_space<vmem>>, vector<1x16xf32>,
      %get3A_1654 = vector.shape_cast %get3A_1653 : vector<1x16xf32> to vector<16xf32>
      %add3A_1655 = arith.addf %add3A_1623, %get3A_1654 : vector<16xf32>
      %add3A_1656 = arith.constant 18 : i32
      %add3A_1657 = arith.addi %mul3A_1357, %add3A_1656 : i32
      %add3A_1658 = arith.constant 1 : i32
      %add3A_1659 = arith.addi %add3A_1657, %add3A_1658 : i32
      %get3A_1660 = arith.index_cast %add3A_1659 : i32 to index
      %get3A_1661 = arith.constant 16 : index
      %get3A_1662 = tpu.vector_load %arg7[%get3A_1660, %get3A_1661] {strides = array<i32>} : memref<1280x32xf32, #tpu.memory_space<vmem>>, vector<1x16xf32>,
      %get3A_1663 = vector.shape_cast %get3A_1662 : vector<1x16xf32> to vector<16xf32>
      %add3A_1664 = arith.addf %add3A_1632, %get3A_1663 : vector<16xf32>
      %add3A_1665 = arith.addf %add3A_1639, %add3A_1655 : vector<16xf32>
      %add3A_1666 = arith.constant 0 : i32
      %add3A_1667 = arith.addi %add3A_1666, %scan3A_1354 : i32
      %swap3A = arith.index_cast %add3A_1667 : i32 to index
      %swap3A_1668 = arith.constant 0 : index
      %swap3A_1669 = tpu.vector_load %arg9[%swap3A, %swap3A_1668] {strides = array<i32>} : memref<512x32xf32, #tpu.memory_space<vmem>>, vector<1x16xf32>,
      %swap3A_1670 = vector.shape_cast %swap3A_1669 : vector<1x16xf32> to vector<16xf32>
      %swap3A_1671 = vector.shape_cast %add3A_1665 : vector<16xf32> to vector<1x16xf32>
      tpu.vector_store %arg9[%swap3A, %swap3A_1668], %swap3A_1671 {strides = array<i32>} : memref<512x32xf32, #tpu.memory_space<vmem>>, vector<1x16xf32>,
      %add3A_1672 = arith.addf %add3A_1646, %add3A_1664 : vector<16xf32>
      %add3A_1673 = arith.constant 0 : i32
      %add3A_1674 = arith.addi %add3A_1673, %scan3A_1354 : i32
      %swap3A_1675 = arith.index_cast %add3A_1674 : i32 to index
      %swap3A_1676 = arith.constant 16 : index
      %swap3A_1677 = tpu.vector_load %arg9[%swap3A_1675, %swap3A_1676] {strides = array<i32>} : memref<512x32xf32, #tpu.memory_space<vmem>>, vector<1x16xf32>,
      %swap3A_1678 = vector.shape_cast %swap3A_1677 : vector<1x16xf32> to vector<16xf32>
      %swap3A_1679 = vector.shape_cast %add3A_1672 : vector<16xf32> to vector<1x16xf32>
      tpu.vector_store %arg9[%swap3A_1675, %swap3A_1676], %swap3A_1679 {strides = array<i32>} : memref<512x32xf32, #tpu.memory_space<vmem>>, vector<1x16xf32>,
      %scan3A_1680 = arith.constant 0 : i32
      scf.yield %scan3A_1680 : i32
    }
    %scan3A_250 = arith.constant 64 : i32
    %add3A_251 = arith.constant 2560 : i32
    %add3A_252 = arith.addi %mul3A_2, %add3A_251 : i32
    "tpu.region"() ({
      %run_scoped3A = tpu.sem_alloc : memref<!tpu.dma_semaphore, #tpu.memory_space<semaphore_mem>>
      %dma_start3A_1354 = tpu.memref_slice %arg2[%add3A_252] : memref<327680xi32, #tpu.memory_space<hbm>> -> memref<1280xi32, #tpu.memory_space<hbm>>
      %dma_start3A_1355 = tpu.memref_slice %arg2[%add3A_252] : memref<327680xi32, #tpu.memory_space<hbm>> -> memref<1280xi32, #tpu.memory_space<hbm>>
      tpu.enqueue_dma source(%dma_start3A_1355 : memref<1280xi32, #tpu.memory_space<hbm>>) target(%arg5 : memref<1280xi32, #tpu.memory_space<vmem>>) target_semaphore(%run_scoped3A : memref<!tpu.dma_semaphore, #tpu.memory_space<semaphore_mem>>)
      %dma_wait3A_1356 = tpu.memref_slice %arg2[%add3A_252] : memref<327680xi32, #tpu.memory_space<hbm>> -> memref<1280xi32, #tpu.memory_space<hbm>>
      %dma_wait3A_1357 = tpu.memref_slice %arg2[%add3A_252] : memref<327680xi32, #tpu.memory_space<hbm>> -> memref<1280xi32, #tpu.memory_space<hbm>>
      tpu.wait_dma2 semaphore(%run_scoped3A : memref<!tpu.dma_semaphore, #tpu.memory_space<semaphore_mem>>) src(%dma_wait3A_1357 : memref<1280xi32, #tpu.memory_space<hbm>>) dst(%arg5 : memref<1280xi32, #tpu.memory_space<vmem>>)
      tpu.yield
    }) : () -> ()
    %dma_start3A_253 = arith.constant 0 : i32
    %dma_start3A_254 = arith.constant 0 : i32
    %dma_start3A_255 = tpu.memref_slice %arg7[%dma_start3A_253, %dma_start3A_254] : memref<1280x32xf32, #tpu.memory_space<vmem>> -> memref<128x32xf32, #tpu.memory_space<vmem>>
    %dma_start3A_256 = arith.constant 0 : i32
    %dma_start3A_257 = tpu.memref_slice %arg5[%dma_start3A_256] : memref<1280xi32, #tpu.memory_space<vmem>> -> memref<128xi32, #tpu.memory_space<vmem>>
    %dma_start3A_258 = arith.constant 0 : i32
    %dma_start3A_259 = arith.constant 0 : i32
    %dma_start3A_260 = tpu.memref_slice %arg3[%dma_start3A_258, %dma_start3A_259] : memref<1000000x32xf32, #tpu.memory_space<hbm>> -> memref<1000000x32xf32, #tpu.memory_space<hbm>>
    tpu.enqueue_indirect_dma source(%dma_start3A_260 : memref<1000000x32xf32, #tpu.memory_space<hbm>>) target(%dma_start3A_255 : memref<128x32xf32, #tpu.memory_space<vmem>>) offsets(%dma_start3A_257 : memref<128xi32, #tpu.memory_space<vmem>>) semaphore(%arg10 : memref<!tpu.dma_semaphore, #tpu.memory_space<semaphore_mem>>)
    %dma_start3A_261 = arith.constant 128 : i32
    %dma_start3A_262 = arith.constant 0 : i32
    %dma_start3A_263 = tpu.memref_slice %arg7[%dma_start3A_261, %dma_start3A_262] : memref<1280x32xf32, #tpu.memory_space<vmem>> -> memref<128x32xf32, #tpu.memory_space<vmem>>
    %dma_start3A_264 = arith.constant 128 : i32
    %dma_start3A_265 = tpu.memref_slice %arg5[%dma_start3A_264] : memref<1280xi32, #tpu.memory_space<vmem>> -> memref<128xi32, #tpu.memory_space<vmem>>
    %dma_start3A_266 = arith.constant 0 : i32
    %dma_start3A_267 = arith.constant 0 : i32
    %dma_start3A_268 = tpu.memref_slice %arg3[%dma_start3A_266, %dma_start3A_267] : memref<1000000x32xf32, #tpu.memory_space<hbm>> -> memref<1000000x32xf32, #tpu.memory_space<hbm>>
    tpu.enqueue_indirect_dma source(%dma_start3A_268 : memref<1000000x32xf32, #tpu.memory_space<hbm>>) target(%dma_start3A_263 : memref<128x32xf32, #tpu.memory_space<vmem>>) offsets(%dma_start3A_265 : memref<128xi32, #tpu.memory_space<vmem>>) semaphore(%arg10 : memref<!tpu.dma_semaphore, #tpu.memory_space<semaphore_mem>>)
    %dma_start3A_269 = arith.constant 256 : i32
    %dma_start3A_270 = arith.constant 0 : i32
    %dma_start3A_271 = tpu.memref_slice %arg7[%dma_start3A_269, %dma_start3A_270] : memref<1280x32xf32, #tpu.memory_space<vmem>> -> memref<128x32xf32, #tpu.memory_space<vmem>>
    %dma_start3A_272 = arith.constant 256 : i32
    %dma_start3A_273 = tpu.memref_slice %arg5[%dma_start3A_272] : memref<1280xi32, #tpu.memory_space<vmem>> -> memref<128xi32, #tpu.memory_space<vmem>>
    %dma_start3A_274 = arith.constant 0 : i32
    %dma_start3A_275 = arith.constant 0 : i32
    %dma_start3A_276 = tpu.memref_slice %arg3[%dma_start3A_274, %dma_start3A_275] : memref<1000000x32xf32, #tpu.memory_space<hbm>> -> memref<1000000x32xf32, #tpu.memory_space<hbm>>
    tpu.enqueue_indirect_dma source(%dma_start3A_276 : memref<1000000x32xf32, #tpu.memory_space<hbm>>) target(%dma_start3A_271 : memref<128x32xf32, #tpu.memory_space<vmem>>) offsets(%dma_start3A_273 : memref<128xi32, #tpu.memory_space<vmem>>) semaphore(%arg10 : memref<!tpu.dma_semaphore, #tpu.memory_space<semaphore_mem>>)
    %dma_start3A_277 = arith.constant 384 : i32
    %dma_start3A_278 = arith.constant 0 : i32
    %dma_start3A_279 = tpu.memref_slice %arg7[%dma_start3A_277, %dma_start3A_278] : memref<1280x32xf32, #tpu.memory_space<vmem>> -> memref<128x32xf32, #tpu.memory_space<vmem>>
    %dma_start3A_280 = arith.constant 384 : i32
    %dma_start3A_281 = tpu.memref_slice %arg5[%dma_start3A_280] : memref<1280xi32, #tpu.memory_space<vmem>> -> memref<128xi32, #tpu.memory_space<vmem>>
    %dma_start3A_282 = arith.constant 0 : i32
    %dma_start3A_283 = arith.constant 0 : i32
    %dma_start3A_284 = tpu.memref_slice %arg3[%dma_start3A_282, %dma_start3A_283] : memref<1000000x32xf32, #tpu.memory_space<hbm>> -> memref<1000000x32xf32, #tpu.memory_space<hbm>>
    tpu.enqueue_indirect_dma source(%dma_start3A_284 : memref<1000000x32xf32, #tpu.memory_space<hbm>>) target(%dma_start3A_279 : memref<128x32xf32, #tpu.memory_space<vmem>>) offsets(%dma_start3A_281 : memref<128xi32, #tpu.memory_space<vmem>>) semaphore(%arg10 : memref<!tpu.dma_semaphore, #tpu.memory_space<semaphore_mem>>)
    %dma_start3A_285 = arith.constant 512 : i32
    %dma_start3A_286 = arith.constant 0 : i32
    %dma_start3A_287 = tpu.memref_slice %arg7[%dma_start3A_285, %dma_start3A_286] : memref<1280x32xf32, #tpu.memory_space<vmem>> -> memref<128x32xf32, #tpu.memory_space<vmem>>
    %dma_start3A_288 = arith.constant 512 : i32
    %dma_start3A_289 = tpu.memref_slice %arg5[%dma_start3A_288] : memref<1280xi32, #tpu.memory_space<vmem>> -> memref<128xi32, #tpu.memory_space<vmem>>
    %dma_start3A_290 = arith.constant 0 : i32
    %dma_start3A_291 = arith.constant 0 : i32
    %dma_start3A_292 = tpu.memref_slice %arg3[%dma_start3A_290, %dma_start3A_291] : memref<1000000x32xf32, #tpu.memory_space<hbm>> -> memref<1000000x32xf32, #tpu.memory_space<hbm>>
    tpu.enqueue_indirect_dma source(%dma_start3A_292 : memref<1000000x32xf32, #tpu.memory_space<hbm>>) target(%dma_start3A_287 : memref<128x32xf32, #tpu.memory_space<vmem>>) offsets(%dma_start3A_289 : memref<128xi32, #tpu.memory_space<vmem>>) semaphore(%arg10 : memref<!tpu.dma_semaphore, #tpu.memory_space<semaphore_mem>>)
    %dma_start3A_293 = arith.constant 640 : i32
    %dma_start3A_294 = arith.constant 0 : i32
    %dma_start3A_295 = tpu.memref_slice %arg7[%dma_start3A_293, %dma_start3A_294] : memref<1280x32xf32, #tpu.memory_space<vmem>> -> memref<128x32xf32, #tpu.memory_space<vmem>>
    %dma_start3A_296 = arith.constant 640 : i32
    %dma_start3A_297 = tpu.memref_slice %arg5[%dma_start3A_296] : memref<1280xi32, #tpu.memory_space<vmem>> -> memref<128xi32, #tpu.memory_space<vmem>>
    %dma_start3A_298 = arith.constant 0 : i32
    %dma_start3A_299 = arith.constant 0 : i32
    %dma_start3A_300 = tpu.memref_slice %arg3[%dma_start3A_298, %dma_start3A_299] : memref<1000000x32xf32, #tpu.memory_space<hbm>> -> memref<1000000x32xf32, #tpu.memory_space<hbm>>
    tpu.enqueue_indirect_dma source(%dma_start3A_300 : memref<1000000x32xf32, #tpu.memory_space<hbm>>) target(%dma_start3A_295 : memref<128x32xf32, #tpu.memory_space<vmem>>) offsets(%dma_start3A_297 : memref<128xi32, #tpu.memory_space<vmem>>) semaphore(%arg10 : memref<!tpu.dma_semaphore, #tpu.memory_space<semaphore_mem>>)
    %dma_start3A_301 = arith.constant 768 : i32
    %dma_start3A_302 = arith.constant 0 : i32
    %dma_start3A_303 = tpu.memref_slice %arg7[%dma_start3A_301, %dma_start3A_302] : memref<1280x32xf32, #tpu.memory_space<vmem>> -> memref<128x32xf32, #tpu.memory_space<vmem>>
    %dma_start3A_304 = arith.constant 768 : i32
    %dma_start3A_305 = tpu.memref_slice %arg5[%dma_start3A_304] : memref<1280xi32, #tpu.memory_space<vmem>> -> memref<128xi32, #tpu.memory_space<vmem>>
    %dma_start3A_306 = arith.constant 0 : i32
    %dma_start3A_307 = arith.constant 0 : i32
    %dma_start3A_308 = tpu.memref_slice %arg3[%dma_start3A_306, %dma_start3A_307] : memref<1000000x32xf32, #tpu.memory_space<hbm>> -> memref<1000000x32xf32, #tpu.memory_space<hbm>>
    tpu.enqueue_indirect_dma source(%dma_start3A_308 : memref<1000000x32xf32, #tpu.memory_space<hbm>>) target(%dma_start3A_303 : memref<128x32xf32, #tpu.memory_space<vmem>>) offsets(%dma_start3A_305 : memref<128xi32, #tpu.memory_space<vmem>>) semaphore(%arg10 : memref<!tpu.dma_semaphore, #tpu.memory_space<semaphore_mem>>)
    %dma_start3A_309 = arith.constant 896 : i32
    %dma_start3A_310 = arith.constant 0 : i32
    %dma_start3A_311 = tpu.memref_slice %arg7[%dma_start3A_309, %dma_start3A_310] : memref<1280x32xf32, #tpu.memory_space<vmem>> -> memref<128x32xf32, #tpu.memory_space<vmem>>
    %dma_start3A_312 = arith.constant 896 : i32
    %dma_start3A_313 = tpu.memref_slice %arg5[%dma_start3A_312] : memref<1280xi32, #tpu.memory_space<vmem>> -> memref<128xi32, #tpu.memory_space<vmem>>
    %dma_start3A_314 = arith.constant 0 : i32
    %dma_start3A_315 = arith.constant 0 : i32
    %dma_start3A_316 = tpu.memref_slice %arg3[%dma_start3A_314, %dma_start3A_315] : memref<1000000x32xf32, #tpu.memory_space<hbm>> -> memref<1000000x32xf32, #tpu.memory_space<hbm>>
    tpu.enqueue_indirect_dma source(%dma_start3A_316 : memref<1000000x32xf32, #tpu.memory_space<hbm>>) target(%dma_start3A_311 : memref<128x32xf32, #tpu.memory_space<vmem>>) offsets(%dma_start3A_313 : memref<128xi32, #tpu.memory_space<vmem>>) semaphore(%arg10 : memref<!tpu.dma_semaphore, #tpu.memory_space<semaphore_mem>>)
    %dma_start3A_317 = arith.constant 1024 : i32
    %dma_start3A_318 = arith.constant 0 : i32
    %dma_start3A_319 = tpu.memref_slice %arg7[%dma_start3A_317, %dma_start3A_318] : memref<1280x32xf32, #tpu.memory_space<vmem>> -> memref<128x32xf32, #tpu.memory_space<vmem>>
    %dma_start3A_320 = arith.constant 1024 : i32
    %dma_start3A_321 = tpu.memref_slice %arg5[%dma_start3A_320] : memref<1280xi32, #tpu.memory_space<vmem>> -> memref<128xi32, #tpu.memory_space<vmem>>
    %dma_start3A_322 = arith.constant 0 : i32
    %dma_start3A_323 = arith.constant 0 : i32
    %dma_start3A_324 = tpu.memref_slice %arg3[%dma_start3A_322, %dma_start3A_323] : memref<1000000x32xf32, #tpu.memory_space<hbm>> -> memref<1000000x32xf32, #tpu.memory_space<hbm>>
    tpu.enqueue_indirect_dma source(%dma_start3A_324 : memref<1000000x32xf32, #tpu.memory_space<hbm>>) target(%dma_start3A_319 : memref<128x32xf32, #tpu.memory_space<vmem>>) offsets(%dma_start3A_321 : memref<128xi32, #tpu.memory_space<vmem>>) semaphore(%arg10 : memref<!tpu.dma_semaphore, #tpu.memory_space<semaphore_mem>>)
    %dma_start3A_325 = arith.constant 1152 : i32
    %dma_start3A_326 = arith.constant 0 : i32
    %dma_start3A_327 = tpu.memref_slice %arg7[%dma_start3A_325, %dma_start3A_326] : memref<1280x32xf32, #tpu.memory_space<vmem>> -> memref<128x32xf32, #tpu.memory_space<vmem>>
    %dma_start3A_328 = arith.constant 1152 : i32
    %dma_start3A_329 = tpu.memref_slice %arg5[%dma_start3A_328] : memref<1280xi32, #tpu.memory_space<vmem>> -> memref<128xi32, #tpu.memory_space<vmem>>
    %dma_start3A_330 = arith.constant 0 : i32
    %dma_start3A_331 = arith.constant 0 : i32
    %dma_start3A_332 = tpu.memref_slice %arg3[%dma_start3A_330, %dma_start3A_331] : memref<1000000x32xf32, #tpu.memory_space<hbm>> -> memref<1000000x32xf32, #tpu.memory_space<hbm>>
    tpu.enqueue_indirect_dma source(%dma_start3A_332 : memref<1000000x32xf32, #tpu.memory_space<hbm>>) target(%dma_start3A_327 : memref<128x32xf32, #tpu.memory_space<vmem>>) offsets(%dma_start3A_329 : memref<128xi32, #tpu.memory_space<vmem>>) semaphore(%arg10 : memref<!tpu.dma_semaphore, #tpu.memory_space<semaphore_mem>>)
    %dma_wait3A_333 = arith.constant 0 : i32
    %dma_wait3A_334 = arith.constant 0 : i32
    %dma_wait3A_335 = tpu.memref_slice %arg8[%dma_wait3A_333, %dma_wait3A_334] : memref<1280x32xf32, #tpu.memory_space<vmem>> -> memref<128x32xf32, #tpu.memory_space<vmem>>
    %dma_wait3A_336 = arith.constant 0 : i32
    %dma_wait3A_337 = tpu.memref_slice %arg6[%dma_wait3A_336] : memref<1280xi32, #tpu.memory_space<vmem>> -> memref<128xi32, #tpu.memory_space<vmem>>
    %dma_wait3A_338 = arith.constant 0 : i32
    %dma_wait3A_339 = arith.constant 0 : i32
    %dma_wait3A_340 = tpu.memref_slice %arg3[%dma_wait3A_338, %dma_wait3A_339] : memref<1000000x32xf32, #tpu.memory_space<hbm>> -> memref<1000000x32xf32, #tpu.memory_space<hbm>>
    tpu.wait_indirect_dma semaphore(%arg11 : memref<!tpu.dma_semaphore, #tpu.memory_space<semaphore_mem>>) src(%dma_wait3A_340 : memref<1000000x32xf32, #tpu.memory_space<hbm>>) dst(%dma_wait3A_335 : memref<128x32xf32, #tpu.memory_space<vmem>>)
    %dma_wait3A_341 = arith.constant 128 : i32
    %dma_wait3A_342 = arith.constant 0 : i32
    %dma_wait3A_343 = tpu.memref_slice %arg8[%dma_wait3A_341, %dma_wait3A_342] : memref<1280x32xf32, #tpu.memory_space<vmem>> -> memref<128x32xf32, #tpu.memory_space<vmem>>
    %dma_wait3A_344 = arith.constant 128 : i32
    %dma_wait3A_345 = tpu.memref_slice %arg6[%dma_wait3A_344] : memref<1280xi32, #tpu.memory_space<vmem>> -> memref<128xi32, #tpu.memory_space<vmem>>
    %dma_wait3A_346 = arith.constant 0 : i32
    %dma_wait3A_347 = arith.constant 0 : i32
    %dma_wait3A_348 = tpu.memref_slice %arg3[%dma_wait3A_346, %dma_wait3A_347] : memref<1000000x32xf32, #tpu.memory_space<hbm>> -> memref<1000000x32xf32, #tpu.memory_space<hbm>>
    tpu.wait_indirect_dma semaphore(%arg11 : memref<!tpu.dma_semaphore, #tpu.memory_space<semaphore_mem>>) src(%dma_wait3A_348 : memref<1000000x32xf32, #tpu.memory_space<hbm>>) dst(%dma_wait3A_343 : memref<128x32xf32, #tpu.memory_space<vmem>>)
    %dma_wait3A_349 = arith.constant 256 : i32
    %dma_wait3A_350 = arith.constant 0 : i32
    %dma_wait3A_351 = tpu.memref_slice %arg8[%dma_wait3A_349, %dma_wait3A_350] : memref<1280x32xf32, #tpu.memory_space<vmem>> -> memref<128x32xf32, #tpu.memory_space<vmem>>
    %dma_wait3A_352 = arith.constant 256 : i32
    %dma_wait3A_353 = tpu.memref_slice %arg6[%dma_wait3A_352] : memref<1280xi32, #tpu.memory_space<vmem>> -> memref<128xi32, #tpu.memory_space<vmem>>
    %dma_wait3A_354 = arith.constant 0 : i32
    %dma_wait3A_355 = arith.constant 0 : i32
    %dma_wait3A_356 = tpu.memref_slice %arg3[%dma_wait3A_354, %dma_wait3A_355] : memref<1000000x32xf32, #tpu.memory_space<hbm>> -> memref<1000000x32xf32, #tpu.memory_space<hbm>>
    tpu.wait_indirect_dma semaphore(%arg11 : memref<!tpu.dma_semaphore, #tpu.memory_space<semaphore_mem>>) src(%dma_wait3A_356 : memref<1000000x32xf32, #tpu.memory_space<hbm>>) dst(%dma_wait3A_351 : memref<128x32xf32, #tpu.memory_space<vmem>>)
    %dma_wait3A_357 = arith.constant 384 : i32
    %dma_wait3A_358 = arith.constant 0 : i32
    %dma_wait3A_359 = tpu.memref_slice %arg8[%dma_wait3A_357, %dma_wait3A_358] : memref<1280x32xf32, #tpu.memory_space<vmem>> -> memref<128x32xf32, #tpu.memory_space<vmem>>
    %dma_wait3A_360 = arith.constant 384 : i32
    %dma_wait3A_361 = tpu.memref_slice %arg6[%dma_wait3A_360] : memref<1280xi32, #tpu.memory_space<vmem>> -> memref<128xi32, #tpu.memory_space<vmem>>
    %dma_wait3A_362 = arith.constant 0 : i32
    %dma_wait3A_363 = arith.constant 0 : i32
    %dma_wait3A_364 = tpu.memref_slice %arg3[%dma_wait3A_362, %dma_wait3A_363] : memref<1000000x32xf32, #tpu.memory_space<hbm>> -> memref<1000000x32xf32, #tpu.memory_space<hbm>>
    tpu.wait_indirect_dma semaphore(%arg11 : memref<!tpu.dma_semaphore, #tpu.memory_space<semaphore_mem>>) src(%dma_wait3A_364 : memref<1000000x32xf32, #tpu.memory_space<hbm>>) dst(%dma_wait3A_359 : memref<128x32xf32, #tpu.memory_space<vmem>>)
    %dma_wait3A_365 = arith.constant 512 : i32
    %dma_wait3A_366 = arith.constant 0 : i32
    %dma_wait3A_367 = tpu.memref_slice %arg8[%dma_wait3A_365, %dma_wait3A_366] : memref<1280x32xf32, #tpu.memory_space<vmem>> -> memref<128x32xf32, #tpu.memory_space<vmem>>
    %dma_wait3A_368 = arith.constant 512 : i32
    %dma_wait3A_369 = tpu.memref_slice %arg6[%dma_wait3A_368] : memref<1280xi32, #tpu.memory_space<vmem>> -> memref<128xi32, #tpu.memory_space<vmem>>
    %dma_wait3A_370 = arith.constant 0 : i32
    %dma_wait3A_371 = arith.constant 0 : i32
    %dma_wait3A_372 = tpu.memref_slice %arg3[%dma_wait3A_370, %dma_wait3A_371] : memref<1000000x32xf32, #tpu.memory_space<hbm>> -> memref<1000000x32xf32, #tpu.memory_space<hbm>>
    tpu.wait_indirect_dma semaphore(%arg11 : memref<!tpu.dma_semaphore, #tpu.memory_space<semaphore_mem>>) src(%dma_wait3A_372 : memref<1000000x32xf32, #tpu.memory_space<hbm>>) dst(%dma_wait3A_367 : memref<128x32xf32, #tpu.memory_space<vmem>>)
    %dma_wait3A_373 = arith.constant 640 : i32
    %dma_wait3A_374 = arith.constant 0 : i32
    %dma_wait3A_375 = tpu.memref_slice %arg8[%dma_wait3A_373, %dma_wait3A_374] : memref<1280x32xf32, #tpu.memory_space<vmem>> -> memref<128x32xf32, #tpu.memory_space<vmem>>
    %dma_wait3A_376 = arith.constant 640 : i32
    %dma_wait3A_377 = tpu.memref_slice %arg6[%dma_wait3A_376] : memref<1280xi32, #tpu.memory_space<vmem>> -> memref<128xi32, #tpu.memory_space<vmem>>
    %dma_wait3A_378 = arith.constant 0 : i32
    %dma_wait3A_379 = arith.constant 0 : i32
    %dma_wait3A_380 = tpu.memref_slice %arg3[%dma_wait3A_378, %dma_wait3A_379] : memref<1000000x32xf32, #tpu.memory_space<hbm>> -> memref<1000000x32xf32, #tpu.memory_space<hbm>>
    tpu.wait_indirect_dma semaphore(%arg11 : memref<!tpu.dma_semaphore, #tpu.memory_space<semaphore_mem>>) src(%dma_wait3A_380 : memref<1000000x32xf32, #tpu.memory_space<hbm>>) dst(%dma_wait3A_375 : memref<128x32xf32, #tpu.memory_space<vmem>>)
    %dma_wait3A_381 = arith.constant 768 : i32
    %dma_wait3A_382 = arith.constant 0 : i32
    %dma_wait3A_383 = tpu.memref_slice %arg8[%dma_wait3A_381, %dma_wait3A_382] : memref<1280x32xf32, #tpu.memory_space<vmem>> -> memref<128x32xf32, #tpu.memory_space<vmem>>
    %dma_wait3A_384 = arith.constant 768 : i32
    %dma_wait3A_385 = tpu.memref_slice %arg6[%dma_wait3A_384] : memref<1280xi32, #tpu.memory_space<vmem>> -> memref<128xi32, #tpu.memory_space<vmem>>
    %dma_wait3A_386 = arith.constant 0 : i32
    %dma_wait3A_387 = arith.constant 0 : i32
    %dma_wait3A_388 = tpu.memref_slice %arg3[%dma_wait3A_386, %dma_wait3A_387] : memref<1000000x32xf32, #tpu.memory_space<hbm>> -> memref<1000000x32xf32, #tpu.memory_space<hbm>>
    tpu.wait_indirect_dma semaphore(%arg11 : memref<!tpu.dma_semaphore, #tpu.memory_space<semaphore_mem>>) src(%dma_wait3A_388 : memref<1000000x32xf32, #tpu.memory_space<hbm>>) dst(%dma_wait3A_383 : memref<128x32xf32, #tpu.memory_space<vmem>>)
    %dma_wait3A_389 = arith.constant 896 : i32
    %dma_wait3A_390 = arith.constant 0 : i32
    %dma_wait3A_391 = tpu.memref_slice %arg8[%dma_wait3A_389, %dma_wait3A_390] : memref<1280x32xf32, #tpu.memory_space<vmem>> -> memref<128x32xf32, #tpu.memory_space<vmem>>
    %dma_wait3A_392 = arith.constant 896 : i32
    %dma_wait3A_393 = tpu.memref_slice %arg6[%dma_wait3A_392] : memref<1280xi32, #tpu.memory_space<vmem>> -> memref<128xi32, #tpu.memory_space<vmem>>
    %dma_wait3A_394 = arith.constant 0 : i32
    %dma_wait3A_395 = arith.constant 0 : i32
    %dma_wait3A_396 = tpu.memref_slice %arg3[%dma_wait3A_394, %dma_wait3A_395] : memref<1000000x32xf32, #tpu.memory_space<hbm>> -> memref<1000000x32xf32, #tpu.memory_space<hbm>>
    tpu.wait_indirect_dma semaphore(%arg11 : memref<!tpu.dma_semaphore, #tpu.memory_space<semaphore_mem>>) src(%dma_wait3A_396 : memref<1000000x32xf32, #tpu.memory_space<hbm>>) dst(%dma_wait3A_391 : memref<128x32xf32, #tpu.memory_space<vmem>>)
    %dma_wait3A_397 = arith.constant 1024 : i32
    %dma_wait3A_398 = arith.constant 0 : i32
    %dma_wait3A_399 = tpu.memref_slice %arg8[%dma_wait3A_397, %dma_wait3A_398] : memref<1280x32xf32, #tpu.memory_space<vmem>> -> memref<128x32xf32, #tpu.memory_space<vmem>>
    %dma_wait3A_400 = arith.constant 1024 : i32
    %dma_wait3A_401 = tpu.memref_slice %arg6[%dma_wait3A_400] : memref<1280xi32, #tpu.memory_space<vmem>> -> memref<128xi32, #tpu.memory_space<vmem>>
    %dma_wait3A_402 = arith.constant 0 : i32
    %dma_wait3A_403 = arith.constant 0 : i32
    %dma_wait3A_404 = tpu.memref_slice %arg3[%dma_wait3A_402, %dma_wait3A_403] : memref<1000000x32xf32, #tpu.memory_space<hbm>> -> memref<1000000x32xf32, #tpu.memory_space<hbm>>
    tpu.wait_indirect_dma semaphore(%arg11 : memref<!tpu.dma_semaphore, #tpu.memory_space<semaphore_mem>>) src(%dma_wait3A_404 : memref<1000000x32xf32, #tpu.memory_space<hbm>>) dst(%dma_wait3A_399 : memref<128x32xf32, #tpu.memory_space<vmem>>)
    %dma_wait3A_405 = arith.constant 1152 : i32
    %dma_wait3A_406 = arith.constant 0 : i32
    %dma_wait3A_407 = tpu.memref_slice %arg8[%dma_wait3A_405, %dma_wait3A_406] : memref<1280x32xf32, #tpu.memory_space<vmem>> -> memref<128x32xf32, #tpu.memory_space<vmem>>
    %dma_wait3A_408 = arith.constant 1152 : i32
    %dma_wait3A_409 = tpu.memref_slice %arg6[%dma_wait3A_408] : memref<1280xi32, #tpu.memory_space<vmem>> -> memref<128xi32, #tpu.memory_space<vmem>>
    %dma_wait3A_410 = arith.constant 0 : i32
    %dma_wait3A_411 = arith.constant 0 : i32
    %dma_wait3A_412 = tpu.memref_slice %arg3[%dma_wait3A_410, %dma_wait3A_411] : memref<1000000x32xf32, #tpu.memory_space<hbm>> -> memref<1000000x32xf32, #tpu.memory_space<hbm>>
    tpu.wait_indirect_dma semaphore(%arg11 : memref<!tpu.dma_semaphore, #tpu.memory_space<semaphore_mem>>) src(%dma_wait3A_412 : memref<1000000x32xf32, #tpu.memory_space<hbm>>) dst(%dma_wait3A_407 : memref<128x32xf32, #tpu.memory_space<vmem>>)
    %scan3A_413 = arith.constant 0 : i32
    %scan3A_414 = arith.constant 0 : i32
    %scan3A_415 = arith.constant 64 : i32
    %scan3A_416 = arith.addi %scan3A_414, %scan3A_415 : i32
    %scan3A_417 = arith.constant 1 : i32
    %scan3A_418 = scf.for %scan3A_1354 = %scan3A_414 to %scan3A_416 step %scan3A_417 iter_args(%scan3A_1355 = %scan3A_413) -> (i32)  : i32 {
      %mul3A_1356 = arith.constant 20 : i32
      %mul3A_1357 = arith.muli %scan3A_1354, %mul3A_1356 : i32
      %get3A = arith.index_cast %mul3A_1357 : i32 to index
      %get3A_1358 = arith.constant 0 : index
      %get3A_1359 = tpu.vector_load %arg8[%get3A, %get3A_1358] {strides = array<i32>} : memref<1280x32xf32, #tpu.memory_space<vmem>>, vector<1x16xf32>,
      %get3A_1360 = vector.shape_cast %get3A_1359 : vector<1x16xf32> to vector<16xf32>
      %get3A_1361 = arith.index_cast %mul3A_1357 : i32 to index
      %get3A_1362 = arith.constant 16 : index
      %get3A_1363 = tpu.vector_load %arg8[%get3A_1361, %get3A_1362] {strides = array<i32>} : memref<1280x32xf32, #tpu.memory_space<vmem>>, vector<1x16xf32>,
      %get3A_1364 = vector.shape_cast %get3A_1363 : vector<1x16xf32> to vector<16xf32>
      %add3A_1365 = arith.constant 1 : i32
      %add3A_1366 = arith.addi %mul3A_1357, %add3A_1365 : i32
      %get3A_1367 = arith.index_cast %add3A_1366 : i32 to index
      %get3A_1368 = arith.constant 0 : index
      %get3A_1369 = tpu.vector_load %arg8[%get3A_1367, %get3A_1368] {strides = array<i32>} : memref<1280x32xf32, #tpu.memory_space<vmem>>, vector<1x16xf32>,
      %get3A_1370 = vector.shape_cast %get3A_1369 : vector<1x16xf32> to vector<16xf32>
      %add3A_1371 = arith.constant 1 : i32
      %add3A_1372 = arith.addi %mul3A_1357, %add3A_1371 : i32
      %get3A_1373 = arith.index_cast %add3A_1372 : i32 to index
      %get3A_1374 = arith.constant 16 : index
      %get3A_1375 = tpu.vector_load %arg8[%get3A_1373, %get3A_1374] {strides = array<i32>} : memref<1280x32xf32, #tpu.memory_space<vmem>>, vector<1x16xf32>,
      %get3A_1376 = vector.shape_cast %get3A_1375 : vector<1x16xf32> to vector<16xf32>
      %add3A_1377 = arith.constant 2 : i32
      %add3A_1378 = arith.addi %mul3A_1357, %add3A_1377 : i32
      %get3A_1379 = arith.index_cast %add3A_1378 : i32 to index
      %get3A_1380 = arith.constant 0 : index
      %get3A_1381 = tpu.vector_load %arg8[%get3A_1379, %get3A_1380] {strides = array<i32>} : memref<1280x32xf32, #tpu.memory_space<vmem>>, vector<1x16xf32>,
      %get3A_1382 = vector.shape_cast %get3A_1381 : vector<1x16xf32> to vector<16xf32>
      %add3A_1383 = arith.addf %get3A_1360, %get3A_1382 : vector<16xf32>
      %add3A_1384 = arith.constant 2 : i32
      %add3A_1385 = arith.addi %mul3A_1357, %add3A_1384 : i32
      %get3A_1386 = arith.index_cast %add3A_1385 : i32 to index
      %get3A_1387 = arith.constant 16 : index
      %get3A_1388 = tpu.vector_load %arg8[%get3A_1386, %get3A_1387] {strides = array<i32>} : memref<1280x32xf32, #tpu.memory_space<vmem>>, vector<1x16xf32>,
      %get3A_1389 = vector.shape_cast %get3A_1388 : vector<1x16xf32> to vector<16xf32>
      %add3A_1390 = arith.addf %get3A_1364, %get3A_1389 : vector<16xf32>
      %add3A_1391 = arith.constant 2 : i32
      %add3A_1392 = arith.addi %mul3A_1357, %add3A_1391 : i32
      %add3A_1393 = arith.constant 1 : i32
      %add3A_1394 = arith.addi %add3A_1392, %add3A_1393 : i32
      %get3A_1395 = arith.index_cast %add3A_1394 : i32 to index
      %get3A_1396 = arith.constant 0 : index
      %get3A_1397 = tpu.vector_load %arg8[%get3A_1395, %get3A_1396] {strides = array<i32>} : memref<1280x32xf32, #tpu.memory_space<vmem>>, vector<1x16xf32>,
      %get3A_1398 = vector.shape_cast %get3A_1397 : vector<1x16xf32> to vector<16xf32>
      %add3A_1399 = arith.addf %get3A_1370, %get3A_1398 : vector<16xf32>
      %add3A_1400 = arith.constant 2 : i32
      %add3A_1401 = arith.addi %mul3A_1357, %add3A_1400 : i32
      %add3A_1402 = arith.constant 1 : i32
      %add3A_1403 = arith.addi %add3A_1401, %add3A_1402 : i32
      %get3A_1404 = arith.index_cast %add3A_1403 : i32 to index
      %get3A_1405 = arith.constant 16 : index
      %get3A_1406 = tpu.vector_load %arg8[%get3A_1404, %get3A_1405] {strides = array<i32>} : memref<1280x32xf32, #tpu.memory_space<vmem>>, vector<1x16xf32>,
      %get3A_1407 = vector.shape_cast %get3A_1406 : vector<1x16xf32> to vector<16xf32>
      %add3A_1408 = arith.addf %get3A_1376, %get3A_1407 : vector<16xf32>
      %add3A_1409 = arith.constant 4 : i32
      %add3A_1410 = arith.addi %mul3A_1357, %add3A_1409 : i32
      %get3A_1411 = arith.index_cast %add3A_1410 : i32 to index
      %get3A_1412 = arith.constant 0 : index
      %get3A_1413 = tpu.vector_load %arg8[%get3A_1411, %get3A_1412] {strides = array<i32>} : memref<1280x32xf32, #tpu.memory_space<vmem>>, vector<1x16xf32>,
      %get3A_1414 = vector.shape_cast %get3A_1413 : vector<1x16xf32> to vector<16xf32>
      %add3A_1415 = arith.addf %add3A_1383, %get3A_1414 : vector<16xf32>
      %add3A_1416 = arith.constant 4 : i32
      %add3A_1417 = arith.addi %mul3A_1357, %add3A_1416 : i32
      %get3A_1418 = arith.index_cast %add3A_1417 : i32 to index
      %get3A_1419 = arith.constant 16 : index
      %get3A_1420 = tpu.vector_load %arg8[%get3A_1418, %get3A_1419] {strides = array<i32>} : memref<1280x32xf32, #tpu.memory_space<vmem>>, vector<1x16xf32>,
      %get3A_1421 = vector.shape_cast %get3A_1420 : vector<1x16xf32> to vector<16xf32>
      %add3A_1422 = arith.addf %add3A_1390, %get3A_1421 : vector<16xf32>
      %add3A_1423 = arith.constant 4 : i32
      %add3A_1424 = arith.addi %mul3A_1357, %add3A_1423 : i32
      %add3A_1425 = arith.constant 1 : i32
      %add3A_1426 = arith.addi %add3A_1424, %add3A_1425 : i32
      %get3A_1427 = arith.index_cast %add3A_1426 : i32 to index
      %get3A_1428 = arith.constant 0 : index
      %get3A_1429 = tpu.vector_load %arg8[%get3A_1427, %get3A_1428] {strides = array<i32>} : memref<1280x32xf32, #tpu.memory_space<vmem>>, vector<1x16xf32>,
      %get3A_1430 = vector.shape_cast %get3A_1429 : vector<1x16xf32> to vector<16xf32>
      %add3A_1431 = arith.addf %add3A_1399, %get3A_1430 : vector<16xf32>
      %add3A_1432 = arith.constant 4 : i32
      %add3A_1433 = arith.addi %mul3A_1357, %add3A_1432 : i32
      %add3A_1434 = arith.constant 1 : i32
      %add3A_1435 = arith.addi %add3A_1433, %add3A_1434 : i32
      %get3A_1436 = arith.index_cast %add3A_1435 : i32 to index
      %get3A_1437 = arith.constant 16 : index
      %get3A_1438 = tpu.vector_load %arg8[%get3A_1436, %get3A_1437] {strides = array<i32>} : memref<1280x32xf32, #tpu.memory_space<vmem>>, vector<1x16xf32>,
      %get3A_1439 = vector.shape_cast %get3A_1438 : vector<1x16xf32> to vector<16xf32>
      %add3A_1440 = arith.addf %add3A_1408, %get3A_1439 : vector<16xf32>
      %add3A_1441 = arith.constant 6 : i32
      %add3A_1442 = arith.addi %mul3A_1357, %add3A_1441 : i32
      %get3A_1443 = arith.index_cast %add3A_1442 : i32 to index
      %get3A_1444 = arith.constant 0 : index
      %get3A_1445 = tpu.vector_load %arg8[%get3A_1443, %get3A_1444] {strides = array<i32>} : memref<1280x32xf32, #tpu.memory_space<vmem>>, vector<1x16xf32>,
      %get3A_1446 = vector.shape_cast %get3A_1445 : vector<1x16xf32> to vector<16xf32>
      %add3A_1447 = arith.addf %add3A_1415, %get3A_1446 : vector<16xf32>
      %add3A_1448 = arith.constant 6 : i32
      %add3A_1449 = arith.addi %mul3A_1357, %add3A_1448 : i32
      %get3A_1450 = arith.index_cast %add3A_1449 : i32 to index
      %get3A_1451 = arith.constant 16 : index
      %get3A_1452 = tpu.vector_load %arg8[%get3A_1450, %get3A_1451] {strides = array<i32>} : memref<1280x32xf32, #tpu.memory_space<vmem>>, vector<1x16xf32>,
      %get3A_1453 = vector.shape_cast %get3A_1452 : vector<1x16xf32> to vector<16xf32>
      %add3A_1454 = arith.addf %add3A_1422, %get3A_1453 : vector<16xf32>
      %add3A_1455 = arith.constant 6 : i32
      %add3A_1456 = arith.addi %mul3A_1357, %add3A_1455 : i32
      %add3A_1457 = arith.constant 1 : i32
      %add3A_1458 = arith.addi %add3A_1456, %add3A_1457 : i32
      %get3A_1459 = arith.index_cast %add3A_1458 : i32 to index
      %get3A_1460 = arith.constant 0 : index
      %get3A_1461 = tpu.vector_load %arg8[%get3A_1459, %get3A_1460] {strides = array<i32>} : memref<1280x32xf32, #tpu.memory_space<vmem>>, vector<1x16xf32>,
      %get3A_1462 = vector.shape_cast %get3A_1461 : vector<1x16xf32> to vector<16xf32>
      %add3A_1463 = arith.addf %add3A_1431, %get3A_1462 : vector<16xf32>
      %add3A_1464 = arith.constant 6 : i32
      %add3A_1465 = arith.addi %mul3A_1357, %add3A_1464 : i32
      %add3A_1466 = arith.constant 1 : i32
      %add3A_1467 = arith.addi %add3A_1465, %add3A_1466 : i32
      %get3A_1468 = arith.index_cast %add3A_1467 : i32 to index
      %get3A_1469 = arith.constant 16 : index
      %get3A_1470 = tpu.vector_load %arg8[%get3A_1468, %get3A_1469] {strides = array<i32>} : memref<1280x32xf32, #tpu.memory_space<vmem>>, vector<1x16xf32>,
      %get3A_1471 = vector.shape_cast %get3A_1470 : vector<1x16xf32> to vector<16xf32>
      %add3A_1472 = arith.addf %add3A_1440, %get3A_1471 : vector<16xf32>
      %add3A_1473 = arith.constant 8 : i32
      %add3A_1474 = arith.addi %mul3A_1357, %add3A_1473 : i32
      %get3A_1475 = arith.index_cast %add3A_1474 : i32 to index
      %get3A_1476 = arith.constant 0 : index
      %get3A_1477 = tpu.vector_load %arg8[%get3A_1475, %get3A_1476] {strides = array<i32>} : memref<1280x32xf32, #tpu.memory_space<vmem>>, vector<1x16xf32>,
      %get3A_1478 = vector.shape_cast %get3A_1477 : vector<1x16xf32> to vector<16xf32>
      %add3A_1479 = arith.addf %add3A_1447, %get3A_1478 : vector<16xf32>
      %add3A_1480 = arith.constant 8 : i32
      %add3A_1481 = arith.addi %mul3A_1357, %add3A_1480 : i32
      %get3A_1482 = arith.index_cast %add3A_1481 : i32 to index
      %get3A_1483 = arith.constant 16 : index
      %get3A_1484 = tpu.vector_load %arg8[%get3A_1482, %get3A_1483] {strides = array<i32>} : memref<1280x32xf32, #tpu.memory_space<vmem>>, vector<1x16xf32>,
      %get3A_1485 = vector.shape_cast %get3A_1484 : vector<1x16xf32> to vector<16xf32>
      %add3A_1486 = arith.addf %add3A_1454, %get3A_1485 : vector<16xf32>
      %add3A_1487 = arith.constant 8 : i32
      %add3A_1488 = arith.addi %mul3A_1357, %add3A_1487 : i32
      %add3A_1489 = arith.constant 1 : i32
      %add3A_1490 = arith.addi %add3A_1488, %add3A_1489 : i32
      %get3A_1491 = arith.index_cast %add3A_1490 : i32 to index
      %get3A_1492 = arith.constant 0 : index
      %get3A_1493 = tpu.vector_load %arg8[%get3A_1491, %get3A_1492] {strides = array<i32>} : memref<1280x32xf32, #tpu.memory_space<vmem>>, vector<1x16xf32>,
      %get3A_1494 = vector.shape_cast %get3A_1493 : vector<1x16xf32> to vector<16xf32>
      %add3A_1495 = arith.addf %add3A_1463, %get3A_1494 : vector<16xf32>
      %add3A_1496 = arith.constant 8 : i32
      %add3A_1497 = arith.addi %mul3A_1357, %add3A_1496 : i32
      %add3A_1498 = arith.constant 1 : i32
      %add3A_1499 = arith.addi %add3A_1497, %add3A_1498 : i32
      %get3A_1500 = arith.index_cast %add3A_1499 : i32 to index
      %get3A_1501 = arith.constant 16 : index
      %get3A_1502 = tpu.vector_load %arg8[%get3A_1500, %get3A_1501] {strides = array<i32>} : memref<1280x32xf32, #tpu.memory_space<vmem>>, vector<1x16xf32>,
      %get3A_1503 = vector.shape_cast %get3A_1502 : vector<1x16xf32> to vector<16xf32>
      %add3A_1504 = arith.addf %add3A_1472, %get3A_1503 : vector<16xf32>
      %add3A_1505 = arith.constant 10 : i32
      %add3A_1506 = arith.addi %mul3A_1357, %add3A_1505 : i32
      %get3A_1507 = arith.index_cast %add3A_1506 : i32 to index
      %get3A_1508 = arith.constant 0 : index
      %get3A_1509 = tpu.vector_load %arg8[%get3A_1507, %get3A_1508] {strides = array<i32>} : memref<1280x32xf32, #tpu.memory_space<vmem>>, vector<1x16xf32>,
      %get3A_1510 = vector.shape_cast %get3A_1509 : vector<1x16xf32> to vector<16xf32>
      %add3A_1511 = arith.addf %add3A_1479, %get3A_1510 : vector<16xf32>
      %add3A_1512 = arith.constant 10 : i32
      %add3A_1513 = arith.addi %mul3A_1357, %add3A_1512 : i32
      %get3A_1514 = arith.index_cast %add3A_1513 : i32 to index
      %get3A_1515 = arith.constant 16 : index
      %get3A_1516 = tpu.vector_load %arg8[%get3A_1514, %get3A_1515] {strides = array<i32>} : memref<1280x32xf32, #tpu.memory_space<vmem>>, vector<1x16xf32>,
      %get3A_1517 = vector.shape_cast %get3A_1516 : vector<1x16xf32> to vector<16xf32>
      %add3A_1518 = arith.addf %add3A_1486, %get3A_1517 : vector<16xf32>
      %add3A_1519 = arith.constant 10 : i32
      %add3A_1520 = arith.addi %mul3A_1357, %add3A_1519 : i32
      %add3A_1521 = arith.constant 1 : i32
      %add3A_1522 = arith.addi %add3A_1520, %add3A_1521 : i32
      %get3A_1523 = arith.index_cast %add3A_1522 : i32 to index
      %get3A_1524 = arith.constant 0 : index
      %get3A_1525 = tpu.vector_load %arg8[%get3A_1523, %get3A_1524] {strides = array<i32>} : memref<1280x32xf32, #tpu.memory_space<vmem>>, vector<1x16xf32>,
      %get3A_1526 = vector.shape_cast %get3A_1525 : vector<1x16xf32> to vector<16xf32>
      %add3A_1527 = arith.addf %add3A_1495, %get3A_1526 : vector<16xf32>
      %add3A_1528 = arith.constant 10 : i32
      %add3A_1529 = arith.addi %mul3A_1357, %add3A_1528 : i32
      %add3A_1530 = arith.constant 1 : i32
      %add3A_1531 = arith.addi %add3A_1529, %add3A_1530 : i32
      %get3A_1532 = arith.index_cast %add3A_1531 : i32 to index
      %get3A_1533 = arith.constant 16 : index
      %get3A_1534 = tpu.vector_load %arg8[%get3A_1532, %get3A_1533] {strides = array<i32>} : memref<1280x32xf32, #tpu.memory_space<vmem>>, vector<1x16xf32>,
      %get3A_1535 = vector.shape_cast %get3A_1534 : vector<1x16xf32> to vector<16xf32>
      %add3A_1536 = arith.addf %add3A_1504, %get3A_1535 : vector<16xf32>
      %add3A_1537 = arith.constant 12 : i32
      %add3A_1538 = arith.addi %mul3A_1357, %add3A_1537 : i32
      %get3A_1539 = arith.index_cast %add3A_1538 : i32 to index
      %get3A_1540 = arith.constant 0 : index
      %get3A_1541 = tpu.vector_load %arg8[%get3A_1539, %get3A_1540] {strides = array<i32>} : memref<1280x32xf32, #tpu.memory_space<vmem>>, vector<1x16xf32>,
      %get3A_1542 = vector.shape_cast %get3A_1541 : vector<1x16xf32> to vector<16xf32>
      %add3A_1543 = arith.addf %add3A_1511, %get3A_1542 : vector<16xf32>
      %add3A_1544 = arith.constant 12 : i32
      %add3A_1545 = arith.addi %mul3A_1357, %add3A_1544 : i32
      %get3A_1546 = arith.index_cast %add3A_1545 : i32 to index
      %get3A_1547 = arith.constant 16 : index
      %get3A_1548 = tpu.vector_load %arg8[%get3A_1546, %get3A_1547] {strides = array<i32>} : memref<1280x32xf32, #tpu.memory_space<vmem>>, vector<1x16xf32>,
      %get3A_1549 = vector.shape_cast %get3A_1548 : vector<1x16xf32> to vector<16xf32>
      %add3A_1550 = arith.addf %add3A_1518, %get3A_1549 : vector<16xf32>
      %add3A_1551 = arith.constant 12 : i32
      %add3A_1552 = arith.addi %mul3A_1357, %add3A_1551 : i32
      %add3A_1553 = arith.constant 1 : i32
      %add3A_1554 = arith.addi %add3A_1552, %add3A_1553 : i32
      %get3A_1555 = arith.index_cast %add3A_1554 : i32 to index
      %get3A_1556 = arith.constant 0 : index
      %get3A_1557 = tpu.vector_load %arg8[%get3A_1555, %get3A_1556] {strides = array<i32>} : memref<1280x32xf32, #tpu.memory_space<vmem>>, vector<1x16xf32>,
      %get3A_1558 = vector.shape_cast %get3A_1557 : vector<1x16xf32> to vector<16xf32>
      %add3A_1559 = arith.addf %add3A_1527, %get3A_1558 : vector<16xf32>
      %add3A_1560 = arith.constant 12 : i32
      %add3A_1561 = arith.addi %mul3A_1357, %add3A_1560 : i32
      %add3A_1562 = arith.constant 1 : i32
      %add3A_1563 = arith.addi %add3A_1561, %add3A_1562 : i32
      %get3A_1564 = arith.index_cast %add3A_1563 : i32 to index
      %get3A_1565 = arith.constant 16 : index
      %get3A_1566 = tpu.vector_load %arg8[%get3A_1564, %get3A_1565] {strides = array<i32>} : memref<1280x32xf32, #tpu.memory_space<vmem>>, vector<1x16xf32>,
      %get3A_1567 = vector.shape_cast %get3A_1566 : vector<1x16xf32> to vector<16xf32>
      %add3A_1568 = arith.addf %add3A_1536, %get3A_1567 : vector<16xf32>
      %add3A_1569 = arith.constant 14 : i32
      %add3A_1570 = arith.addi %mul3A_1357, %add3A_1569 : i32
      %get3A_1571 = arith.index_cast %add3A_1570 : i32 to index
      %get3A_1572 = arith.constant 0 : index
      %get3A_1573 = tpu.vector_load %arg8[%get3A_1571, %get3A_1572] {strides = array<i32>} : memref<1280x32xf32, #tpu.memory_space<vmem>>, vector<1x16xf32>,
      %get3A_1574 = vector.shape_cast %get3A_1573 : vector<1x16xf32> to vector<16xf32>
      %add3A_1575 = arith.addf %add3A_1543, %get3A_1574 : vector<16xf32>
      %add3A_1576 = arith.constant 14 : i32
      %add3A_1577 = arith.addi %mul3A_1357, %add3A_1576 : i32
      %get3A_1578 = arith.index_cast %add3A_1577 : i32 to index
      %get3A_1579 = arith.constant 16 : index
      %get3A_1580 = tpu.vector_load %arg8[%get3A_1578, %get3A_1579] {strides = array<i32>} : memref<1280x32xf32, #tpu.memory_space<vmem>>, vector<1x16xf32>,
      %get3A_1581 = vector.shape_cast %get3A_1580 : vector<1x16xf32> to vector<16xf32>
      %add3A_1582 = arith.addf %add3A_1550, %get3A_1581 : vector<16xf32>
      %add3A_1583 = arith.constant 14 : i32
      %add3A_1584 = arith.addi %mul3A_1357, %add3A_1583 : i32
      %add3A_1585 = arith.constant 1 : i32
      %add3A_1586 = arith.addi %add3A_1584, %add3A_1585 : i32
      %get3A_1587 = arith.index_cast %add3A_1586 : i32 to index
      %get3A_1588 = arith.constant 0 : index
      %get3A_1589 = tpu.vector_load %arg8[%get3A_1587, %get3A_1588] {strides = array<i32>} : memref<1280x32xf32, #tpu.memory_space<vmem>>, vector<1x16xf32>,
      %get3A_1590 = vector.shape_cast %get3A_1589 : vector<1x16xf32> to vector<16xf32>
      %add3A_1591 = arith.addf %add3A_1559, %get3A_1590 : vector<16xf32>
      %add3A_1592 = arith.constant 14 : i32
      %add3A_1593 = arith.addi %mul3A_1357, %add3A_1592 : i32
      %add3A_1594 = arith.constant 1 : i32
      %add3A_1595 = arith.addi %add3A_1593, %add3A_1594 : i32
      %get3A_1596 = arith.index_cast %add3A_1595 : i32 to index
      %get3A_1597 = arith.constant 16 : index
      %get3A_1598 = tpu.vector_load %arg8[%get3A_1596, %get3A_1597] {strides = array<i32>} : memref<1280x32xf32, #tpu.memory_space<vmem>>, vector<1x16xf32>,
      %get3A_1599 = vector.shape_cast %get3A_1598 : vector<1x16xf32> to vector<16xf32>
      %add3A_1600 = arith.addf %add3A_1568, %get3A_1599 : vector<16xf32>
      %add3A_1601 = arith.constant 16 : i32
      %add3A_1602 = arith.addi %mul3A_1357, %add3A_1601 : i32
      %get3A_1603 = arith.index_cast %add3A_1602 : i32 to index
      %get3A_1604 = arith.constant 0 : index
      %get3A_1605 = tpu.vector_load %arg8[%get3A_1603, %get3A_1604] {strides = array<i32>} : memref<1280x32xf32, #tpu.memory_space<vmem>>, vector<1x16xf32>,
      %get3A_1606 = vector.shape_cast %get3A_1605 : vector<1x16xf32> to vector<16xf32>
      %add3A_1607 = arith.addf %add3A_1575, %get3A_1606 : vector<16xf32>
      %add3A_1608 = arith.constant 16 : i32
      %add3A_1609 = arith.addi %mul3A_1357, %add3A_1608 : i32
      %get3A_1610 = arith.index_cast %add3A_1609 : i32 to index
      %get3A_1611 = arith.constant 16 : index
      %get3A_1612 = tpu.vector_load %arg8[%get3A_1610, %get3A_1611] {strides = array<i32>} : memref<1280x32xf32, #tpu.memory_space<vmem>>, vector<1x16xf32>,
      %get3A_1613 = vector.shape_cast %get3A_1612 : vector<1x16xf32> to vector<16xf32>
      %add3A_1614 = arith.addf %add3A_1582, %get3A_1613 : vector<16xf32>
      %add3A_1615 = arith.constant 16 : i32
      %add3A_1616 = arith.addi %mul3A_1357, %add3A_1615 : i32
      %add3A_1617 = arith.constant 1 : i32
      %add3A_1618 = arith.addi %add3A_1616, %add3A_1617 : i32
      %get3A_1619 = arith.index_cast %add3A_1618 : i32 to index
      %get3A_1620 = arith.constant 0 : index
      %get3A_1621 = tpu.vector_load %arg8[%get3A_1619, %get3A_1620] {strides = array<i32>} : memref<1280x32xf32, #tpu.memory_space<vmem>>, vector<1x16xf32>,
      %get3A_1622 = vector.shape_cast %get3A_1621 : vector<1x16xf32> to vector<16xf32>
      %add3A_1623 = arith.addf %add3A_1591, %get3A_1622 : vector<16xf32>
      %add3A_1624 = arith.constant 16 : i32
      %add3A_1625 = arith.addi %mul3A_1357, %add3A_1624 : i32
      %add3A_1626 = arith.constant 1 : i32
      %add3A_1627 = arith.addi %add3A_1625, %add3A_1626 : i32
      %get3A_1628 = arith.index_cast %add3A_1627 : i32 to index
      %get3A_1629 = arith.constant 16 : index
      %get3A_1630 = tpu.vector_load %arg8[%get3A_1628, %get3A_1629] {strides = array<i32>} : memref<1280x32xf32, #tpu.memory_space<vmem>>, vector<1x16xf32>,
      %get3A_1631 = vector.shape_cast %get3A_1630 : vector<1x16xf32> to vector<16xf32>
      %add3A_1632 = arith.addf %add3A_1600, %get3A_1631 : vector<16xf32>
      %add3A_1633 = arith.constant 18 : i32
      %add3A_1634 = arith.addi %mul3A_1357, %add3A_1633 : i32
      %get3A_1635 = arith.index_cast %add3A_1634 : i32 to index
      %get3A_1636 = arith.constant 0 : index
      %get3A_1637 = tpu.vector_load %arg8[%get3A_1635, %get3A_1636] {strides = array<i32>} : memref<1280x32xf32, #tpu.memory_space<vmem>>, vector<1x16xf32>,
      %get3A_1638 = vector.shape_cast %get3A_1637 : vector<1x16xf32> to vector<16xf32>
      %add3A_1639 = arith.addf %add3A_1607, %get3A_1638 : vector<16xf32>
      %add3A_1640 = arith.constant 18 : i32
      %add3A_1641 = arith.addi %mul3A_1357, %add3A_1640 : i32
      %get3A_1642 = arith.index_cast %add3A_1641 : i32 to index
      %get3A_1643 = arith.constant 16 : index
      %get3A_1644 = tpu.vector_load %arg8[%get3A_1642, %get3A_1643] {strides = array<i32>} : memref<1280x32xf32, #tpu.memory_space<vmem>>, vector<1x16xf32>,
      %get3A_1645 = vector.shape_cast %get3A_1644 : vector<1x16xf32> to vector<16xf32>
      %add3A_1646 = arith.addf %add3A_1614, %get3A_1645 : vector<16xf32>
      %add3A_1647 = arith.constant 18 : i32
      %add3A_1648 = arith.addi %mul3A_1357, %add3A_1647 : i32
      %add3A_1649 = arith.constant 1 : i32
      %add3A_1650 = arith.addi %add3A_1648, %add3A_1649 : i32
      %get3A_1651 = arith.index_cast %add3A_1650 : i32 to index
      %get3A_1652 = arith.constant 0 : index
      %get3A_1653 = tpu.vector_load %arg8[%get3A_1651, %get3A_1652] {strides = array<i32>} : memref<1280x32xf32, #tpu.memory_space<vmem>>, vector<1x16xf32>,
      %get3A_1654 = vector.shape_cast %get3A_1653 : vector<1x16xf32> to vector<16xf32>
      %add3A_1655 = arith.addf %add3A_1623, %get3A_1654 : vector<16xf32>
      %add3A_1656 = arith.constant 18 : i32
      %add3A_1657 = arith.addi %mul3A_1357, %add3A_1656 : i32
      %add3A_1658 = arith.constant 1 : i32
      %add3A_1659 = arith.addi %add3A_1657, %add3A_1658 : i32
      %get3A_1660 = arith.index_cast %add3A_1659 : i32 to index
      %get3A_1661 = arith.constant 16 : index
      %get3A_1662 = tpu.vector_load %arg8[%get3A_1660, %get3A_1661] {strides = array<i32>} : memref<1280x32xf32, #tpu.memory_space<vmem>>, vector<1x16xf32>,
      %get3A_1663 = vector.shape_cast %get3A_1662 : vector<1x16xf32> to vector<16xf32>
      %add3A_1664 = arith.addf %add3A_1632, %get3A_1663 : vector<16xf32>
      %add3A_1665 = arith.addf %add3A_1639, %add3A_1655 : vector<16xf32>
      %add3A_1666 = arith.constant 64 : i32
      %add3A_1667 = arith.addi %add3A_1666, %scan3A_1354 : i32
      %swap3A = arith.index_cast %add3A_1667 : i32 to index
      %swap3A_1668 = arith.constant 0 : index
      %swap3A_1669 = tpu.vector_load %arg9[%swap3A, %swap3A_1668] {strides = array<i32>} : memref<512x32xf32, #tpu.memory_space<vmem>>, vector<1x16xf32>,
      %swap3A_1670 = vector.shape_cast %swap3A_1669 : vector<1x16xf32> to vector<16xf32>
      %swap3A_1671 = vector.shape_cast %add3A_1665 : vector<16xf32> to vector<1x16xf32>
      tpu.vector_store %arg9[%swap3A, %swap3A_1668], %swap3A_1671 {strides = array<i32>} : memref<512x32xf32, #tpu.memory_space<vmem>>, vector<1x16xf32>,
      %add3A_1672 = arith.addf %add3A_1646, %add3A_1664 : vector<16xf32>
      %add3A_1673 = arith.constant 64 : i32
      %add3A_1674 = arith.addi %add3A_1673, %scan3A_1354 : i32
      %swap3A_1675 = arith.index_cast %add3A_1674 : i32 to index
      %swap3A_1676 = arith.constant 16 : index
      %swap3A_1677 = tpu.vector_load %arg9[%swap3A_1675, %swap3A_1676] {strides = array<i32>} : memref<512x32xf32, #tpu.memory_space<vmem>>, vector<1x16xf32>,
      %swap3A_1678 = vector.shape_cast %swap3A_1677 : vector<1x16xf32> to vector<16xf32>
      %swap3A_1679 = vector.shape_cast %add3A_1672 : vector<16xf32> to vector<1x16xf32>
      tpu.vector_store %arg9[%swap3A_1675, %swap3A_1676], %swap3A_1679 {strides = array<i32>} : memref<512x32xf32, #tpu.memory_space<vmem>>, vector<1x16xf32>,
      %scan3A_1680 = arith.constant 0 : i32
      scf.yield %scan3A_1680 : i32
    }
    %scan3A_419 = arith.constant 64 : i32
    %add3A_420 = arith.constant 3840 : i32
    %add3A_421 = arith.addi %mul3A_2, %add3A_420 : i32
    "tpu.region"() ({
      %run_scoped3A = tpu.sem_alloc : memref<!tpu.dma_semaphore, #tpu.memory_space<semaphore_mem>>
      %dma_start3A_1354 = tpu.memref_slice %arg2[%add3A_421] : memref<327680xi32, #tpu.memory_space<hbm>> -> memref<1280xi32, #tpu.memory_space<hbm>>
      %dma_start3A_1355 = tpu.memref_slice %arg2[%add3A_421] : memref<327680xi32, #tpu.memory_space<hbm>> -> memref<1280xi32, #tpu.memory_space<hbm>>
      tpu.enqueue_dma source(%dma_start3A_1355 : memref<1280xi32, #tpu.memory_space<hbm>>) target(%arg6 : memref<1280xi32, #tpu.memory_space<vmem>>) target_semaphore(%run_scoped3A : memref<!tpu.dma_semaphore, #tpu.memory_space<semaphore_mem>>)
      %dma_wait3A_1356 = tpu.memref_slice %arg2[%add3A_421] : memref<327680xi32, #tpu.memory_space<hbm>> -> memref<1280xi32, #tpu.memory_space<hbm>>
      %dma_wait3A_1357 = tpu.memref_slice %arg2[%add3A_421] : memref<327680xi32, #tpu.memory_space<hbm>> -> memref<1280xi32, #tpu.memory_space<hbm>>
      tpu.wait_dma2 semaphore(%run_scoped3A : memref<!tpu.dma_semaphore, #tpu.memory_space<semaphore_mem>>) src(%dma_wait3A_1357 : memref<1280xi32, #tpu.memory_space<hbm>>) dst(%arg6 : memref<1280xi32, #tpu.memory_space<vmem>>)
      tpu.yield
    }) : () -> ()
    %dma_start3A_422 = arith.constant 0 : i32
    %dma_start3A_423 = arith.constant 0 : i32
    %dma_start3A_424 = tpu.memref_slice %arg8[%dma_start3A_422, %dma_start3A_423] : memref<1280x32xf32, #tpu.memory_space<vmem>> -> memref<128x32xf32, #tpu.memory_space<vmem>>
    %dma_start3A_425 = arith.constant 0 : i32
    %dma_start3A_426 = tpu.memref_slice %arg6[%dma_start3A_425] : memref<1280xi32, #tpu.memory_space<vmem>> -> memref<128xi32, #tpu.memory_space<vmem>>
    %dma_start3A_427 = arith.constant 0 : i32
    %dma_start3A_428 = arith.constant 0 : i32
    %dma_start3A_429 = tpu.memref_slice %arg3[%dma_start3A_427, %dma_start3A_428] : memref<1000000x32xf32, #tpu.memory_space<hbm>> -> memref<1000000x32xf32, #tpu.memory_space<hbm>>
    tpu.enqueue_indirect_dma source(%dma_start3A_429 : memref<1000000x32xf32, #tpu.memory_space<hbm>>) target(%dma_start3A_424 : memref<128x32xf32, #tpu.memory_space<vmem>>) offsets(%dma_start3A_426 : memref<128xi32, #tpu.memory_space<vmem>>) semaphore(%arg11 : memref<!tpu.dma_semaphore, #tpu.memory_space<semaphore_mem>>)
    %dma_start3A_430 = arith.constant 128 : i32
    %dma_start3A_431 = arith.constant 0 : i32
    %dma_start3A_432 = tpu.memref_slice %arg8[%dma_start3A_430, %dma_start3A_431] : memref<1280x32xf32, #tpu.memory_space<vmem>> -> memref<128x32xf32, #tpu.memory_space<vmem>>
    %dma_start3A_433 = arith.constant 128 : i32
    %dma_start3A_434 = tpu.memref_slice %arg6[%dma_start3A_433] : memref<1280xi32, #tpu.memory_space<vmem>> -> memref<128xi32, #tpu.memory_space<vmem>>
    %dma_start3A_435 = arith.constant 0 : i32
    %dma_start3A_436 = arith.constant 0 : i32
    %dma_start3A_437 = tpu.memref_slice %arg3[%dma_start3A_435, %dma_start3A_436] : memref<1000000x32xf32, #tpu.memory_space<hbm>> -> memref<1000000x32xf32, #tpu.memory_space<hbm>>
    tpu.enqueue_indirect_dma source(%dma_start3A_437 : memref<1000000x32xf32, #tpu.memory_space<hbm>>) target(%dma_start3A_432 : memref<128x32xf32, #tpu.memory_space<vmem>>) offsets(%dma_start3A_434 : memref<128xi32, #tpu.memory_space<vmem>>) semaphore(%arg11 : memref<!tpu.dma_semaphore, #tpu.memory_space<semaphore_mem>>)
    %dma_start3A_438 = arith.constant 256 : i32
    %dma_start3A_439 = arith.constant 0 : i32
    %dma_start3A_440 = tpu.memref_slice %arg8[%dma_start3A_438, %dma_start3A_439] : memref<1280x32xf32, #tpu.memory_space<vmem>> -> memref<128x32xf32, #tpu.memory_space<vmem>>
    %dma_start3A_441 = arith.constant 256 : i32
    %dma_start3A_442 = tpu.memref_slice %arg6[%dma_start3A_441] : memref<1280xi32, #tpu.memory_space<vmem>> -> memref<128xi32, #tpu.memory_space<vmem>>
    %dma_start3A_443 = arith.constant 0 : i32
    %dma_start3A_444 = arith.constant 0 : i32
    %dma_start3A_445 = tpu.memref_slice %arg3[%dma_start3A_443, %dma_start3A_444] : memref<1000000x32xf32, #tpu.memory_space<hbm>> -> memref<1000000x32xf32, #tpu.memory_space<hbm>>
    tpu.enqueue_indirect_dma source(%dma_start3A_445 : memref<1000000x32xf32, #tpu.memory_space<hbm>>) target(%dma_start3A_440 : memref<128x32xf32, #tpu.memory_space<vmem>>) offsets(%dma_start3A_442 : memref<128xi32, #tpu.memory_space<vmem>>) semaphore(%arg11 : memref<!tpu.dma_semaphore, #tpu.memory_space<semaphore_mem>>)
    %dma_start3A_446 = arith.constant 384 : i32
    %dma_start3A_447 = arith.constant 0 : i32
    %dma_start3A_448 = tpu.memref_slice %arg8[%dma_start3A_446, %dma_start3A_447] : memref<1280x32xf32, #tpu.memory_space<vmem>> -> memref<128x32xf32, #tpu.memory_space<vmem>>
    %dma_start3A_449 = arith.constant 384 : i32
    %dma_start3A_450 = tpu.memref_slice %arg6[%dma_start3A_449] : memref<1280xi32, #tpu.memory_space<vmem>> -> memref<128xi32, #tpu.memory_space<vmem>>
    %dma_start3A_451 = arith.constant 0 : i32
    %dma_start3A_452 = arith.constant 0 : i32
    %dma_start3A_453 = tpu.memref_slice %arg3[%dma_start3A_451, %dma_start3A_452] : memref<1000000x32xf32, #tpu.memory_space<hbm>> -> memref<1000000x32xf32, #tpu.memory_space<hbm>>
    tpu.enqueue_indirect_dma source(%dma_start3A_453 : memref<1000000x32xf32, #tpu.memory_space<hbm>>) target(%dma_start3A_448 : memref<128x32xf32, #tpu.memory_space<vmem>>) offsets(%dma_start3A_450 : memref<128xi32, #tpu.memory_space<vmem>>) semaphore(%arg11 : memref<!tpu.dma_semaphore, #tpu.memory_space<semaphore_mem>>)
    %dma_start3A_454 = arith.constant 512 : i32
    %dma_start3A_455 = arith.constant 0 : i32
    %dma_start3A_456 = tpu.memref_slice %arg8[%dma_start3A_454, %dma_start3A_455] : memref<1280x32xf32, #tpu.memory_space<vmem>> -> memref<128x32xf32, #tpu.memory_space<vmem>>
    %dma_start3A_457 = arith.constant 512 : i32
    %dma_start3A_458 = tpu.memref_slice %arg6[%dma_start3A_457] : memref<1280xi32, #tpu.memory_space<vmem>> -> memref<128xi32, #tpu.memory_space<vmem>>
    %dma_start3A_459 = arith.constant 0 : i32
    %dma_start3A_460 = arith.constant 0 : i32
    %dma_start3A_461 = tpu.memref_slice %arg3[%dma_start3A_459, %dma_start3A_460] : memref<1000000x32xf32, #tpu.memory_space<hbm>> -> memref<1000000x32xf32, #tpu.memory_space<hbm>>
    tpu.enqueue_indirect_dma source(%dma_start3A_461 : memref<1000000x32xf32, #tpu.memory_space<hbm>>) target(%dma_start3A_456 : memref<128x32xf32, #tpu.memory_space<vmem>>) offsets(%dma_start3A_458 : memref<128xi32, #tpu.memory_space<vmem>>) semaphore(%arg11 : memref<!tpu.dma_semaphore, #tpu.memory_space<semaphore_mem>>)
    %dma_start3A_462 = arith.constant 640 : i32
    %dma_start3A_463 = arith.constant 0 : i32
    %dma_start3A_464 = tpu.memref_slice %arg8[%dma_start3A_462, %dma_start3A_463] : memref<1280x32xf32, #tpu.memory_space<vmem>> -> memref<128x32xf32, #tpu.memory_space<vmem>>
    %dma_start3A_465 = arith.constant 640 : i32
    %dma_start3A_466 = tpu.memref_slice %arg6[%dma_start3A_465] : memref<1280xi32, #tpu.memory_space<vmem>> -> memref<128xi32, #tpu.memory_space<vmem>>
    %dma_start3A_467 = arith.constant 0 : i32
    %dma_start3A_468 = arith.constant 0 : i32
    %dma_start3A_469 = tpu.memref_slice %arg3[%dma_start3A_467, %dma_start3A_468] : memref<1000000x32xf32, #tpu.memory_space<hbm>> -> memref<1000000x32xf32, #tpu.memory_space<hbm>>
    tpu.enqueue_indirect_dma source(%dma_start3A_469 : memref<1000000x32xf32, #tpu.memory_space<hbm>>) target(%dma_start3A_464 : memref<128x32xf32, #tpu.memory_space<vmem>>) offsets(%dma_start3A_466 : memref<128xi32, #tpu.memory_space<vmem>>) semaphore(%arg11 : memref<!tpu.dma_semaphore, #tpu.memory_space<semaphore_mem>>)
    %dma_start3A_470 = arith.constant 768 : i32
    %dma_start3A_471 = arith.constant 0 : i32
    %dma_start3A_472 = tpu.memref_slice %arg8[%dma_start3A_470, %dma_start3A_471] : memref<1280x32xf32, #tpu.memory_space<vmem>> -> memref<128x32xf32, #tpu.memory_space<vmem>>
    %dma_start3A_473 = arith.constant 768 : i32
    %dma_start3A_474 = tpu.memref_slice %arg6[%dma_start3A_473] : memref<1280xi32, #tpu.memory_space<vmem>> -> memref<128xi32, #tpu.memory_space<vmem>>
    %dma_start3A_475 = arith.constant 0 : i32
    %dma_start3A_476 = arith.constant 0 : i32
    %dma_start3A_477 = tpu.memref_slice %arg3[%dma_start3A_475, %dma_start3A_476] : memref<1000000x32xf32, #tpu.memory_space<hbm>> -> memref<1000000x32xf32, #tpu.memory_space<hbm>>
    tpu.enqueue_indirect_dma source(%dma_start3A_477 : memref<1000000x32xf32, #tpu.memory_space<hbm>>) target(%dma_start3A_472 : memref<128x32xf32, #tpu.memory_space<vmem>>) offsets(%dma_start3A_474 : memref<128xi32, #tpu.memory_space<vmem>>) semaphore(%arg11 : memref<!tpu.dma_semaphore, #tpu.memory_space<semaphore_mem>>)
    %dma_start3A_478 = arith.constant 896 : i32
    %dma_start3A_479 = arith.constant 0 : i32
    %dma_start3A_480 = tpu.memref_slice %arg8[%dma_start3A_478, %dma_start3A_479] : memref<1280x32xf32, #tpu.memory_space<vmem>> -> memref<128x32xf32, #tpu.memory_space<vmem>>
    %dma_start3A_481 = arith.constant 896 : i32
    %dma_start3A_482 = tpu.memref_slice %arg6[%dma_start3A_481] : memref<1280xi32, #tpu.memory_space<vmem>> -> memref<128xi32, #tpu.memory_space<vmem>>
    %dma_start3A_483 = arith.constant 0 : i32
    %dma_start3A_484 = arith.constant 0 : i32
    %dma_start3A_485 = tpu.memref_slice %arg3[%dma_start3A_483, %dma_start3A_484] : memref<1000000x32xf32, #tpu.memory_space<hbm>> -> memref<1000000x32xf32, #tpu.memory_space<hbm>>
    tpu.enqueue_indirect_dma source(%dma_start3A_485 : memref<1000000x32xf32, #tpu.memory_space<hbm>>) target(%dma_start3A_480 : memref<128x32xf32, #tpu.memory_space<vmem>>) offsets(%dma_start3A_482 : memref<128xi32, #tpu.memory_space<vmem>>) semaphore(%arg11 : memref<!tpu.dma_semaphore, #tpu.memory_space<semaphore_mem>>)
    %dma_start3A_486 = arith.constant 1024 : i32
    %dma_start3A_487 = arith.constant 0 : i32
    %dma_start3A_488 = tpu.memref_slice %arg8[%dma_start3A_486, %dma_start3A_487] : memref<1280x32xf32, #tpu.memory_space<vmem>> -> memref<128x32xf32, #tpu.memory_space<vmem>>
    %dma_start3A_489 = arith.constant 1024 : i32
    %dma_start3A_490 = tpu.memref_slice %arg6[%dma_start3A_489] : memref<1280xi32, #tpu.memory_space<vmem>> -> memref<128xi32, #tpu.memory_space<vmem>>
    %dma_start3A_491 = arith.constant 0 : i32
    %dma_start3A_492 = arith.constant 0 : i32
    %dma_start3A_493 = tpu.memref_slice %arg3[%dma_start3A_491, %dma_start3A_492] : memref<1000000x32xf32, #tpu.memory_space<hbm>> -> memref<1000000x32xf32, #tpu.memory_space<hbm>>
    tpu.enqueue_indirect_dma source(%dma_start3A_493 : memref<1000000x32xf32, #tpu.memory_space<hbm>>) target(%dma_start3A_488 : memref<128x32xf32, #tpu.memory_space<vmem>>) offsets(%dma_start3A_490 : memref<128xi32, #tpu.memory_space<vmem>>) semaphore(%arg11 : memref<!tpu.dma_semaphore, #tpu.memory_space<semaphore_mem>>)
    %dma_start3A_494 = arith.constant 1152 : i32
    %dma_start3A_495 = arith.constant 0 : i32
    %dma_start3A_496 = tpu.memref_slice %arg8[%dma_start3A_494, %dma_start3A_495] : memref<1280x32xf32, #tpu.memory_space<vmem>> -> memref<128x32xf32, #tpu.memory_space<vmem>>
    %dma_start3A_497 = arith.constant 1152 : i32
    %dma_start3A_498 = tpu.memref_slice %arg6[%dma_start3A_497] : memref<1280xi32, #tpu.memory_space<vmem>> -> memref<128xi32, #tpu.memory_space<vmem>>
    %dma_start3A_499 = arith.constant 0 : i32
    %dma_start3A_500 = arith.constant 0 : i32
    %dma_start3A_501 = tpu.memref_slice %arg3[%dma_start3A_499, %dma_start3A_500] : memref<1000000x32xf32, #tpu.memory_space<hbm>> -> memref<1000000x32xf32, #tpu.memory_space<hbm>>
    tpu.enqueue_indirect_dma source(%dma_start3A_501 : memref<1000000x32xf32, #tpu.memory_space<hbm>>) target(%dma_start3A_496 : memref<128x32xf32, #tpu.memory_space<vmem>>) offsets(%dma_start3A_498 : memref<128xi32, #tpu.memory_space<vmem>>) semaphore(%arg11 : memref<!tpu.dma_semaphore, #tpu.memory_space<semaphore_mem>>)
    %dma_wait3A_502 = arith.constant 0 : i32
    %dma_wait3A_503 = arith.constant 0 : i32
    %dma_wait3A_504 = tpu.memref_slice %arg7[%dma_wait3A_502, %dma_wait3A_503] : memref<1280x32xf32, #tpu.memory_space<vmem>> -> memref<128x32xf32, #tpu.memory_space<vmem>>
    %dma_wait3A_505 = arith.constant 0 : i32
    %dma_wait3A_506 = tpu.memref_slice %arg5[%dma_wait3A_505] : memref<1280xi32, #tpu.memory_space<vmem>> -> memref<128xi32, #tpu.memory_space<vmem>>
    %dma_wait3A_507 = arith.constant 0 : i32
    %dma_wait3A_508 = arith.constant 0 : i32
    %dma_wait3A_509 = tpu.memref_slice %arg3[%dma_wait3A_507, %dma_wait3A_508] : memref<1000000x32xf32, #tpu.memory_space<hbm>> -> memref<1000000x32xf32, #tpu.memory_space<hbm>>
    tpu.wait_indirect_dma semaphore(%arg10 : memref<!tpu.dma_semaphore, #tpu.memory_space<semaphore_mem>>) src(%dma_wait3A_509 : memref<1000000x32xf32, #tpu.memory_space<hbm>>) dst(%dma_wait3A_504 : memref<128x32xf32, #tpu.memory_space<vmem>>)
    %dma_wait3A_510 = arith.constant 128 : i32
    %dma_wait3A_511 = arith.constant 0 : i32
    %dma_wait3A_512 = tpu.memref_slice %arg7[%dma_wait3A_510, %dma_wait3A_511] : memref<1280x32xf32, #tpu.memory_space<vmem>> -> memref<128x32xf32, #tpu.memory_space<vmem>>
    %dma_wait3A_513 = arith.constant 128 : i32
    %dma_wait3A_514 = tpu.memref_slice %arg5[%dma_wait3A_513] : memref<1280xi32, #tpu.memory_space<vmem>> -> memref<128xi32, #tpu.memory_space<vmem>>
    %dma_wait3A_515 = arith.constant 0 : i32
    %dma_wait3A_516 = arith.constant 0 : i32
    %dma_wait3A_517 = tpu.memref_slice %arg3[%dma_wait3A_515, %dma_wait3A_516] : memref<1000000x32xf32, #tpu.memory_space<hbm>> -> memref<1000000x32xf32, #tpu.memory_space<hbm>>
    tpu.wait_indirect_dma semaphore(%arg10 : memref<!tpu.dma_semaphore, #tpu.memory_space<semaphore_mem>>) src(%dma_wait3A_517 : memref<1000000x32xf32, #tpu.memory_space<hbm>>) dst(%dma_wait3A_512 : memref<128x32xf32, #tpu.memory_space<vmem>>)
    %dma_wait3A_518 = arith.constant 256 : i32
    %dma_wait3A_519 = arith.constant 0 : i32
    %dma_wait3A_520 = tpu.memref_slice %arg7[%dma_wait3A_518, %dma_wait3A_519] : memref<1280x32xf32, #tpu.memory_space<vmem>> -> memref<128x32xf32, #tpu.memory_space<vmem>>
    %dma_wait3A_521 = arith.constant 256 : i32
    %dma_wait3A_522 = tpu.memref_slice %arg5[%dma_wait3A_521] : memref<1280xi32, #tpu.memory_space<vmem>> -> memref<128xi32, #tpu.memory_space<vmem>>
    %dma_wait3A_523 = arith.constant 0 : i32
    %dma_wait3A_524 = arith.constant 0 : i32
    %dma_wait3A_525 = tpu.memref_slice %arg3[%dma_wait3A_523, %dma_wait3A_524] : memref<1000000x32xf32, #tpu.memory_space<hbm>> -> memref<1000000x32xf32, #tpu.memory_space<hbm>>
    tpu.wait_indirect_dma semaphore(%arg10 : memref<!tpu.dma_semaphore, #tpu.memory_space<semaphore_mem>>) src(%dma_wait3A_525 : memref<1000000x32xf32, #tpu.memory_space<hbm>>) dst(%dma_wait3A_520 : memref<128x32xf32, #tpu.memory_space<vmem>>)
    %dma_wait3A_526 = arith.constant 384 : i32
    %dma_wait3A_527 = arith.constant 0 : i32
    %dma_wait3A_528 = tpu.memref_slice %arg7[%dma_wait3A_526, %dma_wait3A_527] : memref<1280x32xf32, #tpu.memory_space<vmem>> -> memref<128x32xf32, #tpu.memory_space<vmem>>
    %dma_wait3A_529 = arith.constant 384 : i32
    %dma_wait3A_530 = tpu.memref_slice %arg5[%dma_wait3A_529] : memref<1280xi32, #tpu.memory_space<vmem>> -> memref<128xi32, #tpu.memory_space<vmem>>
    %dma_wait3A_531 = arith.constant 0 : i32
    %dma_wait3A_532 = arith.constant 0 : i32
    %dma_wait3A_533 = tpu.memref_slice %arg3[%dma_wait3A_531, %dma_wait3A_532] : memref<1000000x32xf32, #tpu.memory_space<hbm>> -> memref<1000000x32xf32, #tpu.memory_space<hbm>>
    tpu.wait_indirect_dma semaphore(%arg10 : memref<!tpu.dma_semaphore, #tpu.memory_space<semaphore_mem>>) src(%dma_wait3A_533 : memref<1000000x32xf32, #tpu.memory_space<hbm>>) dst(%dma_wait3A_528 : memref<128x32xf32, #tpu.memory_space<vmem>>)
    %dma_wait3A_534 = arith.constant 512 : i32
    %dma_wait3A_535 = arith.constant 0 : i32
    %dma_wait3A_536 = tpu.memref_slice %arg7[%dma_wait3A_534, %dma_wait3A_535] : memref<1280x32xf32, #tpu.memory_space<vmem>> -> memref<128x32xf32, #tpu.memory_space<vmem>>
    %dma_wait3A_537 = arith.constant 512 : i32
    %dma_wait3A_538 = tpu.memref_slice %arg5[%dma_wait3A_537] : memref<1280xi32, #tpu.memory_space<vmem>> -> memref<128xi32, #tpu.memory_space<vmem>>
    %dma_wait3A_539 = arith.constant 0 : i32
    %dma_wait3A_540 = arith.constant 0 : i32
    %dma_wait3A_541 = tpu.memref_slice %arg3[%dma_wait3A_539, %dma_wait3A_540] : memref<1000000x32xf32, #tpu.memory_space<hbm>> -> memref<1000000x32xf32, #tpu.memory_space<hbm>>
    tpu.wait_indirect_dma semaphore(%arg10 : memref<!tpu.dma_semaphore, #tpu.memory_space<semaphore_mem>>) src(%dma_wait3A_541 : memref<1000000x32xf32, #tpu.memory_space<hbm>>) dst(%dma_wait3A_536 : memref<128x32xf32, #tpu.memory_space<vmem>>)
    %dma_wait3A_542 = arith.constant 640 : i32
    %dma_wait3A_543 = arith.constant 0 : i32
    %dma_wait3A_544 = tpu.memref_slice %arg7[%dma_wait3A_542, %dma_wait3A_543] : memref<1280x32xf32, #tpu.memory_space<vmem>> -> memref<128x32xf32, #tpu.memory_space<vmem>>
    %dma_wait3A_545 = arith.constant 640 : i32
    %dma_wait3A_546 = tpu.memref_slice %arg5[%dma_wait3A_545] : memref<1280xi32, #tpu.memory_space<vmem>> -> memref<128xi32, #tpu.memory_space<vmem>>
    %dma_wait3A_547 = arith.constant 0 : i32
    %dma_wait3A_548 = arith.constant 0 : i32
    %dma_wait3A_549 = tpu.memref_slice %arg3[%dma_wait3A_547, %dma_wait3A_548] : memref<1000000x32xf32, #tpu.memory_space<hbm>> -> memref<1000000x32xf32, #tpu.memory_space<hbm>>
    tpu.wait_indirect_dma semaphore(%arg10 : memref<!tpu.dma_semaphore, #tpu.memory_space<semaphore_mem>>) src(%dma_wait3A_549 : memref<1000000x32xf32, #tpu.memory_space<hbm>>) dst(%dma_wait3A_544 : memref<128x32xf32, #tpu.memory_space<vmem>>)
    %dma_wait3A_550 = arith.constant 768 : i32
    %dma_wait3A_551 = arith.constant 0 : i32
    %dma_wait3A_552 = tpu.memref_slice %arg7[%dma_wait3A_550, %dma_wait3A_551] : memref<1280x32xf32, #tpu.memory_space<vmem>> -> memref<128x32xf32, #tpu.memory_space<vmem>>
    %dma_wait3A_553 = arith.constant 768 : i32
    %dma_wait3A_554 = tpu.memref_slice %arg5[%dma_wait3A_553] : memref<1280xi32, #tpu.memory_space<vmem>> -> memref<128xi32, #tpu.memory_space<vmem>>
    %dma_wait3A_555 = arith.constant 0 : i32
    %dma_wait3A_556 = arith.constant 0 : i32
    %dma_wait3A_557 = tpu.memref_slice %arg3[%dma_wait3A_555, %dma_wait3A_556] : memref<1000000x32xf32, #tpu.memory_space<hbm>> -> memref<1000000x32xf32, #tpu.memory_space<hbm>>
    tpu.wait_indirect_dma semaphore(%arg10 : memref<!tpu.dma_semaphore, #tpu.memory_space<semaphore_mem>>) src(%dma_wait3A_557 : memref<1000000x32xf32, #tpu.memory_space<hbm>>) dst(%dma_wait3A_552 : memref<128x32xf32, #tpu.memory_space<vmem>>)
    %dma_wait3A_558 = arith.constant 896 : i32
    %dma_wait3A_559 = arith.constant 0 : i32
    %dma_wait3A_560 = tpu.memref_slice %arg7[%dma_wait3A_558, %dma_wait3A_559] : memref<1280x32xf32, #tpu.memory_space<vmem>> -> memref<128x32xf32, #tpu.memory_space<vmem>>
    %dma_wait3A_561 = arith.constant 896 : i32
    %dma_wait3A_562 = tpu.memref_slice %arg5[%dma_wait3A_561] : memref<1280xi32, #tpu.memory_space<vmem>> -> memref<128xi32, #tpu.memory_space<vmem>>
    %dma_wait3A_563 = arith.constant 0 : i32
    %dma_wait3A_564 = arith.constant 0 : i32
    %dma_wait3A_565 = tpu.memref_slice %arg3[%dma_wait3A_563, %dma_wait3A_564] : memref<1000000x32xf32, #tpu.memory_space<hbm>> -> memref<1000000x32xf32, #tpu.memory_space<hbm>>
    tpu.wait_indirect_dma semaphore(%arg10 : memref<!tpu.dma_semaphore, #tpu.memory_space<semaphore_mem>>) src(%dma_wait3A_565 : memref<1000000x32xf32, #tpu.memory_space<hbm>>) dst(%dma_wait3A_560 : memref<128x32xf32, #tpu.memory_space<vmem>>)
    %dma_wait3A_566 = arith.constant 1024 : i32
    %dma_wait3A_567 = arith.constant 0 : i32
    %dma_wait3A_568 = tpu.memref_slice %arg7[%dma_wait3A_566, %dma_wait3A_567] : memref<1280x32xf32, #tpu.memory_space<vmem>> -> memref<128x32xf32, #tpu.memory_space<vmem>>
    %dma_wait3A_569 = arith.constant 1024 : i32
    %dma_wait3A_570 = tpu.memref_slice %arg5[%dma_wait3A_569] : memref<1280xi32, #tpu.memory_space<vmem>> -> memref<128xi32, #tpu.memory_space<vmem>>
    %dma_wait3A_571 = arith.constant 0 : i32
    %dma_wait3A_572 = arith.constant 0 : i32
    %dma_wait3A_573 = tpu.memref_slice %arg3[%dma_wait3A_571, %dma_wait3A_572] : memref<1000000x32xf32, #tpu.memory_space<hbm>> -> memref<1000000x32xf32, #tpu.memory_space<hbm>>
    tpu.wait_indirect_dma semaphore(%arg10 : memref<!tpu.dma_semaphore, #tpu.memory_space<semaphore_mem>>) src(%dma_wait3A_573 : memref<1000000x32xf32, #tpu.memory_space<hbm>>) dst(%dma_wait3A_568 : memref<128x32xf32, #tpu.memory_space<vmem>>)
    %dma_wait3A_574 = arith.constant 1152 : i32
    %dma_wait3A_575 = arith.constant 0 : i32
    %dma_wait3A_576 = tpu.memref_slice %arg7[%dma_wait3A_574, %dma_wait3A_575] : memref<1280x32xf32, #tpu.memory_space<vmem>> -> memref<128x32xf32, #tpu.memory_space<vmem>>
    %dma_wait3A_577 = arith.constant 1152 : i32
    %dma_wait3A_578 = tpu.memref_slice %arg5[%dma_wait3A_577] : memref<1280xi32, #tpu.memory_space<vmem>> -> memref<128xi32, #tpu.memory_space<vmem>>
    %dma_wait3A_579 = arith.constant 0 : i32
    %dma_wait3A_580 = arith.constant 0 : i32
    %dma_wait3A_581 = tpu.memref_slice %arg3[%dma_wait3A_579, %dma_wait3A_580] : memref<1000000x32xf32, #tpu.memory_space<hbm>> -> memref<1000000x32xf32, #tpu.memory_space<hbm>>
    tpu.wait_indirect_dma semaphore(%arg10 : memref<!tpu.dma_semaphore, #tpu.memory_space<semaphore_mem>>) src(%dma_wait3A_581 : memref<1000000x32xf32, #tpu.memory_space<hbm>>) dst(%dma_wait3A_576 : memref<128x32xf32, #tpu.memory_space<vmem>>)
    %scan3A_582 = arith.constant 0 : i32
    %scan3A_583 = arith.constant 0 : i32
    %scan3A_584 = arith.constant 64 : i32
    %scan3A_585 = arith.addi %scan3A_583, %scan3A_584 : i32
    %scan3A_586 = arith.constant 1 : i32
    %scan3A_587 = scf.for %scan3A_1354 = %scan3A_583 to %scan3A_585 step %scan3A_586 iter_args(%scan3A_1355 = %scan3A_582) -> (i32)  : i32 {
      %mul3A_1356 = arith.constant 20 : i32
      %mul3A_1357 = arith.muli %scan3A_1354, %mul3A_1356 : i32
      %get3A = arith.index_cast %mul3A_1357 : i32 to index
      %get3A_1358 = arith.constant 0 : index
      %get3A_1359 = tpu.vector_load %arg7[%get3A, %get3A_1358] {strides = array<i32>} : memref<1280x32xf32, #tpu.memory_space<vmem>>, vector<1x16xf32>,
      %get3A_1360 = vector.shape_cast %get3A_1359 : vector<1x16xf32> to vector<16xf32>
      %get3A_1361 = arith.index_cast %mul3A_1357 : i32 to index
      %get3A_1362 = arith.constant 16 : index
      %get3A_1363 = tpu.vector_load %arg7[%get3A_1361, %get3A_1362] {strides = array<i32>} : memref<1280x32xf32, #tpu.memory_space<vmem>>, vector<1x16xf32>,
      %get3A_1364 = vector.shape_cast %get3A_1363 : vector<1x16xf32> to vector<16xf32>
      %add3A_1365 = arith.constant 1 : i32
      %add3A_1366 = arith.addi %mul3A_1357, %add3A_1365 : i32
      %get3A_1367 = arith.index_cast %add3A_1366 : i32 to index
      %get3A_1368 = arith.constant 0 : index
      %get3A_1369 = tpu.vector_load %arg7[%get3A_1367, %get3A_1368] {strides = array<i32>} : memref<1280x32xf32, #tpu.memory_space<vmem>>, vector<1x16xf32>,
      %get3A_1370 = vector.shape_cast %get3A_1369 : vector<1x16xf32> to vector<16xf32>
      %add3A_1371 = arith.constant 1 : i32
      %add3A_1372 = arith.addi %mul3A_1357, %add3A_1371 : i32
      %get3A_1373 = arith.index_cast %add3A_1372 : i32 to index
      %get3A_1374 = arith.constant 16 : index
      %get3A_1375 = tpu.vector_load %arg7[%get3A_1373, %get3A_1374] {strides = array<i32>} : memref<1280x32xf32, #tpu.memory_space<vmem>>, vector<1x16xf32>,
      %get3A_1376 = vector.shape_cast %get3A_1375 : vector<1x16xf32> to vector<16xf32>
      %add3A_1377 = arith.constant 2 : i32
      %add3A_1378 = arith.addi %mul3A_1357, %add3A_1377 : i32
      %get3A_1379 = arith.index_cast %add3A_1378 : i32 to index
      %get3A_1380 = arith.constant 0 : index
      %get3A_1381 = tpu.vector_load %arg7[%get3A_1379, %get3A_1380] {strides = array<i32>} : memref<1280x32xf32, #tpu.memory_space<vmem>>, vector<1x16xf32>,
      %get3A_1382 = vector.shape_cast %get3A_1381 : vector<1x16xf32> to vector<16xf32>
      %add3A_1383 = arith.addf %get3A_1360, %get3A_1382 : vector<16xf32>
      %add3A_1384 = arith.constant 2 : i32
      %add3A_1385 = arith.addi %mul3A_1357, %add3A_1384 : i32
      %get3A_1386 = arith.index_cast %add3A_1385 : i32 to index
      %get3A_1387 = arith.constant 16 : index
      %get3A_1388 = tpu.vector_load %arg7[%get3A_1386, %get3A_1387] {strides = array<i32>} : memref<1280x32xf32, #tpu.memory_space<vmem>>, vector<1x16xf32>,
      %get3A_1389 = vector.shape_cast %get3A_1388 : vector<1x16xf32> to vector<16xf32>
      %add3A_1390 = arith.addf %get3A_1364, %get3A_1389 : vector<16xf32>
      %add3A_1391 = arith.constant 2 : i32
      %add3A_1392 = arith.addi %mul3A_1357, %add3A_1391 : i32
      %add3A_1393 = arith.constant 1 : i32
      %add3A_1394 = arith.addi %add3A_1392, %add3A_1393 : i32
      %get3A_1395 = arith.index_cast %add3A_1394 : i32 to index
      %get3A_1396 = arith.constant 0 : index
      %get3A_1397 = tpu.vector_load %arg7[%get3A_1395, %get3A_1396] {strides = array<i32>} : memref<1280x32xf32, #tpu.memory_space<vmem>>, vector<1x16xf32>,
      %get3A_1398 = vector.shape_cast %get3A_1397 : vector<1x16xf32> to vector<16xf32>
      %add3A_1399 = arith.addf %get3A_1370, %get3A_1398 : vector<16xf32>
      %add3A_1400 = arith.constant 2 : i32
      %add3A_1401 = arith.addi %mul3A_1357, %add3A_1400 : i32
      %add3A_1402 = arith.constant 1 : i32
      %add3A_1403 = arith.addi %add3A_1401, %add3A_1402 : i32
      %get3A_1404 = arith.index_cast %add3A_1403 : i32 to index
      %get3A_1405 = arith.constant 16 : index
      %get3A_1406 = tpu.vector_load %arg7[%get3A_1404, %get3A_1405] {strides = array<i32>} : memref<1280x32xf32, #tpu.memory_space<vmem>>, vector<1x16xf32>,
      %get3A_1407 = vector.shape_cast %get3A_1406 : vector<1x16xf32> to vector<16xf32>
      %add3A_1408 = arith.addf %get3A_1376, %get3A_1407 : vector<16xf32>
      %add3A_1409 = arith.constant 4 : i32
      %add3A_1410 = arith.addi %mul3A_1357, %add3A_1409 : i32
      %get3A_1411 = arith.index_cast %add3A_1410 : i32 to index
      %get3A_1412 = arith.constant 0 : index
      %get3A_1413 = tpu.vector_load %arg7[%get3A_1411, %get3A_1412] {strides = array<i32>} : memref<1280x32xf32, #tpu.memory_space<vmem>>, vector<1x16xf32>,
      %get3A_1414 = vector.shape_cast %get3A_1413 : vector<1x16xf32> to vector<16xf32>
      %add3A_1415 = arith.addf %add3A_1383, %get3A_1414 : vector<16xf32>
      %add3A_1416 = arith.constant 4 : i32
      %add3A_1417 = arith.addi %mul3A_1357, %add3A_1416 : i32
      %get3A_1418 = arith.index_cast %add3A_1417 : i32 to index
      %get3A_1419 = arith.constant 16 : index
      %get3A_1420 = tpu.vector_load %arg7[%get3A_1418, %get3A_1419] {strides = array<i32>} : memref<1280x32xf32, #tpu.memory_space<vmem>>, vector<1x16xf32>,
      %get3A_1421 = vector.shape_cast %get3A_1420 : vector<1x16xf32> to vector<16xf32>
      %add3A_1422 = arith.addf %add3A_1390, %get3A_1421 : vector<16xf32>
      %add3A_1423 = arith.constant 4 : i32
      %add3A_1424 = arith.addi %mul3A_1357, %add3A_1423 : i32
      %add3A_1425 = arith.constant 1 : i32
      %add3A_1426 = arith.addi %add3A_1424, %add3A_1425 : i32
      %get3A_1427 = arith.index_cast %add3A_1426 : i32 to index
      %get3A_1428 = arith.constant 0 : index
      %get3A_1429 = tpu.vector_load %arg7[%get3A_1427, %get3A_1428] {strides = array<i32>} : memref<1280x32xf32, #tpu.memory_space<vmem>>, vector<1x16xf32>,
      %get3A_1430 = vector.shape_cast %get3A_1429 : vector<1x16xf32> to vector<16xf32>
      %add3A_1431 = arith.addf %add3A_1399, %get3A_1430 : vector<16xf32>
      %add3A_1432 = arith.constant 4 : i32
      %add3A_1433 = arith.addi %mul3A_1357, %add3A_1432 : i32
      %add3A_1434 = arith.constant 1 : i32
      %add3A_1435 = arith.addi %add3A_1433, %add3A_1434 : i32
      %get3A_1436 = arith.index_cast %add3A_1435 : i32 to index
      %get3A_1437 = arith.constant 16 : index
      %get3A_1438 = tpu.vector_load %arg7[%get3A_1436, %get3A_1437] {strides = array<i32>} : memref<1280x32xf32, #tpu.memory_space<vmem>>, vector<1x16xf32>,
      %get3A_1439 = vector.shape_cast %get3A_1438 : vector<1x16xf32> to vector<16xf32>
      %add3A_1440 = arith.addf %add3A_1408, %get3A_1439 : vector<16xf32>
      %add3A_1441 = arith.constant 6 : i32
      %add3A_1442 = arith.addi %mul3A_1357, %add3A_1441 : i32
      %get3A_1443 = arith.index_cast %add3A_1442 : i32 to index
      %get3A_1444 = arith.constant 0 : index
      %get3A_1445 = tpu.vector_load %arg7[%get3A_1443, %get3A_1444] {strides = array<i32>} : memref<1280x32xf32, #tpu.memory_space<vmem>>, vector<1x16xf32>,
      %get3A_1446 = vector.shape_cast %get3A_1445 : vector<1x16xf32> to vector<16xf32>
      %add3A_1447 = arith.addf %add3A_1415, %get3A_1446 : vector<16xf32>
      %add3A_1448 = arith.constant 6 : i32
      %add3A_1449 = arith.addi %mul3A_1357, %add3A_1448 : i32
      %get3A_1450 = arith.index_cast %add3A_1449 : i32 to index
      %get3A_1451 = arith.constant 16 : index
      %get3A_1452 = tpu.vector_load %arg7[%get3A_1450, %get3A_1451] {strides = array<i32>} : memref<1280x32xf32, #tpu.memory_space<vmem>>, vector<1x16xf32>,
      %get3A_1453 = vector.shape_cast %get3A_1452 : vector<1x16xf32> to vector<16xf32>
      %add3A_1454 = arith.addf %add3A_1422, %get3A_1453 : vector<16xf32>
      %add3A_1455 = arith.constant 6 : i32
      %add3A_1456 = arith.addi %mul3A_1357, %add3A_1455 : i32
      %add3A_1457 = arith.constant 1 : i32
      %add3A_1458 = arith.addi %add3A_1456, %add3A_1457 : i32
      %get3A_1459 = arith.index_cast %add3A_1458 : i32 to index
      %get3A_1460 = arith.constant 0 : index
      %get3A_1461 = tpu.vector_load %arg7[%get3A_1459, %get3A_1460] {strides = array<i32>} : memref<1280x32xf32, #tpu.memory_space<vmem>>, vector<1x16xf32>,
      %get3A_1462 = vector.shape_cast %get3A_1461 : vector<1x16xf32> to vector<16xf32>
      %add3A_1463 = arith.addf %add3A_1431, %get3A_1462 : vector<16xf32>
      %add3A_1464 = arith.constant 6 : i32
      %add3A_1465 = arith.addi %mul3A_1357, %add3A_1464 : i32
      %add3A_1466 = arith.constant 1 : i32
      %add3A_1467 = arith.addi %add3A_1465, %add3A_1466 : i32
      %get3A_1468 = arith.index_cast %add3A_1467 : i32 to index
      %get3A_1469 = arith.constant 16 : index
      %get3A_1470 = tpu.vector_load %arg7[%get3A_1468, %get3A_1469] {strides = array<i32>} : memref<1280x32xf32, #tpu.memory_space<vmem>>, vector<1x16xf32>,
      %get3A_1471 = vector.shape_cast %get3A_1470 : vector<1x16xf32> to vector<16xf32>
      %add3A_1472 = arith.addf %add3A_1440, %get3A_1471 : vector<16xf32>
      %add3A_1473 = arith.constant 8 : i32
      %add3A_1474 = arith.addi %mul3A_1357, %add3A_1473 : i32
      %get3A_1475 = arith.index_cast %add3A_1474 : i32 to index
      %get3A_1476 = arith.constant 0 : index
      %get3A_1477 = tpu.vector_load %arg7[%get3A_1475, %get3A_1476] {strides = array<i32>} : memref<1280x32xf32, #tpu.memory_space<vmem>>, vector<1x16xf32>,
      %get3A_1478 = vector.shape_cast %get3A_1477 : vector<1x16xf32> to vector<16xf32>
      %add3A_1479 = arith.addf %add3A_1447, %get3A_1478 : vector<16xf32>
      %add3A_1480 = arith.constant 8 : i32
      %add3A_1481 = arith.addi %mul3A_1357, %add3A_1480 : i32
      %get3A_1482 = arith.index_cast %add3A_1481 : i32 to index
      %get3A_1483 = arith.constant 16 : index
      %get3A_1484 = tpu.vector_load %arg7[%get3A_1482, %get3A_1483] {strides = array<i32>} : memref<1280x32xf32, #tpu.memory_space<vmem>>, vector<1x16xf32>,
      %get3A_1485 = vector.shape_cast %get3A_1484 : vector<1x16xf32> to vector<16xf32>
      %add3A_1486 = arith.addf %add3A_1454, %get3A_1485 : vector<16xf32>
      %add3A_1487 = arith.constant 8 : i32
      %add3A_1488 = arith.addi %mul3A_1357, %add3A_1487 : i32
      %add3A_1489 = arith.constant 1 : i32
      %add3A_1490 = arith.addi %add3A_1488, %add3A_1489 : i32
      %get3A_1491 = arith.index_cast %add3A_1490 : i32 to index
      %get3A_1492 = arith.constant 0 : index
      %get3A_1493 = tpu.vector_load %arg7[%get3A_1491, %get3A_1492] {strides = array<i32>} : memref<1280x32xf32, #tpu.memory_space<vmem>>, vector<1x16xf32>,
      %get3A_1494 = vector.shape_cast %get3A_1493 : vector<1x16xf32> to vector<16xf32>
      %add3A_1495 = arith.addf %add3A_1463, %get3A_1494 : vector<16xf32>
      %add3A_1496 = arith.constant 8 : i32
      %add3A_1497 = arith.addi %mul3A_1357, %add3A_1496 : i32
      %add3A_1498 = arith.constant 1 : i32
      %add3A_1499 = arith.addi %add3A_1497, %add3A_1498 : i32
      %get3A_1500 = arith.index_cast %add3A_1499 : i32 to index
      %get3A_1501 = arith.constant 16 : index
      %get3A_1502 = tpu.vector_load %arg7[%get3A_1500, %get3A_1501] {strides = array<i32>} : memref<1280x32xf32, #tpu.memory_space<vmem>>, vector<1x16xf32>,
      %get3A_1503 = vector.shape_cast %get3A_1502 : vector<1x16xf32> to vector<16xf32>
      %add3A_1504 = arith.addf %add3A_1472, %get3A_1503 : vector<16xf32>
      %add3A_1505 = arith.constant 10 : i32
      %add3A_1506 = arith.addi %mul3A_1357, %add3A_1505 : i32
      %get3A_1507 = arith.index_cast %add3A_1506 : i32 to index
      %get3A_1508 = arith.constant 0 : index
      %get3A_1509 = tpu.vector_load %arg7[%get3A_1507, %get3A_1508] {strides = array<i32>} : memref<1280x32xf32, #tpu.memory_space<vmem>>, vector<1x16xf32>,
      %get3A_1510 = vector.shape_cast %get3A_1509 : vector<1x16xf32> to vector<16xf32>
      %add3A_1511 = arith.addf %add3A_1479, %get3A_1510 : vector<16xf32>
      %add3A_1512 = arith.constant 10 : i32
      %add3A_1513 = arith.addi %mul3A_1357, %add3A_1512 : i32
      %get3A_1514 = arith.index_cast %add3A_1513 : i32 to index
      %get3A_1515 = arith.constant 16 : index
      %get3A_1516 = tpu.vector_load %arg7[%get3A_1514, %get3A_1515] {strides = array<i32>} : memref<1280x32xf32, #tpu.memory_space<vmem>>, vector<1x16xf32>,
      %get3A_1517 = vector.shape_cast %get3A_1516 : vector<1x16xf32> to vector<16xf32>
      %add3A_1518 = arith.addf %add3A_1486, %get3A_1517 : vector<16xf32>
      %add3A_1519 = arith.constant 10 : i32
      %add3A_1520 = arith.addi %mul3A_1357, %add3A_1519 : i32
      %add3A_1521 = arith.constant 1 : i32
      %add3A_1522 = arith.addi %add3A_1520, %add3A_1521 : i32
      %get3A_1523 = arith.index_cast %add3A_1522 : i32 to index
      %get3A_1524 = arith.constant 0 : index
      %get3A_1525 = tpu.vector_load %arg7[%get3A_1523, %get3A_1524] {strides = array<i32>} : memref<1280x32xf32, #tpu.memory_space<vmem>>, vector<1x16xf32>,
      %get3A_1526 = vector.shape_cast %get3A_1525 : vector<1x16xf32> to vector<16xf32>
      %add3A_1527 = arith.addf %add3A_1495, %get3A_1526 : vector<16xf32>
      %add3A_1528 = arith.constant 10 : i32
      %add3A_1529 = arith.addi %mul3A_1357, %add3A_1528 : i32
      %add3A_1530 = arith.constant 1 : i32
      %add3A_1531 = arith.addi %add3A_1529, %add3A_1530 : i32
      %get3A_1532 = arith.index_cast %add3A_1531 : i32 to index
      %get3A_1533 = arith.constant 16 : index
      %get3A_1534 = tpu.vector_load %arg7[%get3A_1532, %get3A_1533] {strides = array<i32>} : memref<1280x32xf32, #tpu.memory_space<vmem>>, vector<1x16xf32>,
      %get3A_1535 = vector.shape_cast %get3A_1534 : vector<1x16xf32> to vector<16xf32>
      %add3A_1536 = arith.addf %add3A_1504, %get3A_1535 : vector<16xf32>
      %add3A_1537 = arith.constant 12 : i32
      %add3A_1538 = arith.addi %mul3A_1357, %add3A_1537 : i32
      %get3A_1539 = arith.index_cast %add3A_1538 : i32 to index
      %get3A_1540 = arith.constant 0 : index
      %get3A_1541 = tpu.vector_load %arg7[%get3A_1539, %get3A_1540] {strides = array<i32>} : memref<1280x32xf32, #tpu.memory_space<vmem>>, vector<1x16xf32>,
      %get3A_1542 = vector.shape_cast %get3A_1541 : vector<1x16xf32> to vector<16xf32>
      %add3A_1543 = arith.addf %add3A_1511, %get3A_1542 : vector<16xf32>
      %add3A_1544 = arith.constant 12 : i32
      %add3A_1545 = arith.addi %mul3A_1357, %add3A_1544 : i32
      %get3A_1546 = arith.index_cast %add3A_1545 : i32 to index
      %get3A_1547 = arith.constant 16 : index
      %get3A_1548 = tpu.vector_load %arg7[%get3A_1546, %get3A_1547] {strides = array<i32>} : memref<1280x32xf32, #tpu.memory_space<vmem>>, vector<1x16xf32>,
      %get3A_1549 = vector.shape_cast %get3A_1548 : vector<1x16xf32> to vector<16xf32>
      %add3A_1550 = arith.addf %add3A_1518, %get3A_1549 : vector<16xf32>
      %add3A_1551 = arith.constant 12 : i32
      %add3A_1552 = arith.addi %mul3A_1357, %add3A_1551 : i32
      %add3A_1553 = arith.constant 1 : i32
      %add3A_1554 = arith.addi %add3A_1552, %add3A_1553 : i32
      %get3A_1555 = arith.index_cast %add3A_1554 : i32 to index
      %get3A_1556 = arith.constant 0 : index
      %get3A_1557 = tpu.vector_load %arg7[%get3A_1555, %get3A_1556] {strides = array<i32>} : memref<1280x32xf32, #tpu.memory_space<vmem>>, vector<1x16xf32>,
      %get3A_1558 = vector.shape_cast %get3A_1557 : vector<1x16xf32> to vector<16xf32>
      %add3A_1559 = arith.addf %add3A_1527, %get3A_1558 : vector<16xf32>
      %add3A_1560 = arith.constant 12 : i32
      %add3A_1561 = arith.addi %mul3A_1357, %add3A_1560 : i32
      %add3A_1562 = arith.constant 1 : i32
      %add3A_1563 = arith.addi %add3A_1561, %add3A_1562 : i32
      %get3A_1564 = arith.index_cast %add3A_1563 : i32 to index
      %get3A_1565 = arith.constant 16 : index
      %get3A_1566 = tpu.vector_load %arg7[%get3A_1564, %get3A_1565] {strides = array<i32>} : memref<1280x32xf32, #tpu.memory_space<vmem>>, vector<1x16xf32>,
      %get3A_1567 = vector.shape_cast %get3A_1566 : vector<1x16xf32> to vector<16xf32>
      %add3A_1568 = arith.addf %add3A_1536, %get3A_1567 : vector<16xf32>
      %add3A_1569 = arith.constant 14 : i32
      %add3A_1570 = arith.addi %mul3A_1357, %add3A_1569 : i32
      %get3A_1571 = arith.index_cast %add3A_1570 : i32 to index
      %get3A_1572 = arith.constant 0 : index
      %get3A_1573 = tpu.vector_load %arg7[%get3A_1571, %get3A_1572] {strides = array<i32>} : memref<1280x32xf32, #tpu.memory_space<vmem>>, vector<1x16xf32>,
      %get3A_1574 = vector.shape_cast %get3A_1573 : vector<1x16xf32> to vector<16xf32>
      %add3A_1575 = arith.addf %add3A_1543, %get3A_1574 : vector<16xf32>
      %add3A_1576 = arith.constant 14 : i32
      %add3A_1577 = arith.addi %mul3A_1357, %add3A_1576 : i32
      %get3A_1578 = arith.index_cast %add3A_1577 : i32 to index
      %get3A_1579 = arith.constant 16 : index
      %get3A_1580 = tpu.vector_load %arg7[%get3A_1578, %get3A_1579] {strides = array<i32>} : memref<1280x32xf32, #tpu.memory_space<vmem>>, vector<1x16xf32>,
      %get3A_1581 = vector.shape_cast %get3A_1580 : vector<1x16xf32> to vector<16xf32>
      %add3A_1582 = arith.addf %add3A_1550, %get3A_1581 : vector<16xf32>
      %add3A_1583 = arith.constant 14 : i32
      %add3A_1584 = arith.addi %mul3A_1357, %add3A_1583 : i32
      %add3A_1585 = arith.constant 1 : i32
      %add3A_1586 = arith.addi %add3A_1584, %add3A_1585 : i32
      %get3A_1587 = arith.index_cast %add3A_1586 : i32 to index
      %get3A_1588 = arith.constant 0 : index
      %get3A_1589 = tpu.vector_load %arg7[%get3A_1587, %get3A_1588] {strides = array<i32>} : memref<1280x32xf32, #tpu.memory_space<vmem>>, vector<1x16xf32>,
      %get3A_1590 = vector.shape_cast %get3A_1589 : vector<1x16xf32> to vector<16xf32>
      %add3A_1591 = arith.addf %add3A_1559, %get3A_1590 : vector<16xf32>
      %add3A_1592 = arith.constant 14 : i32
      %add3A_1593 = arith.addi %mul3A_1357, %add3A_1592 : i32
      %add3A_1594 = arith.constant 1 : i32
      %add3A_1595 = arith.addi %add3A_1593, %add3A_1594 : i32
      %get3A_1596 = arith.index_cast %add3A_1595 : i32 to index
      %get3A_1597 = arith.constant 16 : index
      %get3A_1598 = tpu.vector_load %arg7[%get3A_1596, %get3A_1597] {strides = array<i32>} : memref<1280x32xf32, #tpu.memory_space<vmem>>, vector<1x16xf32>,
      %get3A_1599 = vector.shape_cast %get3A_1598 : vector<1x16xf32> to vector<16xf32>
      %add3A_1600 = arith.addf %add3A_1568, %get3A_1599 : vector<16xf32>
      %add3A_1601 = arith.constant 16 : i32
      %add3A_1602 = arith.addi %mul3A_1357, %add3A_1601 : i32
      %get3A_1603 = arith.index_cast %add3A_1602 : i32 to index
      %get3A_1604 = arith.constant 0 : index
      %get3A_1605 = tpu.vector_load %arg7[%get3A_1603, %get3A_1604] {strides = array<i32>} : memref<1280x32xf32, #tpu.memory_space<vmem>>, vector<1x16xf32>,
      %get3A_1606 = vector.shape_cast %get3A_1605 : vector<1x16xf32> to vector<16xf32>
      %add3A_1607 = arith.addf %add3A_1575, %get3A_1606 : vector<16xf32>
      %add3A_1608 = arith.constant 16 : i32
      %add3A_1609 = arith.addi %mul3A_1357, %add3A_1608 : i32
      %get3A_1610 = arith.index_cast %add3A_1609 : i32 to index
      %get3A_1611 = arith.constant 16 : index
      %get3A_1612 = tpu.vector_load %arg7[%get3A_1610, %get3A_1611] {strides = array<i32>} : memref<1280x32xf32, #tpu.memory_space<vmem>>, vector<1x16xf32>,
      %get3A_1613 = vector.shape_cast %get3A_1612 : vector<1x16xf32> to vector<16xf32>
      %add3A_1614 = arith.addf %add3A_1582, %get3A_1613 : vector<16xf32>
      %add3A_1615 = arith.constant 16 : i32
      %add3A_1616 = arith.addi %mul3A_1357, %add3A_1615 : i32
      %add3A_1617 = arith.constant 1 : i32
      %add3A_1618 = arith.addi %add3A_1616, %add3A_1617 : i32
      %get3A_1619 = arith.index_cast %add3A_1618 : i32 to index
      %get3A_1620 = arith.constant 0 : index
      %get3A_1621 = tpu.vector_load %arg7[%get3A_1619, %get3A_1620] {strides = array<i32>} : memref<1280x32xf32, #tpu.memory_space<vmem>>, vector<1x16xf32>,
      %get3A_1622 = vector.shape_cast %get3A_1621 : vector<1x16xf32> to vector<16xf32>
      %add3A_1623 = arith.addf %add3A_1591, %get3A_1622 : vector<16xf32>
      %add3A_1624 = arith.constant 16 : i32
      %add3A_1625 = arith.addi %mul3A_1357, %add3A_1624 : i32
      %add3A_1626 = arith.constant 1 : i32
      %add3A_1627 = arith.addi %add3A_1625, %add3A_1626 : i32
      %get3A_1628 = arith.index_cast %add3A_1627 : i32 to index
      %get3A_1629 = arith.constant 16 : index
      %get3A_1630 = tpu.vector_load %arg7[%get3A_1628, %get3A_1629] {strides = array<i32>} : memref<1280x32xf32, #tpu.memory_space<vmem>>, vector<1x16xf32>,
      %get3A_1631 = vector.shape_cast %get3A_1630 : vector<1x16xf32> to vector<16xf32>
      %add3A_1632 = arith.addf %add3A_1600, %get3A_1631 : vector<16xf32>
      %add3A_1633 = arith.constant 18 : i32
      %add3A_1634 = arith.addi %mul3A_1357, %add3A_1633 : i32
      %get3A_1635 = arith.index_cast %add3A_1634 : i32 to index
      %get3A_1636 = arith.constant 0 : index
      %get3A_1637 = tpu.vector_load %arg7[%get3A_1635, %get3A_1636] {strides = array<i32>} : memref<1280x32xf32, #tpu.memory_space<vmem>>, vector<1x16xf32>,
      %get3A_1638 = vector.shape_cast %get3A_1637 : vector<1x16xf32> to vector<16xf32>
      %add3A_1639 = arith.addf %add3A_1607, %get3A_1638 : vector<16xf32>
      %add3A_1640 = arith.constant 18 : i32
      %add3A_1641 = arith.addi %mul3A_1357, %add3A_1640 : i32
      %get3A_1642 = arith.index_cast %add3A_1641 : i32 to index
      %get3A_1643 = arith.constant 16 : index
      %get3A_1644 = tpu.vector_load %arg7[%get3A_1642, %get3A_1643] {strides = array<i32>} : memref<1280x32xf32, #tpu.memory_space<vmem>>, vector<1x16xf32>,
      %get3A_1645 = vector.shape_cast %get3A_1644 : vector<1x16xf32> to vector<16xf32>
      %add3A_1646 = arith.addf %add3A_1614, %get3A_1645 : vector<16xf32>
      %add3A_1647 = arith.constant 18 : i32
      %add3A_1648 = arith.addi %mul3A_1357, %add3A_1647 : i32
      %add3A_1649 = arith.constant 1 : i32
      %add3A_1650 = arith.addi %add3A_1648, %add3A_1649 : i32
      %get3A_1651 = arith.index_cast %add3A_1650 : i32 to index
      %get3A_1652 = arith.constant 0 : index
      %get3A_1653 = tpu.vector_load %arg7[%get3A_1651, %get3A_1652] {strides = array<i32>} : memref<1280x32xf32, #tpu.memory_space<vmem>>, vector<1x16xf32>,
      %get3A_1654 = vector.shape_cast %get3A_1653 : vector<1x16xf32> to vector<16xf32>
      %add3A_1655 = arith.addf %add3A_1623, %get3A_1654 : vector<16xf32>
      %add3A_1656 = arith.constant 18 : i32
      %add3A_1657 = arith.addi %mul3A_1357, %add3A_1656 : i32
      %add3A_1658 = arith.constant 1 : i32
      %add3A_1659 = arith.addi %add3A_1657, %add3A_1658 : i32
      %get3A_1660 = arith.index_cast %add3A_1659 : i32 to index
      %get3A_1661 = arith.constant 16 : index
      %get3A_1662 = tpu.vector_load %arg7[%get3A_1660, %get3A_1661] {strides = array<i32>} : memref<1280x32xf32, #tpu.memory_space<vmem>>, vector<1x16xf32>,
      %get3A_1663 = vector.shape_cast %get3A_1662 : vector<1x16xf32> to vector<16xf32>
      %add3A_1664 = arith.addf %add3A_1632, %get3A_1663 : vector<16xf32>
      %add3A_1665 = arith.addf %add3A_1639, %add3A_1655 : vector<16xf32>
      %add3A_1666 = arith.constant 128 : i32
      %add3A_1667 = arith.addi %add3A_1666, %scan3A_1354 : i32
      %swap3A = arith.index_cast %add3A_1667 : i32 to index
      %swap3A_1668 = arith.constant 0 : index
      %swap3A_1669 = tpu.vector_load %arg9[%swap3A, %swap3A_1668] {strides = array<i32>} : memref<512x32xf32, #tpu.memory_space<vmem>>, vector<1x16xf32>,
      %swap3A_1670 = vector.shape_cast %swap3A_1669 : vector<1x16xf32> to vector<16xf32>
      %swap3A_1671 = vector.shape_cast %add3A_1665 : vector<16xf32> to vector<1x16xf32>
      tpu.vector_store %arg9[%swap3A, %swap3A_1668], %swap3A_1671 {strides = array<i32>} : memref<512x32xf32, #tpu.memory_space<vmem>>, vector<1x16xf32>,
      %add3A_1672 = arith.addf %add3A_1646, %add3A_1664 : vector<16xf32>
      %add3A_1673 = arith.constant 128 : i32
      %add3A_1674 = arith.addi %add3A_1673, %scan3A_1354 : i32
      %swap3A_1675 = arith.index_cast %add3A_1674 : i32 to index
      %swap3A_1676 = arith.constant 16 : index
      %swap3A_1677 = tpu.vector_load %arg9[%swap3A_1675, %swap3A_1676] {strides = array<i32>} : memref<512x32xf32, #tpu.memory_space<vmem>>, vector<1x16xf32>,
      %swap3A_1678 = vector.shape_cast %swap3A_1677 : vector<1x16xf32> to vector<16xf32>
      %swap3A_1679 = vector.shape_cast %add3A_1672 : vector<16xf32> to vector<1x16xf32>
      tpu.vector_store %arg9[%swap3A_1675, %swap3A_1676], %swap3A_1679 {strides = array<i32>} : memref<512x32xf32, #tpu.memory_space<vmem>>, vector<1x16xf32>,
      %scan3A_1680 = arith.constant 0 : i32
      scf.yield %scan3A_1680 : i32
    }
    %scan3A_588 = arith.constant 64 : i32
    %add3A_589 = arith.constant 5120 : i32
    %add3A_590 = arith.addi %mul3A_2, %add3A_589 : i32
    "tpu.region"() ({
      %run_scoped3A = tpu.sem_alloc : memref<!tpu.dma_semaphore, #tpu.memory_space<semaphore_mem>>
      %dma_start3A_1354 = tpu.memref_slice %arg2[%add3A_590] : memref<327680xi32, #tpu.memory_space<hbm>> -> memref<1280xi32, #tpu.memory_space<hbm>>
      %dma_start3A_1355 = tpu.memref_slice %arg2[%add3A_590] : memref<327680xi32, #tpu.memory_space<hbm>> -> memref<1280xi32, #tpu.memory_space<hbm>>
      tpu.enqueue_dma source(%dma_start3A_1355 : memref<1280xi32, #tpu.memory_space<hbm>>) target(%arg5 : memref<1280xi32, #tpu.memory_space<vmem>>) target_semaphore(%run_scoped3A : memref<!tpu.dma_semaphore, #tpu.memory_space<semaphore_mem>>)
      %dma_wait3A_1356 = tpu.memref_slice %arg2[%add3A_590] : memref<327680xi32, #tpu.memory_space<hbm>> -> memref<1280xi32, #tpu.memory_space<hbm>>
      %dma_wait3A_1357 = tpu.memref_slice %arg2[%add3A_590] : memref<327680xi32, #tpu.memory_space<hbm>> -> memref<1280xi32, #tpu.memory_space<hbm>>
      tpu.wait_dma2 semaphore(%run_scoped3A : memref<!tpu.dma_semaphore, #tpu.memory_space<semaphore_mem>>) src(%dma_wait3A_1357 : memref<1280xi32, #tpu.memory_space<hbm>>) dst(%arg5 : memref<1280xi32, #tpu.memory_space<vmem>>)
      tpu.yield
    }) : () -> ()
    %dma_start3A_591 = arith.constant 0 : i32
    %dma_start3A_592 = arith.constant 0 : i32
    %dma_start3A_593 = tpu.memref_slice %arg7[%dma_start3A_591, %dma_start3A_592] : memref<1280x32xf32, #tpu.memory_space<vmem>> -> memref<128x32xf32, #tpu.memory_space<vmem>>
    %dma_start3A_594 = arith.constant 0 : i32
    %dma_start3A_595 = tpu.memref_slice %arg5[%dma_start3A_594] : memref<1280xi32, #tpu.memory_space<vmem>> -> memref<128xi32, #tpu.memory_space<vmem>>
    %dma_start3A_596 = arith.constant 0 : i32
    %dma_start3A_597 = arith.constant 0 : i32
    %dma_start3A_598 = tpu.memref_slice %arg3[%dma_start3A_596, %dma_start3A_597] : memref<1000000x32xf32, #tpu.memory_space<hbm>> -> memref<1000000x32xf32, #tpu.memory_space<hbm>>
    tpu.enqueue_indirect_dma source(%dma_start3A_598 : memref<1000000x32xf32, #tpu.memory_space<hbm>>) target(%dma_start3A_593 : memref<128x32xf32, #tpu.memory_space<vmem>>) offsets(%dma_start3A_595 : memref<128xi32, #tpu.memory_space<vmem>>) semaphore(%arg10 : memref<!tpu.dma_semaphore, #tpu.memory_space<semaphore_mem>>)
    %dma_start3A_599 = arith.constant 128 : i32
    %dma_start3A_600 = arith.constant 0 : i32
    %dma_start3A_601 = tpu.memref_slice %arg7[%dma_start3A_599, %dma_start3A_600] : memref<1280x32xf32, #tpu.memory_space<vmem>> -> memref<128x32xf32, #tpu.memory_space<vmem>>
    %dma_start3A_602 = arith.constant 128 : i32
    %dma_start3A_603 = tpu.memref_slice %arg5[%dma_start3A_602] : memref<1280xi32, #tpu.memory_space<vmem>> -> memref<128xi32, #tpu.memory_space<vmem>>
    %dma_start3A_604 = arith.constant 0 : i32
    %dma_start3A_605 = arith.constant 0 : i32
    %dma_start3A_606 = tpu.memref_slice %arg3[%dma_start3A_604, %dma_start3A_605] : memref<1000000x32xf32, #tpu.memory_space<hbm>> -> memref<1000000x32xf32, #tpu.memory_space<hbm>>
    tpu.enqueue_indirect_dma source(%dma_start3A_606 : memref<1000000x32xf32, #tpu.memory_space<hbm>>) target(%dma_start3A_601 : memref<128x32xf32, #tpu.memory_space<vmem>>) offsets(%dma_start3A_603 : memref<128xi32, #tpu.memory_space<vmem>>) semaphore(%arg10 : memref<!tpu.dma_semaphore, #tpu.memory_space<semaphore_mem>>)
    %dma_start3A_607 = arith.constant 256 : i32
    %dma_start3A_608 = arith.constant 0 : i32
    %dma_start3A_609 = tpu.memref_slice %arg7[%dma_start3A_607, %dma_start3A_608] : memref<1280x32xf32, #tpu.memory_space<vmem>> -> memref<128x32xf32, #tpu.memory_space<vmem>>
    %dma_start3A_610 = arith.constant 256 : i32
    %dma_start3A_611 = tpu.memref_slice %arg5[%dma_start3A_610] : memref<1280xi32, #tpu.memory_space<vmem>> -> memref<128xi32, #tpu.memory_space<vmem>>
    %dma_start3A_612 = arith.constant 0 : i32
    %dma_start3A_613 = arith.constant 0 : i32
    %dma_start3A_614 = tpu.memref_slice %arg3[%dma_start3A_612, %dma_start3A_613] : memref<1000000x32xf32, #tpu.memory_space<hbm>> -> memref<1000000x32xf32, #tpu.memory_space<hbm>>
    tpu.enqueue_indirect_dma source(%dma_start3A_614 : memref<1000000x32xf32, #tpu.memory_space<hbm>>) target(%dma_start3A_609 : memref<128x32xf32, #tpu.memory_space<vmem>>) offsets(%dma_start3A_611 : memref<128xi32, #tpu.memory_space<vmem>>) semaphore(%arg10 : memref<!tpu.dma_semaphore, #tpu.memory_space<semaphore_mem>>)
    %dma_start3A_615 = arith.constant 384 : i32
    %dma_start3A_616 = arith.constant 0 : i32
    %dma_start3A_617 = tpu.memref_slice %arg7[%dma_start3A_615, %dma_start3A_616] : memref<1280x32xf32, #tpu.memory_space<vmem>> -> memref<128x32xf32, #tpu.memory_space<vmem>>
    %dma_start3A_618 = arith.constant 384 : i32
    %dma_start3A_619 = tpu.memref_slice %arg5[%dma_start3A_618] : memref<1280xi32, #tpu.memory_space<vmem>> -> memref<128xi32, #tpu.memory_space<vmem>>
    %dma_start3A_620 = arith.constant 0 : i32
    %dma_start3A_621 = arith.constant 0 : i32
    %dma_start3A_622 = tpu.memref_slice %arg3[%dma_start3A_620, %dma_start3A_621] : memref<1000000x32xf32, #tpu.memory_space<hbm>> -> memref<1000000x32xf32, #tpu.memory_space<hbm>>
    tpu.enqueue_indirect_dma source(%dma_start3A_622 : memref<1000000x32xf32, #tpu.memory_space<hbm>>) target(%dma_start3A_617 : memref<128x32xf32, #tpu.memory_space<vmem>>) offsets(%dma_start3A_619 : memref<128xi32, #tpu.memory_space<vmem>>) semaphore(%arg10 : memref<!tpu.dma_semaphore, #tpu.memory_space<semaphore_mem>>)
    %dma_start3A_623 = arith.constant 512 : i32
    %dma_start3A_624 = arith.constant 0 : i32
    %dma_start3A_625 = tpu.memref_slice %arg7[%dma_start3A_623, %dma_start3A_624] : memref<1280x32xf32, #tpu.memory_space<vmem>> -> memref<128x32xf32, #tpu.memory_space<vmem>>
    %dma_start3A_626 = arith.constant 512 : i32
    %dma_start3A_627 = tpu.memref_slice %arg5[%dma_start3A_626] : memref<1280xi32, #tpu.memory_space<vmem>> -> memref<128xi32, #tpu.memory_space<vmem>>
    %dma_start3A_628 = arith.constant 0 : i32
    %dma_start3A_629 = arith.constant 0 : i32
    %dma_start3A_630 = tpu.memref_slice %arg3[%dma_start3A_628, %dma_start3A_629] : memref<1000000x32xf32, #tpu.memory_space<hbm>> -> memref<1000000x32xf32, #tpu.memory_space<hbm>>
    tpu.enqueue_indirect_dma source(%dma_start3A_630 : memref<1000000x32xf32, #tpu.memory_space<hbm>>) target(%dma_start3A_625 : memref<128x32xf32, #tpu.memory_space<vmem>>) offsets(%dma_start3A_627 : memref<128xi32, #tpu.memory_space<vmem>>) semaphore(%arg10 : memref<!tpu.dma_semaphore, #tpu.memory_space<semaphore_mem>>)
    %dma_start3A_631 = arith.constant 640 : i32
    %dma_start3A_632 = arith.constant 0 : i32
    %dma_start3A_633 = tpu.memref_slice %arg7[%dma_start3A_631, %dma_start3A_632] : memref<1280x32xf32, #tpu.memory_space<vmem>> -> memref<128x32xf32, #tpu.memory_space<vmem>>
    %dma_start3A_634 = arith.constant 640 : i32
    %dma_start3A_635 = tpu.memref_slice %arg5[%dma_start3A_634] : memref<1280xi32, #tpu.memory_space<vmem>> -> memref<128xi32, #tpu.memory_space<vmem>>
    %dma_start3A_636 = arith.constant 0 : i32
    %dma_start3A_637 = arith.constant 0 : i32
    %dma_start3A_638 = tpu.memref_slice %arg3[%dma_start3A_636, %dma_start3A_637] : memref<1000000x32xf32, #tpu.memory_space<hbm>> -> memref<1000000x32xf32, #tpu.memory_space<hbm>>
    tpu.enqueue_indirect_dma source(%dma_start3A_638 : memref<1000000x32xf32, #tpu.memory_space<hbm>>) target(%dma_start3A_633 : memref<128x32xf32, #tpu.memory_space<vmem>>) offsets(%dma_start3A_635 : memref<128xi32, #tpu.memory_space<vmem>>) semaphore(%arg10 : memref<!tpu.dma_semaphore, #tpu.memory_space<semaphore_mem>>)
    %dma_start3A_639 = arith.constant 768 : i32
    %dma_start3A_640 = arith.constant 0 : i32
    %dma_start3A_641 = tpu.memref_slice %arg7[%dma_start3A_639, %dma_start3A_640] : memref<1280x32xf32, #tpu.memory_space<vmem>> -> memref<128x32xf32, #tpu.memory_space<vmem>>
    %dma_start3A_642 = arith.constant 768 : i32
    %dma_start3A_643 = tpu.memref_slice %arg5[%dma_start3A_642] : memref<1280xi32, #tpu.memory_space<vmem>> -> memref<128xi32, #tpu.memory_space<vmem>>
    %dma_start3A_644 = arith.constant 0 : i32
    %dma_start3A_645 = arith.constant 0 : i32
    %dma_start3A_646 = tpu.memref_slice %arg3[%dma_start3A_644, %dma_start3A_645] : memref<1000000x32xf32, #tpu.memory_space<hbm>> -> memref<1000000x32xf32, #tpu.memory_space<hbm>>
    tpu.enqueue_indirect_dma source(%dma_start3A_646 : memref<1000000x32xf32, #tpu.memory_space<hbm>>) target(%dma_start3A_641 : memref<128x32xf32, #tpu.memory_space<vmem>>) offsets(%dma_start3A_643 : memref<128xi32, #tpu.memory_space<vmem>>) semaphore(%arg10 : memref<!tpu.dma_semaphore, #tpu.memory_space<semaphore_mem>>)
    %dma_start3A_647 = arith.constant 896 : i32
    %dma_start3A_648 = arith.constant 0 : i32
    %dma_start3A_649 = tpu.memref_slice %arg7[%dma_start3A_647, %dma_start3A_648] : memref<1280x32xf32, #tpu.memory_space<vmem>> -> memref<128x32xf32, #tpu.memory_space<vmem>>
    %dma_start3A_650 = arith.constant 896 : i32
    %dma_start3A_651 = tpu.memref_slice %arg5[%dma_start3A_650] : memref<1280xi32, #tpu.memory_space<vmem>> -> memref<128xi32, #tpu.memory_space<vmem>>
    %dma_start3A_652 = arith.constant 0 : i32
    %dma_start3A_653 = arith.constant 0 : i32
    %dma_start3A_654 = tpu.memref_slice %arg3[%dma_start3A_652, %dma_start3A_653] : memref<1000000x32xf32, #tpu.memory_space<hbm>> -> memref<1000000x32xf32, #tpu.memory_space<hbm>>
    tpu.enqueue_indirect_dma source(%dma_start3A_654 : memref<1000000x32xf32, #tpu.memory_space<hbm>>) target(%dma_start3A_649 : memref<128x32xf32, #tpu.memory_space<vmem>>) offsets(%dma_start3A_651 : memref<128xi32, #tpu.memory_space<vmem>>) semaphore(%arg10 : memref<!tpu.dma_semaphore, #tpu.memory_space<semaphore_mem>>)
    %dma_start3A_655 = arith.constant 1024 : i32
    %dma_start3A_656 = arith.constant 0 : i32
    %dma_start3A_657 = tpu.memref_slice %arg7[%dma_start3A_655, %dma_start3A_656] : memref<1280x32xf32, #tpu.memory_space<vmem>> -> memref<128x32xf32, #tpu.memory_space<vmem>>
    %dma_start3A_658 = arith.constant 1024 : i32
    %dma_start3A_659 = tpu.memref_slice %arg5[%dma_start3A_658] : memref<1280xi32, #tpu.memory_space<vmem>> -> memref<128xi32, #tpu.memory_space<vmem>>
    %dma_start3A_660 = arith.constant 0 : i32
    %dma_start3A_661 = arith.constant 0 : i32
    %dma_start3A_662 = tpu.memref_slice %arg3[%dma_start3A_660, %dma_start3A_661] : memref<1000000x32xf32, #tpu.memory_space<hbm>> -> memref<1000000x32xf32, #tpu.memory_space<hbm>>
    tpu.enqueue_indirect_dma source(%dma_start3A_662 : memref<1000000x32xf32, #tpu.memory_space<hbm>>) target(%dma_start3A_657 : memref<128x32xf32, #tpu.memory_space<vmem>>) offsets(%dma_start3A_659 : memref<128xi32, #tpu.memory_space<vmem>>) semaphore(%arg10 : memref<!tpu.dma_semaphore, #tpu.memory_space<semaphore_mem>>)
    %dma_start3A_663 = arith.constant 1152 : i32
    %dma_start3A_664 = arith.constant 0 : i32
    %dma_start3A_665 = tpu.memref_slice %arg7[%dma_start3A_663, %dma_start3A_664] : memref<1280x32xf32, #tpu.memory_space<vmem>> -> memref<128x32xf32, #tpu.memory_space<vmem>>
    %dma_start3A_666 = arith.constant 1152 : i32
    %dma_start3A_667 = tpu.memref_slice %arg5[%dma_start3A_666] : memref<1280xi32, #tpu.memory_space<vmem>> -> memref<128xi32, #tpu.memory_space<vmem>>
    %dma_start3A_668 = arith.constant 0 : i32
    %dma_start3A_669 = arith.constant 0 : i32
    %dma_start3A_670 = tpu.memref_slice %arg3[%dma_start3A_668, %dma_start3A_669] : memref<1000000x32xf32, #tpu.memory_space<hbm>> -> memref<1000000x32xf32, #tpu.memory_space<hbm>>
    tpu.enqueue_indirect_dma source(%dma_start3A_670 : memref<1000000x32xf32, #tpu.memory_space<hbm>>) target(%dma_start3A_665 : memref<128x32xf32, #tpu.memory_space<vmem>>) offsets(%dma_start3A_667 : memref<128xi32, #tpu.memory_space<vmem>>) semaphore(%arg10 : memref<!tpu.dma_semaphore, #tpu.memory_space<semaphore_mem>>)
    %dma_wait3A_671 = arith.constant 0 : i32
    %dma_wait3A_672 = arith.constant 0 : i32
    %dma_wait3A_673 = tpu.memref_slice %arg8[%dma_wait3A_671, %dma_wait3A_672] : memref<1280x32xf32, #tpu.memory_space<vmem>> -> memref<128x32xf32, #tpu.memory_space<vmem>>
    %dma_wait3A_674 = arith.constant 0 : i32
    %dma_wait3A_675 = tpu.memref_slice %arg6[%dma_wait3A_674] : memref<1280xi32, #tpu.memory_space<vmem>> -> memref<128xi32, #tpu.memory_space<vmem>>
    %dma_wait3A_676 = arith.constant 0 : i32
    %dma_wait3A_677 = arith.constant 0 : i32
    %dma_wait3A_678 = tpu.memref_slice %arg3[%dma_wait3A_676, %dma_wait3A_677] : memref<1000000x32xf32, #tpu.memory_space<hbm>> -> memref<1000000x32xf32, #tpu.memory_space<hbm>>
    tpu.wait_indirect_dma semaphore(%arg11 : memref<!tpu.dma_semaphore, #tpu.memory_space<semaphore_mem>>) src(%dma_wait3A_678 : memref<1000000x32xf32, #tpu.memory_space<hbm>>) dst(%dma_wait3A_673 : memref<128x32xf32, #tpu.memory_space<vmem>>)
    %dma_wait3A_679 = arith.constant 128 : i32
    %dma_wait3A_680 = arith.constant 0 : i32
    %dma_wait3A_681 = tpu.memref_slice %arg8[%dma_wait3A_679, %dma_wait3A_680] : memref<1280x32xf32, #tpu.memory_space<vmem>> -> memref<128x32xf32, #tpu.memory_space<vmem>>
    %dma_wait3A_682 = arith.constant 128 : i32
    %dma_wait3A_683 = tpu.memref_slice %arg6[%dma_wait3A_682] : memref<1280xi32, #tpu.memory_space<vmem>> -> memref<128xi32, #tpu.memory_space<vmem>>
    %dma_wait3A_684 = arith.constant 0 : i32
    %dma_wait3A_685 = arith.constant 0 : i32
    %dma_wait3A_686 = tpu.memref_slice %arg3[%dma_wait3A_684, %dma_wait3A_685] : memref<1000000x32xf32, #tpu.memory_space<hbm>> -> memref<1000000x32xf32, #tpu.memory_space<hbm>>
    tpu.wait_indirect_dma semaphore(%arg11 : memref<!tpu.dma_semaphore, #tpu.memory_space<semaphore_mem>>) src(%dma_wait3A_686 : memref<1000000x32xf32, #tpu.memory_space<hbm>>) dst(%dma_wait3A_681 : memref<128x32xf32, #tpu.memory_space<vmem>>)
    %dma_wait3A_687 = arith.constant 256 : i32
    %dma_wait3A_688 = arith.constant 0 : i32
    %dma_wait3A_689 = tpu.memref_slice %arg8[%dma_wait3A_687, %dma_wait3A_688] : memref<1280x32xf32, #tpu.memory_space<vmem>> -> memref<128x32xf32, #tpu.memory_space<vmem>>
    %dma_wait3A_690 = arith.constant 256 : i32
    %dma_wait3A_691 = tpu.memref_slice %arg6[%dma_wait3A_690] : memref<1280xi32, #tpu.memory_space<vmem>> -> memref<128xi32, #tpu.memory_space<vmem>>
    %dma_wait3A_692 = arith.constant 0 : i32
    %dma_wait3A_693 = arith.constant 0 : i32
    %dma_wait3A_694 = tpu.memref_slice %arg3[%dma_wait3A_692, %dma_wait3A_693] : memref<1000000x32xf32, #tpu.memory_space<hbm>> -> memref<1000000x32xf32, #tpu.memory_space<hbm>>
    tpu.wait_indirect_dma semaphore(%arg11 : memref<!tpu.dma_semaphore, #tpu.memory_space<semaphore_mem>>) src(%dma_wait3A_694 : memref<1000000x32xf32, #tpu.memory_space<hbm>>) dst(%dma_wait3A_689 : memref<128x32xf32, #tpu.memory_space<vmem>>)
    %dma_wait3A_695 = arith.constant 384 : i32
    %dma_wait3A_696 = arith.constant 0 : i32
    %dma_wait3A_697 = tpu.memref_slice %arg8[%dma_wait3A_695, %dma_wait3A_696] : memref<1280x32xf32, #tpu.memory_space<vmem>> -> memref<128x32xf32, #tpu.memory_space<vmem>>
    %dma_wait3A_698 = arith.constant 384 : i32
    %dma_wait3A_699 = tpu.memref_slice %arg6[%dma_wait3A_698] : memref<1280xi32, #tpu.memory_space<vmem>> -> memref<128xi32, #tpu.memory_space<vmem>>
    %dma_wait3A_700 = arith.constant 0 : i32
    %dma_wait3A_701 = arith.constant 0 : i32
    %dma_wait3A_702 = tpu.memref_slice %arg3[%dma_wait3A_700, %dma_wait3A_701] : memref<1000000x32xf32, #tpu.memory_space<hbm>> -> memref<1000000x32xf32, #tpu.memory_space<hbm>>
    tpu.wait_indirect_dma semaphore(%arg11 : memref<!tpu.dma_semaphore, #tpu.memory_space<semaphore_mem>>) src(%dma_wait3A_702 : memref<1000000x32xf32, #tpu.memory_space<hbm>>) dst(%dma_wait3A_697 : memref<128x32xf32, #tpu.memory_space<vmem>>)
    %dma_wait3A_703 = arith.constant 512 : i32
    %dma_wait3A_704 = arith.constant 0 : i32
    %dma_wait3A_705 = tpu.memref_slice %arg8[%dma_wait3A_703, %dma_wait3A_704] : memref<1280x32xf32, #tpu.memory_space<vmem>> -> memref<128x32xf32, #tpu.memory_space<vmem>>
    %dma_wait3A_706 = arith.constant 512 : i32
    %dma_wait3A_707 = tpu.memref_slice %arg6[%dma_wait3A_706] : memref<1280xi32, #tpu.memory_space<vmem>> -> memref<128xi32, #tpu.memory_space<vmem>>
    %dma_wait3A_708 = arith.constant 0 : i32
    %dma_wait3A_709 = arith.constant 0 : i32
    %dma_wait3A_710 = tpu.memref_slice %arg3[%dma_wait3A_708, %dma_wait3A_709] : memref<1000000x32xf32, #tpu.memory_space<hbm>> -> memref<1000000x32xf32, #tpu.memory_space<hbm>>
    tpu.wait_indirect_dma semaphore(%arg11 : memref<!tpu.dma_semaphore, #tpu.memory_space<semaphore_mem>>) src(%dma_wait3A_710 : memref<1000000x32xf32, #tpu.memory_space<hbm>>) dst(%dma_wait3A_705 : memref<128x32xf32, #tpu.memory_space<vmem>>)
    %dma_wait3A_711 = arith.constant 640 : i32
    %dma_wait3A_712 = arith.constant 0 : i32
    %dma_wait3A_713 = tpu.memref_slice %arg8[%dma_wait3A_711, %dma_wait3A_712] : memref<1280x32xf32, #tpu.memory_space<vmem>> -> memref<128x32xf32, #tpu.memory_space<vmem>>
    %dma_wait3A_714 = arith.constant 640 : i32
    %dma_wait3A_715 = tpu.memref_slice %arg6[%dma_wait3A_714] : memref<1280xi32, #tpu.memory_space<vmem>> -> memref<128xi32, #tpu.memory_space<vmem>>
    %dma_wait3A_716 = arith.constant 0 : i32
    %dma_wait3A_717 = arith.constant 0 : i32
    %dma_wait3A_718 = tpu.memref_slice %arg3[%dma_wait3A_716, %dma_wait3A_717] : memref<1000000x32xf32, #tpu.memory_space<hbm>> -> memref<1000000x32xf32, #tpu.memory_space<hbm>>
    tpu.wait_indirect_dma semaphore(%arg11 : memref<!tpu.dma_semaphore, #tpu.memory_space<semaphore_mem>>) src(%dma_wait3A_718 : memref<1000000x32xf32, #tpu.memory_space<hbm>>) dst(%dma_wait3A_713 : memref<128x32xf32, #tpu.memory_space<vmem>>)
    %dma_wait3A_719 = arith.constant 768 : i32
    %dma_wait3A_720 = arith.constant 0 : i32
    %dma_wait3A_721 = tpu.memref_slice %arg8[%dma_wait3A_719, %dma_wait3A_720] : memref<1280x32xf32, #tpu.memory_space<vmem>> -> memref<128x32xf32, #tpu.memory_space<vmem>>
    %dma_wait3A_722 = arith.constant 768 : i32
    %dma_wait3A_723 = tpu.memref_slice %arg6[%dma_wait3A_722] : memref<1280xi32, #tpu.memory_space<vmem>> -> memref<128xi32, #tpu.memory_space<vmem>>
    %dma_wait3A_724 = arith.constant 0 : i32
    %dma_wait3A_725 = arith.constant 0 : i32
    %dma_wait3A_726 = tpu.memref_slice %arg3[%dma_wait3A_724, %dma_wait3A_725] : memref<1000000x32xf32, #tpu.memory_space<hbm>> -> memref<1000000x32xf32, #tpu.memory_space<hbm>>
    tpu.wait_indirect_dma semaphore(%arg11 : memref<!tpu.dma_semaphore, #tpu.memory_space<semaphore_mem>>) src(%dma_wait3A_726 : memref<1000000x32xf32, #tpu.memory_space<hbm>>) dst(%dma_wait3A_721 : memref<128x32xf32, #tpu.memory_space<vmem>>)
    %dma_wait3A_727 = arith.constant 896 : i32
    %dma_wait3A_728 = arith.constant 0 : i32
    %dma_wait3A_729 = tpu.memref_slice %arg8[%dma_wait3A_727, %dma_wait3A_728] : memref<1280x32xf32, #tpu.memory_space<vmem>> -> memref<128x32xf32, #tpu.memory_space<vmem>>
    %dma_wait3A_730 = arith.constant 896 : i32
    %dma_wait3A_731 = tpu.memref_slice %arg6[%dma_wait3A_730] : memref<1280xi32, #tpu.memory_space<vmem>> -> memref<128xi32, #tpu.memory_space<vmem>>
    %dma_wait3A_732 = arith.constant 0 : i32
    %dma_wait3A_733 = arith.constant 0 : i32
    %dma_wait3A_734 = tpu.memref_slice %arg3[%dma_wait3A_732, %dma_wait3A_733] : memref<1000000x32xf32, #tpu.memory_space<hbm>> -> memref<1000000x32xf32, #tpu.memory_space<hbm>>
    tpu.wait_indirect_dma semaphore(%arg11 : memref<!tpu.dma_semaphore, #tpu.memory_space<semaphore_mem>>) src(%dma_wait3A_734 : memref<1000000x32xf32, #tpu.memory_space<hbm>>) dst(%dma_wait3A_729 : memref<128x32xf32, #tpu.memory_space<vmem>>)
    %dma_wait3A_735 = arith.constant 1024 : i32
    %dma_wait3A_736 = arith.constant 0 : i32
    %dma_wait3A_737 = tpu.memref_slice %arg8[%dma_wait3A_735, %dma_wait3A_736] : memref<1280x32xf32, #tpu.memory_space<vmem>> -> memref<128x32xf32, #tpu.memory_space<vmem>>
    %dma_wait3A_738 = arith.constant 1024 : i32
    %dma_wait3A_739 = tpu.memref_slice %arg6[%dma_wait3A_738] : memref<1280xi32, #tpu.memory_space<vmem>> -> memref<128xi32, #tpu.memory_space<vmem>>
    %dma_wait3A_740 = arith.constant 0 : i32
    %dma_wait3A_741 = arith.constant 0 : i32
    %dma_wait3A_742 = tpu.memref_slice %arg3[%dma_wait3A_740, %dma_wait3A_741] : memref<1000000x32xf32, #tpu.memory_space<hbm>> -> memref<1000000x32xf32, #tpu.memory_space<hbm>>
    tpu.wait_indirect_dma semaphore(%arg11 : memref<!tpu.dma_semaphore, #tpu.memory_space<semaphore_mem>>) src(%dma_wait3A_742 : memref<1000000x32xf32, #tpu.memory_space<hbm>>) dst(%dma_wait3A_737 : memref<128x32xf32, #tpu.memory_space<vmem>>)
    %dma_wait3A_743 = arith.constant 1152 : i32
    %dma_wait3A_744 = arith.constant 0 : i32
    %dma_wait3A_745 = tpu.memref_slice %arg8[%dma_wait3A_743, %dma_wait3A_744] : memref<1280x32xf32, #tpu.memory_space<vmem>> -> memref<128x32xf32, #tpu.memory_space<vmem>>
    %dma_wait3A_746 = arith.constant 1152 : i32
    %dma_wait3A_747 = tpu.memref_slice %arg6[%dma_wait3A_746] : memref<1280xi32, #tpu.memory_space<vmem>> -> memref<128xi32, #tpu.memory_space<vmem>>
    %dma_wait3A_748 = arith.constant 0 : i32
    %dma_wait3A_749 = arith.constant 0 : i32
    %dma_wait3A_750 = tpu.memref_slice %arg3[%dma_wait3A_748, %dma_wait3A_749] : memref<1000000x32xf32, #tpu.memory_space<hbm>> -> memref<1000000x32xf32, #tpu.memory_space<hbm>>
    tpu.wait_indirect_dma semaphore(%arg11 : memref<!tpu.dma_semaphore, #tpu.memory_space<semaphore_mem>>) src(%dma_wait3A_750 : memref<1000000x32xf32, #tpu.memory_space<hbm>>) dst(%dma_wait3A_745 : memref<128x32xf32, #tpu.memory_space<vmem>>)
    %scan3A_751 = arith.constant 0 : i32
    %scan3A_752 = arith.constant 0 : i32
    %scan3A_753 = arith.constant 64 : i32
    %scan3A_754 = arith.addi %scan3A_752, %scan3A_753 : i32
    %scan3A_755 = arith.constant 1 : i32
    %scan3A_756 = scf.for %scan3A_1354 = %scan3A_752 to %scan3A_754 step %scan3A_755 iter_args(%scan3A_1355 = %scan3A_751) -> (i32)  : i32 {
      %mul3A_1356 = arith.constant 20 : i32
      %mul3A_1357 = arith.muli %scan3A_1354, %mul3A_1356 : i32
      %get3A = arith.index_cast %mul3A_1357 : i32 to index
      %get3A_1358 = arith.constant 0 : index
      %get3A_1359 = tpu.vector_load %arg8[%get3A, %get3A_1358] {strides = array<i32>} : memref<1280x32xf32, #tpu.memory_space<vmem>>, vector<1x16xf32>,
      %get3A_1360 = vector.shape_cast %get3A_1359 : vector<1x16xf32> to vector<16xf32>
      %get3A_1361 = arith.index_cast %mul3A_1357 : i32 to index
      %get3A_1362 = arith.constant 16 : index
      %get3A_1363 = tpu.vector_load %arg8[%get3A_1361, %get3A_1362] {strides = array<i32>} : memref<1280x32xf32, #tpu.memory_space<vmem>>, vector<1x16xf32>,
      %get3A_1364 = vector.shape_cast %get3A_1363 : vector<1x16xf32> to vector<16xf32>
      %add3A_1365 = arith.constant 1 : i32
      %add3A_1366 = arith.addi %mul3A_1357, %add3A_1365 : i32
      %get3A_1367 = arith.index_cast %add3A_1366 : i32 to index
      %get3A_1368 = arith.constant 0 : index
      %get3A_1369 = tpu.vector_load %arg8[%get3A_1367, %get3A_1368] {strides = array<i32>} : memref<1280x32xf32, #tpu.memory_space<vmem>>, vector<1x16xf32>,
      %get3A_1370 = vector.shape_cast %get3A_1369 : vector<1x16xf32> to vector<16xf32>
      %add3A_1371 = arith.constant 1 : i32
      %add3A_1372 = arith.addi %mul3A_1357, %add3A_1371 : i32
      %get3A_1373 = arith.index_cast %add3A_1372 : i32 to index
      %get3A_1374 = arith.constant 16 : index
      %get3A_1375 = tpu.vector_load %arg8[%get3A_1373, %get3A_1374] {strides = array<i32>} : memref<1280x32xf32, #tpu.memory_space<vmem>>, vector<1x16xf32>,
      %get3A_1376 = vector.shape_cast %get3A_1375 : vector<1x16xf32> to vector<16xf32>
      %add3A_1377 = arith.constant 2 : i32
      %add3A_1378 = arith.addi %mul3A_1357, %add3A_1377 : i32
      %get3A_1379 = arith.index_cast %add3A_1378 : i32 to index
      %get3A_1380 = arith.constant 0 : index
      %get3A_1381 = tpu.vector_load %arg8[%get3A_1379, %get3A_1380] {strides = array<i32>} : memref<1280x32xf32, #tpu.memory_space<vmem>>, vector<1x16xf32>,
      %get3A_1382 = vector.shape_cast %get3A_1381 : vector<1x16xf32> to vector<16xf32>
      %add3A_1383 = arith.addf %get3A_1360, %get3A_1382 : vector<16xf32>
      %add3A_1384 = arith.constant 2 : i32
      %add3A_1385 = arith.addi %mul3A_1357, %add3A_1384 : i32
      %get3A_1386 = arith.index_cast %add3A_1385 : i32 to index
      %get3A_1387 = arith.constant 16 : index
      %get3A_1388 = tpu.vector_load %arg8[%get3A_1386, %get3A_1387] {strides = array<i32>} : memref<1280x32xf32, #tpu.memory_space<vmem>>, vector<1x16xf32>,
      %get3A_1389 = vector.shape_cast %get3A_1388 : vector<1x16xf32> to vector<16xf32>
      %add3A_1390 = arith.addf %get3A_1364, %get3A_1389 : vector<16xf32>
      %add3A_1391 = arith.constant 2 : i32
      %add3A_1392 = arith.addi %mul3A_1357, %add3A_1391 : i32
      %add3A_1393 = arith.constant 1 : i32
      %add3A_1394 = arith.addi %add3A_1392, %add3A_1393 : i32
      %get3A_1395 = arith.index_cast %add3A_1394 : i32 to index
      %get3A_1396 = arith.constant 0 : index
      %get3A_1397 = tpu.vector_load %arg8[%get3A_1395, %get3A_1396] {strides = array<i32>} : memref<1280x32xf32, #tpu.memory_space<vmem>>, vector<1x16xf32>,
      %get3A_1398 = vector.shape_cast %get3A_1397 : vector<1x16xf32> to vector<16xf32>
      %add3A_1399 = arith.addf %get3A_1370, %get3A_1398 : vector<16xf32>
      %add3A_1400 = arith.constant 2 : i32
      %add3A_1401 = arith.addi %mul3A_1357, %add3A_1400 : i32
      %add3A_1402 = arith.constant 1 : i32
      %add3A_1403 = arith.addi %add3A_1401, %add3A_1402 : i32
      %get3A_1404 = arith.index_cast %add3A_1403 : i32 to index
      %get3A_1405 = arith.constant 16 : index
      %get3A_1406 = tpu.vector_load %arg8[%get3A_1404, %get3A_1405] {strides = array<i32>} : memref<1280x32xf32, #tpu.memory_space<vmem>>, vector<1x16xf32>,
      %get3A_1407 = vector.shape_cast %get3A_1406 : vector<1x16xf32> to vector<16xf32>
      %add3A_1408 = arith.addf %get3A_1376, %get3A_1407 : vector<16xf32>
      %add3A_1409 = arith.constant 4 : i32
      %add3A_1410 = arith.addi %mul3A_1357, %add3A_1409 : i32
      %get3A_1411 = arith.index_cast %add3A_1410 : i32 to index
      %get3A_1412 = arith.constant 0 : index
      %get3A_1413 = tpu.vector_load %arg8[%get3A_1411, %get3A_1412] {strides = array<i32>} : memref<1280x32xf32, #tpu.memory_space<vmem>>, vector<1x16xf32>,
      %get3A_1414 = vector.shape_cast %get3A_1413 : vector<1x16xf32> to vector<16xf32>
      %add3A_1415 = arith.addf %add3A_1383, %get3A_1414 : vector<16xf32>
      %add3A_1416 = arith.constant 4 : i32
      %add3A_1417 = arith.addi %mul3A_1357, %add3A_1416 : i32
      %get3A_1418 = arith.index_cast %add3A_1417 : i32 to index
      %get3A_1419 = arith.constant 16 : index
      %get3A_1420 = tpu.vector_load %arg8[%get3A_1418, %get3A_1419] {strides = array<i32>} : memref<1280x32xf32, #tpu.memory_space<vmem>>, vector<1x16xf32>,
      %get3A_1421 = vector.shape_cast %get3A_1420 : vector<1x16xf32> to vector<16xf32>
      %add3A_1422 = arith.addf %add3A_1390, %get3A_1421 : vector<16xf32>
      %add3A_1423 = arith.constant 4 : i32
      %add3A_1424 = arith.addi %mul3A_1357, %add3A_1423 : i32
      %add3A_1425 = arith.constant 1 : i32
      %add3A_1426 = arith.addi %add3A_1424, %add3A_1425 : i32
      %get3A_1427 = arith.index_cast %add3A_1426 : i32 to index
      %get3A_1428 = arith.constant 0 : index
      %get3A_1429 = tpu.vector_load %arg8[%get3A_1427, %get3A_1428] {strides = array<i32>} : memref<1280x32xf32, #tpu.memory_space<vmem>>, vector<1x16xf32>,
      %get3A_1430 = vector.shape_cast %get3A_1429 : vector<1x16xf32> to vector<16xf32>
      %add3A_1431 = arith.addf %add3A_1399, %get3A_1430 : vector<16xf32>
      %add3A_1432 = arith.constant 4 : i32
      %add3A_1433 = arith.addi %mul3A_1357, %add3A_1432 : i32
      %add3A_1434 = arith.constant 1 : i32
      %add3A_1435 = arith.addi %add3A_1433, %add3A_1434 : i32
      %get3A_1436 = arith.index_cast %add3A_1435 : i32 to index
      %get3A_1437 = arith.constant 16 : index
      %get3A_1438 = tpu.vector_load %arg8[%get3A_1436, %get3A_1437] {strides = array<i32>} : memref<1280x32xf32, #tpu.memory_space<vmem>>, vector<1x16xf32>,
      %get3A_1439 = vector.shape_cast %get3A_1438 : vector<1x16xf32> to vector<16xf32>
      %add3A_1440 = arith.addf %add3A_1408, %get3A_1439 : vector<16xf32>
      %add3A_1441 = arith.constant 6 : i32
      %add3A_1442 = arith.addi %mul3A_1357, %add3A_1441 : i32
      %get3A_1443 = arith.index_cast %add3A_1442 : i32 to index
      %get3A_1444 = arith.constant 0 : index
      %get3A_1445 = tpu.vector_load %arg8[%get3A_1443, %get3A_1444] {strides = array<i32>} : memref<1280x32xf32, #tpu.memory_space<vmem>>, vector<1x16xf32>,
      %get3A_1446 = vector.shape_cast %get3A_1445 : vector<1x16xf32> to vector<16xf32>
      %add3A_1447 = arith.addf %add3A_1415, %get3A_1446 : vector<16xf32>
      %add3A_1448 = arith.constant 6 : i32
      %add3A_1449 = arith.addi %mul3A_1357, %add3A_1448 : i32
      %get3A_1450 = arith.index_cast %add3A_1449 : i32 to index
      %get3A_1451 = arith.constant 16 : index
      %get3A_1452 = tpu.vector_load %arg8[%get3A_1450, %get3A_1451] {strides = array<i32>} : memref<1280x32xf32, #tpu.memory_space<vmem>>, vector<1x16xf32>,
      %get3A_1453 = vector.shape_cast %get3A_1452 : vector<1x16xf32> to vector<16xf32>
      %add3A_1454 = arith.addf %add3A_1422, %get3A_1453 : vector<16xf32>
      %add3A_1455 = arith.constant 6 : i32
      %add3A_1456 = arith.addi %mul3A_1357, %add3A_1455 : i32
      %add3A_1457 = arith.constant 1 : i32
      %add3A_1458 = arith.addi %add3A_1456, %add3A_1457 : i32
      %get3A_1459 = arith.index_cast %add3A_1458 : i32 to index
      %get3A_1460 = arith.constant 0 : index
      %get3A_1461 = tpu.vector_load %arg8[%get3A_1459, %get3A_1460] {strides = array<i32>} : memref<1280x32xf32, #tpu.memory_space<vmem>>, vector<1x16xf32>,
      %get3A_1462 = vector.shape_cast %get3A_1461 : vector<1x16xf32> to vector<16xf32>
      %add3A_1463 = arith.addf %add3A_1431, %get3A_1462 : vector<16xf32>
      %add3A_1464 = arith.constant 6 : i32
      %add3A_1465 = arith.addi %mul3A_1357, %add3A_1464 : i32
      %add3A_1466 = arith.constant 1 : i32
      %add3A_1467 = arith.addi %add3A_1465, %add3A_1466 : i32
      %get3A_1468 = arith.index_cast %add3A_1467 : i32 to index
      %get3A_1469 = arith.constant 16 : index
      %get3A_1470 = tpu.vector_load %arg8[%get3A_1468, %get3A_1469] {strides = array<i32>} : memref<1280x32xf32, #tpu.memory_space<vmem>>, vector<1x16xf32>,
      %get3A_1471 = vector.shape_cast %get3A_1470 : vector<1x16xf32> to vector<16xf32>
      %add3A_1472 = arith.addf %add3A_1440, %get3A_1471 : vector<16xf32>
      %add3A_1473 = arith.constant 8 : i32
      %add3A_1474 = arith.addi %mul3A_1357, %add3A_1473 : i32
      %get3A_1475 = arith.index_cast %add3A_1474 : i32 to index
      %get3A_1476 = arith.constant 0 : index
      %get3A_1477 = tpu.vector_load %arg8[%get3A_1475, %get3A_1476] {strides = array<i32>} : memref<1280x32xf32, #tpu.memory_space<vmem>>, vector<1x16xf32>,
      %get3A_1478 = vector.shape_cast %get3A_1477 : vector<1x16xf32> to vector<16xf32>
      %add3A_1479 = arith.addf %add3A_1447, %get3A_1478 : vector<16xf32>
      %add3A_1480 = arith.constant 8 : i32
      %add3A_1481 = arith.addi %mul3A_1357, %add3A_1480 : i32
      %get3A_1482 = arith.index_cast %add3A_1481 : i32 to index
      %get3A_1483 = arith.constant 16 : index
      %get3A_1484 = tpu.vector_load %arg8[%get3A_1482, %get3A_1483] {strides = array<i32>} : memref<1280x32xf32, #tpu.memory_space<vmem>>, vector<1x16xf32>,
      %get3A_1485 = vector.shape_cast %get3A_1484 : vector<1x16xf32> to vector<16xf32>
      %add3A_1486 = arith.addf %add3A_1454, %get3A_1485 : vector<16xf32>
      %add3A_1487 = arith.constant 8 : i32
      %add3A_1488 = arith.addi %mul3A_1357, %add3A_1487 : i32
      %add3A_1489 = arith.constant 1 : i32
      %add3A_1490 = arith.addi %add3A_1488, %add3A_1489 : i32
      %get3A_1491 = arith.index_cast %add3A_1490 : i32 to index
      %get3A_1492 = arith.constant 0 : index
      %get3A_1493 = tpu.vector_load %arg8[%get3A_1491, %get3A_1492] {strides = array<i32>} : memref<1280x32xf32, #tpu.memory_space<vmem>>, vector<1x16xf32>,
      %get3A_1494 = vector.shape_cast %get3A_1493 : vector<1x16xf32> to vector<16xf32>
      %add3A_1495 = arith.addf %add3A_1463, %get3A_1494 : vector<16xf32>
      %add3A_1496 = arith.constant 8 : i32
      %add3A_1497 = arith.addi %mul3A_1357, %add3A_1496 : i32
      %add3A_1498 = arith.constant 1 : i32
      %add3A_1499 = arith.addi %add3A_1497, %add3A_1498 : i32
      %get3A_1500 = arith.index_cast %add3A_1499 : i32 to index
      %get3A_1501 = arith.constant 16 : index
      %get3A_1502 = tpu.vector_load %arg8[%get3A_1500, %get3A_1501] {strides = array<i32>} : memref<1280x32xf32, #tpu.memory_space<vmem>>, vector<1x16xf32>,
      %get3A_1503 = vector.shape_cast %get3A_1502 : vector<1x16xf32> to vector<16xf32>
      %add3A_1504 = arith.addf %add3A_1472, %get3A_1503 : vector<16xf32>
      %add3A_1505 = arith.constant 10 : i32
      %add3A_1506 = arith.addi %mul3A_1357, %add3A_1505 : i32
      %get3A_1507 = arith.index_cast %add3A_1506 : i32 to index
      %get3A_1508 = arith.constant 0 : index
      %get3A_1509 = tpu.vector_load %arg8[%get3A_1507, %get3A_1508] {strides = array<i32>} : memref<1280x32xf32, #tpu.memory_space<vmem>>, vector<1x16xf32>,
      %get3A_1510 = vector.shape_cast %get3A_1509 : vector<1x16xf32> to vector<16xf32>
      %add3A_1511 = arith.addf %add3A_1479, %get3A_1510 : vector<16xf32>
      %add3A_1512 = arith.constant 10 : i32
      %add3A_1513 = arith.addi %mul3A_1357, %add3A_1512 : i32
      %get3A_1514 = arith.index_cast %add3A_1513 : i32 to index
      %get3A_1515 = arith.constant 16 : index
      %get3A_1516 = tpu.vector_load %arg8[%get3A_1514, %get3A_1515] {strides = array<i32>} : memref<1280x32xf32, #tpu.memory_space<vmem>>, vector<1x16xf32>,
      %get3A_1517 = vector.shape_cast %get3A_1516 : vector<1x16xf32> to vector<16xf32>
      %add3A_1518 = arith.addf %add3A_1486, %get3A_1517 : vector<16xf32>
      %add3A_1519 = arith.constant 10 : i32
      %add3A_1520 = arith.addi %mul3A_1357, %add3A_1519 : i32
      %add3A_1521 = arith.constant 1 : i32
      %add3A_1522 = arith.addi %add3A_1520, %add3A_1521 : i32
      %get3A_1523 = arith.index_cast %add3A_1522 : i32 to index
      %get3A_1524 = arith.constant 0 : index
      %get3A_1525 = tpu.vector_load %arg8[%get3A_1523, %get3A_1524] {strides = array<i32>} : memref<1280x32xf32, #tpu.memory_space<vmem>>, vector<1x16xf32>,
      %get3A_1526 = vector.shape_cast %get3A_1525 : vector<1x16xf32> to vector<16xf32>
      %add3A_1527 = arith.addf %add3A_1495, %get3A_1526 : vector<16xf32>
      %add3A_1528 = arith.constant 10 : i32
      %add3A_1529 = arith.addi %mul3A_1357, %add3A_1528 : i32
      %add3A_1530 = arith.constant 1 : i32
      %add3A_1531 = arith.addi %add3A_1529, %add3A_1530 : i32
      %get3A_1532 = arith.index_cast %add3A_1531 : i32 to index
      %get3A_1533 = arith.constant 16 : index
      %get3A_1534 = tpu.vector_load %arg8[%get3A_1532, %get3A_1533] {strides = array<i32>} : memref<1280x32xf32, #tpu.memory_space<vmem>>, vector<1x16xf32>,
      %get3A_1535 = vector.shape_cast %get3A_1534 : vector<1x16xf32> to vector<16xf32>
      %add3A_1536 = arith.addf %add3A_1504, %get3A_1535 : vector<16xf32>
      %add3A_1537 = arith.constant 12 : i32
      %add3A_1538 = arith.addi %mul3A_1357, %add3A_1537 : i32
      %get3A_1539 = arith.index_cast %add3A_1538 : i32 to index
      %get3A_1540 = arith.constant 0 : index
      %get3A_1541 = tpu.vector_load %arg8[%get3A_1539, %get3A_1540] {strides = array<i32>} : memref<1280x32xf32, #tpu.memory_space<vmem>>, vector<1x16xf32>,
      %get3A_1542 = vector.shape_cast %get3A_1541 : vector<1x16xf32> to vector<16xf32>
      %add3A_1543 = arith.addf %add3A_1511, %get3A_1542 : vector<16xf32>
      %add3A_1544 = arith.constant 12 : i32
      %add3A_1545 = arith.addi %mul3A_1357, %add3A_1544 : i32
      %get3A_1546 = arith.index_cast %add3A_1545 : i32 to index
      %get3A_1547 = arith.constant 16 : index
      %get3A_1548 = tpu.vector_load %arg8[%get3A_1546, %get3A_1547] {strides = array<i32>} : memref<1280x32xf32, #tpu.memory_space<vmem>>, vector<1x16xf32>,
      %get3A_1549 = vector.shape_cast %get3A_1548 : vector<1x16xf32> to vector<16xf32>
      %add3A_1550 = arith.addf %add3A_1518, %get3A_1549 : vector<16xf32>
      %add3A_1551 = arith.constant 12 : i32
      %add3A_1552 = arith.addi %mul3A_1357, %add3A_1551 : i32
      %add3A_1553 = arith.constant 1 : i32
      %add3A_1554 = arith.addi %add3A_1552, %add3A_1553 : i32
      %get3A_1555 = arith.index_cast %add3A_1554 : i32 to index
      %get3A_1556 = arith.constant 0 : index
      %get3A_1557 = tpu.vector_load %arg8[%get3A_1555, %get3A_1556] {strides = array<i32>} : memref<1280x32xf32, #tpu.memory_space<vmem>>, vector<1x16xf32>,
      %get3A_1558 = vector.shape_cast %get3A_1557 : vector<1x16xf32> to vector<16xf32>
      %add3A_1559 = arith.addf %add3A_1527, %get3A_1558 : vector<16xf32>
      %add3A_1560 = arith.constant 12 : i32
      %add3A_1561 = arith.addi %mul3A_1357, %add3A_1560 : i32
      %add3A_1562 = arith.constant 1 : i32
      %add3A_1563 = arith.addi %add3A_1561, %add3A_1562 : i32
      %get3A_1564 = arith.index_cast %add3A_1563 : i32 to index
      %get3A_1565 = arith.constant 16 : index
      %get3A_1566 = tpu.vector_load %arg8[%get3A_1564, %get3A_1565] {strides = array<i32>} : memref<1280x32xf32, #tpu.memory_space<vmem>>, vector<1x16xf32>,
      %get3A_1567 = vector.shape_cast %get3A_1566 : vector<1x16xf32> to vector<16xf32>
      %add3A_1568 = arith.addf %add3A_1536, %get3A_1567 : vector<16xf32>
      %add3A_1569 = arith.constant 14 : i32
      %add3A_1570 = arith.addi %mul3A_1357, %add3A_1569 : i32
      %get3A_1571 = arith.index_cast %add3A_1570 : i32 to index
      %get3A_1572 = arith.constant 0 : index
      %get3A_1573 = tpu.vector_load %arg8[%get3A_1571, %get3A_1572] {strides = array<i32>} : memref<1280x32xf32, #tpu.memory_space<vmem>>, vector<1x16xf32>,
      %get3A_1574 = vector.shape_cast %get3A_1573 : vector<1x16xf32> to vector<16xf32>
      %add3A_1575 = arith.addf %add3A_1543, %get3A_1574 : vector<16xf32>
      %add3A_1576 = arith.constant 14 : i32
      %add3A_1577 = arith.addi %mul3A_1357, %add3A_1576 : i32
      %get3A_1578 = arith.index_cast %add3A_1577 : i32 to index
      %get3A_1579 = arith.constant 16 : index
      %get3A_1580 = tpu.vector_load %arg8[%get3A_1578, %get3A_1579] {strides = array<i32>} : memref<1280x32xf32, #tpu.memory_space<vmem>>, vector<1x16xf32>,
      %get3A_1581 = vector.shape_cast %get3A_1580 : vector<1x16xf32> to vector<16xf32>
      %add3A_1582 = arith.addf %add3A_1550, %get3A_1581 : vector<16xf32>
      %add3A_1583 = arith.constant 14 : i32
      %add3A_1584 = arith.addi %mul3A_1357, %add3A_1583 : i32
      %add3A_1585 = arith.constant 1 : i32
      %add3A_1586 = arith.addi %add3A_1584, %add3A_1585 : i32
      %get3A_1587 = arith.index_cast %add3A_1586 : i32 to index
      %get3A_1588 = arith.constant 0 : index
      %get3A_1589 = tpu.vector_load %arg8[%get3A_1587, %get3A_1588] {strides = array<i32>} : memref<1280x32xf32, #tpu.memory_space<vmem>>, vector<1x16xf32>,
      %get3A_1590 = vector.shape_cast %get3A_1589 : vector<1x16xf32> to vector<16xf32>
      %add3A_1591 = arith.addf %add3A_1559, %get3A_1590 : vector<16xf32>
      %add3A_1592 = arith.constant 14 : i32
      %add3A_1593 = arith.addi %mul3A_1357, %add3A_1592 : i32
      %add3A_1594 = arith.constant 1 : i32
      %add3A_1595 = arith.addi %add3A_1593, %add3A_1594 : i32
      %get3A_1596 = arith.index_cast %add3A_1595 : i32 to index
      %get3A_1597 = arith.constant 16 : index
      %get3A_1598 = tpu.vector_load %arg8[%get3A_1596, %get3A_1597] {strides = array<i32>} : memref<1280x32xf32, #tpu.memory_space<vmem>>, vector<1x16xf32>,
      %get3A_1599 = vector.shape_cast %get3A_1598 : vector<1x16xf32> to vector<16xf32>
      %add3A_1600 = arith.addf %add3A_1568, %get3A_1599 : vector<16xf32>
      %add3A_1601 = arith.constant 16 : i32
      %add3A_1602 = arith.addi %mul3A_1357, %add3A_1601 : i32
      %get3A_1603 = arith.index_cast %add3A_1602 : i32 to index
      %get3A_1604 = arith.constant 0 : index
      %get3A_1605 = tpu.vector_load %arg8[%get3A_1603, %get3A_1604] {strides = array<i32>} : memref<1280x32xf32, #tpu.memory_space<vmem>>, vector<1x16xf32>,
      %get3A_1606 = vector.shape_cast %get3A_1605 : vector<1x16xf32> to vector<16xf32>
      %add3A_1607 = arith.addf %add3A_1575, %get3A_1606 : vector<16xf32>
      %add3A_1608 = arith.constant 16 : i32
      %add3A_1609 = arith.addi %mul3A_1357, %add3A_1608 : i32
      %get3A_1610 = arith.index_cast %add3A_1609 : i32 to index
      %get3A_1611 = arith.constant 16 : index
      %get3A_1612 = tpu.vector_load %arg8[%get3A_1610, %get3A_1611] {strides = array<i32>} : memref<1280x32xf32, #tpu.memory_space<vmem>>, vector<1x16xf32>,
      %get3A_1613 = vector.shape_cast %get3A_1612 : vector<1x16xf32> to vector<16xf32>
      %add3A_1614 = arith.addf %add3A_1582, %get3A_1613 : vector<16xf32>
      %add3A_1615 = arith.constant 16 : i32
      %add3A_1616 = arith.addi %mul3A_1357, %add3A_1615 : i32
      %add3A_1617 = arith.constant 1 : i32
      %add3A_1618 = arith.addi %add3A_1616, %add3A_1617 : i32
      %get3A_1619 = arith.index_cast %add3A_1618 : i32 to index
      %get3A_1620 = arith.constant 0 : index
      %get3A_1621 = tpu.vector_load %arg8[%get3A_1619, %get3A_1620] {strides = array<i32>} : memref<1280x32xf32, #tpu.memory_space<vmem>>, vector<1x16xf32>,
      %get3A_1622 = vector.shape_cast %get3A_1621 : vector<1x16xf32> to vector<16xf32>
      %add3A_1623 = arith.addf %add3A_1591, %get3A_1622 : vector<16xf32>
      %add3A_1624 = arith.constant 16 : i32
      %add3A_1625 = arith.addi %mul3A_1357, %add3A_1624 : i32
      %add3A_1626 = arith.constant 1 : i32
      %add3A_1627 = arith.addi %add3A_1625, %add3A_1626 : i32
      %get3A_1628 = arith.index_cast %add3A_1627 : i32 to index
      %get3A_1629 = arith.constant 16 : index
      %get3A_1630 = tpu.vector_load %arg8[%get3A_1628, %get3A_1629] {strides = array<i32>} : memref<1280x32xf32, #tpu.memory_space<vmem>>, vector<1x16xf32>,
      %get3A_1631 = vector.shape_cast %get3A_1630 : vector<1x16xf32> to vector<16xf32>
      %add3A_1632 = arith.addf %add3A_1600, %get3A_1631 : vector<16xf32>
      %add3A_1633 = arith.constant 18 : i32
      %add3A_1634 = arith.addi %mul3A_1357, %add3A_1633 : i32
      %get3A_1635 = arith.index_cast %add3A_1634 : i32 to index
      %get3A_1636 = arith.constant 0 : index
      %get3A_1637 = tpu.vector_load %arg8[%get3A_1635, %get3A_1636] {strides = array<i32>} : memref<1280x32xf32, #tpu.memory_space<vmem>>, vector<1x16xf32>,
      %get3A_1638 = vector.shape_cast %get3A_1637 : vector<1x16xf32> to vector<16xf32>
      %add3A_1639 = arith.addf %add3A_1607, %get3A_1638 : vector<16xf32>
      %add3A_1640 = arith.constant 18 : i32
      %add3A_1641 = arith.addi %mul3A_1357, %add3A_1640 : i32
      %get3A_1642 = arith.index_cast %add3A_1641 : i32 to index
      %get3A_1643 = arith.constant 16 : index
      %get3A_1644 = tpu.vector_load %arg8[%get3A_1642, %get3A_1643] {strides = array<i32>} : memref<1280x32xf32, #tpu.memory_space<vmem>>, vector<1x16xf32>,
      %get3A_1645 = vector.shape_cast %get3A_1644 : vector<1x16xf32> to vector<16xf32>
      %add3A_1646 = arith.addf %add3A_1614, %get3A_1645 : vector<16xf32>
      %add3A_1647 = arith.constant 18 : i32
      %add3A_1648 = arith.addi %mul3A_1357, %add3A_1647 : i32
      %add3A_1649 = arith.constant 1 : i32
      %add3A_1650 = arith.addi %add3A_1648, %add3A_1649 : i32
      %get3A_1651 = arith.index_cast %add3A_1650 : i32 to index
      %get3A_1652 = arith.constant 0 : index
      %get3A_1653 = tpu.vector_load %arg8[%get3A_1651, %get3A_1652] {strides = array<i32>} : memref<1280x32xf32, #tpu.memory_space<vmem>>, vector<1x16xf32>,
      %get3A_1654 = vector.shape_cast %get3A_1653 : vector<1x16xf32> to vector<16xf32>
      %add3A_1655 = arith.addf %add3A_1623, %get3A_1654 : vector<16xf32>
      %add3A_1656 = arith.constant 18 : i32
      %add3A_1657 = arith.addi %mul3A_1357, %add3A_1656 : i32
      %add3A_1658 = arith.constant 1 : i32
      %add3A_1659 = arith.addi %add3A_1657, %add3A_1658 : i32
      %get3A_1660 = arith.index_cast %add3A_1659 : i32 to index
      %get3A_1661 = arith.constant 16 : index
      %get3A_1662 = tpu.vector_load %arg8[%get3A_1660, %get3A_1661] {strides = array<i32>} : memref<1280x32xf32, #tpu.memory_space<vmem>>, vector<1x16xf32>,
      %get3A_1663 = vector.shape_cast %get3A_1662 : vector<1x16xf32> to vector<16xf32>
      %add3A_1664 = arith.addf %add3A_1632, %get3A_1663 : vector<16xf32>
      %add3A_1665 = arith.addf %add3A_1639, %add3A_1655 : vector<16xf32>
      %add3A_1666 = arith.constant 192 : i32
      %add3A_1667 = arith.addi %add3A_1666, %scan3A_1354 : i32
      %swap3A = arith.index_cast %add3A_1667 : i32 to index
      %swap3A_1668 = arith.constant 0 : index
      %swap3A_1669 = tpu.vector_load %arg9[%swap3A, %swap3A_1668] {strides = array<i32>} : memref<512x32xf32, #tpu.memory_space<vmem>>, vector<1x16xf32>,
      %swap3A_1670 = vector.shape_cast %swap3A_1669 : vector<1x16xf32> to vector<16xf32>
      %swap3A_1671 = vector.shape_cast %add3A_1665 : vector<16xf32> to vector<1x16xf32>
      tpu.vector_store %arg9[%swap3A, %swap3A_1668], %swap3A_1671 {strides = array<i32>} : memref<512x32xf32, #tpu.memory_space<vmem>>, vector<1x16xf32>,
      %add3A_1672 = arith.addf %add3A_1646, %add3A_1664 : vector<16xf32>
      %add3A_1673 = arith.constant 192 : i32
      %add3A_1674 = arith.addi %add3A_1673, %scan3A_1354 : i32
      %swap3A_1675 = arith.index_cast %add3A_1674 : i32 to index
      %swap3A_1676 = arith.constant 16 : index
      %swap3A_1677 = tpu.vector_load %arg9[%swap3A_1675, %swap3A_1676] {strides = array<i32>} : memref<512x32xf32, #tpu.memory_space<vmem>>, vector<1x16xf32>,
      %swap3A_1678 = vector.shape_cast %swap3A_1677 : vector<1x16xf32> to vector<16xf32>
      %swap3A_1679 = vector.shape_cast %add3A_1672 : vector<16xf32> to vector<1x16xf32>
      tpu.vector_store %arg9[%swap3A_1675, %swap3A_1676], %swap3A_1679 {strides = array<i32>} : memref<512x32xf32, #tpu.memory_space<vmem>>, vector<1x16xf32>,
      %scan3A_1680 = arith.constant 0 : i32
      scf.yield %scan3A_1680 : i32
    }
    %scan3A_757 = arith.constant 64 : i32
    %add3A_758 = arith.constant 6400 : i32
    %add3A_759 = arith.addi %mul3A_2, %add3A_758 : i32
    "tpu.region"() ({
      %run_scoped3A = tpu.sem_alloc : memref<!tpu.dma_semaphore, #tpu.memory_space<semaphore_mem>>
      %dma_start3A_1354 = tpu.memref_slice %arg2[%add3A_759] : memref<327680xi32, #tpu.memory_space<hbm>> -> memref<1280xi32, #tpu.memory_space<hbm>>
      %dma_start3A_1355 = tpu.memref_slice %arg2[%add3A_759] : memref<327680xi32, #tpu.memory_space<hbm>> -> memref<1280xi32, #tpu.memory_space<hbm>>
      tpu.enqueue_dma source(%dma_start3A_1355 : memref<1280xi32, #tpu.memory_space<hbm>>) target(%arg6 : memref<1280xi32, #tpu.memory_space<vmem>>) target_semaphore(%run_scoped3A : memref<!tpu.dma_semaphore, #tpu.memory_space<semaphore_mem>>)
      %dma_wait3A_1356 = tpu.memref_slice %arg2[%add3A_759] : memref<327680xi32, #tpu.memory_space<hbm>> -> memref<1280xi32, #tpu.memory_space<hbm>>
      %dma_wait3A_1357 = tpu.memref_slice %arg2[%add3A_759] : memref<327680xi32, #tpu.memory_space<hbm>> -> memref<1280xi32, #tpu.memory_space<hbm>>
      tpu.wait_dma2 semaphore(%run_scoped3A : memref<!tpu.dma_semaphore, #tpu.memory_space<semaphore_mem>>) src(%dma_wait3A_1357 : memref<1280xi32, #tpu.memory_space<hbm>>) dst(%arg6 : memref<1280xi32, #tpu.memory_space<vmem>>)
      tpu.yield
    }) : () -> ()
    %dma_start3A_760 = arith.constant 0 : i32
    %dma_start3A_761 = arith.constant 0 : i32
    %dma_start3A_762 = tpu.memref_slice %arg8[%dma_start3A_760, %dma_start3A_761] : memref<1280x32xf32, #tpu.memory_space<vmem>> -> memref<128x32xf32, #tpu.memory_space<vmem>>
    %dma_start3A_763 = arith.constant 0 : i32
    %dma_start3A_764 = tpu.memref_slice %arg6[%dma_start3A_763] : memref<1280xi32, #tpu.memory_space<vmem>> -> memref<128xi32, #tpu.memory_space<vmem>>
    %dma_start3A_765 = arith.constant 0 : i32
    %dma_start3A_766 = arith.constant 0 : i32
    %dma_start3A_767 = tpu.memref_slice %arg3[%dma_start3A_765, %dma_start3A_766] : memref<1000000x32xf32, #tpu.memory_space<hbm>> -> memref<1000000x32xf32, #tpu.memory_space<hbm>>
    tpu.enqueue_indirect_dma source(%dma_start3A_767 : memref<1000000x32xf32, #tpu.memory_space<hbm>>) target(%dma_start3A_762 : memref<128x32xf32, #tpu.memory_space<vmem>>) offsets(%dma_start3A_764 : memref<128xi32, #tpu.memory_space<vmem>>) semaphore(%arg11 : memref<!tpu.dma_semaphore, #tpu.memory_space<semaphore_mem>>)
    %dma_start3A_768 = arith.constant 128 : i32
    %dma_start3A_769 = arith.constant 0 : i32
    %dma_start3A_770 = tpu.memref_slice %arg8[%dma_start3A_768, %dma_start3A_769] : memref<1280x32xf32, #tpu.memory_space<vmem>> -> memref<128x32xf32, #tpu.memory_space<vmem>>
    %dma_start3A_771 = arith.constant 128 : i32
    %dma_start3A_772 = tpu.memref_slice %arg6[%dma_start3A_771] : memref<1280xi32, #tpu.memory_space<vmem>> -> memref<128xi32, #tpu.memory_space<vmem>>
    %dma_start3A_773 = arith.constant 0 : i32
    %dma_start3A_774 = arith.constant 0 : i32
    %dma_start3A_775 = tpu.memref_slice %arg3[%dma_start3A_773, %dma_start3A_774] : memref<1000000x32xf32, #tpu.memory_space<hbm>> -> memref<1000000x32xf32, #tpu.memory_space<hbm>>
    tpu.enqueue_indirect_dma source(%dma_start3A_775 : memref<1000000x32xf32, #tpu.memory_space<hbm>>) target(%dma_start3A_770 : memref<128x32xf32, #tpu.memory_space<vmem>>) offsets(%dma_start3A_772 : memref<128xi32, #tpu.memory_space<vmem>>) semaphore(%arg11 : memref<!tpu.dma_semaphore, #tpu.memory_space<semaphore_mem>>)
    %dma_start3A_776 = arith.constant 256 : i32
    %dma_start3A_777 = arith.constant 0 : i32
    %dma_start3A_778 = tpu.memref_slice %arg8[%dma_start3A_776, %dma_start3A_777] : memref<1280x32xf32, #tpu.memory_space<vmem>> -> memref<128x32xf32, #tpu.memory_space<vmem>>
    %dma_start3A_779 = arith.constant 256 : i32
    %dma_start3A_780 = tpu.memref_slice %arg6[%dma_start3A_779] : memref<1280xi32, #tpu.memory_space<vmem>> -> memref<128xi32, #tpu.memory_space<vmem>>
    %dma_start3A_781 = arith.constant 0 : i32
    %dma_start3A_782 = arith.constant 0 : i32
    %dma_start3A_783 = tpu.memref_slice %arg3[%dma_start3A_781, %dma_start3A_782] : memref<1000000x32xf32, #tpu.memory_space<hbm>> -> memref<1000000x32xf32, #tpu.memory_space<hbm>>
    tpu.enqueue_indirect_dma source(%dma_start3A_783 : memref<1000000x32xf32, #tpu.memory_space<hbm>>) target(%dma_start3A_778 : memref<128x32xf32, #tpu.memory_space<vmem>>) offsets(%dma_start3A_780 : memref<128xi32, #tpu.memory_space<vmem>>) semaphore(%arg11 : memref<!tpu.dma_semaphore, #tpu.memory_space<semaphore_mem>>)
    %dma_start3A_784 = arith.constant 384 : i32
    %dma_start3A_785 = arith.constant 0 : i32
    %dma_start3A_786 = tpu.memref_slice %arg8[%dma_start3A_784, %dma_start3A_785] : memref<1280x32xf32, #tpu.memory_space<vmem>> -> memref<128x32xf32, #tpu.memory_space<vmem>>
    %dma_start3A_787 = arith.constant 384 : i32
    %dma_start3A_788 = tpu.memref_slice %arg6[%dma_start3A_787] : memref<1280xi32, #tpu.memory_space<vmem>> -> memref<128xi32, #tpu.memory_space<vmem>>
    %dma_start3A_789 = arith.constant 0 : i32
    %dma_start3A_790 = arith.constant 0 : i32
    %dma_start3A_791 = tpu.memref_slice %arg3[%dma_start3A_789, %dma_start3A_790] : memref<1000000x32xf32, #tpu.memory_space<hbm>> -> memref<1000000x32xf32, #tpu.memory_space<hbm>>
    tpu.enqueue_indirect_dma source(%dma_start3A_791 : memref<1000000x32xf32, #tpu.memory_space<hbm>>) target(%dma_start3A_786 : memref<128x32xf32, #tpu.memory_space<vmem>>) offsets(%dma_start3A_788 : memref<128xi32, #tpu.memory_space<vmem>>) semaphore(%arg11 : memref<!tpu.dma_semaphore, #tpu.memory_space<semaphore_mem>>)
    %dma_start3A_792 = arith.constant 512 : i32
    %dma_start3A_793 = arith.constant 0 : i32
    %dma_start3A_794 = tpu.memref_slice %arg8[%dma_start3A_792, %dma_start3A_793] : memref<1280x32xf32, #tpu.memory_space<vmem>> -> memref<128x32xf32, #tpu.memory_space<vmem>>
    %dma_start3A_795 = arith.constant 512 : i32
    %dma_start3A_796 = tpu.memref_slice %arg6[%dma_start3A_795] : memref<1280xi32, #tpu.memory_space<vmem>> -> memref<128xi32, #tpu.memory_space<vmem>>
    %dma_start3A_797 = arith.constant 0 : i32
    %dma_start3A_798 = arith.constant 0 : i32
    %dma_start3A_799 = tpu.memref_slice %arg3[%dma_start3A_797, %dma_start3A_798] : memref<1000000x32xf32, #tpu.memory_space<hbm>> -> memref<1000000x32xf32, #tpu.memory_space<hbm>>
    tpu.enqueue_indirect_dma source(%dma_start3A_799 : memref<1000000x32xf32, #tpu.memory_space<hbm>>) target(%dma_start3A_794 : memref<128x32xf32, #tpu.memory_space<vmem>>) offsets(%dma_start3A_796 : memref<128xi32, #tpu.memory_space<vmem>>) semaphore(%arg11 : memref<!tpu.dma_semaphore, #tpu.memory_space<semaphore_mem>>)
    %dma_start3A_800 = arith.constant 640 : i32
    %dma_start3A_801 = arith.constant 0 : i32
    %dma_start3A_802 = tpu.memref_slice %arg8[%dma_start3A_800, %dma_start3A_801] : memref<1280x32xf32, #tpu.memory_space<vmem>> -> memref<128x32xf32, #tpu.memory_space<vmem>>
    %dma_start3A_803 = arith.constant 640 : i32
    %dma_start3A_804 = tpu.memref_slice %arg6[%dma_start3A_803] : memref<1280xi32, #tpu.memory_space<vmem>> -> memref<128xi32, #tpu.memory_space<vmem>>
    %dma_start3A_805 = arith.constant 0 : i32
    %dma_start3A_806 = arith.constant 0 : i32
    %dma_start3A_807 = tpu.memref_slice %arg3[%dma_start3A_805, %dma_start3A_806] : memref<1000000x32xf32, #tpu.memory_space<hbm>> -> memref<1000000x32xf32, #tpu.memory_space<hbm>>
    tpu.enqueue_indirect_dma source(%dma_start3A_807 : memref<1000000x32xf32, #tpu.memory_space<hbm>>) target(%dma_start3A_802 : memref<128x32xf32, #tpu.memory_space<vmem>>) offsets(%dma_start3A_804 : memref<128xi32, #tpu.memory_space<vmem>>) semaphore(%arg11 : memref<!tpu.dma_semaphore, #tpu.memory_space<semaphore_mem>>)
    %dma_start3A_808 = arith.constant 768 : i32
    %dma_start3A_809 = arith.constant 0 : i32
    %dma_start3A_810 = tpu.memref_slice %arg8[%dma_start3A_808, %dma_start3A_809] : memref<1280x32xf32, #tpu.memory_space<vmem>> -> memref<128x32xf32, #tpu.memory_space<vmem>>
    %dma_start3A_811 = arith.constant 768 : i32
    %dma_start3A_812 = tpu.memref_slice %arg6[%dma_start3A_811] : memref<1280xi32, #tpu.memory_space<vmem>> -> memref<128xi32, #tpu.memory_space<vmem>>
    %dma_start3A_813 = arith.constant 0 : i32
    %dma_start3A_814 = arith.constant 0 : i32
    %dma_start3A_815 = tpu.memref_slice %arg3[%dma_start3A_813, %dma_start3A_814] : memref<1000000x32xf32, #tpu.memory_space<hbm>> -> memref<1000000x32xf32, #tpu.memory_space<hbm>>
    tpu.enqueue_indirect_dma source(%dma_start3A_815 : memref<1000000x32xf32, #tpu.memory_space<hbm>>) target(%dma_start3A_810 : memref<128x32xf32, #tpu.memory_space<vmem>>) offsets(%dma_start3A_812 : memref<128xi32, #tpu.memory_space<vmem>>) semaphore(%arg11 : memref<!tpu.dma_semaphore, #tpu.memory_space<semaphore_mem>>)
    %dma_start3A_816 = arith.constant 896 : i32
    %dma_start3A_817 = arith.constant 0 : i32
    %dma_start3A_818 = tpu.memref_slice %arg8[%dma_start3A_816, %dma_start3A_817] : memref<1280x32xf32, #tpu.memory_space<vmem>> -> memref<128x32xf32, #tpu.memory_space<vmem>>
    %dma_start3A_819 = arith.constant 896 : i32
    %dma_start3A_820 = tpu.memref_slice %arg6[%dma_start3A_819] : memref<1280xi32, #tpu.memory_space<vmem>> -> memref<128xi32, #tpu.memory_space<vmem>>
    %dma_start3A_821 = arith.constant 0 : i32
    %dma_start3A_822 = arith.constant 0 : i32
    %dma_start3A_823 = tpu.memref_slice %arg3[%dma_start3A_821, %dma_start3A_822] : memref<1000000x32xf32, #tpu.memory_space<hbm>> -> memref<1000000x32xf32, #tpu.memory_space<hbm>>
    tpu.enqueue_indirect_dma source(%dma_start3A_823 : memref<1000000x32xf32, #tpu.memory_space<hbm>>) target(%dma_start3A_818 : memref<128x32xf32, #tpu.memory_space<vmem>>) offsets(%dma_start3A_820 : memref<128xi32, #tpu.memory_space<vmem>>) semaphore(%arg11 : memref<!tpu.dma_semaphore, #tpu.memory_space<semaphore_mem>>)
    %dma_start3A_824 = arith.constant 1024 : i32
    %dma_start3A_825 = arith.constant 0 : i32
    %dma_start3A_826 = tpu.memref_slice %arg8[%dma_start3A_824, %dma_start3A_825] : memref<1280x32xf32, #tpu.memory_space<vmem>> -> memref<128x32xf32, #tpu.memory_space<vmem>>
    %dma_start3A_827 = arith.constant 1024 : i32
    %dma_start3A_828 = tpu.memref_slice %arg6[%dma_start3A_827] : memref<1280xi32, #tpu.memory_space<vmem>> -> memref<128xi32, #tpu.memory_space<vmem>>
    %dma_start3A_829 = arith.constant 0 : i32
    %dma_start3A_830 = arith.constant 0 : i32
    %dma_start3A_831 = tpu.memref_slice %arg3[%dma_start3A_829, %dma_start3A_830] : memref<1000000x32xf32, #tpu.memory_space<hbm>> -> memref<1000000x32xf32, #tpu.memory_space<hbm>>
    tpu.enqueue_indirect_dma source(%dma_start3A_831 : memref<1000000x32xf32, #tpu.memory_space<hbm>>) target(%dma_start3A_826 : memref<128x32xf32, #tpu.memory_space<vmem>>) offsets(%dma_start3A_828 : memref<128xi32, #tpu.memory_space<vmem>>) semaphore(%arg11 : memref<!tpu.dma_semaphore, #tpu.memory_space<semaphore_mem>>)
    %dma_start3A_832 = arith.constant 1152 : i32
    %dma_start3A_833 = arith.constant 0 : i32
    %dma_start3A_834 = tpu.memref_slice %arg8[%dma_start3A_832, %dma_start3A_833] : memref<1280x32xf32, #tpu.memory_space<vmem>> -> memref<128x32xf32, #tpu.memory_space<vmem>>
    %dma_start3A_835 = arith.constant 1152 : i32
    %dma_start3A_836 = tpu.memref_slice %arg6[%dma_start3A_835] : memref<1280xi32, #tpu.memory_space<vmem>> -> memref<128xi32, #tpu.memory_space<vmem>>
    %dma_start3A_837 = arith.constant 0 : i32
    %dma_start3A_838 = arith.constant 0 : i32
    %dma_start3A_839 = tpu.memref_slice %arg3[%dma_start3A_837, %dma_start3A_838] : memref<1000000x32xf32, #tpu.memory_space<hbm>> -> memref<1000000x32xf32, #tpu.memory_space<hbm>>
    tpu.enqueue_indirect_dma source(%dma_start3A_839 : memref<1000000x32xf32, #tpu.memory_space<hbm>>) target(%dma_start3A_834 : memref<128x32xf32, #tpu.memory_space<vmem>>) offsets(%dma_start3A_836 : memref<128xi32, #tpu.memory_space<vmem>>) semaphore(%arg11 : memref<!tpu.dma_semaphore, #tpu.memory_space<semaphore_mem>>)
    %dma_wait3A_840 = arith.constant 0 : i32
    %dma_wait3A_841 = arith.constant 0 : i32
    %dma_wait3A_842 = tpu.memref_slice %arg7[%dma_wait3A_840, %dma_wait3A_841] : memref<1280x32xf32, #tpu.memory_space<vmem>> -> memref<128x32xf32, #tpu.memory_space<vmem>>
    %dma_wait3A_843 = arith.constant 0 : i32
    %dma_wait3A_844 = tpu.memref_slice %arg5[%dma_wait3A_843] : memref<1280xi32, #tpu.memory_space<vmem>> -> memref<128xi32, #tpu.memory_space<vmem>>
    %dma_wait3A_845 = arith.constant 0 : i32
    %dma_wait3A_846 = arith.constant 0 : i32
    %dma_wait3A_847 = tpu.memref_slice %arg3[%dma_wait3A_845, %dma_wait3A_846] : memref<1000000x32xf32, #tpu.memory_space<hbm>> -> memref<1000000x32xf32, #tpu.memory_space<hbm>>
    tpu.wait_indirect_dma semaphore(%arg10 : memref<!tpu.dma_semaphore, #tpu.memory_space<semaphore_mem>>) src(%dma_wait3A_847 : memref<1000000x32xf32, #tpu.memory_space<hbm>>) dst(%dma_wait3A_842 : memref<128x32xf32, #tpu.memory_space<vmem>>)
    %dma_wait3A_848 = arith.constant 128 : i32
    %dma_wait3A_849 = arith.constant 0 : i32
    %dma_wait3A_850 = tpu.memref_slice %arg7[%dma_wait3A_848, %dma_wait3A_849] : memref<1280x32xf32, #tpu.memory_space<vmem>> -> memref<128x32xf32, #tpu.memory_space<vmem>>
    %dma_wait3A_851 = arith.constant 128 : i32
    %dma_wait3A_852 = tpu.memref_slice %arg5[%dma_wait3A_851] : memref<1280xi32, #tpu.memory_space<vmem>> -> memref<128xi32, #tpu.memory_space<vmem>>
    %dma_wait3A_853 = arith.constant 0 : i32
    %dma_wait3A_854 = arith.constant 0 : i32
    %dma_wait3A_855 = tpu.memref_slice %arg3[%dma_wait3A_853, %dma_wait3A_854] : memref<1000000x32xf32, #tpu.memory_space<hbm>> -> memref<1000000x32xf32, #tpu.memory_space<hbm>>
    tpu.wait_indirect_dma semaphore(%arg10 : memref<!tpu.dma_semaphore, #tpu.memory_space<semaphore_mem>>) src(%dma_wait3A_855 : memref<1000000x32xf32, #tpu.memory_space<hbm>>) dst(%dma_wait3A_850 : memref<128x32xf32, #tpu.memory_space<vmem>>)
    %dma_wait3A_856 = arith.constant 256 : i32
    %dma_wait3A_857 = arith.constant 0 : i32
    %dma_wait3A_858 = tpu.memref_slice %arg7[%dma_wait3A_856, %dma_wait3A_857] : memref<1280x32xf32, #tpu.memory_space<vmem>> -> memref<128x32xf32, #tpu.memory_space<vmem>>
    %dma_wait3A_859 = arith.constant 256 : i32
    %dma_wait3A_860 = tpu.memref_slice %arg5[%dma_wait3A_859] : memref<1280xi32, #tpu.memory_space<vmem>> -> memref<128xi32, #tpu.memory_space<vmem>>
    %dma_wait3A_861 = arith.constant 0 : i32
    %dma_wait3A_862 = arith.constant 0 : i32
    %dma_wait3A_863 = tpu.memref_slice %arg3[%dma_wait3A_861, %dma_wait3A_862] : memref<1000000x32xf32, #tpu.memory_space<hbm>> -> memref<1000000x32xf32, #tpu.memory_space<hbm>>
    tpu.wait_indirect_dma semaphore(%arg10 : memref<!tpu.dma_semaphore, #tpu.memory_space<semaphore_mem>>) src(%dma_wait3A_863 : memref<1000000x32xf32, #tpu.memory_space<hbm>>) dst(%dma_wait3A_858 : memref<128x32xf32, #tpu.memory_space<vmem>>)
    %dma_wait3A_864 = arith.constant 384 : i32
    %dma_wait3A_865 = arith.constant 0 : i32
    %dma_wait3A_866 = tpu.memref_slice %arg7[%dma_wait3A_864, %dma_wait3A_865] : memref<1280x32xf32, #tpu.memory_space<vmem>> -> memref<128x32xf32, #tpu.memory_space<vmem>>
    %dma_wait3A_867 = arith.constant 384 : i32
    %dma_wait3A_868 = tpu.memref_slice %arg5[%dma_wait3A_867] : memref<1280xi32, #tpu.memory_space<vmem>> -> memref<128xi32, #tpu.memory_space<vmem>>
    %dma_wait3A_869 = arith.constant 0 : i32
    %dma_wait3A_870 = arith.constant 0 : i32
    %dma_wait3A_871 = tpu.memref_slice %arg3[%dma_wait3A_869, %dma_wait3A_870] : memref<1000000x32xf32, #tpu.memory_space<hbm>> -> memref<1000000x32xf32, #tpu.memory_space<hbm>>
    tpu.wait_indirect_dma semaphore(%arg10 : memref<!tpu.dma_semaphore, #tpu.memory_space<semaphore_mem>>) src(%dma_wait3A_871 : memref<1000000x32xf32, #tpu.memory_space<hbm>>) dst(%dma_wait3A_866 : memref<128x32xf32, #tpu.memory_space<vmem>>)
    %dma_wait3A_872 = arith.constant 512 : i32
    %dma_wait3A_873 = arith.constant 0 : i32
    %dma_wait3A_874 = tpu.memref_slice %arg7[%dma_wait3A_872, %dma_wait3A_873] : memref<1280x32xf32, #tpu.memory_space<vmem>> -> memref<128x32xf32, #tpu.memory_space<vmem>>
    %dma_wait3A_875 = arith.constant 512 : i32
    %dma_wait3A_876 = tpu.memref_slice %arg5[%dma_wait3A_875] : memref<1280xi32, #tpu.memory_space<vmem>> -> memref<128xi32, #tpu.memory_space<vmem>>
    %dma_wait3A_877 = arith.constant 0 : i32
    %dma_wait3A_878 = arith.constant 0 : i32
    %dma_wait3A_879 = tpu.memref_slice %arg3[%dma_wait3A_877, %dma_wait3A_878] : memref<1000000x32xf32, #tpu.memory_space<hbm>> -> memref<1000000x32xf32, #tpu.memory_space<hbm>>
    tpu.wait_indirect_dma semaphore(%arg10 : memref<!tpu.dma_semaphore, #tpu.memory_space<semaphore_mem>>) src(%dma_wait3A_879 : memref<1000000x32xf32, #tpu.memory_space<hbm>>) dst(%dma_wait3A_874 : memref<128x32xf32, #tpu.memory_space<vmem>>)
    %dma_wait3A_880 = arith.constant 640 : i32
    %dma_wait3A_881 = arith.constant 0 : i32
    %dma_wait3A_882 = tpu.memref_slice %arg7[%dma_wait3A_880, %dma_wait3A_881] : memref<1280x32xf32, #tpu.memory_space<vmem>> -> memref<128x32xf32, #tpu.memory_space<vmem>>
    %dma_wait3A_883 = arith.constant 640 : i32
    %dma_wait3A_884 = tpu.memref_slice %arg5[%dma_wait3A_883] : memref<1280xi32, #tpu.memory_space<vmem>> -> memref<128xi32, #tpu.memory_space<vmem>>
    %dma_wait3A_885 = arith.constant 0 : i32
    %dma_wait3A_886 = arith.constant 0 : i32
    %dma_wait3A_887 = tpu.memref_slice %arg3[%dma_wait3A_885, %dma_wait3A_886] : memref<1000000x32xf32, #tpu.memory_space<hbm>> -> memref<1000000x32xf32, #tpu.memory_space<hbm>>
    tpu.wait_indirect_dma semaphore(%arg10 : memref<!tpu.dma_semaphore, #tpu.memory_space<semaphore_mem>>) src(%dma_wait3A_887 : memref<1000000x32xf32, #tpu.memory_space<hbm>>) dst(%dma_wait3A_882 : memref<128x32xf32, #tpu.memory_space<vmem>>)
    %dma_wait3A_888 = arith.constant 768 : i32
    %dma_wait3A_889 = arith.constant 0 : i32
    %dma_wait3A_890 = tpu.memref_slice %arg7[%dma_wait3A_888, %dma_wait3A_889] : memref<1280x32xf32, #tpu.memory_space<vmem>> -> memref<128x32xf32, #tpu.memory_space<vmem>>
    %dma_wait3A_891 = arith.constant 768 : i32
    %dma_wait3A_892 = tpu.memref_slice %arg5[%dma_wait3A_891] : memref<1280xi32, #tpu.memory_space<vmem>> -> memref<128xi32, #tpu.memory_space<vmem>>
    %dma_wait3A_893 = arith.constant 0 : i32
    %dma_wait3A_894 = arith.constant 0 : i32
    %dma_wait3A_895 = tpu.memref_slice %arg3[%dma_wait3A_893, %dma_wait3A_894] : memref<1000000x32xf32, #tpu.memory_space<hbm>> -> memref<1000000x32xf32, #tpu.memory_space<hbm>>
    tpu.wait_indirect_dma semaphore(%arg10 : memref<!tpu.dma_semaphore, #tpu.memory_space<semaphore_mem>>) src(%dma_wait3A_895 : memref<1000000x32xf32, #tpu.memory_space<hbm>>) dst(%dma_wait3A_890 : memref<128x32xf32, #tpu.memory_space<vmem>>)
    %dma_wait3A_896 = arith.constant 896 : i32
    %dma_wait3A_897 = arith.constant 0 : i32
    %dma_wait3A_898 = tpu.memref_slice %arg7[%dma_wait3A_896, %dma_wait3A_897] : memref<1280x32xf32, #tpu.memory_space<vmem>> -> memref<128x32xf32, #tpu.memory_space<vmem>>
    %dma_wait3A_899 = arith.constant 896 : i32
    %dma_wait3A_900 = tpu.memref_slice %arg5[%dma_wait3A_899] : memref<1280xi32, #tpu.memory_space<vmem>> -> memref<128xi32, #tpu.memory_space<vmem>>
    %dma_wait3A_901 = arith.constant 0 : i32
    %dma_wait3A_902 = arith.constant 0 : i32
    %dma_wait3A_903 = tpu.memref_slice %arg3[%dma_wait3A_901, %dma_wait3A_902] : memref<1000000x32xf32, #tpu.memory_space<hbm>> -> memref<1000000x32xf32, #tpu.memory_space<hbm>>
    tpu.wait_indirect_dma semaphore(%arg10 : memref<!tpu.dma_semaphore, #tpu.memory_space<semaphore_mem>>) src(%dma_wait3A_903 : memref<1000000x32xf32, #tpu.memory_space<hbm>>) dst(%dma_wait3A_898 : memref<128x32xf32, #tpu.memory_space<vmem>>)
    %dma_wait3A_904 = arith.constant 1024 : i32
    %dma_wait3A_905 = arith.constant 0 : i32
    %dma_wait3A_906 = tpu.memref_slice %arg7[%dma_wait3A_904, %dma_wait3A_905] : memref<1280x32xf32, #tpu.memory_space<vmem>> -> memref<128x32xf32, #tpu.memory_space<vmem>>
    %dma_wait3A_907 = arith.constant 1024 : i32
    %dma_wait3A_908 = tpu.memref_slice %arg5[%dma_wait3A_907] : memref<1280xi32, #tpu.memory_space<vmem>> -> memref<128xi32, #tpu.memory_space<vmem>>
    %dma_wait3A_909 = arith.constant 0 : i32
    %dma_wait3A_910 = arith.constant 0 : i32
    %dma_wait3A_911 = tpu.memref_slice %arg3[%dma_wait3A_909, %dma_wait3A_910] : memref<1000000x32xf32, #tpu.memory_space<hbm>> -> memref<1000000x32xf32, #tpu.memory_space<hbm>>
    tpu.wait_indirect_dma semaphore(%arg10 : memref<!tpu.dma_semaphore, #tpu.memory_space<semaphore_mem>>) src(%dma_wait3A_911 : memref<1000000x32xf32, #tpu.memory_space<hbm>>) dst(%dma_wait3A_906 : memref<128x32xf32, #tpu.memory_space<vmem>>)
    %dma_wait3A_912 = arith.constant 1152 : i32
    %dma_wait3A_913 = arith.constant 0 : i32
    %dma_wait3A_914 = tpu.memref_slice %arg7[%dma_wait3A_912, %dma_wait3A_913] : memref<1280x32xf32, #tpu.memory_space<vmem>> -> memref<128x32xf32, #tpu.memory_space<vmem>>
    %dma_wait3A_915 = arith.constant 1152 : i32
    %dma_wait3A_916 = tpu.memref_slice %arg5[%dma_wait3A_915] : memref<1280xi32, #tpu.memory_space<vmem>> -> memref<128xi32, #tpu.memory_space<vmem>>
    %dma_wait3A_917 = arith.constant 0 : i32
    %dma_wait3A_918 = arith.constant 0 : i32
    %dma_wait3A_919 = tpu.memref_slice %arg3[%dma_wait3A_917, %dma_wait3A_918] : memref<1000000x32xf32, #tpu.memory_space<hbm>> -> memref<1000000x32xf32, #tpu.memory_space<hbm>>
    tpu.wait_indirect_dma semaphore(%arg10 : memref<!tpu.dma_semaphore, #tpu.memory_space<semaphore_mem>>) src(%dma_wait3A_919 : memref<1000000x32xf32, #tpu.memory_space<hbm>>) dst(%dma_wait3A_914 : memref<128x32xf32, #tpu.memory_space<vmem>>)
    %scan3A_920 = arith.constant 0 : i32
    %scan3A_921 = arith.constant 0 : i32
    %scan3A_922 = arith.constant 64 : i32
    %scan3A_923 = arith.addi %scan3A_921, %scan3A_922 : i32
    %scan3A_924 = arith.constant 1 : i32
    %scan3A_925 = scf.for %scan3A_1354 = %scan3A_921 to %scan3A_923 step %scan3A_924 iter_args(%scan3A_1355 = %scan3A_920) -> (i32)  : i32 {
      %mul3A_1356 = arith.constant 20 : i32
      %mul3A_1357 = arith.muli %scan3A_1354, %mul3A_1356 : i32
      %get3A = arith.index_cast %mul3A_1357 : i32 to index
      %get3A_1358 = arith.constant 0 : index
      %get3A_1359 = tpu.vector_load %arg7[%get3A, %get3A_1358] {strides = array<i32>} : memref<1280x32xf32, #tpu.memory_space<vmem>>, vector<1x16xf32>,
      %get3A_1360 = vector.shape_cast %get3A_1359 : vector<1x16xf32> to vector<16xf32>
      %get3A_1361 = arith.index_cast %mul3A_1357 : i32 to index
      %get3A_1362 = arith.constant 16 : index
      %get3A_1363 = tpu.vector_load %arg7[%get3A_1361, %get3A_1362] {strides = array<i32>} : memref<1280x32xf32, #tpu.memory_space<vmem>>, vector<1x16xf32>,
      %get3A_1364 = vector.shape_cast %get3A_1363 : vector<1x16xf32> to vector<16xf32>
      %add3A_1365 = arith.constant 1 : i32
      %add3A_1366 = arith.addi %mul3A_1357, %add3A_1365 : i32
      %get3A_1367 = arith.index_cast %add3A_1366 : i32 to index
      %get3A_1368 = arith.constant 0 : index
      %get3A_1369 = tpu.vector_load %arg7[%get3A_1367, %get3A_1368] {strides = array<i32>} : memref<1280x32xf32, #tpu.memory_space<vmem>>, vector<1x16xf32>,
      %get3A_1370 = vector.shape_cast %get3A_1369 : vector<1x16xf32> to vector<16xf32>
      %add3A_1371 = arith.constant 1 : i32
      %add3A_1372 = arith.addi %mul3A_1357, %add3A_1371 : i32
      %get3A_1373 = arith.index_cast %add3A_1372 : i32 to index
      %get3A_1374 = arith.constant 16 : index
      %get3A_1375 = tpu.vector_load %arg7[%get3A_1373, %get3A_1374] {strides = array<i32>} : memref<1280x32xf32, #tpu.memory_space<vmem>>, vector<1x16xf32>,
      %get3A_1376 = vector.shape_cast %get3A_1375 : vector<1x16xf32> to vector<16xf32>
      %add3A_1377 = arith.constant 2 : i32
      %add3A_1378 = arith.addi %mul3A_1357, %add3A_1377 : i32
      %get3A_1379 = arith.index_cast %add3A_1378 : i32 to index
      %get3A_1380 = arith.constant 0 : index
      %get3A_1381 = tpu.vector_load %arg7[%get3A_1379, %get3A_1380] {strides = array<i32>} : memref<1280x32xf32, #tpu.memory_space<vmem>>, vector<1x16xf32>,
      %get3A_1382 = vector.shape_cast %get3A_1381 : vector<1x16xf32> to vector<16xf32>
      %add3A_1383 = arith.addf %get3A_1360, %get3A_1382 : vector<16xf32>
      %add3A_1384 = arith.constant 2 : i32
      %add3A_1385 = arith.addi %mul3A_1357, %add3A_1384 : i32
      %get3A_1386 = arith.index_cast %add3A_1385 : i32 to index
      %get3A_1387 = arith.constant 16 : index
      %get3A_1388 = tpu.vector_load %arg7[%get3A_1386, %get3A_1387] {strides = array<i32>} : memref<1280x32xf32, #tpu.memory_space<vmem>>, vector<1x16xf32>,
      %get3A_1389 = vector.shape_cast %get3A_1388 : vector<1x16xf32> to vector<16xf32>
      %add3A_1390 = arith.addf %get3A_1364, %get3A_1389 : vector<16xf32>
      %add3A_1391 = arith.constant 2 : i32
      %add3A_1392 = arith.addi %mul3A_1357, %add3A_1391 : i32
      %add3A_1393 = arith.constant 1 : i32
      %add3A_1394 = arith.addi %add3A_1392, %add3A_1393 : i32
      %get3A_1395 = arith.index_cast %add3A_1394 : i32 to index
      %get3A_1396 = arith.constant 0 : index
      %get3A_1397 = tpu.vector_load %arg7[%get3A_1395, %get3A_1396] {strides = array<i32>} : memref<1280x32xf32, #tpu.memory_space<vmem>>, vector<1x16xf32>,
      %get3A_1398 = vector.shape_cast %get3A_1397 : vector<1x16xf32> to vector<16xf32>
      %add3A_1399 = arith.addf %get3A_1370, %get3A_1398 : vector<16xf32>
      %add3A_1400 = arith.constant 2 : i32
      %add3A_1401 = arith.addi %mul3A_1357, %add3A_1400 : i32
      %add3A_1402 = arith.constant 1 : i32
      %add3A_1403 = arith.addi %add3A_1401, %add3A_1402 : i32
      %get3A_1404 = arith.index_cast %add3A_1403 : i32 to index
      %get3A_1405 = arith.constant 16 : index
      %get3A_1406 = tpu.vector_load %arg7[%get3A_1404, %get3A_1405] {strides = array<i32>} : memref<1280x32xf32, #tpu.memory_space<vmem>>, vector<1x16xf32>,
      %get3A_1407 = vector.shape_cast %get3A_1406 : vector<1x16xf32> to vector<16xf32>
      %add3A_1408 = arith.addf %get3A_1376, %get3A_1407 : vector<16xf32>
      %add3A_1409 = arith.constant 4 : i32
      %add3A_1410 = arith.addi %mul3A_1357, %add3A_1409 : i32
      %get3A_1411 = arith.index_cast %add3A_1410 : i32 to index
      %get3A_1412 = arith.constant 0 : index
      %get3A_1413 = tpu.vector_load %arg7[%get3A_1411, %get3A_1412] {strides = array<i32>} : memref<1280x32xf32, #tpu.memory_space<vmem>>, vector<1x16xf32>,
      %get3A_1414 = vector.shape_cast %get3A_1413 : vector<1x16xf32> to vector<16xf32>
      %add3A_1415 = arith.addf %add3A_1383, %get3A_1414 : vector<16xf32>
      %add3A_1416 = arith.constant 4 : i32
      %add3A_1417 = arith.addi %mul3A_1357, %add3A_1416 : i32
      %get3A_1418 = arith.index_cast %add3A_1417 : i32 to index
      %get3A_1419 = arith.constant 16 : index
      %get3A_1420 = tpu.vector_load %arg7[%get3A_1418, %get3A_1419] {strides = array<i32>} : memref<1280x32xf32, #tpu.memory_space<vmem>>, vector<1x16xf32>,
      %get3A_1421 = vector.shape_cast %get3A_1420 : vector<1x16xf32> to vector<16xf32>
      %add3A_1422 = arith.addf %add3A_1390, %get3A_1421 : vector<16xf32>
      %add3A_1423 = arith.constant 4 : i32
      %add3A_1424 = arith.addi %mul3A_1357, %add3A_1423 : i32
      %add3A_1425 = arith.constant 1 : i32
      %add3A_1426 = arith.addi %add3A_1424, %add3A_1425 : i32
      %get3A_1427 = arith.index_cast %add3A_1426 : i32 to index
      %get3A_1428 = arith.constant 0 : index
      %get3A_1429 = tpu.vector_load %arg7[%get3A_1427, %get3A_1428] {strides = array<i32>} : memref<1280x32xf32, #tpu.memory_space<vmem>>, vector<1x16xf32>,
      %get3A_1430 = vector.shape_cast %get3A_1429 : vector<1x16xf32> to vector<16xf32>
      %add3A_1431 = arith.addf %add3A_1399, %get3A_1430 : vector<16xf32>
      %add3A_1432 = arith.constant 4 : i32
      %add3A_1433 = arith.addi %mul3A_1357, %add3A_1432 : i32
      %add3A_1434 = arith.constant 1 : i32
      %add3A_1435 = arith.addi %add3A_1433, %add3A_1434 : i32
      %get3A_1436 = arith.index_cast %add3A_1435 : i32 to index
      %get3A_1437 = arith.constant 16 : index
      %get3A_1438 = tpu.vector_load %arg7[%get3A_1436, %get3A_1437] {strides = array<i32>} : memref<1280x32xf32, #tpu.memory_space<vmem>>, vector<1x16xf32>,
      %get3A_1439 = vector.shape_cast %get3A_1438 : vector<1x16xf32> to vector<16xf32>
      %add3A_1440 = arith.addf %add3A_1408, %get3A_1439 : vector<16xf32>
      %add3A_1441 = arith.constant 6 : i32
      %add3A_1442 = arith.addi %mul3A_1357, %add3A_1441 : i32
      %get3A_1443 = arith.index_cast %add3A_1442 : i32 to index
      %get3A_1444 = arith.constant 0 : index
      %get3A_1445 = tpu.vector_load %arg7[%get3A_1443, %get3A_1444] {strides = array<i32>} : memref<1280x32xf32, #tpu.memory_space<vmem>>, vector<1x16xf32>,
      %get3A_1446 = vector.shape_cast %get3A_1445 : vector<1x16xf32> to vector<16xf32>
      %add3A_1447 = arith.addf %add3A_1415, %get3A_1446 : vector<16xf32>
      %add3A_1448 = arith.constant 6 : i32
      %add3A_1449 = arith.addi %mul3A_1357, %add3A_1448 : i32
      %get3A_1450 = arith.index_cast %add3A_1449 : i32 to index
      %get3A_1451 = arith.constant 16 : index
      %get3A_1452 = tpu.vector_load %arg7[%get3A_1450, %get3A_1451] {strides = array<i32>} : memref<1280x32xf32, #tpu.memory_space<vmem>>, vector<1x16xf32>,
      %get3A_1453 = vector.shape_cast %get3A_1452 : vector<1x16xf32> to vector<16xf32>
      %add3A_1454 = arith.addf %add3A_1422, %get3A_1453 : vector<16xf32>
      %add3A_1455 = arith.constant 6 : i32
      %add3A_1456 = arith.addi %mul3A_1357, %add3A_1455 : i32
      %add3A_1457 = arith.constant 1 : i32
      %add3A_1458 = arith.addi %add3A_1456, %add3A_1457 : i32
      %get3A_1459 = arith.index_cast %add3A_1458 : i32 to index
      %get3A_1460 = arith.constant 0 : index
      %get3A_1461 = tpu.vector_load %arg7[%get3A_1459, %get3A_1460] {strides = array<i32>} : memref<1280x32xf32, #tpu.memory_space<vmem>>, vector<1x16xf32>,
      %get3A_1462 = vector.shape_cast %get3A_1461 : vector<1x16xf32> to vector<16xf32>
      %add3A_1463 = arith.addf %add3A_1431, %get3A_1462 : vector<16xf32>
      %add3A_1464 = arith.constant 6 : i32
      %add3A_1465 = arith.addi %mul3A_1357, %add3A_1464 : i32
      %add3A_1466 = arith.constant 1 : i32
      %add3A_1467 = arith.addi %add3A_1465, %add3A_1466 : i32
      %get3A_1468 = arith.index_cast %add3A_1467 : i32 to index
      %get3A_1469 = arith.constant 16 : index
      %get3A_1470 = tpu.vector_load %arg7[%get3A_1468, %get3A_1469] {strides = array<i32>} : memref<1280x32xf32, #tpu.memory_space<vmem>>, vector<1x16xf32>,
      %get3A_1471 = vector.shape_cast %get3A_1470 : vector<1x16xf32> to vector<16xf32>
      %add3A_1472 = arith.addf %add3A_1440, %get3A_1471 : vector<16xf32>
      %add3A_1473 = arith.constant 8 : i32
      %add3A_1474 = arith.addi %mul3A_1357, %add3A_1473 : i32
      %get3A_1475 = arith.index_cast %add3A_1474 : i32 to index
      %get3A_1476 = arith.constant 0 : index
      %get3A_1477 = tpu.vector_load %arg7[%get3A_1475, %get3A_1476] {strides = array<i32>} : memref<1280x32xf32, #tpu.memory_space<vmem>>, vector<1x16xf32>,
      %get3A_1478 = vector.shape_cast %get3A_1477 : vector<1x16xf32> to vector<16xf32>
      %add3A_1479 = arith.addf %add3A_1447, %get3A_1478 : vector<16xf32>
      %add3A_1480 = arith.constant 8 : i32
      %add3A_1481 = arith.addi %mul3A_1357, %add3A_1480 : i32
      %get3A_1482 = arith.index_cast %add3A_1481 : i32 to index
      %get3A_1483 = arith.constant 16 : index
      %get3A_1484 = tpu.vector_load %arg7[%get3A_1482, %get3A_1483] {strides = array<i32>} : memref<1280x32xf32, #tpu.memory_space<vmem>>, vector<1x16xf32>,
      %get3A_1485 = vector.shape_cast %get3A_1484 : vector<1x16xf32> to vector<16xf32>
      %add3A_1486 = arith.addf %add3A_1454, %get3A_1485 : vector<16xf32>
      %add3A_1487 = arith.constant 8 : i32
      %add3A_1488 = arith.addi %mul3A_1357, %add3A_1487 : i32
      %add3A_1489 = arith.constant 1 : i32
      %add3A_1490 = arith.addi %add3A_1488, %add3A_1489 : i32
      %get3A_1491 = arith.index_cast %add3A_1490 : i32 to index
      %get3A_1492 = arith.constant 0 : index
      %get3A_1493 = tpu.vector_load %arg7[%get3A_1491, %get3A_1492] {strides = array<i32>} : memref<1280x32xf32, #tpu.memory_space<vmem>>, vector<1x16xf32>,
      %get3A_1494 = vector.shape_cast %get3A_1493 : vector<1x16xf32> to vector<16xf32>
      %add3A_1495 = arith.addf %add3A_1463, %get3A_1494 : vector<16xf32>
      %add3A_1496 = arith.constant 8 : i32
      %add3A_1497 = arith.addi %mul3A_1357, %add3A_1496 : i32
      %add3A_1498 = arith.constant 1 : i32
      %add3A_1499 = arith.addi %add3A_1497, %add3A_1498 : i32
      %get3A_1500 = arith.index_cast %add3A_1499 : i32 to index
      %get3A_1501 = arith.constant 16 : index
      %get3A_1502 = tpu.vector_load %arg7[%get3A_1500, %get3A_1501] {strides = array<i32>} : memref<1280x32xf32, #tpu.memory_space<vmem>>, vector<1x16xf32>,
      %get3A_1503 = vector.shape_cast %get3A_1502 : vector<1x16xf32> to vector<16xf32>
      %add3A_1504 = arith.addf %add3A_1472, %get3A_1503 : vector<16xf32>
      %add3A_1505 = arith.constant 10 : i32
      %add3A_1506 = arith.addi %mul3A_1357, %add3A_1505 : i32
      %get3A_1507 = arith.index_cast %add3A_1506 : i32 to index
      %get3A_1508 = arith.constant 0 : index
      %get3A_1509 = tpu.vector_load %arg7[%get3A_1507, %get3A_1508] {strides = array<i32>} : memref<1280x32xf32, #tpu.memory_space<vmem>>, vector<1x16xf32>,
      %get3A_1510 = vector.shape_cast %get3A_1509 : vector<1x16xf32> to vector<16xf32>
      %add3A_1511 = arith.addf %add3A_1479, %get3A_1510 : vector<16xf32>
      %add3A_1512 = arith.constant 10 : i32
      %add3A_1513 = arith.addi %mul3A_1357, %add3A_1512 : i32
      %get3A_1514 = arith.index_cast %add3A_1513 : i32 to index
      %get3A_1515 = arith.constant 16 : index
      %get3A_1516 = tpu.vector_load %arg7[%get3A_1514, %get3A_1515] {strides = array<i32>} : memref<1280x32xf32, #tpu.memory_space<vmem>>, vector<1x16xf32>,
      %get3A_1517 = vector.shape_cast %get3A_1516 : vector<1x16xf32> to vector<16xf32>
      %add3A_1518 = arith.addf %add3A_1486, %get3A_1517 : vector<16xf32>
      %add3A_1519 = arith.constant 10 : i32
      %add3A_1520 = arith.addi %mul3A_1357, %add3A_1519 : i32
      %add3A_1521 = arith.constant 1 : i32
      %add3A_1522 = arith.addi %add3A_1520, %add3A_1521 : i32
      %get3A_1523 = arith.index_cast %add3A_1522 : i32 to index
      %get3A_1524 = arith.constant 0 : index
      %get3A_1525 = tpu.vector_load %arg7[%get3A_1523, %get3A_1524] {strides = array<i32>} : memref<1280x32xf32, #tpu.memory_space<vmem>>, vector<1x16xf32>,
      %get3A_1526 = vector.shape_cast %get3A_1525 : vector<1x16xf32> to vector<16xf32>
      %add3A_1527 = arith.addf %add3A_1495, %get3A_1526 : vector<16xf32>
      %add3A_1528 = arith.constant 10 : i32
      %add3A_1529 = arith.addi %mul3A_1357, %add3A_1528 : i32
      %add3A_1530 = arith.constant 1 : i32
      %add3A_1531 = arith.addi %add3A_1529, %add3A_1530 : i32
      %get3A_1532 = arith.index_cast %add3A_1531 : i32 to index
      %get3A_1533 = arith.constant 16 : index
      %get3A_1534 = tpu.vector_load %arg7[%get3A_1532, %get3A_1533] {strides = array<i32>} : memref<1280x32xf32, #tpu.memory_space<vmem>>, vector<1x16xf32>,
      %get3A_1535 = vector.shape_cast %get3A_1534 : vector<1x16xf32> to vector<16xf32>
      %add3A_1536 = arith.addf %add3A_1504, %get3A_1535 : vector<16xf32>
      %add3A_1537 = arith.constant 12 : i32
      %add3A_1538 = arith.addi %mul3A_1357, %add3A_1537 : i32
      %get3A_1539 = arith.index_cast %add3A_1538 : i32 to index
      %get3A_1540 = arith.constant 0 : index
      %get3A_1541 = tpu.vector_load %arg7[%get3A_1539, %get3A_1540] {strides = array<i32>} : memref<1280x32xf32, #tpu.memory_space<vmem>>, vector<1x16xf32>,
      %get3A_1542 = vector.shape_cast %get3A_1541 : vector<1x16xf32> to vector<16xf32>
      %add3A_1543 = arith.addf %add3A_1511, %get3A_1542 : vector<16xf32>
      %add3A_1544 = arith.constant 12 : i32
      %add3A_1545 = arith.addi %mul3A_1357, %add3A_1544 : i32
      %get3A_1546 = arith.index_cast %add3A_1545 : i32 to index
      %get3A_1547 = arith.constant 16 : index
      %get3A_1548 = tpu.vector_load %arg7[%get3A_1546, %get3A_1547] {strides = array<i32>} : memref<1280x32xf32, #tpu.memory_space<vmem>>, vector<1x16xf32>,
      %get3A_1549 = vector.shape_cast %get3A_1548 : vector<1x16xf32> to vector<16xf32>
      %add3A_1550 = arith.addf %add3A_1518, %get3A_1549 : vector<16xf32>
      %add3A_1551 = arith.constant 12 : i32
      %add3A_1552 = arith.addi %mul3A_1357, %add3A_1551 : i32
      %add3A_1553 = arith.constant 1 : i32
      %add3A_1554 = arith.addi %add3A_1552, %add3A_1553 : i32
      %get3A_1555 = arith.index_cast %add3A_1554 : i32 to index
      %get3A_1556 = arith.constant 0 : index
      %get3A_1557 = tpu.vector_load %arg7[%get3A_1555, %get3A_1556] {strides = array<i32>} : memref<1280x32xf32, #tpu.memory_space<vmem>>, vector<1x16xf32>,
      %get3A_1558 = vector.shape_cast %get3A_1557 : vector<1x16xf32> to vector<16xf32>
      %add3A_1559 = arith.addf %add3A_1527, %get3A_1558 : vector<16xf32>
      %add3A_1560 = arith.constant 12 : i32
      %add3A_1561 = arith.addi %mul3A_1357, %add3A_1560 : i32
      %add3A_1562 = arith.constant 1 : i32
      %add3A_1563 = arith.addi %add3A_1561, %add3A_1562 : i32
      %get3A_1564 = arith.index_cast %add3A_1563 : i32 to index
      %get3A_1565 = arith.constant 16 : index
      %get3A_1566 = tpu.vector_load %arg7[%get3A_1564, %get3A_1565] {strides = array<i32>} : memref<1280x32xf32, #tpu.memory_space<vmem>>, vector<1x16xf32>,
      %get3A_1567 = vector.shape_cast %get3A_1566 : vector<1x16xf32> to vector<16xf32>
      %add3A_1568 = arith.addf %add3A_1536, %get3A_1567 : vector<16xf32>
      %add3A_1569 = arith.constant 14 : i32
      %add3A_1570 = arith.addi %mul3A_1357, %add3A_1569 : i32
      %get3A_1571 = arith.index_cast %add3A_1570 : i32 to index
      %get3A_1572 = arith.constant 0 : index
      %get3A_1573 = tpu.vector_load %arg7[%get3A_1571, %get3A_1572] {strides = array<i32>} : memref<1280x32xf32, #tpu.memory_space<vmem>>, vector<1x16xf32>,
      %get3A_1574 = vector.shape_cast %get3A_1573 : vector<1x16xf32> to vector<16xf32>
      %add3A_1575 = arith.addf %add3A_1543, %get3A_1574 : vector<16xf32>
      %add3A_1576 = arith.constant 14 : i32
      %add3A_1577 = arith.addi %mul3A_1357, %add3A_1576 : i32
      %get3A_1578 = arith.index_cast %add3A_1577 : i32 to index
      %get3A_1579 = arith.constant 16 : index
      %get3A_1580 = tpu.vector_load %arg7[%get3A_1578, %get3A_1579] {strides = array<i32>} : memref<1280x32xf32, #tpu.memory_space<vmem>>, vector<1x16xf32>,
      %get3A_1581 = vector.shape_cast %get3A_1580 : vector<1x16xf32> to vector<16xf32>
      %add3A_1582 = arith.addf %add3A_1550, %get3A_1581 : vector<16xf32>
      %add3A_1583 = arith.constant 14 : i32
      %add3A_1584 = arith.addi %mul3A_1357, %add3A_1583 : i32
      %add3A_1585 = arith.constant 1 : i32
      %add3A_1586 = arith.addi %add3A_1584, %add3A_1585 : i32
      %get3A_1587 = arith.index_cast %add3A_1586 : i32 to index
      %get3A_1588 = arith.constant 0 : index
      %get3A_1589 = tpu.vector_load %arg7[%get3A_1587, %get3A_1588] {strides = array<i32>} : memref<1280x32xf32, #tpu.memory_space<vmem>>, vector<1x16xf32>,
      %get3A_1590 = vector.shape_cast %get3A_1589 : vector<1x16xf32> to vector<16xf32>
      %add3A_1591 = arith.addf %add3A_1559, %get3A_1590 : vector<16xf32>
      %add3A_1592 = arith.constant 14 : i32
      %add3A_1593 = arith.addi %mul3A_1357, %add3A_1592 : i32
      %add3A_1594 = arith.constant 1 : i32
      %add3A_1595 = arith.addi %add3A_1593, %add3A_1594 : i32
      %get3A_1596 = arith.index_cast %add3A_1595 : i32 to index
      %get3A_1597 = arith.constant 16 : index
      %get3A_1598 = tpu.vector_load %arg7[%get3A_1596, %get3A_1597] {strides = array<i32>} : memref<1280x32xf32, #tpu.memory_space<vmem>>, vector<1x16xf32>,
      %get3A_1599 = vector.shape_cast %get3A_1598 : vector<1x16xf32> to vector<16xf32>
      %add3A_1600 = arith.addf %add3A_1568, %get3A_1599 : vector<16xf32>
      %add3A_1601 = arith.constant 16 : i32
      %add3A_1602 = arith.addi %mul3A_1357, %add3A_1601 : i32
      %get3A_1603 = arith.index_cast %add3A_1602 : i32 to index
      %get3A_1604 = arith.constant 0 : index
      %get3A_1605 = tpu.vector_load %arg7[%get3A_1603, %get3A_1604] {strides = array<i32>} : memref<1280x32xf32, #tpu.memory_space<vmem>>, vector<1x16xf32>,
      %get3A_1606 = vector.shape_cast %get3A_1605 : vector<1x16xf32> to vector<16xf32>
      %add3A_1607 = arith.addf %add3A_1575, %get3A_1606 : vector<16xf32>
      %add3A_1608 = arith.constant 16 : i32
      %add3A_1609 = arith.addi %mul3A_1357, %add3A_1608 : i32
      %get3A_1610 = arith.index_cast %add3A_1609 : i32 to index
      %get3A_1611 = arith.constant 16 : index
      %get3A_1612 = tpu.vector_load %arg7[%get3A_1610, %get3A_1611] {strides = array<i32>} : memref<1280x32xf32, #tpu.memory_space<vmem>>, vector<1x16xf32>,
      %get3A_1613 = vector.shape_cast %get3A_1612 : vector<1x16xf32> to vector<16xf32>
      %add3A_1614 = arith.addf %add3A_1582, %get3A_1613 : vector<16xf32>
      %add3A_1615 = arith.constant 16 : i32
      %add3A_1616 = arith.addi %mul3A_1357, %add3A_1615 : i32
      %add3A_1617 = arith.constant 1 : i32
      %add3A_1618 = arith.addi %add3A_1616, %add3A_1617 : i32
      %get3A_1619 = arith.index_cast %add3A_1618 : i32 to index
      %get3A_1620 = arith.constant 0 : index
      %get3A_1621 = tpu.vector_load %arg7[%get3A_1619, %get3A_1620] {strides = array<i32>} : memref<1280x32xf32, #tpu.memory_space<vmem>>, vector<1x16xf32>,
      %get3A_1622 = vector.shape_cast %get3A_1621 : vector<1x16xf32> to vector<16xf32>
      %add3A_1623 = arith.addf %add3A_1591, %get3A_1622 : vector<16xf32>
      %add3A_1624 = arith.constant 16 : i32
      %add3A_1625 = arith.addi %mul3A_1357, %add3A_1624 : i32
      %add3A_1626 = arith.constant 1 : i32
      %add3A_1627 = arith.addi %add3A_1625, %add3A_1626 : i32
      %get3A_1628 = arith.index_cast %add3A_1627 : i32 to index
      %get3A_1629 = arith.constant 16 : index
      %get3A_1630 = tpu.vector_load %arg7[%get3A_1628, %get3A_1629] {strides = array<i32>} : memref<1280x32xf32, #tpu.memory_space<vmem>>, vector<1x16xf32>,
      %get3A_1631 = vector.shape_cast %get3A_1630 : vector<1x16xf32> to vector<16xf32>
      %add3A_1632 = arith.addf %add3A_1600, %get3A_1631 : vector<16xf32>
      %add3A_1633 = arith.constant 18 : i32
      %add3A_1634 = arith.addi %mul3A_1357, %add3A_1633 : i32
      %get3A_1635 = arith.index_cast %add3A_1634 : i32 to index
      %get3A_1636 = arith.constant 0 : index
      %get3A_1637 = tpu.vector_load %arg7[%get3A_1635, %get3A_1636] {strides = array<i32>} : memref<1280x32xf32, #tpu.memory_space<vmem>>, vector<1x16xf32>,
      %get3A_1638 = vector.shape_cast %get3A_1637 : vector<1x16xf32> to vector<16xf32>
      %add3A_1639 = arith.addf %add3A_1607, %get3A_1638 : vector<16xf32>
      %add3A_1640 = arith.constant 18 : i32
      %add3A_1641 = arith.addi %mul3A_1357, %add3A_1640 : i32
      %get3A_1642 = arith.index_cast %add3A_1641 : i32 to index
      %get3A_1643 = arith.constant 16 : index
      %get3A_1644 = tpu.vector_load %arg7[%get3A_1642, %get3A_1643] {strides = array<i32>} : memref<1280x32xf32, #tpu.memory_space<vmem>>, vector<1x16xf32>,
      %get3A_1645 = vector.shape_cast %get3A_1644 : vector<1x16xf32> to vector<16xf32>
      %add3A_1646 = arith.addf %add3A_1614, %get3A_1645 : vector<16xf32>
      %add3A_1647 = arith.constant 18 : i32
      %add3A_1648 = arith.addi %mul3A_1357, %add3A_1647 : i32
      %add3A_1649 = arith.constant 1 : i32
      %add3A_1650 = arith.addi %add3A_1648, %add3A_1649 : i32
      %get3A_1651 = arith.index_cast %add3A_1650 : i32 to index
      %get3A_1652 = arith.constant 0 : index
      %get3A_1653 = tpu.vector_load %arg7[%get3A_1651, %get3A_1652] {strides = array<i32>} : memref<1280x32xf32, #tpu.memory_space<vmem>>, vector<1x16xf32>,
      %get3A_1654 = vector.shape_cast %get3A_1653 : vector<1x16xf32> to vector<16xf32>
      %add3A_1655 = arith.addf %add3A_1623, %get3A_1654 : vector<16xf32>
      %add3A_1656 = arith.constant 18 : i32
      %add3A_1657 = arith.addi %mul3A_1357, %add3A_1656 : i32
      %add3A_1658 = arith.constant 1 : i32
      %add3A_1659 = arith.addi %add3A_1657, %add3A_1658 : i32
      %get3A_1660 = arith.index_cast %add3A_1659 : i32 to index
      %get3A_1661 = arith.constant 16 : index
      %get3A_1662 = tpu.vector_load %arg7[%get3A_1660, %get3A_1661] {strides = array<i32>} : memref<1280x32xf32, #tpu.memory_space<vmem>>, vector<1x16xf32>,
      %get3A_1663 = vector.shape_cast %get3A_1662 : vector<1x16xf32> to vector<16xf32>
      %add3A_1664 = arith.addf %add3A_1632, %get3A_1663 : vector<16xf32>
      %add3A_1665 = arith.addf %add3A_1639, %add3A_1655 : vector<16xf32>
      %add3A_1666 = arith.constant 256 : i32
      %add3A_1667 = arith.addi %add3A_1666, %scan3A_1354 : i32
      %swap3A = arith.index_cast %add3A_1667 : i32 to index
      %swap3A_1668 = arith.constant 0 : index
      %swap3A_1669 = tpu.vector_load %arg9[%swap3A, %swap3A_1668] {strides = array<i32>} : memref<512x32xf32, #tpu.memory_space<vmem>>, vector<1x16xf32>,
      %swap3A_1670 = vector.shape_cast %swap3A_1669 : vector<1x16xf32> to vector<16xf32>
      %swap3A_1671 = vector.shape_cast %add3A_1665 : vector<16xf32> to vector<1x16xf32>
      tpu.vector_store %arg9[%swap3A, %swap3A_1668], %swap3A_1671 {strides = array<i32>} : memref<512x32xf32, #tpu.memory_space<vmem>>, vector<1x16xf32>,
      %add3A_1672 = arith.addf %add3A_1646, %add3A_1664 : vector<16xf32>
      %add3A_1673 = arith.constant 256 : i32
      %add3A_1674 = arith.addi %add3A_1673, %scan3A_1354 : i32
      %swap3A_1675 = arith.index_cast %add3A_1674 : i32 to index
      %swap3A_1676 = arith.constant 16 : index
      %swap3A_1677 = tpu.vector_load %arg9[%swap3A_1675, %swap3A_1676] {strides = array<i32>} : memref<512x32xf32, #tpu.memory_space<vmem>>, vector<1x16xf32>,
      %swap3A_1678 = vector.shape_cast %swap3A_1677 : vector<1x16xf32> to vector<16xf32>
      %swap3A_1679 = vector.shape_cast %add3A_1672 : vector<16xf32> to vector<1x16xf32>
      tpu.vector_store %arg9[%swap3A_1675, %swap3A_1676], %swap3A_1679 {strides = array<i32>} : memref<512x32xf32, #tpu.memory_space<vmem>>, vector<1x16xf32>,
      %scan3A_1680 = arith.constant 0 : i32
      scf.yield %scan3A_1680 : i32
    }
    %scan3A_926 = arith.constant 64 : i32
    %add3A_927 = arith.constant 7680 : i32
    %add3A_928 = arith.addi %mul3A_2, %add3A_927 : i32
    "tpu.region"() ({
      %run_scoped3A = tpu.sem_alloc : memref<!tpu.dma_semaphore, #tpu.memory_space<semaphore_mem>>
      %dma_start3A_1354 = tpu.memref_slice %arg2[%add3A_928] : memref<327680xi32, #tpu.memory_space<hbm>> -> memref<1280xi32, #tpu.memory_space<hbm>>
      %dma_start3A_1355 = tpu.memref_slice %arg2[%add3A_928] : memref<327680xi32, #tpu.memory_space<hbm>> -> memref<1280xi32, #tpu.memory_space<hbm>>
      tpu.enqueue_dma source(%dma_start3A_1355 : memref<1280xi32, #tpu.memory_space<hbm>>) target(%arg5 : memref<1280xi32, #tpu.memory_space<vmem>>) target_semaphore(%run_scoped3A : memref<!tpu.dma_semaphore, #tpu.memory_space<semaphore_mem>>)
      %dma_wait3A_1356 = tpu.memref_slice %arg2[%add3A_928] : memref<327680xi32, #tpu.memory_space<hbm>> -> memref<1280xi32, #tpu.memory_space<hbm>>
      %dma_wait3A_1357 = tpu.memref_slice %arg2[%add3A_928] : memref<327680xi32, #tpu.memory_space<hbm>> -> memref<1280xi32, #tpu.memory_space<hbm>>
      tpu.wait_dma2 semaphore(%run_scoped3A : memref<!tpu.dma_semaphore, #tpu.memory_space<semaphore_mem>>) src(%dma_wait3A_1357 : memref<1280xi32, #tpu.memory_space<hbm>>) dst(%arg5 : memref<1280xi32, #tpu.memory_space<vmem>>)
      tpu.yield
    }) : () -> ()
    %dma_start3A_929 = arith.constant 0 : i32
    %dma_start3A_930 = arith.constant 0 : i32
    %dma_start3A_931 = tpu.memref_slice %arg7[%dma_start3A_929, %dma_start3A_930] : memref<1280x32xf32, #tpu.memory_space<vmem>> -> memref<128x32xf32, #tpu.memory_space<vmem>>
    %dma_start3A_932 = arith.constant 0 : i32
    %dma_start3A_933 = tpu.memref_slice %arg5[%dma_start3A_932] : memref<1280xi32, #tpu.memory_space<vmem>> -> memref<128xi32, #tpu.memory_space<vmem>>
    %dma_start3A_934 = arith.constant 0 : i32
    %dma_start3A_935 = arith.constant 0 : i32
    %dma_start3A_936 = tpu.memref_slice %arg3[%dma_start3A_934, %dma_start3A_935] : memref<1000000x32xf32, #tpu.memory_space<hbm>> -> memref<1000000x32xf32, #tpu.memory_space<hbm>>
    tpu.enqueue_indirect_dma source(%dma_start3A_936 : memref<1000000x32xf32, #tpu.memory_space<hbm>>) target(%dma_start3A_931 : memref<128x32xf32, #tpu.memory_space<vmem>>) offsets(%dma_start3A_933 : memref<128xi32, #tpu.memory_space<vmem>>) semaphore(%arg10 : memref<!tpu.dma_semaphore, #tpu.memory_space<semaphore_mem>>)
    %dma_start3A_937 = arith.constant 128 : i32
    %dma_start3A_938 = arith.constant 0 : i32
    %dma_start3A_939 = tpu.memref_slice %arg7[%dma_start3A_937, %dma_start3A_938] : memref<1280x32xf32, #tpu.memory_space<vmem>> -> memref<128x32xf32, #tpu.memory_space<vmem>>
    %dma_start3A_940 = arith.constant 128 : i32
    %dma_start3A_941 = tpu.memref_slice %arg5[%dma_start3A_940] : memref<1280xi32, #tpu.memory_space<vmem>> -> memref<128xi32, #tpu.memory_space<vmem>>
    %dma_start3A_942 = arith.constant 0 : i32
    %dma_start3A_943 = arith.constant 0 : i32
    %dma_start3A_944 = tpu.memref_slice %arg3[%dma_start3A_942, %dma_start3A_943] : memref<1000000x32xf32, #tpu.memory_space<hbm>> -> memref<1000000x32xf32, #tpu.memory_space<hbm>>
    tpu.enqueue_indirect_dma source(%dma_start3A_944 : memref<1000000x32xf32, #tpu.memory_space<hbm>>) target(%dma_start3A_939 : memref<128x32xf32, #tpu.memory_space<vmem>>) offsets(%dma_start3A_941 : memref<128xi32, #tpu.memory_space<vmem>>) semaphore(%arg10 : memref<!tpu.dma_semaphore, #tpu.memory_space<semaphore_mem>>)
    %dma_start3A_945 = arith.constant 256 : i32
    %dma_start3A_946 = arith.constant 0 : i32
    %dma_start3A_947 = tpu.memref_slice %arg7[%dma_start3A_945, %dma_start3A_946] : memref<1280x32xf32, #tpu.memory_space<vmem>> -> memref<128x32xf32, #tpu.memory_space<vmem>>
    %dma_start3A_948 = arith.constant 256 : i32
    %dma_start3A_949 = tpu.memref_slice %arg5[%dma_start3A_948] : memref<1280xi32, #tpu.memory_space<vmem>> -> memref<128xi32, #tpu.memory_space<vmem>>
    %dma_start3A_950 = arith.constant 0 : i32
    %dma_start3A_951 = arith.constant 0 : i32
    %dma_start3A_952 = tpu.memref_slice %arg3[%dma_start3A_950, %dma_start3A_951] : memref<1000000x32xf32, #tpu.memory_space<hbm>> -> memref<1000000x32xf32, #tpu.memory_space<hbm>>
    tpu.enqueue_indirect_dma source(%dma_start3A_952 : memref<1000000x32xf32, #tpu.memory_space<hbm>>) target(%dma_start3A_947 : memref<128x32xf32, #tpu.memory_space<vmem>>) offsets(%dma_start3A_949 : memref<128xi32, #tpu.memory_space<vmem>>) semaphore(%arg10 : memref<!tpu.dma_semaphore, #tpu.memory_space<semaphore_mem>>)
    %dma_start3A_953 = arith.constant 384 : i32
    %dma_start3A_954 = arith.constant 0 : i32
    %dma_start3A_955 = tpu.memref_slice %arg7[%dma_start3A_953, %dma_start3A_954] : memref<1280x32xf32, #tpu.memory_space<vmem>> -> memref<128x32xf32, #tpu.memory_space<vmem>>
    %dma_start3A_956 = arith.constant 384 : i32
    %dma_start3A_957 = tpu.memref_slice %arg5[%dma_start3A_956] : memref<1280xi32, #tpu.memory_space<vmem>> -> memref<128xi32, #tpu.memory_space<vmem>>
    %dma_start3A_958 = arith.constant 0 : i32
    %dma_start3A_959 = arith.constant 0 : i32
    %dma_start3A_960 = tpu.memref_slice %arg3[%dma_start3A_958, %dma_start3A_959] : memref<1000000x32xf32, #tpu.memory_space<hbm>> -> memref<1000000x32xf32, #tpu.memory_space<hbm>>
    tpu.enqueue_indirect_dma source(%dma_start3A_960 : memref<1000000x32xf32, #tpu.memory_space<hbm>>) target(%dma_start3A_955 : memref<128x32xf32, #tpu.memory_space<vmem>>) offsets(%dma_start3A_957 : memref<128xi32, #tpu.memory_space<vmem>>) semaphore(%arg10 : memref<!tpu.dma_semaphore, #tpu.memory_space<semaphore_mem>>)
    %dma_start3A_961 = arith.constant 512 : i32
    %dma_start3A_962 = arith.constant 0 : i32
    %dma_start3A_963 = tpu.memref_slice %arg7[%dma_start3A_961, %dma_start3A_962] : memref<1280x32xf32, #tpu.memory_space<vmem>> -> memref<128x32xf32, #tpu.memory_space<vmem>>
    %dma_start3A_964 = arith.constant 512 : i32
    %dma_start3A_965 = tpu.memref_slice %arg5[%dma_start3A_964] : memref<1280xi32, #tpu.memory_space<vmem>> -> memref<128xi32, #tpu.memory_space<vmem>>
    %dma_start3A_966 = arith.constant 0 : i32
    %dma_start3A_967 = arith.constant 0 : i32
    %dma_start3A_968 = tpu.memref_slice %arg3[%dma_start3A_966, %dma_start3A_967] : memref<1000000x32xf32, #tpu.memory_space<hbm>> -> memref<1000000x32xf32, #tpu.memory_space<hbm>>
    tpu.enqueue_indirect_dma source(%dma_start3A_968 : memref<1000000x32xf32, #tpu.memory_space<hbm>>) target(%dma_start3A_963 : memref<128x32xf32, #tpu.memory_space<vmem>>) offsets(%dma_start3A_965 : memref<128xi32, #tpu.memory_space<vmem>>) semaphore(%arg10 : memref<!tpu.dma_semaphore, #tpu.memory_space<semaphore_mem>>)
    %dma_start3A_969 = arith.constant 640 : i32
    %dma_start3A_970 = arith.constant 0 : i32
    %dma_start3A_971 = tpu.memref_slice %arg7[%dma_start3A_969, %dma_start3A_970] : memref<1280x32xf32, #tpu.memory_space<vmem>> -> memref<128x32xf32, #tpu.memory_space<vmem>>
    %dma_start3A_972 = arith.constant 640 : i32
    %dma_start3A_973 = tpu.memref_slice %arg5[%dma_start3A_972] : memref<1280xi32, #tpu.memory_space<vmem>> -> memref<128xi32, #tpu.memory_space<vmem>>
    %dma_start3A_974 = arith.constant 0 : i32
    %dma_start3A_975 = arith.constant 0 : i32
    %dma_start3A_976 = tpu.memref_slice %arg3[%dma_start3A_974, %dma_start3A_975] : memref<1000000x32xf32, #tpu.memory_space<hbm>> -> memref<1000000x32xf32, #tpu.memory_space<hbm>>
    tpu.enqueue_indirect_dma source(%dma_start3A_976 : memref<1000000x32xf32, #tpu.memory_space<hbm>>) target(%dma_start3A_971 : memref<128x32xf32, #tpu.memory_space<vmem>>) offsets(%dma_start3A_973 : memref<128xi32, #tpu.memory_space<vmem>>) semaphore(%arg10 : memref<!tpu.dma_semaphore, #tpu.memory_space<semaphore_mem>>)
    %dma_start3A_977 = arith.constant 768 : i32
    %dma_start3A_978 = arith.constant 0 : i32
    %dma_start3A_979 = tpu.memref_slice %arg7[%dma_start3A_977, %dma_start3A_978] : memref<1280x32xf32, #tpu.memory_space<vmem>> -> memref<128x32xf32, #tpu.memory_space<vmem>>
    %dma_start3A_980 = arith.constant 768 : i32
    %dma_start3A_981 = tpu.memref_slice %arg5[%dma_start3A_980] : memref<1280xi32, #tpu.memory_space<vmem>> -> memref<128xi32, #tpu.memory_space<vmem>>
    %dma_start3A_982 = arith.constant 0 : i32
    %dma_start3A_983 = arith.constant 0 : i32
    %dma_start3A_984 = tpu.memref_slice %arg3[%dma_start3A_982, %dma_start3A_983] : memref<1000000x32xf32, #tpu.memory_space<hbm>> -> memref<1000000x32xf32, #tpu.memory_space<hbm>>
    tpu.enqueue_indirect_dma source(%dma_start3A_984 : memref<1000000x32xf32, #tpu.memory_space<hbm>>) target(%dma_start3A_979 : memref<128x32xf32, #tpu.memory_space<vmem>>) offsets(%dma_start3A_981 : memref<128xi32, #tpu.memory_space<vmem>>) semaphore(%arg10 : memref<!tpu.dma_semaphore, #tpu.memory_space<semaphore_mem>>)
    %dma_start3A_985 = arith.constant 896 : i32
    %dma_start3A_986 = arith.constant 0 : i32
    %dma_start3A_987 = tpu.memref_slice %arg7[%dma_start3A_985, %dma_start3A_986] : memref<1280x32xf32, #tpu.memory_space<vmem>> -> memref<128x32xf32, #tpu.memory_space<vmem>>
    %dma_start3A_988 = arith.constant 896 : i32
    %dma_start3A_989 = tpu.memref_slice %arg5[%dma_start3A_988] : memref<1280xi32, #tpu.memory_space<vmem>> -> memref<128xi32, #tpu.memory_space<vmem>>
    %dma_start3A_990 = arith.constant 0 : i32
    %dma_start3A_991 = arith.constant 0 : i32
    %dma_start3A_992 = tpu.memref_slice %arg3[%dma_start3A_990, %dma_start3A_991] : memref<1000000x32xf32, #tpu.memory_space<hbm>> -> memref<1000000x32xf32, #tpu.memory_space<hbm>>
    tpu.enqueue_indirect_dma source(%dma_start3A_992 : memref<1000000x32xf32, #tpu.memory_space<hbm>>) target(%dma_start3A_987 : memref<128x32xf32, #tpu.memory_space<vmem>>) offsets(%dma_start3A_989 : memref<128xi32, #tpu.memory_space<vmem>>) semaphore(%arg10 : memref<!tpu.dma_semaphore, #tpu.memory_space<semaphore_mem>>)
    %dma_start3A_993 = arith.constant 1024 : i32
    %dma_start3A_994 = arith.constant 0 : i32
    %dma_start3A_995 = tpu.memref_slice %arg7[%dma_start3A_993, %dma_start3A_994] : memref<1280x32xf32, #tpu.memory_space<vmem>> -> memref<128x32xf32, #tpu.memory_space<vmem>>
    %dma_start3A_996 = arith.constant 1024 : i32
    %dma_start3A_997 = tpu.memref_slice %arg5[%dma_start3A_996] : memref<1280xi32, #tpu.memory_space<vmem>> -> memref<128xi32, #tpu.memory_space<vmem>>
    %dma_start3A_998 = arith.constant 0 : i32
    %dma_start3A_999 = arith.constant 0 : i32
    %dma_start3A_1000 = tpu.memref_slice %arg3[%dma_start3A_998, %dma_start3A_999] : memref<1000000x32xf32, #tpu.memory_space<hbm>> -> memref<1000000x32xf32, #tpu.memory_space<hbm>>
    tpu.enqueue_indirect_dma source(%dma_start3A_1000 : memref<1000000x32xf32, #tpu.memory_space<hbm>>) target(%dma_start3A_995 : memref<128x32xf32, #tpu.memory_space<vmem>>) offsets(%dma_start3A_997 : memref<128xi32, #tpu.memory_space<vmem>>) semaphore(%arg10 : memref<!tpu.dma_semaphore, #tpu.memory_space<semaphore_mem>>)
    %dma_start3A_1001 = arith.constant 1152 : i32
    %dma_start3A_1002 = arith.constant 0 : i32
    %dma_start3A_1003 = tpu.memref_slice %arg7[%dma_start3A_1001, %dma_start3A_1002] : memref<1280x32xf32, #tpu.memory_space<vmem>> -> memref<128x32xf32, #tpu.memory_space<vmem>>
    %dma_start3A_1004 = arith.constant 1152 : i32
    %dma_start3A_1005 = tpu.memref_slice %arg5[%dma_start3A_1004] : memref<1280xi32, #tpu.memory_space<vmem>> -> memref<128xi32, #tpu.memory_space<vmem>>
    %dma_start3A_1006 = arith.constant 0 : i32
    %dma_start3A_1007 = arith.constant 0 : i32
    %dma_start3A_1008 = tpu.memref_slice %arg3[%dma_start3A_1006, %dma_start3A_1007] : memref<1000000x32xf32, #tpu.memory_space<hbm>> -> memref<1000000x32xf32, #tpu.memory_space<hbm>>
    tpu.enqueue_indirect_dma source(%dma_start3A_1008 : memref<1000000x32xf32, #tpu.memory_space<hbm>>) target(%dma_start3A_1003 : memref<128x32xf32, #tpu.memory_space<vmem>>) offsets(%dma_start3A_1005 : memref<128xi32, #tpu.memory_space<vmem>>) semaphore(%arg10 : memref<!tpu.dma_semaphore, #tpu.memory_space<semaphore_mem>>)
    %dma_wait3A_1009 = arith.constant 0 : i32
    %dma_wait3A_1010 = arith.constant 0 : i32
    %dma_wait3A_1011 = tpu.memref_slice %arg8[%dma_wait3A_1009, %dma_wait3A_1010] : memref<1280x32xf32, #tpu.memory_space<vmem>> -> memref<128x32xf32, #tpu.memory_space<vmem>>
    %dma_wait3A_1012 = arith.constant 0 : i32
    %dma_wait3A_1013 = tpu.memref_slice %arg6[%dma_wait3A_1012] : memref<1280xi32, #tpu.memory_space<vmem>> -> memref<128xi32, #tpu.memory_space<vmem>>
    %dma_wait3A_1014 = arith.constant 0 : i32
    %dma_wait3A_1015 = arith.constant 0 : i32
    %dma_wait3A_1016 = tpu.memref_slice %arg3[%dma_wait3A_1014, %dma_wait3A_1015] : memref<1000000x32xf32, #tpu.memory_space<hbm>> -> memref<1000000x32xf32, #tpu.memory_space<hbm>>
    tpu.wait_indirect_dma semaphore(%arg11 : memref<!tpu.dma_semaphore, #tpu.memory_space<semaphore_mem>>) src(%dma_wait3A_1016 : memref<1000000x32xf32, #tpu.memory_space<hbm>>) dst(%dma_wait3A_1011 : memref<128x32xf32, #tpu.memory_space<vmem>>)
    %dma_wait3A_1017 = arith.constant 128 : i32
    %dma_wait3A_1018 = arith.constant 0 : i32
    %dma_wait3A_1019 = tpu.memref_slice %arg8[%dma_wait3A_1017, %dma_wait3A_1018] : memref<1280x32xf32, #tpu.memory_space<vmem>> -> memref<128x32xf32, #tpu.memory_space<vmem>>
    %dma_wait3A_1020 = arith.constant 128 : i32
    %dma_wait3A_1021 = tpu.memref_slice %arg6[%dma_wait3A_1020] : memref<1280xi32, #tpu.memory_space<vmem>> -> memref<128xi32, #tpu.memory_space<vmem>>
    %dma_wait3A_1022 = arith.constant 0 : i32
    %dma_wait3A_1023 = arith.constant 0 : i32
    %dma_wait3A_1024 = tpu.memref_slice %arg3[%dma_wait3A_1022, %dma_wait3A_1023] : memref<1000000x32xf32, #tpu.memory_space<hbm>> -> memref<1000000x32xf32, #tpu.memory_space<hbm>>
    tpu.wait_indirect_dma semaphore(%arg11 : memref<!tpu.dma_semaphore, #tpu.memory_space<semaphore_mem>>) src(%dma_wait3A_1024 : memref<1000000x32xf32, #tpu.memory_space<hbm>>) dst(%dma_wait3A_1019 : memref<128x32xf32, #tpu.memory_space<vmem>>)
    %dma_wait3A_1025 = arith.constant 256 : i32
    %dma_wait3A_1026 = arith.constant 0 : i32
    %dma_wait3A_1027 = tpu.memref_slice %arg8[%dma_wait3A_1025, %dma_wait3A_1026] : memref<1280x32xf32, #tpu.memory_space<vmem>> -> memref<128x32xf32, #tpu.memory_space<vmem>>
    %dma_wait3A_1028 = arith.constant 256 : i32
    %dma_wait3A_1029 = tpu.memref_slice %arg6[%dma_wait3A_1028] : memref<1280xi32, #tpu.memory_space<vmem>> -> memref<128xi32, #tpu.memory_space<vmem>>
    %dma_wait3A_1030 = arith.constant 0 : i32
    %dma_wait3A_1031 = arith.constant 0 : i32
    %dma_wait3A_1032 = tpu.memref_slice %arg3[%dma_wait3A_1030, %dma_wait3A_1031] : memref<1000000x32xf32, #tpu.memory_space<hbm>> -> memref<1000000x32xf32, #tpu.memory_space<hbm>>
    tpu.wait_indirect_dma semaphore(%arg11 : memref<!tpu.dma_semaphore, #tpu.memory_space<semaphore_mem>>) src(%dma_wait3A_1032 : memref<1000000x32xf32, #tpu.memory_space<hbm>>) dst(%dma_wait3A_1027 : memref<128x32xf32, #tpu.memory_space<vmem>>)
    %dma_wait3A_1033 = arith.constant 384 : i32
    %dma_wait3A_1034 = arith.constant 0 : i32
    %dma_wait3A_1035 = tpu.memref_slice %arg8[%dma_wait3A_1033, %dma_wait3A_1034] : memref<1280x32xf32, #tpu.memory_space<vmem>> -> memref<128x32xf32, #tpu.memory_space<vmem>>
    %dma_wait3A_1036 = arith.constant 384 : i32
    %dma_wait3A_1037 = tpu.memref_slice %arg6[%dma_wait3A_1036] : memref<1280xi32, #tpu.memory_space<vmem>> -> memref<128xi32, #tpu.memory_space<vmem>>
    %dma_wait3A_1038 = arith.constant 0 : i32
    %dma_wait3A_1039 = arith.constant 0 : i32
    %dma_wait3A_1040 = tpu.memref_slice %arg3[%dma_wait3A_1038, %dma_wait3A_1039] : memref<1000000x32xf32, #tpu.memory_space<hbm>> -> memref<1000000x32xf32, #tpu.memory_space<hbm>>
    tpu.wait_indirect_dma semaphore(%arg11 : memref<!tpu.dma_semaphore, #tpu.memory_space<semaphore_mem>>) src(%dma_wait3A_1040 : memref<1000000x32xf32, #tpu.memory_space<hbm>>) dst(%dma_wait3A_1035 : memref<128x32xf32, #tpu.memory_space<vmem>>)
    %dma_wait3A_1041 = arith.constant 512 : i32
    %dma_wait3A_1042 = arith.constant 0 : i32
    %dma_wait3A_1043 = tpu.memref_slice %arg8[%dma_wait3A_1041, %dma_wait3A_1042] : memref<1280x32xf32, #tpu.memory_space<vmem>> -> memref<128x32xf32, #tpu.memory_space<vmem>>
    %dma_wait3A_1044 = arith.constant 512 : i32
    %dma_wait3A_1045 = tpu.memref_slice %arg6[%dma_wait3A_1044] : memref<1280xi32, #tpu.memory_space<vmem>> -> memref<128xi32, #tpu.memory_space<vmem>>
    %dma_wait3A_1046 = arith.constant 0 : i32
    %dma_wait3A_1047 = arith.constant 0 : i32
    %dma_wait3A_1048 = tpu.memref_slice %arg3[%dma_wait3A_1046, %dma_wait3A_1047] : memref<1000000x32xf32, #tpu.memory_space<hbm>> -> memref<1000000x32xf32, #tpu.memory_space<hbm>>
    tpu.wait_indirect_dma semaphore(%arg11 : memref<!tpu.dma_semaphore, #tpu.memory_space<semaphore_mem>>) src(%dma_wait3A_1048 : memref<1000000x32xf32, #tpu.memory_space<hbm>>) dst(%dma_wait3A_1043 : memref<128x32xf32, #tpu.memory_space<vmem>>)
    %dma_wait3A_1049 = arith.constant 640 : i32
    %dma_wait3A_1050 = arith.constant 0 : i32
    %dma_wait3A_1051 = tpu.memref_slice %arg8[%dma_wait3A_1049, %dma_wait3A_1050] : memref<1280x32xf32, #tpu.memory_space<vmem>> -> memref<128x32xf32, #tpu.memory_space<vmem>>
    %dma_wait3A_1052 = arith.constant 640 : i32
    %dma_wait3A_1053 = tpu.memref_slice %arg6[%dma_wait3A_1052] : memref<1280xi32, #tpu.memory_space<vmem>> -> memref<128xi32, #tpu.memory_space<vmem>>
    %dma_wait3A_1054 = arith.constant 0 : i32
    %dma_wait3A_1055 = arith.constant 0 : i32
    %dma_wait3A_1056 = tpu.memref_slice %arg3[%dma_wait3A_1054, %dma_wait3A_1055] : memref<1000000x32xf32, #tpu.memory_space<hbm>> -> memref<1000000x32xf32, #tpu.memory_space<hbm>>
    tpu.wait_indirect_dma semaphore(%arg11 : memref<!tpu.dma_semaphore, #tpu.memory_space<semaphore_mem>>) src(%dma_wait3A_1056 : memref<1000000x32xf32, #tpu.memory_space<hbm>>) dst(%dma_wait3A_1051 : memref<128x32xf32, #tpu.memory_space<vmem>>)
    %dma_wait3A_1057 = arith.constant 768 : i32
    %dma_wait3A_1058 = arith.constant 0 : i32
    %dma_wait3A_1059 = tpu.memref_slice %arg8[%dma_wait3A_1057, %dma_wait3A_1058] : memref<1280x32xf32, #tpu.memory_space<vmem>> -> memref<128x32xf32, #tpu.memory_space<vmem>>
    %dma_wait3A_1060 = arith.constant 768 : i32
    %dma_wait3A_1061 = tpu.memref_slice %arg6[%dma_wait3A_1060] : memref<1280xi32, #tpu.memory_space<vmem>> -> memref<128xi32, #tpu.memory_space<vmem>>
    %dma_wait3A_1062 = arith.constant 0 : i32
    %dma_wait3A_1063 = arith.constant 0 : i32
    %dma_wait3A_1064 = tpu.memref_slice %arg3[%dma_wait3A_1062, %dma_wait3A_1063] : memref<1000000x32xf32, #tpu.memory_space<hbm>> -> memref<1000000x32xf32, #tpu.memory_space<hbm>>
    tpu.wait_indirect_dma semaphore(%arg11 : memref<!tpu.dma_semaphore, #tpu.memory_space<semaphore_mem>>) src(%dma_wait3A_1064 : memref<1000000x32xf32, #tpu.memory_space<hbm>>) dst(%dma_wait3A_1059 : memref<128x32xf32, #tpu.memory_space<vmem>>)
    %dma_wait3A_1065 = arith.constant 896 : i32
    %dma_wait3A_1066 = arith.constant 0 : i32
    %dma_wait3A_1067 = tpu.memref_slice %arg8[%dma_wait3A_1065, %dma_wait3A_1066] : memref<1280x32xf32, #tpu.memory_space<vmem>> -> memref<128x32xf32, #tpu.memory_space<vmem>>
    %dma_wait3A_1068 = arith.constant 896 : i32
    %dma_wait3A_1069 = tpu.memref_slice %arg6[%dma_wait3A_1068] : memref<1280xi32, #tpu.memory_space<vmem>> -> memref<128xi32, #tpu.memory_space<vmem>>
    %dma_wait3A_1070 = arith.constant 0 : i32
    %dma_wait3A_1071 = arith.constant 0 : i32
    %dma_wait3A_1072 = tpu.memref_slice %arg3[%dma_wait3A_1070, %dma_wait3A_1071] : memref<1000000x32xf32, #tpu.memory_space<hbm>> -> memref<1000000x32xf32, #tpu.memory_space<hbm>>
    tpu.wait_indirect_dma semaphore(%arg11 : memref<!tpu.dma_semaphore, #tpu.memory_space<semaphore_mem>>) src(%dma_wait3A_1072 : memref<1000000x32xf32, #tpu.memory_space<hbm>>) dst(%dma_wait3A_1067 : memref<128x32xf32, #tpu.memory_space<vmem>>)
    %dma_wait3A_1073 = arith.constant 1024 : i32
    %dma_wait3A_1074 = arith.constant 0 : i32
    %dma_wait3A_1075 = tpu.memref_slice %arg8[%dma_wait3A_1073, %dma_wait3A_1074] : memref<1280x32xf32, #tpu.memory_space<vmem>> -> memref<128x32xf32, #tpu.memory_space<vmem>>
    %dma_wait3A_1076 = arith.constant 1024 : i32
    %dma_wait3A_1077 = tpu.memref_slice %arg6[%dma_wait3A_1076] : memref<1280xi32, #tpu.memory_space<vmem>> -> memref<128xi32, #tpu.memory_space<vmem>>
    %dma_wait3A_1078 = arith.constant 0 : i32
    %dma_wait3A_1079 = arith.constant 0 : i32
    %dma_wait3A_1080 = tpu.memref_slice %arg3[%dma_wait3A_1078, %dma_wait3A_1079] : memref<1000000x32xf32, #tpu.memory_space<hbm>> -> memref<1000000x32xf32, #tpu.memory_space<hbm>>
    tpu.wait_indirect_dma semaphore(%arg11 : memref<!tpu.dma_semaphore, #tpu.memory_space<semaphore_mem>>) src(%dma_wait3A_1080 : memref<1000000x32xf32, #tpu.memory_space<hbm>>) dst(%dma_wait3A_1075 : memref<128x32xf32, #tpu.memory_space<vmem>>)
    %dma_wait3A_1081 = arith.constant 1152 : i32
    %dma_wait3A_1082 = arith.constant 0 : i32
    %dma_wait3A_1083 = tpu.memref_slice %arg8[%dma_wait3A_1081, %dma_wait3A_1082] : memref<1280x32xf32, #tpu.memory_space<vmem>> -> memref<128x32xf32, #tpu.memory_space<vmem>>
    %dma_wait3A_1084 = arith.constant 1152 : i32
    %dma_wait3A_1085 = tpu.memref_slice %arg6[%dma_wait3A_1084] : memref<1280xi32, #tpu.memory_space<vmem>> -> memref<128xi32, #tpu.memory_space<vmem>>
    %dma_wait3A_1086 = arith.constant 0 : i32
    %dma_wait3A_1087 = arith.constant 0 : i32
    %dma_wait3A_1088 = tpu.memref_slice %arg3[%dma_wait3A_1086, %dma_wait3A_1087] : memref<1000000x32xf32, #tpu.memory_space<hbm>> -> memref<1000000x32xf32, #tpu.memory_space<hbm>>
    tpu.wait_indirect_dma semaphore(%arg11 : memref<!tpu.dma_semaphore, #tpu.memory_space<semaphore_mem>>) src(%dma_wait3A_1088 : memref<1000000x32xf32, #tpu.memory_space<hbm>>) dst(%dma_wait3A_1083 : memref<128x32xf32, #tpu.memory_space<vmem>>)
    %scan3A_1089 = arith.constant 0 : i32
    %scan3A_1090 = arith.constant 0 : i32
    %scan3A_1091 = arith.constant 64 : i32
    %scan3A_1092 = arith.addi %scan3A_1090, %scan3A_1091 : i32
    %scan3A_1093 = arith.constant 1 : i32
    %scan3A_1094 = scf.for %scan3A_1354 = %scan3A_1090 to %scan3A_1092 step %scan3A_1093 iter_args(%scan3A_1355 = %scan3A_1089) -> (i32)  : i32 {
      %mul3A_1356 = arith.constant 20 : i32
      %mul3A_1357 = arith.muli %scan3A_1354, %mul3A_1356 : i32
      %get3A = arith.index_cast %mul3A_1357 : i32 to index
      %get3A_1358 = arith.constant 0 : index
      %get3A_1359 = tpu.vector_load %arg8[%get3A, %get3A_1358] {strides = array<i32>} : memref<1280x32xf32, #tpu.memory_space<vmem>>, vector<1x16xf32>,
      %get3A_1360 = vector.shape_cast %get3A_1359 : vector<1x16xf32> to vector<16xf32>
      %get3A_1361 = arith.index_cast %mul3A_1357 : i32 to index
      %get3A_1362 = arith.constant 16 : index
      %get3A_1363 = tpu.vector_load %arg8[%get3A_1361, %get3A_1362] {strides = array<i32>} : memref<1280x32xf32, #tpu.memory_space<vmem>>, vector<1x16xf32>,
      %get3A_1364 = vector.shape_cast %get3A_1363 : vector<1x16xf32> to vector<16xf32>
      %add3A_1365 = arith.constant 1 : i32
      %add3A_1366 = arith.addi %mul3A_1357, %add3A_1365 : i32
      %get3A_1367 = arith.index_cast %add3A_1366 : i32 to index
      %get3A_1368 = arith.constant 0 : index
      %get3A_1369 = tpu.vector_load %arg8[%get3A_1367, %get3A_1368] {strides = array<i32>} : memref<1280x32xf32, #tpu.memory_space<vmem>>, vector<1x16xf32>,
      %get3A_1370 = vector.shape_cast %get3A_1369 : vector<1x16xf32> to vector<16xf32>
      %add3A_1371 = arith.constant 1 : i32
      %add3A_1372 = arith.addi %mul3A_1357, %add3A_1371 : i32
      %get3A_1373 = arith.index_cast %add3A_1372 : i32 to index
      %get3A_1374 = arith.constant 16 : index
      %get3A_1375 = tpu.vector_load %arg8[%get3A_1373, %get3A_1374] {strides = array<i32>} : memref<1280x32xf32, #tpu.memory_space<vmem>>, vector<1x16xf32>,
      %get3A_1376 = vector.shape_cast %get3A_1375 : vector<1x16xf32> to vector<16xf32>
      %add3A_1377 = arith.constant 2 : i32
      %add3A_1378 = arith.addi %mul3A_1357, %add3A_1377 : i32
      %get3A_1379 = arith.index_cast %add3A_1378 : i32 to index
      %get3A_1380 = arith.constant 0 : index
      %get3A_1381 = tpu.vector_load %arg8[%get3A_1379, %get3A_1380] {strides = array<i32>} : memref<1280x32xf32, #tpu.memory_space<vmem>>, vector<1x16xf32>,
      %get3A_1382 = vector.shape_cast %get3A_1381 : vector<1x16xf32> to vector<16xf32>
      %add3A_1383 = arith.addf %get3A_1360, %get3A_1382 : vector<16xf32>
      %add3A_1384 = arith.constant 2 : i32
      %add3A_1385 = arith.addi %mul3A_1357, %add3A_1384 : i32
      %get3A_1386 = arith.index_cast %add3A_1385 : i32 to index
      %get3A_1387 = arith.constant 16 : index
      %get3A_1388 = tpu.vector_load %arg8[%get3A_1386, %get3A_1387] {strides = array<i32>} : memref<1280x32xf32, #tpu.memory_space<vmem>>, vector<1x16xf32>,
      %get3A_1389 = vector.shape_cast %get3A_1388 : vector<1x16xf32> to vector<16xf32>
      %add3A_1390 = arith.addf %get3A_1364, %get3A_1389 : vector<16xf32>
      %add3A_1391 = arith.constant 2 : i32
      %add3A_1392 = arith.addi %mul3A_1357, %add3A_1391 : i32
      %add3A_1393 = arith.constant 1 : i32
      %add3A_1394 = arith.addi %add3A_1392, %add3A_1393 : i32
      %get3A_1395 = arith.index_cast %add3A_1394 : i32 to index
      %get3A_1396 = arith.constant 0 : index
      %get3A_1397 = tpu.vector_load %arg8[%get3A_1395, %get3A_1396] {strides = array<i32>} : memref<1280x32xf32, #tpu.memory_space<vmem>>, vector<1x16xf32>,
      %get3A_1398 = vector.shape_cast %get3A_1397 : vector<1x16xf32> to vector<16xf32>
      %add3A_1399 = arith.addf %get3A_1370, %get3A_1398 : vector<16xf32>
      %add3A_1400 = arith.constant 2 : i32
      %add3A_1401 = arith.addi %mul3A_1357, %add3A_1400 : i32
      %add3A_1402 = arith.constant 1 : i32
      %add3A_1403 = arith.addi %add3A_1401, %add3A_1402 : i32
      %get3A_1404 = arith.index_cast %add3A_1403 : i32 to index
      %get3A_1405 = arith.constant 16 : index
      %get3A_1406 = tpu.vector_load %arg8[%get3A_1404, %get3A_1405] {strides = array<i32>} : memref<1280x32xf32, #tpu.memory_space<vmem>>, vector<1x16xf32>,
      %get3A_1407 = vector.shape_cast %get3A_1406 : vector<1x16xf32> to vector<16xf32>
      %add3A_1408 = arith.addf %get3A_1376, %get3A_1407 : vector<16xf32>
      %add3A_1409 = arith.constant 4 : i32
      %add3A_1410 = arith.addi %mul3A_1357, %add3A_1409 : i32
      %get3A_1411 = arith.index_cast %add3A_1410 : i32 to index
      %get3A_1412 = arith.constant 0 : index
      %get3A_1413 = tpu.vector_load %arg8[%get3A_1411, %get3A_1412] {strides = array<i32>} : memref<1280x32xf32, #tpu.memory_space<vmem>>, vector<1x16xf32>,
      %get3A_1414 = vector.shape_cast %get3A_1413 : vector<1x16xf32> to vector<16xf32>
      %add3A_1415 = arith.addf %add3A_1383, %get3A_1414 : vector<16xf32>
      %add3A_1416 = arith.constant 4 : i32
      %add3A_1417 = arith.addi %mul3A_1357, %add3A_1416 : i32
      %get3A_1418 = arith.index_cast %add3A_1417 : i32 to index
      %get3A_1419 = arith.constant 16 : index
      %get3A_1420 = tpu.vector_load %arg8[%get3A_1418, %get3A_1419] {strides = array<i32>} : memref<1280x32xf32, #tpu.memory_space<vmem>>, vector<1x16xf32>,
      %get3A_1421 = vector.shape_cast %get3A_1420 : vector<1x16xf32> to vector<16xf32>
      %add3A_1422 = arith.addf %add3A_1390, %get3A_1421 : vector<16xf32>
      %add3A_1423 = arith.constant 4 : i32
      %add3A_1424 = arith.addi %mul3A_1357, %add3A_1423 : i32
      %add3A_1425 = arith.constant 1 : i32
      %add3A_1426 = arith.addi %add3A_1424, %add3A_1425 : i32
      %get3A_1427 = arith.index_cast %add3A_1426 : i32 to index
      %get3A_1428 = arith.constant 0 : index
      %get3A_1429 = tpu.vector_load %arg8[%get3A_1427, %get3A_1428] {strides = array<i32>} : memref<1280x32xf32, #tpu.memory_space<vmem>>, vector<1x16xf32>,
      %get3A_1430 = vector.shape_cast %get3A_1429 : vector<1x16xf32> to vector<16xf32>
      %add3A_1431 = arith.addf %add3A_1399, %get3A_1430 : vector<16xf32>
      %add3A_1432 = arith.constant 4 : i32
      %add3A_1433 = arith.addi %mul3A_1357, %add3A_1432 : i32
      %add3A_1434 = arith.constant 1 : i32
      %add3A_1435 = arith.addi %add3A_1433, %add3A_1434 : i32
      %get3A_1436 = arith.index_cast %add3A_1435 : i32 to index
      %get3A_1437 = arith.constant 16 : index
      %get3A_1438 = tpu.vector_load %arg8[%get3A_1436, %get3A_1437] {strides = array<i32>} : memref<1280x32xf32, #tpu.memory_space<vmem>>, vector<1x16xf32>,
      %get3A_1439 = vector.shape_cast %get3A_1438 : vector<1x16xf32> to vector<16xf32>
      %add3A_1440 = arith.addf %add3A_1408, %get3A_1439 : vector<16xf32>
      %add3A_1441 = arith.constant 6 : i32
      %add3A_1442 = arith.addi %mul3A_1357, %add3A_1441 : i32
      %get3A_1443 = arith.index_cast %add3A_1442 : i32 to index
      %get3A_1444 = arith.constant 0 : index
      %get3A_1445 = tpu.vector_load %arg8[%get3A_1443, %get3A_1444] {strides = array<i32>} : memref<1280x32xf32, #tpu.memory_space<vmem>>, vector<1x16xf32>,
      %get3A_1446 = vector.shape_cast %get3A_1445 : vector<1x16xf32> to vector<16xf32>
      %add3A_1447 = arith.addf %add3A_1415, %get3A_1446 : vector<16xf32>
      %add3A_1448 = arith.constant 6 : i32
      %add3A_1449 = arith.addi %mul3A_1357, %add3A_1448 : i32
      %get3A_1450 = arith.index_cast %add3A_1449 : i32 to index
      %get3A_1451 = arith.constant 16 : index
      %get3A_1452 = tpu.vector_load %arg8[%get3A_1450, %get3A_1451] {strides = array<i32>} : memref<1280x32xf32, #tpu.memory_space<vmem>>, vector<1x16xf32>,
      %get3A_1453 = vector.shape_cast %get3A_1452 : vector<1x16xf32> to vector<16xf32>
      %add3A_1454 = arith.addf %add3A_1422, %get3A_1453 : vector<16xf32>
      %add3A_1455 = arith.constant 6 : i32
      %add3A_1456 = arith.addi %mul3A_1357, %add3A_1455 : i32
      %add3A_1457 = arith.constant 1 : i32
      %add3A_1458 = arith.addi %add3A_1456, %add3A_1457 : i32
      %get3A_1459 = arith.index_cast %add3A_1458 : i32 to index
      %get3A_1460 = arith.constant 0 : index
      %get3A_1461 = tpu.vector_load %arg8[%get3A_1459, %get3A_1460] {strides = array<i32>} : memref<1280x32xf32, #tpu.memory_space<vmem>>, vector<1x16xf32>,
      %get3A_1462 = vector.shape_cast %get3A_1461 : vector<1x16xf32> to vector<16xf32>
      %add3A_1463 = arith.addf %add3A_1431, %get3A_1462 : vector<16xf32>
      %add3A_1464 = arith.constant 6 : i32
      %add3A_1465 = arith.addi %mul3A_1357, %add3A_1464 : i32
      %add3A_1466 = arith.constant 1 : i32
      %add3A_1467 = arith.addi %add3A_1465, %add3A_1466 : i32
      %get3A_1468 = arith.index_cast %add3A_1467 : i32 to index
      %get3A_1469 = arith.constant 16 : index
      %get3A_1470 = tpu.vector_load %arg8[%get3A_1468, %get3A_1469] {strides = array<i32>} : memref<1280x32xf32, #tpu.memory_space<vmem>>, vector<1x16xf32>,
      %get3A_1471 = vector.shape_cast %get3A_1470 : vector<1x16xf32> to vector<16xf32>
      %add3A_1472 = arith.addf %add3A_1440, %get3A_1471 : vector<16xf32>
      %add3A_1473 = arith.constant 8 : i32
      %add3A_1474 = arith.addi %mul3A_1357, %add3A_1473 : i32
      %get3A_1475 = arith.index_cast %add3A_1474 : i32 to index
      %get3A_1476 = arith.constant 0 : index
      %get3A_1477 = tpu.vector_load %arg8[%get3A_1475, %get3A_1476] {strides = array<i32>} : memref<1280x32xf32, #tpu.memory_space<vmem>>, vector<1x16xf32>,
      %get3A_1478 = vector.shape_cast %get3A_1477 : vector<1x16xf32> to vector<16xf32>
      %add3A_1479 = arith.addf %add3A_1447, %get3A_1478 : vector<16xf32>
      %add3A_1480 = arith.constant 8 : i32
      %add3A_1481 = arith.addi %mul3A_1357, %add3A_1480 : i32
      %get3A_1482 = arith.index_cast %add3A_1481 : i32 to index
      %get3A_1483 = arith.constant 16 : index
      %get3A_1484 = tpu.vector_load %arg8[%get3A_1482, %get3A_1483] {strides = array<i32>} : memref<1280x32xf32, #tpu.memory_space<vmem>>, vector<1x16xf32>,
      %get3A_1485 = vector.shape_cast %get3A_1484 : vector<1x16xf32> to vector<16xf32>
      %add3A_1486 = arith.addf %add3A_1454, %get3A_1485 : vector<16xf32>
      %add3A_1487 = arith.constant 8 : i32
      %add3A_1488 = arith.addi %mul3A_1357, %add3A_1487 : i32
      %add3A_1489 = arith.constant 1 : i32
      %add3A_1490 = arith.addi %add3A_1488, %add3A_1489 : i32
      %get3A_1491 = arith.index_cast %add3A_1490 : i32 to index
      %get3A_1492 = arith.constant 0 : index
      %get3A_1493 = tpu.vector_load %arg8[%get3A_1491, %get3A_1492] {strides = array<i32>} : memref<1280x32xf32, #tpu.memory_space<vmem>>, vector<1x16xf32>,
      %get3A_1494 = vector.shape_cast %get3A_1493 : vector<1x16xf32> to vector<16xf32>
      %add3A_1495 = arith.addf %add3A_1463, %get3A_1494 : vector<16xf32>
      %add3A_1496 = arith.constant 8 : i32
      %add3A_1497 = arith.addi %mul3A_1357, %add3A_1496 : i32
      %add3A_1498 = arith.constant 1 : i32
      %add3A_1499 = arith.addi %add3A_1497, %add3A_1498 : i32
      %get3A_1500 = arith.index_cast %add3A_1499 : i32 to index
      %get3A_1501 = arith.constant 16 : index
      %get3A_1502 = tpu.vector_load %arg8[%get3A_1500, %get3A_1501] {strides = array<i32>} : memref<1280x32xf32, #tpu.memory_space<vmem>>, vector<1x16xf32>,
      %get3A_1503 = vector.shape_cast %get3A_1502 : vector<1x16xf32> to vector<16xf32>
      %add3A_1504 = arith.addf %add3A_1472, %get3A_1503 : vector<16xf32>
      %add3A_1505 = arith.constant 10 : i32
      %add3A_1506 = arith.addi %mul3A_1357, %add3A_1505 : i32
      %get3A_1507 = arith.index_cast %add3A_1506 : i32 to index
      %get3A_1508 = arith.constant 0 : index
      %get3A_1509 = tpu.vector_load %arg8[%get3A_1507, %get3A_1508] {strides = array<i32>} : memref<1280x32xf32, #tpu.memory_space<vmem>>, vector<1x16xf32>,
      %get3A_1510 = vector.shape_cast %get3A_1509 : vector<1x16xf32> to vector<16xf32>
      %add3A_1511 = arith.addf %add3A_1479, %get3A_1510 : vector<16xf32>
      %add3A_1512 = arith.constant 10 : i32
      %add3A_1513 = arith.addi %mul3A_1357, %add3A_1512 : i32
      %get3A_1514 = arith.index_cast %add3A_1513 : i32 to index
      %get3A_1515 = arith.constant 16 : index
      %get3A_1516 = tpu.vector_load %arg8[%get3A_1514, %get3A_1515] {strides = array<i32>} : memref<1280x32xf32, #tpu.memory_space<vmem>>, vector<1x16xf32>,
      %get3A_1517 = vector.shape_cast %get3A_1516 : vector<1x16xf32> to vector<16xf32>
      %add3A_1518 = arith.addf %add3A_1486, %get3A_1517 : vector<16xf32>
      %add3A_1519 = arith.constant 10 : i32
      %add3A_1520 = arith.addi %mul3A_1357, %add3A_1519 : i32
      %add3A_1521 = arith.constant 1 : i32
      %add3A_1522 = arith.addi %add3A_1520, %add3A_1521 : i32
      %get3A_1523 = arith.index_cast %add3A_1522 : i32 to index
      %get3A_1524 = arith.constant 0 : index
      %get3A_1525 = tpu.vector_load %arg8[%get3A_1523, %get3A_1524] {strides = array<i32>} : memref<1280x32xf32, #tpu.memory_space<vmem>>, vector<1x16xf32>,
      %get3A_1526 = vector.shape_cast %get3A_1525 : vector<1x16xf32> to vector<16xf32>
      %add3A_1527 = arith.addf %add3A_1495, %get3A_1526 : vector<16xf32>
      %add3A_1528 = arith.constant 10 : i32
      %add3A_1529 = arith.addi %mul3A_1357, %add3A_1528 : i32
      %add3A_1530 = arith.constant 1 : i32
      %add3A_1531 = arith.addi %add3A_1529, %add3A_1530 : i32
      %get3A_1532 = arith.index_cast %add3A_1531 : i32 to index
      %get3A_1533 = arith.constant 16 : index
      %get3A_1534 = tpu.vector_load %arg8[%get3A_1532, %get3A_1533] {strides = array<i32>} : memref<1280x32xf32, #tpu.memory_space<vmem>>, vector<1x16xf32>,
      %get3A_1535 = vector.shape_cast %get3A_1534 : vector<1x16xf32> to vector<16xf32>
      %add3A_1536 = arith.addf %add3A_1504, %get3A_1535 : vector<16xf32>
      %add3A_1537 = arith.constant 12 : i32
      %add3A_1538 = arith.addi %mul3A_1357, %add3A_1537 : i32
      %get3A_1539 = arith.index_cast %add3A_1538 : i32 to index
      %get3A_1540 = arith.constant 0 : index
      %get3A_1541 = tpu.vector_load %arg8[%get3A_1539, %get3A_1540] {strides = array<i32>} : memref<1280x32xf32, #tpu.memory_space<vmem>>, vector<1x16xf32>,
      %get3A_1542 = vector.shape_cast %get3A_1541 : vector<1x16xf32> to vector<16xf32>
      %add3A_1543 = arith.addf %add3A_1511, %get3A_1542 : vector<16xf32>
      %add3A_1544 = arith.constant 12 : i32
      %add3A_1545 = arith.addi %mul3A_1357, %add3A_1544 : i32
      %get3A_1546 = arith.index_cast %add3A_1545 : i32 to index
      %get3A_1547 = arith.constant 16 : index
      %get3A_1548 = tpu.vector_load %arg8[%get3A_1546, %get3A_1547] {strides = array<i32>} : memref<1280x32xf32, #tpu.memory_space<vmem>>, vector<1x16xf32>,
      %get3A_1549 = vector.shape_cast %get3A_1548 : vector<1x16xf32> to vector<16xf32>
      %add3A_1550 = arith.addf %add3A_1518, %get3A_1549 : vector<16xf32>
      %add3A_1551 = arith.constant 12 : i32
      %add3A_1552 = arith.addi %mul3A_1357, %add3A_1551 : i32
      %add3A_1553 = arith.constant 1 : i32
      %add3A_1554 = arith.addi %add3A_1552, %add3A_1553 : i32
      %get3A_1555 = arith.index_cast %add3A_1554 : i32 to index
      %get3A_1556 = arith.constant 0 : index
      %get3A_1557 = tpu.vector_load %arg8[%get3A_1555, %get3A_1556] {strides = array<i32>} : memref<1280x32xf32, #tpu.memory_space<vmem>>, vector<1x16xf32>,
      %get3A_1558 = vector.shape_cast %get3A_1557 : vector<1x16xf32> to vector<16xf32>
      %add3A_1559 = arith.addf %add3A_1527, %get3A_1558 : vector<16xf32>
      %add3A_1560 = arith.constant 12 : i32
      %add3A_1561 = arith.addi %mul3A_1357, %add3A_1560 : i32
      %add3A_1562 = arith.constant 1 : i32
      %add3A_1563 = arith.addi %add3A_1561, %add3A_1562 : i32
      %get3A_1564 = arith.index_cast %add3A_1563 : i32 to index
      %get3A_1565 = arith.constant 16 : index
      %get3A_1566 = tpu.vector_load %arg8[%get3A_1564, %get3A_1565] {strides = array<i32>} : memref<1280x32xf32, #tpu.memory_space<vmem>>, vector<1x16xf32>,
      %get3A_1567 = vector.shape_cast %get3A_1566 : vector<1x16xf32> to vector<16xf32>
      %add3A_1568 = arith.addf %add3A_1536, %get3A_1567 : vector<16xf32>
      %add3A_1569 = arith.constant 14 : i32
      %add3A_1570 = arith.addi %mul3A_1357, %add3A_1569 : i32
      %get3A_1571 = arith.index_cast %add3A_1570 : i32 to index
      %get3A_1572 = arith.constant 0 : index
      %get3A_1573 = tpu.vector_load %arg8[%get3A_1571, %get3A_1572] {strides = array<i32>} : memref<1280x32xf32, #tpu.memory_space<vmem>>, vector<1x16xf32>,
      %get3A_1574 = vector.shape_cast %get3A_1573 : vector<1x16xf32> to vector<16xf32>
      %add3A_1575 = arith.addf %add3A_1543, %get3A_1574 : vector<16xf32>
      %add3A_1576 = arith.constant 14 : i32
      %add3A_1577 = arith.addi %mul3A_1357, %add3A_1576 : i32
      %get3A_1578 = arith.index_cast %add3A_1577 : i32 to index
      %get3A_1579 = arith.constant 16 : index
      %get3A_1580 = tpu.vector_load %arg8[%get3A_1578, %get3A_1579] {strides = array<i32>} : memref<1280x32xf32, #tpu.memory_space<vmem>>, vector<1x16xf32>,
      %get3A_1581 = vector.shape_cast %get3A_1580 : vector<1x16xf32> to vector<16xf32>
      %add3A_1582 = arith.addf %add3A_1550, %get3A_1581 : vector<16xf32>
      %add3A_1583 = arith.constant 14 : i32
      %add3A_1584 = arith.addi %mul3A_1357, %add3A_1583 : i32
      %add3A_1585 = arith.constant 1 : i32
      %add3A_1586 = arith.addi %add3A_1584, %add3A_1585 : i32
      %get3A_1587 = arith.index_cast %add3A_1586 : i32 to index
      %get3A_1588 = arith.constant 0 : index
      %get3A_1589 = tpu.vector_load %arg8[%get3A_1587, %get3A_1588] {strides = array<i32>} : memref<1280x32xf32, #tpu.memory_space<vmem>>, vector<1x16xf32>,
      %get3A_1590 = vector.shape_cast %get3A_1589 : vector<1x16xf32> to vector<16xf32>
      %add3A_1591 = arith.addf %add3A_1559, %get3A_1590 : vector<16xf32>
      %add3A_1592 = arith.constant 14 : i32
      %add3A_1593 = arith.addi %mul3A_1357, %add3A_1592 : i32
      %add3A_1594 = arith.constant 1 : i32
      %add3A_1595 = arith.addi %add3A_1593, %add3A_1594 : i32
      %get3A_1596 = arith.index_cast %add3A_1595 : i32 to index
      %get3A_1597 = arith.constant 16 : index
      %get3A_1598 = tpu.vector_load %arg8[%get3A_1596, %get3A_1597] {strides = array<i32>} : memref<1280x32xf32, #tpu.memory_space<vmem>>, vector<1x16xf32>,
      %get3A_1599 = vector.shape_cast %get3A_1598 : vector<1x16xf32> to vector<16xf32>
      %add3A_1600 = arith.addf %add3A_1568, %get3A_1599 : vector<16xf32>
      %add3A_1601 = arith.constant 16 : i32
      %add3A_1602 = arith.addi %mul3A_1357, %add3A_1601 : i32
      %get3A_1603 = arith.index_cast %add3A_1602 : i32 to index
      %get3A_1604 = arith.constant 0 : index
      %get3A_1605 = tpu.vector_load %arg8[%get3A_1603, %get3A_1604] {strides = array<i32>} : memref<1280x32xf32, #tpu.memory_space<vmem>>, vector<1x16xf32>,
      %get3A_1606 = vector.shape_cast %get3A_1605 : vector<1x16xf32> to vector<16xf32>
      %add3A_1607 = arith.addf %add3A_1575, %get3A_1606 : vector<16xf32>
      %add3A_1608 = arith.constant 16 : i32
      %add3A_1609 = arith.addi %mul3A_1357, %add3A_1608 : i32
      %get3A_1610 = arith.index_cast %add3A_1609 : i32 to index
      %get3A_1611 = arith.constant 16 : index
      %get3A_1612 = tpu.vector_load %arg8[%get3A_1610, %get3A_1611] {strides = array<i32>} : memref<1280x32xf32, #tpu.memory_space<vmem>>, vector<1x16xf32>,
      %get3A_1613 = vector.shape_cast %get3A_1612 : vector<1x16xf32> to vector<16xf32>
      %add3A_1614 = arith.addf %add3A_1582, %get3A_1613 : vector<16xf32>
      %add3A_1615 = arith.constant 16 : i32
      %add3A_1616 = arith.addi %mul3A_1357, %add3A_1615 : i32
      %add3A_1617 = arith.constant 1 : i32
      %add3A_1618 = arith.addi %add3A_1616, %add3A_1617 : i32
      %get3A_1619 = arith.index_cast %add3A_1618 : i32 to index
      %get3A_1620 = arith.constant 0 : index
      %get3A_1621 = tpu.vector_load %arg8[%get3A_1619, %get3A_1620] {strides = array<i32>} : memref<1280x32xf32, #tpu.memory_space<vmem>>, vector<1x16xf32>,
      %get3A_1622 = vector.shape_cast %get3A_1621 : vector<1x16xf32> to vector<16xf32>
      %add3A_1623 = arith.addf %add3A_1591, %get3A_1622 : vector<16xf32>
      %add3A_1624 = arith.constant 16 : i32
      %add3A_1625 = arith.addi %mul3A_1357, %add3A_1624 : i32
      %add3A_1626 = arith.constant 1 : i32
      %add3A_1627 = arith.addi %add3A_1625, %add3A_1626 : i32
      %get3A_1628 = arith.index_cast %add3A_1627 : i32 to index
      %get3A_1629 = arith.constant 16 : index
      %get3A_1630 = tpu.vector_load %arg8[%get3A_1628, %get3A_1629] {strides = array<i32>} : memref<1280x32xf32, #tpu.memory_space<vmem>>, vector<1x16xf32>,
      %get3A_1631 = vector.shape_cast %get3A_1630 : vector<1x16xf32> to vector<16xf32>
      %add3A_1632 = arith.addf %add3A_1600, %get3A_1631 : vector<16xf32>
      %add3A_1633 = arith.constant 18 : i32
      %add3A_1634 = arith.addi %mul3A_1357, %add3A_1633 : i32
      %get3A_1635 = arith.index_cast %add3A_1634 : i32 to index
      %get3A_1636 = arith.constant 0 : index
      %get3A_1637 = tpu.vector_load %arg8[%get3A_1635, %get3A_1636] {strides = array<i32>} : memref<1280x32xf32, #tpu.memory_space<vmem>>, vector<1x16xf32>,
      %get3A_1638 = vector.shape_cast %get3A_1637 : vector<1x16xf32> to vector<16xf32>
      %add3A_1639 = arith.addf %add3A_1607, %get3A_1638 : vector<16xf32>
      %add3A_1640 = arith.constant 18 : i32
      %add3A_1641 = arith.addi %mul3A_1357, %add3A_1640 : i32
      %get3A_1642 = arith.index_cast %add3A_1641 : i32 to index
      %get3A_1643 = arith.constant 16 : index
      %get3A_1644 = tpu.vector_load %arg8[%get3A_1642, %get3A_1643] {strides = array<i32>} : memref<1280x32xf32, #tpu.memory_space<vmem>>, vector<1x16xf32>,
      %get3A_1645 = vector.shape_cast %get3A_1644 : vector<1x16xf32> to vector<16xf32>
      %add3A_1646 = arith.addf %add3A_1614, %get3A_1645 : vector<16xf32>
      %add3A_1647 = arith.constant 18 : i32
      %add3A_1648 = arith.addi %mul3A_1357, %add3A_1647 : i32
      %add3A_1649 = arith.constant 1 : i32
      %add3A_1650 = arith.addi %add3A_1648, %add3A_1649 : i32
      %get3A_1651 = arith.index_cast %add3A_1650 : i32 to index
      %get3A_1652 = arith.constant 0 : index
      %get3A_1653 = tpu.vector_load %arg8[%get3A_1651, %get3A_1652] {strides = array<i32>} : memref<1280x32xf32, #tpu.memory_space<vmem>>, vector<1x16xf32>,
      %get3A_1654 = vector.shape_cast %get3A_1653 : vector<1x16xf32> to vector<16xf32>
      %add3A_1655 = arith.addf %add3A_1623, %get3A_1654 : vector<16xf32>
      %add3A_1656 = arith.constant 18 : i32
      %add3A_1657 = arith.addi %mul3A_1357, %add3A_1656 : i32
      %add3A_1658 = arith.constant 1 : i32
      %add3A_1659 = arith.addi %add3A_1657, %add3A_1658 : i32
      %get3A_1660 = arith.index_cast %add3A_1659 : i32 to index
      %get3A_1661 = arith.constant 16 : index
      %get3A_1662 = tpu.vector_load %arg8[%get3A_1660, %get3A_1661] {strides = array<i32>} : memref<1280x32xf32, #tpu.memory_space<vmem>>, vector<1x16xf32>,
      %get3A_1663 = vector.shape_cast %get3A_1662 : vector<1x16xf32> to vector<16xf32>
      %add3A_1664 = arith.addf %add3A_1632, %get3A_1663 : vector<16xf32>
      %add3A_1665 = arith.addf %add3A_1639, %add3A_1655 : vector<16xf32>
      %add3A_1666 = arith.constant 320 : i32
      %add3A_1667 = arith.addi %add3A_1666, %scan3A_1354 : i32
      %swap3A = arith.index_cast %add3A_1667 : i32 to index
      %swap3A_1668 = arith.constant 0 : index
      %swap3A_1669 = tpu.vector_load %arg9[%swap3A, %swap3A_1668] {strides = array<i32>} : memref<512x32xf32, #tpu.memory_space<vmem>>, vector<1x16xf32>,
      %swap3A_1670 = vector.shape_cast %swap3A_1669 : vector<1x16xf32> to vector<16xf32>
      %swap3A_1671 = vector.shape_cast %add3A_1665 : vector<16xf32> to vector<1x16xf32>
      tpu.vector_store %arg9[%swap3A, %swap3A_1668], %swap3A_1671 {strides = array<i32>} : memref<512x32xf32, #tpu.memory_space<vmem>>, vector<1x16xf32>,
      %add3A_1672 = arith.addf %add3A_1646, %add3A_1664 : vector<16xf32>
      %add3A_1673 = arith.constant 320 : i32
      %add3A_1674 = arith.addi %add3A_1673, %scan3A_1354 : i32
      %swap3A_1675 = arith.index_cast %add3A_1674 : i32 to index
      %swap3A_1676 = arith.constant 16 : index
      %swap3A_1677 = tpu.vector_load %arg9[%swap3A_1675, %swap3A_1676] {strides = array<i32>} : memref<512x32xf32, #tpu.memory_space<vmem>>, vector<1x16xf32>,
      %swap3A_1678 = vector.shape_cast %swap3A_1677 : vector<1x16xf32> to vector<16xf32>
      %swap3A_1679 = vector.shape_cast %add3A_1672 : vector<16xf32> to vector<1x16xf32>
      tpu.vector_store %arg9[%swap3A_1675, %swap3A_1676], %swap3A_1679 {strides = array<i32>} : memref<512x32xf32, #tpu.memory_space<vmem>>, vector<1x16xf32>,
      %scan3A_1680 = arith.constant 0 : i32
      scf.yield %scan3A_1680 : i32
    }
    %scan3A_1095 = arith.constant 64 : i32
    %add3A_1096 = arith.constant 8960 : i32
    %add3A_1097 = arith.addi %mul3A_2, %add3A_1096 : i32
    "tpu.region"() ({
      %run_scoped3A = tpu.sem_alloc : memref<!tpu.dma_semaphore, #tpu.memory_space<semaphore_mem>>
      %dma_start3A_1354 = tpu.memref_slice %arg2[%add3A_1097] : memref<327680xi32, #tpu.memory_space<hbm>> -> memref<1280xi32, #tpu.memory_space<hbm>>
      %dma_start3A_1355 = tpu.memref_slice %arg2[%add3A_1097] : memref<327680xi32, #tpu.memory_space<hbm>> -> memref<1280xi32, #tpu.memory_space<hbm>>
      tpu.enqueue_dma source(%dma_start3A_1355 : memref<1280xi32, #tpu.memory_space<hbm>>) target(%arg6 : memref<1280xi32, #tpu.memory_space<vmem>>) target_semaphore(%run_scoped3A : memref<!tpu.dma_semaphore, #tpu.memory_space<semaphore_mem>>)
      %dma_wait3A_1356 = tpu.memref_slice %arg2[%add3A_1097] : memref<327680xi32, #tpu.memory_space<hbm>> -> memref<1280xi32, #tpu.memory_space<hbm>>
      %dma_wait3A_1357 = tpu.memref_slice %arg2[%add3A_1097] : memref<327680xi32, #tpu.memory_space<hbm>> -> memref<1280xi32, #tpu.memory_space<hbm>>
      tpu.wait_dma2 semaphore(%run_scoped3A : memref<!tpu.dma_semaphore, #tpu.memory_space<semaphore_mem>>) src(%dma_wait3A_1357 : memref<1280xi32, #tpu.memory_space<hbm>>) dst(%arg6 : memref<1280xi32, #tpu.memory_space<vmem>>)
      tpu.yield
    }) : () -> ()
    %dma_start3A_1098 = arith.constant 0 : i32
    %dma_start3A_1099 = arith.constant 0 : i32
    %dma_start3A_1100 = tpu.memref_slice %arg8[%dma_start3A_1098, %dma_start3A_1099] : memref<1280x32xf32, #tpu.memory_space<vmem>> -> memref<128x32xf32, #tpu.memory_space<vmem>>
    %dma_start3A_1101 = arith.constant 0 : i32
    %dma_start3A_1102 = tpu.memref_slice %arg6[%dma_start3A_1101] : memref<1280xi32, #tpu.memory_space<vmem>> -> memref<128xi32, #tpu.memory_space<vmem>>
    %dma_start3A_1103 = arith.constant 0 : i32
    %dma_start3A_1104 = arith.constant 0 : i32
    %dma_start3A_1105 = tpu.memref_slice %arg3[%dma_start3A_1103, %dma_start3A_1104] : memref<1000000x32xf32, #tpu.memory_space<hbm>> -> memref<1000000x32xf32, #tpu.memory_space<hbm>>
    tpu.enqueue_indirect_dma source(%dma_start3A_1105 : memref<1000000x32xf32, #tpu.memory_space<hbm>>) target(%dma_start3A_1100 : memref<128x32xf32, #tpu.memory_space<vmem>>) offsets(%dma_start3A_1102 : memref<128xi32, #tpu.memory_space<vmem>>) semaphore(%arg11 : memref<!tpu.dma_semaphore, #tpu.memory_space<semaphore_mem>>)
    %dma_start3A_1106 = arith.constant 128 : i32
    %dma_start3A_1107 = arith.constant 0 : i32
    %dma_start3A_1108 = tpu.memref_slice %arg8[%dma_start3A_1106, %dma_start3A_1107] : memref<1280x32xf32, #tpu.memory_space<vmem>> -> memref<128x32xf32, #tpu.memory_space<vmem>>
    %dma_start3A_1109 = arith.constant 128 : i32
    %dma_start3A_1110 = tpu.memref_slice %arg6[%dma_start3A_1109] : memref<1280xi32, #tpu.memory_space<vmem>> -> memref<128xi32, #tpu.memory_space<vmem>>
    %dma_start3A_1111 = arith.constant 0 : i32
    %dma_start3A_1112 = arith.constant 0 : i32
    %dma_start3A_1113 = tpu.memref_slice %arg3[%dma_start3A_1111, %dma_start3A_1112] : memref<1000000x32xf32, #tpu.memory_space<hbm>> -> memref<1000000x32xf32, #tpu.memory_space<hbm>>
    tpu.enqueue_indirect_dma source(%dma_start3A_1113 : memref<1000000x32xf32, #tpu.memory_space<hbm>>) target(%dma_start3A_1108 : memref<128x32xf32, #tpu.memory_space<vmem>>) offsets(%dma_start3A_1110 : memref<128xi32, #tpu.memory_space<vmem>>) semaphore(%arg11 : memref<!tpu.dma_semaphore, #tpu.memory_space<semaphore_mem>>)
    %dma_start3A_1114 = arith.constant 256 : i32
    %dma_start3A_1115 = arith.constant 0 : i32
    %dma_start3A_1116 = tpu.memref_slice %arg8[%dma_start3A_1114, %dma_start3A_1115] : memref<1280x32xf32, #tpu.memory_space<vmem>> -> memref<128x32xf32, #tpu.memory_space<vmem>>
    %dma_start3A_1117 = arith.constant 256 : i32
    %dma_start3A_1118 = tpu.memref_slice %arg6[%dma_start3A_1117] : memref<1280xi32, #tpu.memory_space<vmem>> -> memref<128xi32, #tpu.memory_space<vmem>>
    %dma_start3A_1119 = arith.constant 0 : i32
    %dma_start3A_1120 = arith.constant 0 : i32
    %dma_start3A_1121 = tpu.memref_slice %arg3[%dma_start3A_1119, %dma_start3A_1120] : memref<1000000x32xf32, #tpu.memory_space<hbm>> -> memref<1000000x32xf32, #tpu.memory_space<hbm>>
    tpu.enqueue_indirect_dma source(%dma_start3A_1121 : memref<1000000x32xf32, #tpu.memory_space<hbm>>) target(%dma_start3A_1116 : memref<128x32xf32, #tpu.memory_space<vmem>>) offsets(%dma_start3A_1118 : memref<128xi32, #tpu.memory_space<vmem>>) semaphore(%arg11 : memref<!tpu.dma_semaphore, #tpu.memory_space<semaphore_mem>>)
    %dma_start3A_1122 = arith.constant 384 : i32
    %dma_start3A_1123 = arith.constant 0 : i32
    %dma_start3A_1124 = tpu.memref_slice %arg8[%dma_start3A_1122, %dma_start3A_1123] : memref<1280x32xf32, #tpu.memory_space<vmem>> -> memref<128x32xf32, #tpu.memory_space<vmem>>
    %dma_start3A_1125 = arith.constant 384 : i32
    %dma_start3A_1126 = tpu.memref_slice %arg6[%dma_start3A_1125] : memref<1280xi32, #tpu.memory_space<vmem>> -> memref<128xi32, #tpu.memory_space<vmem>>
    %dma_start3A_1127 = arith.constant 0 : i32
    %dma_start3A_1128 = arith.constant 0 : i32
    %dma_start3A_1129 = tpu.memref_slice %arg3[%dma_start3A_1127, %dma_start3A_1128] : memref<1000000x32xf32, #tpu.memory_space<hbm>> -> memref<1000000x32xf32, #tpu.memory_space<hbm>>
    tpu.enqueue_indirect_dma source(%dma_start3A_1129 : memref<1000000x32xf32, #tpu.memory_space<hbm>>) target(%dma_start3A_1124 : memref<128x32xf32, #tpu.memory_space<vmem>>) offsets(%dma_start3A_1126 : memref<128xi32, #tpu.memory_space<vmem>>) semaphore(%arg11 : memref<!tpu.dma_semaphore, #tpu.memory_space<semaphore_mem>>)
    %dma_start3A_1130 = arith.constant 512 : i32
    %dma_start3A_1131 = arith.constant 0 : i32
    %dma_start3A_1132 = tpu.memref_slice %arg8[%dma_start3A_1130, %dma_start3A_1131] : memref<1280x32xf32, #tpu.memory_space<vmem>> -> memref<128x32xf32, #tpu.memory_space<vmem>>
    %dma_start3A_1133 = arith.constant 512 : i32
    %dma_start3A_1134 = tpu.memref_slice %arg6[%dma_start3A_1133] : memref<1280xi32, #tpu.memory_space<vmem>> -> memref<128xi32, #tpu.memory_space<vmem>>
    %dma_start3A_1135 = arith.constant 0 : i32
    %dma_start3A_1136 = arith.constant 0 : i32
    %dma_start3A_1137 = tpu.memref_slice %arg3[%dma_start3A_1135, %dma_start3A_1136] : memref<1000000x32xf32, #tpu.memory_space<hbm>> -> memref<1000000x32xf32, #tpu.memory_space<hbm>>
    tpu.enqueue_indirect_dma source(%dma_start3A_1137 : memref<1000000x32xf32, #tpu.memory_space<hbm>>) target(%dma_start3A_1132 : memref<128x32xf32, #tpu.memory_space<vmem>>) offsets(%dma_start3A_1134 : memref<128xi32, #tpu.memory_space<vmem>>) semaphore(%arg11 : memref<!tpu.dma_semaphore, #tpu.memory_space<semaphore_mem>>)
    %dma_start3A_1138 = arith.constant 640 : i32
    %dma_start3A_1139 = arith.constant 0 : i32
    %dma_start3A_1140 = tpu.memref_slice %arg8[%dma_start3A_1138, %dma_start3A_1139] : memref<1280x32xf32, #tpu.memory_space<vmem>> -> memref<128x32xf32, #tpu.memory_space<vmem>>
    %dma_start3A_1141 = arith.constant 640 : i32
    %dma_start3A_1142 = tpu.memref_slice %arg6[%dma_start3A_1141] : memref<1280xi32, #tpu.memory_space<vmem>> -> memref<128xi32, #tpu.memory_space<vmem>>
    %dma_start3A_1143 = arith.constant 0 : i32
    %dma_start3A_1144 = arith.constant 0 : i32
    %dma_start3A_1145 = tpu.memref_slice %arg3[%dma_start3A_1143, %dma_start3A_1144] : memref<1000000x32xf32, #tpu.memory_space<hbm>> -> memref<1000000x32xf32, #tpu.memory_space<hbm>>
    tpu.enqueue_indirect_dma source(%dma_start3A_1145 : memref<1000000x32xf32, #tpu.memory_space<hbm>>) target(%dma_start3A_1140 : memref<128x32xf32, #tpu.memory_space<vmem>>) offsets(%dma_start3A_1142 : memref<128xi32, #tpu.memory_space<vmem>>) semaphore(%arg11 : memref<!tpu.dma_semaphore, #tpu.memory_space<semaphore_mem>>)
    %dma_start3A_1146 = arith.constant 768 : i32
    %dma_start3A_1147 = arith.constant 0 : i32
    %dma_start3A_1148 = tpu.memref_slice %arg8[%dma_start3A_1146, %dma_start3A_1147] : memref<1280x32xf32, #tpu.memory_space<vmem>> -> memref<128x32xf32, #tpu.memory_space<vmem>>
    %dma_start3A_1149 = arith.constant 768 : i32
    %dma_start3A_1150 = tpu.memref_slice %arg6[%dma_start3A_1149] : memref<1280xi32, #tpu.memory_space<vmem>> -> memref<128xi32, #tpu.memory_space<vmem>>
    %dma_start3A_1151 = arith.constant 0 : i32
    %dma_start3A_1152 = arith.constant 0 : i32
    %dma_start3A_1153 = tpu.memref_slice %arg3[%dma_start3A_1151, %dma_start3A_1152] : memref<1000000x32xf32, #tpu.memory_space<hbm>> -> memref<1000000x32xf32, #tpu.memory_space<hbm>>
    tpu.enqueue_indirect_dma source(%dma_start3A_1153 : memref<1000000x32xf32, #tpu.memory_space<hbm>>) target(%dma_start3A_1148 : memref<128x32xf32, #tpu.memory_space<vmem>>) offsets(%dma_start3A_1150 : memref<128xi32, #tpu.memory_space<vmem>>) semaphore(%arg11 : memref<!tpu.dma_semaphore, #tpu.memory_space<semaphore_mem>>)
    %dma_start3A_1154 = arith.constant 896 : i32
    %dma_start3A_1155 = arith.constant 0 : i32
    %dma_start3A_1156 = tpu.memref_slice %arg8[%dma_start3A_1154, %dma_start3A_1155] : memref<1280x32xf32, #tpu.memory_space<vmem>> -> memref<128x32xf32, #tpu.memory_space<vmem>>
    %dma_start3A_1157 = arith.constant 896 : i32
    %dma_start3A_1158 = tpu.memref_slice %arg6[%dma_start3A_1157] : memref<1280xi32, #tpu.memory_space<vmem>> -> memref<128xi32, #tpu.memory_space<vmem>>
    %dma_start3A_1159 = arith.constant 0 : i32
    %dma_start3A_1160 = arith.constant 0 : i32
    %dma_start3A_1161 = tpu.memref_slice %arg3[%dma_start3A_1159, %dma_start3A_1160] : memref<1000000x32xf32, #tpu.memory_space<hbm>> -> memref<1000000x32xf32, #tpu.memory_space<hbm>>
    tpu.enqueue_indirect_dma source(%dma_start3A_1161 : memref<1000000x32xf32, #tpu.memory_space<hbm>>) target(%dma_start3A_1156 : memref<128x32xf32, #tpu.memory_space<vmem>>) offsets(%dma_start3A_1158 : memref<128xi32, #tpu.memory_space<vmem>>) semaphore(%arg11 : memref<!tpu.dma_semaphore, #tpu.memory_space<semaphore_mem>>)
    %dma_start3A_1162 = arith.constant 1024 : i32
    %dma_start3A_1163 = arith.constant 0 : i32
    %dma_start3A_1164 = tpu.memref_slice %arg8[%dma_start3A_1162, %dma_start3A_1163] : memref<1280x32xf32, #tpu.memory_space<vmem>> -> memref<128x32xf32, #tpu.memory_space<vmem>>
    %dma_start3A_1165 = arith.constant 1024 : i32
    %dma_start3A_1166 = tpu.memref_slice %arg6[%dma_start3A_1165] : memref<1280xi32, #tpu.memory_space<vmem>> -> memref<128xi32, #tpu.memory_space<vmem>>
    %dma_start3A_1167 = arith.constant 0 : i32
    %dma_start3A_1168 = arith.constant 0 : i32
    %dma_start3A_1169 = tpu.memref_slice %arg3[%dma_start3A_1167, %dma_start3A_1168] : memref<1000000x32xf32, #tpu.memory_space<hbm>> -> memref<1000000x32xf32, #tpu.memory_space<hbm>>
    tpu.enqueue_indirect_dma source(%dma_start3A_1169 : memref<1000000x32xf32, #tpu.memory_space<hbm>>) target(%dma_start3A_1164 : memref<128x32xf32, #tpu.memory_space<vmem>>) offsets(%dma_start3A_1166 : memref<128xi32, #tpu.memory_space<vmem>>) semaphore(%arg11 : memref<!tpu.dma_semaphore, #tpu.memory_space<semaphore_mem>>)
    %dma_start3A_1170 = arith.constant 1152 : i32
    %dma_start3A_1171 = arith.constant 0 : i32
    %dma_start3A_1172 = tpu.memref_slice %arg8[%dma_start3A_1170, %dma_start3A_1171] : memref<1280x32xf32, #tpu.memory_space<vmem>> -> memref<128x32xf32, #tpu.memory_space<vmem>>
    %dma_start3A_1173 = arith.constant 1152 : i32
    %dma_start3A_1174 = tpu.memref_slice %arg6[%dma_start3A_1173] : memref<1280xi32, #tpu.memory_space<vmem>> -> memref<128xi32, #tpu.memory_space<vmem>>
    %dma_start3A_1175 = arith.constant 0 : i32
    %dma_start3A_1176 = arith.constant 0 : i32
    %dma_start3A_1177 = tpu.memref_slice %arg3[%dma_start3A_1175, %dma_start3A_1176] : memref<1000000x32xf32, #tpu.memory_space<hbm>> -> memref<1000000x32xf32, #tpu.memory_space<hbm>>
    tpu.enqueue_indirect_dma source(%dma_start3A_1177 : memref<1000000x32xf32, #tpu.memory_space<hbm>>) target(%dma_start3A_1172 : memref<128x32xf32, #tpu.memory_space<vmem>>) offsets(%dma_start3A_1174 : memref<128xi32, #tpu.memory_space<vmem>>) semaphore(%arg11 : memref<!tpu.dma_semaphore, #tpu.memory_space<semaphore_mem>>)
    %dma_wait3A_1178 = arith.constant 0 : i32
    %dma_wait3A_1179 = arith.constant 0 : i32
    %dma_wait3A_1180 = tpu.memref_slice %arg7[%dma_wait3A_1178, %dma_wait3A_1179] : memref<1280x32xf32, #tpu.memory_space<vmem>> -> memref<128x32xf32, #tpu.memory_space<vmem>>
    %dma_wait3A_1181 = arith.constant 0 : i32
    %dma_wait3A_1182 = tpu.memref_slice %arg5[%dma_wait3A_1181] : memref<1280xi32, #tpu.memory_space<vmem>> -> memref<128xi32, #tpu.memory_space<vmem>>
    %dma_wait3A_1183 = arith.constant 0 : i32
    %dma_wait3A_1184 = arith.constant 0 : i32
    %dma_wait3A_1185 = tpu.memref_slice %arg3[%dma_wait3A_1183, %dma_wait3A_1184] : memref<1000000x32xf32, #tpu.memory_space<hbm>> -> memref<1000000x32xf32, #tpu.memory_space<hbm>>
    tpu.wait_indirect_dma semaphore(%arg10 : memref<!tpu.dma_semaphore, #tpu.memory_space<semaphore_mem>>) src(%dma_wait3A_1185 : memref<1000000x32xf32, #tpu.memory_space<hbm>>) dst(%dma_wait3A_1180 : memref<128x32xf32, #tpu.memory_space<vmem>>)
    %dma_wait3A_1186 = arith.constant 128 : i32
    %dma_wait3A_1187 = arith.constant 0 : i32
    %dma_wait3A_1188 = tpu.memref_slice %arg7[%dma_wait3A_1186, %dma_wait3A_1187] : memref<1280x32xf32, #tpu.memory_space<vmem>> -> memref<128x32xf32, #tpu.memory_space<vmem>>
    %dma_wait3A_1189 = arith.constant 128 : i32
    %dma_wait3A_1190 = tpu.memref_slice %arg5[%dma_wait3A_1189] : memref<1280xi32, #tpu.memory_space<vmem>> -> memref<128xi32, #tpu.memory_space<vmem>>
    %dma_wait3A_1191 = arith.constant 0 : i32
    %dma_wait3A_1192 = arith.constant 0 : i32
    %dma_wait3A_1193 = tpu.memref_slice %arg3[%dma_wait3A_1191, %dma_wait3A_1192] : memref<1000000x32xf32, #tpu.memory_space<hbm>> -> memref<1000000x32xf32, #tpu.memory_space<hbm>>
    tpu.wait_indirect_dma semaphore(%arg10 : memref<!tpu.dma_semaphore, #tpu.memory_space<semaphore_mem>>) src(%dma_wait3A_1193 : memref<1000000x32xf32, #tpu.memory_space<hbm>>) dst(%dma_wait3A_1188 : memref<128x32xf32, #tpu.memory_space<vmem>>)
    %dma_wait3A_1194 = arith.constant 256 : i32
    %dma_wait3A_1195 = arith.constant 0 : i32
    %dma_wait3A_1196 = tpu.memref_slice %arg7[%dma_wait3A_1194, %dma_wait3A_1195] : memref<1280x32xf32, #tpu.memory_space<vmem>> -> memref<128x32xf32, #tpu.memory_space<vmem>>
    %dma_wait3A_1197 = arith.constant 256 : i32
    %dma_wait3A_1198 = tpu.memref_slice %arg5[%dma_wait3A_1197] : memref<1280xi32, #tpu.memory_space<vmem>> -> memref<128xi32, #tpu.memory_space<vmem>>
    %dma_wait3A_1199 = arith.constant 0 : i32
    %dma_wait3A_1200 = arith.constant 0 : i32
    %dma_wait3A_1201 = tpu.memref_slice %arg3[%dma_wait3A_1199, %dma_wait3A_1200] : memref<1000000x32xf32, #tpu.memory_space<hbm>> -> memref<1000000x32xf32, #tpu.memory_space<hbm>>
    tpu.wait_indirect_dma semaphore(%arg10 : memref<!tpu.dma_semaphore, #tpu.memory_space<semaphore_mem>>) src(%dma_wait3A_1201 : memref<1000000x32xf32, #tpu.memory_space<hbm>>) dst(%dma_wait3A_1196 : memref<128x32xf32, #tpu.memory_space<vmem>>)
    %dma_wait3A_1202 = arith.constant 384 : i32
    %dma_wait3A_1203 = arith.constant 0 : i32
    %dma_wait3A_1204 = tpu.memref_slice %arg7[%dma_wait3A_1202, %dma_wait3A_1203] : memref<1280x32xf32, #tpu.memory_space<vmem>> -> memref<128x32xf32, #tpu.memory_space<vmem>>
    %dma_wait3A_1205 = arith.constant 384 : i32
    %dma_wait3A_1206 = tpu.memref_slice %arg5[%dma_wait3A_1205] : memref<1280xi32, #tpu.memory_space<vmem>> -> memref<128xi32, #tpu.memory_space<vmem>>
    %dma_wait3A_1207 = arith.constant 0 : i32
    %dma_wait3A_1208 = arith.constant 0 : i32
    %dma_wait3A_1209 = tpu.memref_slice %arg3[%dma_wait3A_1207, %dma_wait3A_1208] : memref<1000000x32xf32, #tpu.memory_space<hbm>> -> memref<1000000x32xf32, #tpu.memory_space<hbm>>
    tpu.wait_indirect_dma semaphore(%arg10 : memref<!tpu.dma_semaphore, #tpu.memory_space<semaphore_mem>>) src(%dma_wait3A_1209 : memref<1000000x32xf32, #tpu.memory_space<hbm>>) dst(%dma_wait3A_1204 : memref<128x32xf32, #tpu.memory_space<vmem>>)
    %dma_wait3A_1210 = arith.constant 512 : i32
    %dma_wait3A_1211 = arith.constant 0 : i32
    %dma_wait3A_1212 = tpu.memref_slice %arg7[%dma_wait3A_1210, %dma_wait3A_1211] : memref<1280x32xf32, #tpu.memory_space<vmem>> -> memref<128x32xf32, #tpu.memory_space<vmem>>
    %dma_wait3A_1213 = arith.constant 512 : i32
    %dma_wait3A_1214 = tpu.memref_slice %arg5[%dma_wait3A_1213] : memref<1280xi32, #tpu.memory_space<vmem>> -> memref<128xi32, #tpu.memory_space<vmem>>
    %dma_wait3A_1215 = arith.constant 0 : i32
    %dma_wait3A_1216 = arith.constant 0 : i32
    %dma_wait3A_1217 = tpu.memref_slice %arg3[%dma_wait3A_1215, %dma_wait3A_1216] : memref<1000000x32xf32, #tpu.memory_space<hbm>> -> memref<1000000x32xf32, #tpu.memory_space<hbm>>
    tpu.wait_indirect_dma semaphore(%arg10 : memref<!tpu.dma_semaphore, #tpu.memory_space<semaphore_mem>>) src(%dma_wait3A_1217 : memref<1000000x32xf32, #tpu.memory_space<hbm>>) dst(%dma_wait3A_1212 : memref<128x32xf32, #tpu.memory_space<vmem>>)
    %dma_wait3A_1218 = arith.constant 640 : i32
    %dma_wait3A_1219 = arith.constant 0 : i32
    %dma_wait3A_1220 = tpu.memref_slice %arg7[%dma_wait3A_1218, %dma_wait3A_1219] : memref<1280x32xf32, #tpu.memory_space<vmem>> -> memref<128x32xf32, #tpu.memory_space<vmem>>
    %dma_wait3A_1221 = arith.constant 640 : i32
    %dma_wait3A_1222 = tpu.memref_slice %arg5[%dma_wait3A_1221] : memref<1280xi32, #tpu.memory_space<vmem>> -> memref<128xi32, #tpu.memory_space<vmem>>
    %dma_wait3A_1223 = arith.constant 0 : i32
    %dma_wait3A_1224 = arith.constant 0 : i32
    %dma_wait3A_1225 = tpu.memref_slice %arg3[%dma_wait3A_1223, %dma_wait3A_1224] : memref<1000000x32xf32, #tpu.memory_space<hbm>> -> memref<1000000x32xf32, #tpu.memory_space<hbm>>
    tpu.wait_indirect_dma semaphore(%arg10 : memref<!tpu.dma_semaphore, #tpu.memory_space<semaphore_mem>>) src(%dma_wait3A_1225 : memref<1000000x32xf32, #tpu.memory_space<hbm>>) dst(%dma_wait3A_1220 : memref<128x32xf32, #tpu.memory_space<vmem>>)
    %dma_wait3A_1226 = arith.constant 768 : i32
    %dma_wait3A_1227 = arith.constant 0 : i32
    %dma_wait3A_1228 = tpu.memref_slice %arg7[%dma_wait3A_1226, %dma_wait3A_1227] : memref<1280x32xf32, #tpu.memory_space<vmem>> -> memref<128x32xf32, #tpu.memory_space<vmem>>
    %dma_wait3A_1229 = arith.constant 768 : i32
    %dma_wait3A_1230 = tpu.memref_slice %arg5[%dma_wait3A_1229] : memref<1280xi32, #tpu.memory_space<vmem>> -> memref<128xi32, #tpu.memory_space<vmem>>
    %dma_wait3A_1231 = arith.constant 0 : i32
    %dma_wait3A_1232 = arith.constant 0 : i32
    %dma_wait3A_1233 = tpu.memref_slice %arg3[%dma_wait3A_1231, %dma_wait3A_1232] : memref<1000000x32xf32, #tpu.memory_space<hbm>> -> memref<1000000x32xf32, #tpu.memory_space<hbm>>
    tpu.wait_indirect_dma semaphore(%arg10 : memref<!tpu.dma_semaphore, #tpu.memory_space<semaphore_mem>>) src(%dma_wait3A_1233 : memref<1000000x32xf32, #tpu.memory_space<hbm>>) dst(%dma_wait3A_1228 : memref<128x32xf32, #tpu.memory_space<vmem>>)
    %dma_wait3A_1234 = arith.constant 896 : i32
    %dma_wait3A_1235 = arith.constant 0 : i32
    %dma_wait3A_1236 = tpu.memref_slice %arg7[%dma_wait3A_1234, %dma_wait3A_1235] : memref<1280x32xf32, #tpu.memory_space<vmem>> -> memref<128x32xf32, #tpu.memory_space<vmem>>
    %dma_wait3A_1237 = arith.constant 896 : i32
    %dma_wait3A_1238 = tpu.memref_slice %arg5[%dma_wait3A_1237] : memref<1280xi32, #tpu.memory_space<vmem>> -> memref<128xi32, #tpu.memory_space<vmem>>
    %dma_wait3A_1239 = arith.constant 0 : i32
    %dma_wait3A_1240 = arith.constant 0 : i32
    %dma_wait3A_1241 = tpu.memref_slice %arg3[%dma_wait3A_1239, %dma_wait3A_1240] : memref<1000000x32xf32, #tpu.memory_space<hbm>> -> memref<1000000x32xf32, #tpu.memory_space<hbm>>
    tpu.wait_indirect_dma semaphore(%arg10 : memref<!tpu.dma_semaphore, #tpu.memory_space<semaphore_mem>>) src(%dma_wait3A_1241 : memref<1000000x32xf32, #tpu.memory_space<hbm>>) dst(%dma_wait3A_1236 : memref<128x32xf32, #tpu.memory_space<vmem>>)
    %dma_wait3A_1242 = arith.constant 1024 : i32
    %dma_wait3A_1243 = arith.constant 0 : i32
    %dma_wait3A_1244 = tpu.memref_slice %arg7[%dma_wait3A_1242, %dma_wait3A_1243] : memref<1280x32xf32, #tpu.memory_space<vmem>> -> memref<128x32xf32, #tpu.memory_space<vmem>>
    %dma_wait3A_1245 = arith.constant 1024 : i32
    %dma_wait3A_1246 = tpu.memref_slice %arg5[%dma_wait3A_1245] : memref<1280xi32, #tpu.memory_space<vmem>> -> memref<128xi32, #tpu.memory_space<vmem>>
    %dma_wait3A_1247 = arith.constant 0 : i32
    %dma_wait3A_1248 = arith.constant 0 : i32
    %dma_wait3A_1249 = tpu.memref_slice %arg3[%dma_wait3A_1247, %dma_wait3A_1248] : memref<1000000x32xf32, #tpu.memory_space<hbm>> -> memref<1000000x32xf32, #tpu.memory_space<hbm>>
    tpu.wait_indirect_dma semaphore(%arg10 : memref<!tpu.dma_semaphore, #tpu.memory_space<semaphore_mem>>) src(%dma_wait3A_1249 : memref<1000000x32xf32, #tpu.memory_space<hbm>>) dst(%dma_wait3A_1244 : memref<128x32xf32, #tpu.memory_space<vmem>>)
    %dma_wait3A_1250 = arith.constant 1152 : i32
    %dma_wait3A_1251 = arith.constant 0 : i32
    %dma_wait3A_1252 = tpu.memref_slice %arg7[%dma_wait3A_1250, %dma_wait3A_1251] : memref<1280x32xf32, #tpu.memory_space<vmem>> -> memref<128x32xf32, #tpu.memory_space<vmem>>
    %dma_wait3A_1253 = arith.constant 1152 : i32
    %dma_wait3A_1254 = tpu.memref_slice %arg5[%dma_wait3A_1253] : memref<1280xi32, #tpu.memory_space<vmem>> -> memref<128xi32, #tpu.memory_space<vmem>>
    %dma_wait3A_1255 = arith.constant 0 : i32
    %dma_wait3A_1256 = arith.constant 0 : i32
    %dma_wait3A_1257 = tpu.memref_slice %arg3[%dma_wait3A_1255, %dma_wait3A_1256] : memref<1000000x32xf32, #tpu.memory_space<hbm>> -> memref<1000000x32xf32, #tpu.memory_space<hbm>>
    tpu.wait_indirect_dma semaphore(%arg10 : memref<!tpu.dma_semaphore, #tpu.memory_space<semaphore_mem>>) src(%dma_wait3A_1257 : memref<1000000x32xf32, #tpu.memory_space<hbm>>) dst(%dma_wait3A_1252 : memref<128x32xf32, #tpu.memory_space<vmem>>)
    %scan3A_1258 = arith.constant 0 : i32
    %scan3A_1259 = arith.constant 0 : i32
    %scan3A_1260 = arith.constant 64 : i32
    %scan3A_1261 = arith.addi %scan3A_1259, %scan3A_1260 : i32
    %scan3A_1262 = arith.constant 1 : i32
    %scan3A_1263 = scf.for %scan3A_1354 = %scan3A_1259 to %scan3A_1261 step %scan3A_1262 iter_args(%scan3A_1355 = %scan3A_1258) -> (i32)  : i32 {
      %mul3A_1356 = arith.constant 20 : i32
      %mul3A_1357 = arith.muli %scan3A_1354, %mul3A_1356 : i32
      %get3A = arith.index_cast %mul3A_1357 : i32 to index
      %get3A_1358 = arith.constant 0 : index
      %get3A_1359 = tpu.vector_load %arg7[%get3A, %get3A_1358] {strides = array<i32>} : memref<1280x32xf32, #tpu.memory_space<vmem>>, vector<1x16xf32>,
      %get3A_1360 = vector.shape_cast %get3A_1359 : vector<1x16xf32> to vector<16xf32>
      %get3A_1361 = arith.index_cast %mul3A_1357 : i32 to index
      %get3A_1362 = arith.constant 16 : index
      %get3A_1363 = tpu.vector_load %arg7[%get3A_1361, %get3A_1362] {strides = array<i32>} : memref<1280x32xf32, #tpu.memory_space<vmem>>, vector<1x16xf32>,
      %get3A_1364 = vector.shape_cast %get3A_1363 : vector<1x16xf32> to vector<16xf32>
      %add3A_1365 = arith.constant 1 : i32
      %add3A_1366 = arith.addi %mul3A_1357, %add3A_1365 : i32
      %get3A_1367 = arith.index_cast %add3A_1366 : i32 to index
      %get3A_1368 = arith.constant 0 : index
      %get3A_1369 = tpu.vector_load %arg7[%get3A_1367, %get3A_1368] {strides = array<i32>} : memref<1280x32xf32, #tpu.memory_space<vmem>>, vector<1x16xf32>,
      %get3A_1370 = vector.shape_cast %get3A_1369 : vector<1x16xf32> to vector<16xf32>
      %add3A_1371 = arith.constant 1 : i32
      %add3A_1372 = arith.addi %mul3A_1357, %add3A_1371 : i32
      %get3A_1373 = arith.index_cast %add3A_1372 : i32 to index
      %get3A_1374 = arith.constant 16 : index
      %get3A_1375 = tpu.vector_load %arg7[%get3A_1373, %get3A_1374] {strides = array<i32>} : memref<1280x32xf32, #tpu.memory_space<vmem>>, vector<1x16xf32>,
      %get3A_1376 = vector.shape_cast %get3A_1375 : vector<1x16xf32> to vector<16xf32>
      %add3A_1377 = arith.constant 2 : i32
      %add3A_1378 = arith.addi %mul3A_1357, %add3A_1377 : i32
      %get3A_1379 = arith.index_cast %add3A_1378 : i32 to index
      %get3A_1380 = arith.constant 0 : index
      %get3A_1381 = tpu.vector_load %arg7[%get3A_1379, %get3A_1380] {strides = array<i32>} : memref<1280x32xf32, #tpu.memory_space<vmem>>, vector<1x16xf32>,
      %get3A_1382 = vector.shape_cast %get3A_1381 : vector<1x16xf32> to vector<16xf32>
      %add3A_1383 = arith.addf %get3A_1360, %get3A_1382 : vector<16xf32>
      %add3A_1384 = arith.constant 2 : i32
      %add3A_1385 = arith.addi %mul3A_1357, %add3A_1384 : i32
      %get3A_1386 = arith.index_cast %add3A_1385 : i32 to index
      %get3A_1387 = arith.constant 16 : index
      %get3A_1388 = tpu.vector_load %arg7[%get3A_1386, %get3A_1387] {strides = array<i32>} : memref<1280x32xf32, #tpu.memory_space<vmem>>, vector<1x16xf32>,
      %get3A_1389 = vector.shape_cast %get3A_1388 : vector<1x16xf32> to vector<16xf32>
      %add3A_1390 = arith.addf %get3A_1364, %get3A_1389 : vector<16xf32>
      %add3A_1391 = arith.constant 2 : i32
      %add3A_1392 = arith.addi %mul3A_1357, %add3A_1391 : i32
      %add3A_1393 = arith.constant 1 : i32
      %add3A_1394 = arith.addi %add3A_1392, %add3A_1393 : i32
      %get3A_1395 = arith.index_cast %add3A_1394 : i32 to index
      %get3A_1396 = arith.constant 0 : index
      %get3A_1397 = tpu.vector_load %arg7[%get3A_1395, %get3A_1396] {strides = array<i32>} : memref<1280x32xf32, #tpu.memory_space<vmem>>, vector<1x16xf32>,
      %get3A_1398 = vector.shape_cast %get3A_1397 : vector<1x16xf32> to vector<16xf32>
      %add3A_1399 = arith.addf %get3A_1370, %get3A_1398 : vector<16xf32>
      %add3A_1400 = arith.constant 2 : i32
      %add3A_1401 = arith.addi %mul3A_1357, %add3A_1400 : i32
      %add3A_1402 = arith.constant 1 : i32
      %add3A_1403 = arith.addi %add3A_1401, %add3A_1402 : i32
      %get3A_1404 = arith.index_cast %add3A_1403 : i32 to index
      %get3A_1405 = arith.constant 16 : index
      %get3A_1406 = tpu.vector_load %arg7[%get3A_1404, %get3A_1405] {strides = array<i32>} : memref<1280x32xf32, #tpu.memory_space<vmem>>, vector<1x16xf32>,
      %get3A_1407 = vector.shape_cast %get3A_1406 : vector<1x16xf32> to vector<16xf32>
      %add3A_1408 = arith.addf %get3A_1376, %get3A_1407 : vector<16xf32>
      %add3A_1409 = arith.constant 4 : i32
      %add3A_1410 = arith.addi %mul3A_1357, %add3A_1409 : i32
      %get3A_1411 = arith.index_cast %add3A_1410 : i32 to index
      %get3A_1412 = arith.constant 0 : index
      %get3A_1413 = tpu.vector_load %arg7[%get3A_1411, %get3A_1412] {strides = array<i32>} : memref<1280x32xf32, #tpu.memory_space<vmem>>, vector<1x16xf32>,
      %get3A_1414 = vector.shape_cast %get3A_1413 : vector<1x16xf32> to vector<16xf32>
      %add3A_1415 = arith.addf %add3A_1383, %get3A_1414 : vector<16xf32>
      %add3A_1416 = arith.constant 4 : i32
      %add3A_1417 = arith.addi %mul3A_1357, %add3A_1416 : i32
      %get3A_1418 = arith.index_cast %add3A_1417 : i32 to index
      %get3A_1419 = arith.constant 16 : index
      %get3A_1420 = tpu.vector_load %arg7[%get3A_1418, %get3A_1419] {strides = array<i32>} : memref<1280x32xf32, #tpu.memory_space<vmem>>, vector<1x16xf32>,
      %get3A_1421 = vector.shape_cast %get3A_1420 : vector<1x16xf32> to vector<16xf32>
      %add3A_1422 = arith.addf %add3A_1390, %get3A_1421 : vector<16xf32>
      %add3A_1423 = arith.constant 4 : i32
      %add3A_1424 = arith.addi %mul3A_1357, %add3A_1423 : i32
      %add3A_1425 = arith.constant 1 : i32
      %add3A_1426 = arith.addi %add3A_1424, %add3A_1425 : i32
      %get3A_1427 = arith.index_cast %add3A_1426 : i32 to index
      %get3A_1428 = arith.constant 0 : index
      %get3A_1429 = tpu.vector_load %arg7[%get3A_1427, %get3A_1428] {strides = array<i32>} : memref<1280x32xf32, #tpu.memory_space<vmem>>, vector<1x16xf32>,
      %get3A_1430 = vector.shape_cast %get3A_1429 : vector<1x16xf32> to vector<16xf32>
      %add3A_1431 = arith.addf %add3A_1399, %get3A_1430 : vector<16xf32>
      %add3A_1432 = arith.constant 4 : i32
      %add3A_1433 = arith.addi %mul3A_1357, %add3A_1432 : i32
      %add3A_1434 = arith.constant 1 : i32
      %add3A_1435 = arith.addi %add3A_1433, %add3A_1434 : i32
      %get3A_1436 = arith.index_cast %add3A_1435 : i32 to index
      %get3A_1437 = arith.constant 16 : index
      %get3A_1438 = tpu.vector_load %arg7[%get3A_1436, %get3A_1437] {strides = array<i32>} : memref<1280x32xf32, #tpu.memory_space<vmem>>, vector<1x16xf32>,
      %get3A_1439 = vector.shape_cast %get3A_1438 : vector<1x16xf32> to vector<16xf32>
      %add3A_1440 = arith.addf %add3A_1408, %get3A_1439 : vector<16xf32>
      %add3A_1441 = arith.constant 6 : i32
      %add3A_1442 = arith.addi %mul3A_1357, %add3A_1441 : i32
      %get3A_1443 = arith.index_cast %add3A_1442 : i32 to index
      %get3A_1444 = arith.constant 0 : index
      %get3A_1445 = tpu.vector_load %arg7[%get3A_1443, %get3A_1444] {strides = array<i32>} : memref<1280x32xf32, #tpu.memory_space<vmem>>, vector<1x16xf32>,
      %get3A_1446 = vector.shape_cast %get3A_1445 : vector<1x16xf32> to vector<16xf32>
      %add3A_1447 = arith.addf %add3A_1415, %get3A_1446 : vector<16xf32>
      %add3A_1448 = arith.constant 6 : i32
      %add3A_1449 = arith.addi %mul3A_1357, %add3A_1448 : i32
      %get3A_1450 = arith.index_cast %add3A_1449 : i32 to index
      %get3A_1451 = arith.constant 16 : index
      %get3A_1452 = tpu.vector_load %arg7[%get3A_1450, %get3A_1451] {strides = array<i32>} : memref<1280x32xf32, #tpu.memory_space<vmem>>, vector<1x16xf32>,
      %get3A_1453 = vector.shape_cast %get3A_1452 : vector<1x16xf32> to vector<16xf32>
      %add3A_1454 = arith.addf %add3A_1422, %get3A_1453 : vector<16xf32>
      %add3A_1455 = arith.constant 6 : i32
      %add3A_1456 = arith.addi %mul3A_1357, %add3A_1455 : i32
      %add3A_1457 = arith.constant 1 : i32
      %add3A_1458 = arith.addi %add3A_1456, %add3A_1457 : i32
      %get3A_1459 = arith.index_cast %add3A_1458 : i32 to index
      %get3A_1460 = arith.constant 0 : index
      %get3A_1461 = tpu.vector_load %arg7[%get3A_1459, %get3A_1460] {strides = array<i32>} : memref<1280x32xf32, #tpu.memory_space<vmem>>, vector<1x16xf32>,
      %get3A_1462 = vector.shape_cast %get3A_1461 : vector<1x16xf32> to vector<16xf32>
      %add3A_1463 = arith.addf %add3A_1431, %get3A_1462 : vector<16xf32>
      %add3A_1464 = arith.constant 6 : i32
      %add3A_1465 = arith.addi %mul3A_1357, %add3A_1464 : i32
      %add3A_1466 = arith.constant 1 : i32
      %add3A_1467 = arith.addi %add3A_1465, %add3A_1466 : i32
      %get3A_1468 = arith.index_cast %add3A_1467 : i32 to index
      %get3A_1469 = arith.constant 16 : index
      %get3A_1470 = tpu.vector_load %arg7[%get3A_1468, %get3A_1469] {strides = array<i32>} : memref<1280x32xf32, #tpu.memory_space<vmem>>, vector<1x16xf32>,
      %get3A_1471 = vector.shape_cast %get3A_1470 : vector<1x16xf32> to vector<16xf32>
      %add3A_1472 = arith.addf %add3A_1440, %get3A_1471 : vector<16xf32>
      %add3A_1473 = arith.constant 8 : i32
      %add3A_1474 = arith.addi %mul3A_1357, %add3A_1473 : i32
      %get3A_1475 = arith.index_cast %add3A_1474 : i32 to index
      %get3A_1476 = arith.constant 0 : index
      %get3A_1477 = tpu.vector_load %arg7[%get3A_1475, %get3A_1476] {strides = array<i32>} : memref<1280x32xf32, #tpu.memory_space<vmem>>, vector<1x16xf32>,
      %get3A_1478 = vector.shape_cast %get3A_1477 : vector<1x16xf32> to vector<16xf32>
      %add3A_1479 = arith.addf %add3A_1447, %get3A_1478 : vector<16xf32>
      %add3A_1480 = arith.constant 8 : i32
      %add3A_1481 = arith.addi %mul3A_1357, %add3A_1480 : i32
      %get3A_1482 = arith.index_cast %add3A_1481 : i32 to index
      %get3A_1483 = arith.constant 16 : index
      %get3A_1484 = tpu.vector_load %arg7[%get3A_1482, %get3A_1483] {strides = array<i32>} : memref<1280x32xf32, #tpu.memory_space<vmem>>, vector<1x16xf32>,
      %get3A_1485 = vector.shape_cast %get3A_1484 : vector<1x16xf32> to vector<16xf32>
      %add3A_1486 = arith.addf %add3A_1454, %get3A_1485 : vector<16xf32>
      %add3A_1487 = arith.constant 8 : i32
      %add3A_1488 = arith.addi %mul3A_1357, %add3A_1487 : i32
      %add3A_1489 = arith.constant 1 : i32
      %add3A_1490 = arith.addi %add3A_1488, %add3A_1489 : i32
      %get3A_1491 = arith.index_cast %add3A_1490 : i32 to index
      %get3A_1492 = arith.constant 0 : index
      %get3A_1493 = tpu.vector_load %arg7[%get3A_1491, %get3A_1492] {strides = array<i32>} : memref<1280x32xf32, #tpu.memory_space<vmem>>, vector<1x16xf32>,
      %get3A_1494 = vector.shape_cast %get3A_1493 : vector<1x16xf32> to vector<16xf32>
      %add3A_1495 = arith.addf %add3A_1463, %get3A_1494 : vector<16xf32>
      %add3A_1496 = arith.constant 8 : i32
      %add3A_1497 = arith.addi %mul3A_1357, %add3A_1496 : i32
      %add3A_1498 = arith.constant 1 : i32
      %add3A_1499 = arith.addi %add3A_1497, %add3A_1498 : i32
      %get3A_1500 = arith.index_cast %add3A_1499 : i32 to index
      %get3A_1501 = arith.constant 16 : index
      %get3A_1502 = tpu.vector_load %arg7[%get3A_1500, %get3A_1501] {strides = array<i32>} : memref<1280x32xf32, #tpu.memory_space<vmem>>, vector<1x16xf32>,
      %get3A_1503 = vector.shape_cast %get3A_1502 : vector<1x16xf32> to vector<16xf32>
      %add3A_1504 = arith.addf %add3A_1472, %get3A_1503 : vector<16xf32>
      %add3A_1505 = arith.constant 10 : i32
      %add3A_1506 = arith.addi %mul3A_1357, %add3A_1505 : i32
      %get3A_1507 = arith.index_cast %add3A_1506 : i32 to index
      %get3A_1508 = arith.constant 0 : index
      %get3A_1509 = tpu.vector_load %arg7[%get3A_1507, %get3A_1508] {strides = array<i32>} : memref<1280x32xf32, #tpu.memory_space<vmem>>, vector<1x16xf32>,
      %get3A_1510 = vector.shape_cast %get3A_1509 : vector<1x16xf32> to vector<16xf32>
      %add3A_1511 = arith.addf %add3A_1479, %get3A_1510 : vector<16xf32>
      %add3A_1512 = arith.constant 10 : i32
      %add3A_1513 = arith.addi %mul3A_1357, %add3A_1512 : i32
      %get3A_1514 = arith.index_cast %add3A_1513 : i32 to index
      %get3A_1515 = arith.constant 16 : index
      %get3A_1516 = tpu.vector_load %arg7[%get3A_1514, %get3A_1515] {strides = array<i32>} : memref<1280x32xf32, #tpu.memory_space<vmem>>, vector<1x16xf32>,
      %get3A_1517 = vector.shape_cast %get3A_1516 : vector<1x16xf32> to vector<16xf32>
      %add3A_1518 = arith.addf %add3A_1486, %get3A_1517 : vector<16xf32>
      %add3A_1519 = arith.constant 10 : i32
      %add3A_1520 = arith.addi %mul3A_1357, %add3A_1519 : i32
      %add3A_1521 = arith.constant 1 : i32
      %add3A_1522 = arith.addi %add3A_1520, %add3A_1521 : i32
      %get3A_1523 = arith.index_cast %add3A_1522 : i32 to index
      %get3A_1524 = arith.constant 0 : index
      %get3A_1525 = tpu.vector_load %arg7[%get3A_1523, %get3A_1524] {strides = array<i32>} : memref<1280x32xf32, #tpu.memory_space<vmem>>, vector<1x16xf32>,
      %get3A_1526 = vector.shape_cast %get3A_1525 : vector<1x16xf32> to vector<16xf32>
      %add3A_1527 = arith.addf %add3A_1495, %get3A_1526 : vector<16xf32>
      %add3A_1528 = arith.constant 10 : i32
      %add3A_1529 = arith.addi %mul3A_1357, %add3A_1528 : i32
      %add3A_1530 = arith.constant 1 : i32
      %add3A_1531 = arith.addi %add3A_1529, %add3A_1530 : i32
      %get3A_1532 = arith.index_cast %add3A_1531 : i32 to index
      %get3A_1533 = arith.constant 16 : index
      %get3A_1534 = tpu.vector_load %arg7[%get3A_1532, %get3A_1533] {strides = array<i32>} : memref<1280x32xf32, #tpu.memory_space<vmem>>, vector<1x16xf32>,
      %get3A_1535 = vector.shape_cast %get3A_1534 : vector<1x16xf32> to vector<16xf32>
      %add3A_1536 = arith.addf %add3A_1504, %get3A_1535 : vector<16xf32>
      %add3A_1537 = arith.constant 12 : i32
      %add3A_1538 = arith.addi %mul3A_1357, %add3A_1537 : i32
      %get3A_1539 = arith.index_cast %add3A_1538 : i32 to index
      %get3A_1540 = arith.constant 0 : index
      %get3A_1541 = tpu.vector_load %arg7[%get3A_1539, %get3A_1540] {strides = array<i32>} : memref<1280x32xf32, #tpu.memory_space<vmem>>, vector<1x16xf32>,
      %get3A_1542 = vector.shape_cast %get3A_1541 : vector<1x16xf32> to vector<16xf32>
      %add3A_1543 = arith.addf %add3A_1511, %get3A_1542 : vector<16xf32>
      %add3A_1544 = arith.constant 12 : i32
      %add3A_1545 = arith.addi %mul3A_1357, %add3A_1544 : i32
      %get3A_1546 = arith.index_cast %add3A_1545 : i32 to index
      %get3A_1547 = arith.constant 16 : index
      %get3A_1548 = tpu.vector_load %arg7[%get3A_1546, %get3A_1547] {strides = array<i32>} : memref<1280x32xf32, #tpu.memory_space<vmem>>, vector<1x16xf32>,
      %get3A_1549 = vector.shape_cast %get3A_1548 : vector<1x16xf32> to vector<16xf32>
      %add3A_1550 = arith.addf %add3A_1518, %get3A_1549 : vector<16xf32>
      %add3A_1551 = arith.constant 12 : i32
      %add3A_1552 = arith.addi %mul3A_1357, %add3A_1551 : i32
      %add3A_1553 = arith.constant 1 : i32
      %add3A_1554 = arith.addi %add3A_1552, %add3A_1553 : i32
      %get3A_1555 = arith.index_cast %add3A_1554 : i32 to index
      %get3A_1556 = arith.constant 0 : index
      %get3A_1557 = tpu.vector_load %arg7[%get3A_1555, %get3A_1556] {strides = array<i32>} : memref<1280x32xf32, #tpu.memory_space<vmem>>, vector<1x16xf32>,
      %get3A_1558 = vector.shape_cast %get3A_1557 : vector<1x16xf32> to vector<16xf32>
      %add3A_1559 = arith.addf %add3A_1527, %get3A_1558 : vector<16xf32>
      %add3A_1560 = arith.constant 12 : i32
      %add3A_1561 = arith.addi %mul3A_1357, %add3A_1560 : i32
      %add3A_1562 = arith.constant 1 : i32
      %add3A_1563 = arith.addi %add3A_1561, %add3A_1562 : i32
      %get3A_1564 = arith.index_cast %add3A_1563 : i32 to index
      %get3A_1565 = arith.constant 16 : index
      %get3A_1566 = tpu.vector_load %arg7[%get3A_1564, %get3A_1565] {strides = array<i32>} : memref<1280x32xf32, #tpu.memory_space<vmem>>, vector<1x16xf32>,
      %get3A_1567 = vector.shape_cast %get3A_1566 : vector<1x16xf32> to vector<16xf32>
      %add3A_1568 = arith.addf %add3A_1536, %get3A_1567 : vector<16xf32>
      %add3A_1569 = arith.constant 14 : i32
      %add3A_1570 = arith.addi %mul3A_1357, %add3A_1569 : i32
      %get3A_1571 = arith.index_cast %add3A_1570 : i32 to index
      %get3A_1572 = arith.constant 0 : index
      %get3A_1573 = tpu.vector_load %arg7[%get3A_1571, %get3A_1572] {strides = array<i32>} : memref<1280x32xf32, #tpu.memory_space<vmem>>, vector<1x16xf32>,
      %get3A_1574 = vector.shape_cast %get3A_1573 : vector<1x16xf32> to vector<16xf32>
      %add3A_1575 = arith.addf %add3A_1543, %get3A_1574 : vector<16xf32>
      %add3A_1576 = arith.constant 14 : i32
      %add3A_1577 = arith.addi %mul3A_1357, %add3A_1576 : i32
      %get3A_1578 = arith.index_cast %add3A_1577 : i32 to index
      %get3A_1579 = arith.constant 16 : index
      %get3A_1580 = tpu.vector_load %arg7[%get3A_1578, %get3A_1579] {strides = array<i32>} : memref<1280x32xf32, #tpu.memory_space<vmem>>, vector<1x16xf32>,
      %get3A_1581 = vector.shape_cast %get3A_1580 : vector<1x16xf32> to vector<16xf32>
      %add3A_1582 = arith.addf %add3A_1550, %get3A_1581 : vector<16xf32>
      %add3A_1583 = arith.constant 14 : i32
      %add3A_1584 = arith.addi %mul3A_1357, %add3A_1583 : i32
      %add3A_1585 = arith.constant 1 : i32
      %add3A_1586 = arith.addi %add3A_1584, %add3A_1585 : i32
      %get3A_1587 = arith.index_cast %add3A_1586 : i32 to index
      %get3A_1588 = arith.constant 0 : index
      %get3A_1589 = tpu.vector_load %arg7[%get3A_1587, %get3A_1588] {strides = array<i32>} : memref<1280x32xf32, #tpu.memory_space<vmem>>, vector<1x16xf32>,
      %get3A_1590 = vector.shape_cast %get3A_1589 : vector<1x16xf32> to vector<16xf32>
      %add3A_1591 = arith.addf %add3A_1559, %get3A_1590 : vector<16xf32>
      %add3A_1592 = arith.constant 14 : i32
      %add3A_1593 = arith.addi %mul3A_1357, %add3A_1592 : i32
      %add3A_1594 = arith.constant 1 : i32
      %add3A_1595 = arith.addi %add3A_1593, %add3A_1594 : i32
      %get3A_1596 = arith.index_cast %add3A_1595 : i32 to index
      %get3A_1597 = arith.constant 16 : index
      %get3A_1598 = tpu.vector_load %arg7[%get3A_1596, %get3A_1597] {strides = array<i32>} : memref<1280x32xf32, #tpu.memory_space<vmem>>, vector<1x16xf32>,
      %get3A_1599 = vector.shape_cast %get3A_1598 : vector<1x16xf32> to vector<16xf32>
      %add3A_1600 = arith.addf %add3A_1568, %get3A_1599 : vector<16xf32>
      %add3A_1601 = arith.constant 16 : i32
      %add3A_1602 = arith.addi %mul3A_1357, %add3A_1601 : i32
      %get3A_1603 = arith.index_cast %add3A_1602 : i32 to index
      %get3A_1604 = arith.constant 0 : index
      %get3A_1605 = tpu.vector_load %arg7[%get3A_1603, %get3A_1604] {strides = array<i32>} : memref<1280x32xf32, #tpu.memory_space<vmem>>, vector<1x16xf32>,
      %get3A_1606 = vector.shape_cast %get3A_1605 : vector<1x16xf32> to vector<16xf32>
      %add3A_1607 = arith.addf %add3A_1575, %get3A_1606 : vector<16xf32>
      %add3A_1608 = arith.constant 16 : i32
      %add3A_1609 = arith.addi %mul3A_1357, %add3A_1608 : i32
      %get3A_1610 = arith.index_cast %add3A_1609 : i32 to index
      %get3A_1611 = arith.constant 16 : index
      %get3A_1612 = tpu.vector_load %arg7[%get3A_1610, %get3A_1611] {strides = array<i32>} : memref<1280x32xf32, #tpu.memory_space<vmem>>, vector<1x16xf32>,
      %get3A_1613 = vector.shape_cast %get3A_1612 : vector<1x16xf32> to vector<16xf32>
      %add3A_1614 = arith.addf %add3A_1582, %get3A_1613 : vector<16xf32>
      %add3A_1615 = arith.constant 16 : i32
      %add3A_1616 = arith.addi %mul3A_1357, %add3A_1615 : i32
      %add3A_1617 = arith.constant 1 : i32
      %add3A_1618 = arith.addi %add3A_1616, %add3A_1617 : i32
      %get3A_1619 = arith.index_cast %add3A_1618 : i32 to index
      %get3A_1620 = arith.constant 0 : index
      %get3A_1621 = tpu.vector_load %arg7[%get3A_1619, %get3A_1620] {strides = array<i32>} : memref<1280x32xf32, #tpu.memory_space<vmem>>, vector<1x16xf32>,
      %get3A_1622 = vector.shape_cast %get3A_1621 : vector<1x16xf32> to vector<16xf32>
      %add3A_1623 = arith.addf %add3A_1591, %get3A_1622 : vector<16xf32>
      %add3A_1624 = arith.constant 16 : i32
      %add3A_1625 = arith.addi %mul3A_1357, %add3A_1624 : i32
      %add3A_1626 = arith.constant 1 : i32
      %add3A_1627 = arith.addi %add3A_1625, %add3A_1626 : i32
      %get3A_1628 = arith.index_cast %add3A_1627 : i32 to index
      %get3A_1629 = arith.constant 16 : index
      %get3A_1630 = tpu.vector_load %arg7[%get3A_1628, %get3A_1629] {strides = array<i32>} : memref<1280x32xf32, #tpu.memory_space<vmem>>, vector<1x16xf32>,
      %get3A_1631 = vector.shape_cast %get3A_1630 : vector<1x16xf32> to vector<16xf32>
      %add3A_1632 = arith.addf %add3A_1600, %get3A_1631 : vector<16xf32>
      %add3A_1633 = arith.constant 18 : i32
      %add3A_1634 = arith.addi %mul3A_1357, %add3A_1633 : i32
      %get3A_1635 = arith.index_cast %add3A_1634 : i32 to index
      %get3A_1636 = arith.constant 0 : index
      %get3A_1637 = tpu.vector_load %arg7[%get3A_1635, %get3A_1636] {strides = array<i32>} : memref<1280x32xf32, #tpu.memory_space<vmem>>, vector<1x16xf32>,
      %get3A_1638 = vector.shape_cast %get3A_1637 : vector<1x16xf32> to vector<16xf32>
      %add3A_1639 = arith.addf %add3A_1607, %get3A_1638 : vector<16xf32>
      %add3A_1640 = arith.constant 18 : i32
      %add3A_1641 = arith.addi %mul3A_1357, %add3A_1640 : i32
      %get3A_1642 = arith.index_cast %add3A_1641 : i32 to index
      %get3A_1643 = arith.constant 16 : index
      %get3A_1644 = tpu.vector_load %arg7[%get3A_1642, %get3A_1643] {strides = array<i32>} : memref<1280x32xf32, #tpu.memory_space<vmem>>, vector<1x16xf32>,
      %get3A_1645 = vector.shape_cast %get3A_1644 : vector<1x16xf32> to vector<16xf32>
      %add3A_1646 = arith.addf %add3A_1614, %get3A_1645 : vector<16xf32>
      %add3A_1647 = arith.constant 18 : i32
      %add3A_1648 = arith.addi %mul3A_1357, %add3A_1647 : i32
      %add3A_1649 = arith.constant 1 : i32
      %add3A_1650 = arith.addi %add3A_1648, %add3A_1649 : i32
      %get3A_1651 = arith.index_cast %add3A_1650 : i32 to index
      %get3A_1652 = arith.constant 0 : index
      %get3A_1653 = tpu.vector_load %arg7[%get3A_1651, %get3A_1652] {strides = array<i32>} : memref<1280x32xf32, #tpu.memory_space<vmem>>, vector<1x16xf32>,
      %get3A_1654 = vector.shape_cast %get3A_1653 : vector<1x16xf32> to vector<16xf32>
      %add3A_1655 = arith.addf %add3A_1623, %get3A_1654 : vector<16xf32>
      %add3A_1656 = arith.constant 18 : i32
      %add3A_1657 = arith.addi %mul3A_1357, %add3A_1656 : i32
      %add3A_1658 = arith.constant 1 : i32
      %add3A_1659 = arith.addi %add3A_1657, %add3A_1658 : i32
      %get3A_1660 = arith.index_cast %add3A_1659 : i32 to index
      %get3A_1661 = arith.constant 16 : index
      %get3A_1662 = tpu.vector_load %arg7[%get3A_1660, %get3A_1661] {strides = array<i32>} : memref<1280x32xf32, #tpu.memory_space<vmem>>, vector<1x16xf32>,
      %get3A_1663 = vector.shape_cast %get3A_1662 : vector<1x16xf32> to vector<16xf32>
      %add3A_1664 = arith.addf %add3A_1632, %get3A_1663 : vector<16xf32>
      %add3A_1665 = arith.addf %add3A_1639, %add3A_1655 : vector<16xf32>
      %add3A_1666 = arith.constant 384 : i32
      %add3A_1667 = arith.addi %add3A_1666, %scan3A_1354 : i32
      %swap3A = arith.index_cast %add3A_1667 : i32 to index
      %swap3A_1668 = arith.constant 0 : index
      %swap3A_1669 = tpu.vector_load %arg9[%swap3A, %swap3A_1668] {strides = array<i32>} : memref<512x32xf32, #tpu.memory_space<vmem>>, vector<1x16xf32>,
      %swap3A_1670 = vector.shape_cast %swap3A_1669 : vector<1x16xf32> to vector<16xf32>
      %swap3A_1671 = vector.shape_cast %add3A_1665 : vector<16xf32> to vector<1x16xf32>
      tpu.vector_store %arg9[%swap3A, %swap3A_1668], %swap3A_1671 {strides = array<i32>} : memref<512x32xf32, #tpu.memory_space<vmem>>, vector<1x16xf32>,
      %add3A_1672 = arith.addf %add3A_1646, %add3A_1664 : vector<16xf32>
      %add3A_1673 = arith.constant 384 : i32
      %add3A_1674 = arith.addi %add3A_1673, %scan3A_1354 : i32
      %swap3A_1675 = arith.index_cast %add3A_1674 : i32 to index
      %swap3A_1676 = arith.constant 16 : index
      %swap3A_1677 = tpu.vector_load %arg9[%swap3A_1675, %swap3A_1676] {strides = array<i32>} : memref<512x32xf32, #tpu.memory_space<vmem>>, vector<1x16xf32>,
      %swap3A_1678 = vector.shape_cast %swap3A_1677 : vector<1x16xf32> to vector<16xf32>
      %swap3A_1679 = vector.shape_cast %add3A_1672 : vector<16xf32> to vector<1x16xf32>
      tpu.vector_store %arg9[%swap3A_1675, %swap3A_1676], %swap3A_1679 {strides = array<i32>} : memref<512x32xf32, #tpu.memory_space<vmem>>, vector<1x16xf32>,
      %scan3A_1680 = arith.constant 0 : i32
      scf.yield %scan3A_1680 : i32
    }
    %scan3A_1264 = arith.constant 64 : i32
    %dma_wait3A_1265 = arith.constant 0 : i32
    %dma_wait3A_1266 = arith.constant 0 : i32
    %dma_wait3A_1267 = tpu.memref_slice %arg8[%dma_wait3A_1265, %dma_wait3A_1266] : memref<1280x32xf32, #tpu.memory_space<vmem>> -> memref<128x32xf32, #tpu.memory_space<vmem>>
    %dma_wait3A_1268 = arith.constant 0 : i32
    %dma_wait3A_1269 = tpu.memref_slice %arg6[%dma_wait3A_1268] : memref<1280xi32, #tpu.memory_space<vmem>> -> memref<128xi32, #tpu.memory_space<vmem>>
    %dma_wait3A_1270 = arith.constant 0 : i32
    %dma_wait3A_1271 = arith.constant 0 : i32
    %dma_wait3A_1272 = tpu.memref_slice %arg3[%dma_wait3A_1270, %dma_wait3A_1271] : memref<1000000x32xf32, #tpu.memory_space<hbm>> -> memref<1000000x32xf32, #tpu.memory_space<hbm>>
    tpu.wait_indirect_dma semaphore(%arg11 : memref<!tpu.dma_semaphore, #tpu.memory_space<semaphore_mem>>) src(%dma_wait3A_1272 : memref<1000000x32xf32, #tpu.memory_space<hbm>>) dst(%dma_wait3A_1267 : memref<128x32xf32, #tpu.memory_space<vmem>>)
    %dma_wait3A_1273 = arith.constant 128 : i32
    %dma_wait3A_1274 = arith.constant 0 : i32
    %dma_wait3A_1275 = tpu.memref_slice %arg8[%dma_wait3A_1273, %dma_wait3A_1274] : memref<1280x32xf32, #tpu.memory_space<vmem>> -> memref<128x32xf32, #tpu.memory_space<vmem>>
    %dma_wait3A_1276 = arith.constant 128 : i32
    %dma_wait3A_1277 = tpu.memref_slice %arg6[%dma_wait3A_1276] : memref<1280xi32, #tpu.memory_space<vmem>> -> memref<128xi32, #tpu.memory_space<vmem>>
    %dma_wait3A_1278 = arith.constant 0 : i32
    %dma_wait3A_1279 = arith.constant 0 : i32
    %dma_wait3A_1280 = tpu.memref_slice %arg3[%dma_wait3A_1278, %dma_wait3A_1279] : memref<1000000x32xf32, #tpu.memory_space<hbm>> -> memref<1000000x32xf32, #tpu.memory_space<hbm>>
    tpu.wait_indirect_dma semaphore(%arg11 : memref<!tpu.dma_semaphore, #tpu.memory_space<semaphore_mem>>) src(%dma_wait3A_1280 : memref<1000000x32xf32, #tpu.memory_space<hbm>>) dst(%dma_wait3A_1275 : memref<128x32xf32, #tpu.memory_space<vmem>>)
    %dma_wait3A_1281 = arith.constant 256 : i32
    %dma_wait3A_1282 = arith.constant 0 : i32
    %dma_wait3A_1283 = tpu.memref_slice %arg8[%dma_wait3A_1281, %dma_wait3A_1282] : memref<1280x32xf32, #tpu.memory_space<vmem>> -> memref<128x32xf32, #tpu.memory_space<vmem>>
    %dma_wait3A_1284 = arith.constant 256 : i32
    %dma_wait3A_1285 = tpu.memref_slice %arg6[%dma_wait3A_1284] : memref<1280xi32, #tpu.memory_space<vmem>> -> memref<128xi32, #tpu.memory_space<vmem>>
    %dma_wait3A_1286 = arith.constant 0 : i32
    %dma_wait3A_1287 = arith.constant 0 : i32
    %dma_wait3A_1288 = tpu.memref_slice %arg3[%dma_wait3A_1286, %dma_wait3A_1287] : memref<1000000x32xf32, #tpu.memory_space<hbm>> -> memref<1000000x32xf32, #tpu.memory_space<hbm>>
    tpu.wait_indirect_dma semaphore(%arg11 : memref<!tpu.dma_semaphore, #tpu.memory_space<semaphore_mem>>) src(%dma_wait3A_1288 : memref<1000000x32xf32, #tpu.memory_space<hbm>>) dst(%dma_wait3A_1283 : memref<128x32xf32, #tpu.memory_space<vmem>>)
    %dma_wait3A_1289 = arith.constant 384 : i32
    %dma_wait3A_1290 = arith.constant 0 : i32
    %dma_wait3A_1291 = tpu.memref_slice %arg8[%dma_wait3A_1289, %dma_wait3A_1290] : memref<1280x32xf32, #tpu.memory_space<vmem>> -> memref<128x32xf32, #tpu.memory_space<vmem>>
    %dma_wait3A_1292 = arith.constant 384 : i32
    %dma_wait3A_1293 = tpu.memref_slice %arg6[%dma_wait3A_1292] : memref<1280xi32, #tpu.memory_space<vmem>> -> memref<128xi32, #tpu.memory_space<vmem>>
    %dma_wait3A_1294 = arith.constant 0 : i32
    %dma_wait3A_1295 = arith.constant 0 : i32
    %dma_wait3A_1296 = tpu.memref_slice %arg3[%dma_wait3A_1294, %dma_wait3A_1295] : memref<1000000x32xf32, #tpu.memory_space<hbm>> -> memref<1000000x32xf32, #tpu.memory_space<hbm>>
    tpu.wait_indirect_dma semaphore(%arg11 : memref<!tpu.dma_semaphore, #tpu.memory_space<semaphore_mem>>) src(%dma_wait3A_1296 : memref<1000000x32xf32, #tpu.memory_space<hbm>>) dst(%dma_wait3A_1291 : memref<128x32xf32, #tpu.memory_space<vmem>>)
    %dma_wait3A_1297 = arith.constant 512 : i32
    %dma_wait3A_1298 = arith.constant 0 : i32
    %dma_wait3A_1299 = tpu.memref_slice %arg8[%dma_wait3A_1297, %dma_wait3A_1298] : memref<1280x32xf32, #tpu.memory_space<vmem>> -> memref<128x32xf32, #tpu.memory_space<vmem>>
    %dma_wait3A_1300 = arith.constant 512 : i32
    %dma_wait3A_1301 = tpu.memref_slice %arg6[%dma_wait3A_1300] : memref<1280xi32, #tpu.memory_space<vmem>> -> memref<128xi32, #tpu.memory_space<vmem>>
    %dma_wait3A_1302 = arith.constant 0 : i32
    %dma_wait3A_1303 = arith.constant 0 : i32
    %dma_wait3A_1304 = tpu.memref_slice %arg3[%dma_wait3A_1302, %dma_wait3A_1303] : memref<1000000x32xf32, #tpu.memory_space<hbm>> -> memref<1000000x32xf32, #tpu.memory_space<hbm>>
    tpu.wait_indirect_dma semaphore(%arg11 : memref<!tpu.dma_semaphore, #tpu.memory_space<semaphore_mem>>) src(%dma_wait3A_1304 : memref<1000000x32xf32, #tpu.memory_space<hbm>>) dst(%dma_wait3A_1299 : memref<128x32xf32, #tpu.memory_space<vmem>>)
    %dma_wait3A_1305 = arith.constant 640 : i32
    %dma_wait3A_1306 = arith.constant 0 : i32
    %dma_wait3A_1307 = tpu.memref_slice %arg8[%dma_wait3A_1305, %dma_wait3A_1306] : memref<1280x32xf32, #tpu.memory_space<vmem>> -> memref<128x32xf32, #tpu.memory_space<vmem>>
    %dma_wait3A_1308 = arith.constant 640 : i32
    %dma_wait3A_1309 = tpu.memref_slice %arg6[%dma_wait3A_1308] : memref<1280xi32, #tpu.memory_space<vmem>> -> memref<128xi32, #tpu.memory_space<vmem>>
    %dma_wait3A_1310 = arith.constant 0 : i32
    %dma_wait3A_1311 = arith.constant 0 : i32
    %dma_wait3A_1312 = tpu.memref_slice %arg3[%dma_wait3A_1310, %dma_wait3A_1311] : memref<1000000x32xf32, #tpu.memory_space<hbm>> -> memref<1000000x32xf32, #tpu.memory_space<hbm>>
    tpu.wait_indirect_dma semaphore(%arg11 : memref<!tpu.dma_semaphore, #tpu.memory_space<semaphore_mem>>) src(%dma_wait3A_1312 : memref<1000000x32xf32, #tpu.memory_space<hbm>>) dst(%dma_wait3A_1307 : memref<128x32xf32, #tpu.memory_space<vmem>>)
    %dma_wait3A_1313 = arith.constant 768 : i32
    %dma_wait3A_1314 = arith.constant 0 : i32
    %dma_wait3A_1315 = tpu.memref_slice %arg8[%dma_wait3A_1313, %dma_wait3A_1314] : memref<1280x32xf32, #tpu.memory_space<vmem>> -> memref<128x32xf32, #tpu.memory_space<vmem>>
    %dma_wait3A_1316 = arith.constant 768 : i32
    %dma_wait3A_1317 = tpu.memref_slice %arg6[%dma_wait3A_1316] : memref<1280xi32, #tpu.memory_space<vmem>> -> memref<128xi32, #tpu.memory_space<vmem>>
    %dma_wait3A_1318 = arith.constant 0 : i32
    %dma_wait3A_1319 = arith.constant 0 : i32
    %dma_wait3A_1320 = tpu.memref_slice %arg3[%dma_wait3A_1318, %dma_wait3A_1319] : memref<1000000x32xf32, #tpu.memory_space<hbm>> -> memref<1000000x32xf32, #tpu.memory_space<hbm>>
    tpu.wait_indirect_dma semaphore(%arg11 : memref<!tpu.dma_semaphore, #tpu.memory_space<semaphore_mem>>) src(%dma_wait3A_1320 : memref<1000000x32xf32, #tpu.memory_space<hbm>>) dst(%dma_wait3A_1315 : memref<128x32xf32, #tpu.memory_space<vmem>>)
    %dma_wait3A_1321 = arith.constant 896 : i32
    %dma_wait3A_1322 = arith.constant 0 : i32
    %dma_wait3A_1323 = tpu.memref_slice %arg8[%dma_wait3A_1321, %dma_wait3A_1322] : memref<1280x32xf32, #tpu.memory_space<vmem>> -> memref<128x32xf32, #tpu.memory_space<vmem>>
    %dma_wait3A_1324 = arith.constant 896 : i32
    %dma_wait3A_1325 = tpu.memref_slice %arg6[%dma_wait3A_1324] : memref<1280xi32, #tpu.memory_space<vmem>> -> memref<128xi32, #tpu.memory_space<vmem>>
    %dma_wait3A_1326 = arith.constant 0 : i32
    %dma_wait3A_1327 = arith.constant 0 : i32
    %dma_wait3A_1328 = tpu.memref_slice %arg3[%dma_wait3A_1326, %dma_wait3A_1327] : memref<1000000x32xf32, #tpu.memory_space<hbm>> -> memref<1000000x32xf32, #tpu.memory_space<hbm>>
    tpu.wait_indirect_dma semaphore(%arg11 : memref<!tpu.dma_semaphore, #tpu.memory_space<semaphore_mem>>) src(%dma_wait3A_1328 : memref<1000000x32xf32, #tpu.memory_space<hbm>>) dst(%dma_wait3A_1323 : memref<128x32xf32, #tpu.memory_space<vmem>>)
    %dma_wait3A_1329 = arith.constant 1024 : i32
    %dma_wait3A_1330 = arith.constant 0 : i32
    %dma_wait3A_1331 = tpu.memref_slice %arg8[%dma_wait3A_1329, %dma_wait3A_1330] : memref<1280x32xf32, #tpu.memory_space<vmem>> -> memref<128x32xf32, #tpu.memory_space<vmem>>
    %dma_wait3A_1332 = arith.constant 1024 : i32
    %dma_wait3A_1333 = tpu.memref_slice %arg6[%dma_wait3A_1332] : memref<1280xi32, #tpu.memory_space<vmem>> -> memref<128xi32, #tpu.memory_space<vmem>>
    %dma_wait3A_1334 = arith.constant 0 : i32
    %dma_wait3A_1335 = arith.constant 0 : i32
    %dma_wait3A_1336 = tpu.memref_slice %arg3[%dma_wait3A_1334, %dma_wait3A_1335] : memref<1000000x32xf32, #tpu.memory_space<hbm>> -> memref<1000000x32xf32, #tpu.memory_space<hbm>>
    tpu.wait_indirect_dma semaphore(%arg11 : memref<!tpu.dma_semaphore, #tpu.memory_space<semaphore_mem>>) src(%dma_wait3A_1336 : memref<1000000x32xf32, #tpu.memory_space<hbm>>) dst(%dma_wait3A_1331 : memref<128x32xf32, #tpu.memory_space<vmem>>)
    %dma_wait3A_1337 = arith.constant 1152 : i32
    %dma_wait3A_1338 = arith.constant 0 : i32
    %dma_wait3A_1339 = tpu.memref_slice %arg8[%dma_wait3A_1337, %dma_wait3A_1338] : memref<1280x32xf32, #tpu.memory_space<vmem>> -> memref<128x32xf32, #tpu.memory_space<vmem>>
    %dma_wait3A_1340 = arith.constant 1152 : i32
    %dma_wait3A_1341 = tpu.memref_slice %arg6[%dma_wait3A_1340] : memref<1280xi32, #tpu.memory_space<vmem>> -> memref<128xi32, #tpu.memory_space<vmem>>
    %dma_wait3A_1342 = arith.constant 0 : i32
    %dma_wait3A_1343 = arith.constant 0 : i32
    %dma_wait3A_1344 = tpu.memref_slice %arg3[%dma_wait3A_1342, %dma_wait3A_1343] : memref<1000000x32xf32, #tpu.memory_space<hbm>> -> memref<1000000x32xf32, #tpu.memory_space<hbm>>
    tpu.wait_indirect_dma semaphore(%arg11 : memref<!tpu.dma_semaphore, #tpu.memory_space<semaphore_mem>>) src(%dma_wait3A_1344 : memref<1000000x32xf32, #tpu.memory_space<hbm>>) dst(%dma_wait3A_1339 : memref<128x32xf32, #tpu.memory_space<vmem>>)
    %scan3A_1345 = arith.constant 0 : i32
    %scan3A_1346 = arith.constant 0 : i32
    %scan3A_1347 = arith.constant 64 : i32
    %scan3A_1348 = arith.addi %scan3A_1346, %scan3A_1347 : i32
    %scan3A_1349 = arith.constant 1 : i32
    %scan3A_1350 = scf.for %scan3A_1354 = %scan3A_1346 to %scan3A_1348 step %scan3A_1349 iter_args(%scan3A_1355 = %scan3A_1345) -> (i32)  : i32 {
      %mul3A_1356 = arith.constant 20 : i32
      %mul3A_1357 = arith.muli %scan3A_1354, %mul3A_1356 : i32
      %get3A = arith.index_cast %mul3A_1357 : i32 to index
      %get3A_1358 = arith.constant 0 : index
      %get3A_1359 = tpu.vector_load %arg8[%get3A, %get3A_1358] {strides = array<i32>} : memref<1280x32xf32, #tpu.memory_space<vmem>>, vector<1x16xf32>,
      %get3A_1360 = vector.shape_cast %get3A_1359 : vector<1x16xf32> to vector<16xf32>
      %get3A_1361 = arith.index_cast %mul3A_1357 : i32 to index
      %get3A_1362 = arith.constant 16 : index
      %get3A_1363 = tpu.vector_load %arg8[%get3A_1361, %get3A_1362] {strides = array<i32>} : memref<1280x32xf32, #tpu.memory_space<vmem>>, vector<1x16xf32>,
      %get3A_1364 = vector.shape_cast %get3A_1363 : vector<1x16xf32> to vector<16xf32>
      %add3A_1365 = arith.constant 1 : i32
      %add3A_1366 = arith.addi %mul3A_1357, %add3A_1365 : i32
      %get3A_1367 = arith.index_cast %add3A_1366 : i32 to index
      %get3A_1368 = arith.constant 0 : index
      %get3A_1369 = tpu.vector_load %arg8[%get3A_1367, %get3A_1368] {strides = array<i32>} : memref<1280x32xf32, #tpu.memory_space<vmem>>, vector<1x16xf32>,
      %get3A_1370 = vector.shape_cast %get3A_1369 : vector<1x16xf32> to vector<16xf32>
      %add3A_1371 = arith.constant 1 : i32
      %add3A_1372 = arith.addi %mul3A_1357, %add3A_1371 : i32
      %get3A_1373 = arith.index_cast %add3A_1372 : i32 to index
      %get3A_1374 = arith.constant 16 : index
      %get3A_1375 = tpu.vector_load %arg8[%get3A_1373, %get3A_1374] {strides = array<i32>} : memref<1280x32xf32, #tpu.memory_space<vmem>>, vector<1x16xf32>,
      %get3A_1376 = vector.shape_cast %get3A_1375 : vector<1x16xf32> to vector<16xf32>
      %add3A_1377 = arith.constant 2 : i32
      %add3A_1378 = arith.addi %mul3A_1357, %add3A_1377 : i32
      %get3A_1379 = arith.index_cast %add3A_1378 : i32 to index
      %get3A_1380 = arith.constant 0 : index
      %get3A_1381 = tpu.vector_load %arg8[%get3A_1379, %get3A_1380] {strides = array<i32>} : memref<1280x32xf32, #tpu.memory_space<vmem>>, vector<1x16xf32>,
      %get3A_1382 = vector.shape_cast %get3A_1381 : vector<1x16xf32> to vector<16xf32>
      %add3A_1383 = arith.addf %get3A_1360, %get3A_1382 : vector<16xf32>
      %add3A_1384 = arith.constant 2 : i32
      %add3A_1385 = arith.addi %mul3A_1357, %add3A_1384 : i32
      %get3A_1386 = arith.index_cast %add3A_1385 : i32 to index
      %get3A_1387 = arith.constant 16 : index
      %get3A_1388 = tpu.vector_load %arg8[%get3A_1386, %get3A_1387] {strides = array<i32>} : memref<1280x32xf32, #tpu.memory_space<vmem>>, vector<1x16xf32>,
      %get3A_1389 = vector.shape_cast %get3A_1388 : vector<1x16xf32> to vector<16xf32>
      %add3A_1390 = arith.addf %get3A_1364, %get3A_1389 : vector<16xf32>
      %add3A_1391 = arith.constant 2 : i32
      %add3A_1392 = arith.addi %mul3A_1357, %add3A_1391 : i32
      %add3A_1393 = arith.constant 1 : i32
      %add3A_1394 = arith.addi %add3A_1392, %add3A_1393 : i32
      %get3A_1395 = arith.index_cast %add3A_1394 : i32 to index
      %get3A_1396 = arith.constant 0 : index
      %get3A_1397 = tpu.vector_load %arg8[%get3A_1395, %get3A_1396] {strides = array<i32>} : memref<1280x32xf32, #tpu.memory_space<vmem>>, vector<1x16xf32>,
      %get3A_1398 = vector.shape_cast %get3A_1397 : vector<1x16xf32> to vector<16xf32>
      %add3A_1399 = arith.addf %get3A_1370, %get3A_1398 : vector<16xf32>
      %add3A_1400 = arith.constant 2 : i32
      %add3A_1401 = arith.addi %mul3A_1357, %add3A_1400 : i32
      %add3A_1402 = arith.constant 1 : i32
      %add3A_1403 = arith.addi %add3A_1401, %add3A_1402 : i32
      %get3A_1404 = arith.index_cast %add3A_1403 : i32 to index
      %get3A_1405 = arith.constant 16 : index
      %get3A_1406 = tpu.vector_load %arg8[%get3A_1404, %get3A_1405] {strides = array<i32>} : memref<1280x32xf32, #tpu.memory_space<vmem>>, vector<1x16xf32>,
      %get3A_1407 = vector.shape_cast %get3A_1406 : vector<1x16xf32> to vector<16xf32>
      %add3A_1408 = arith.addf %get3A_1376, %get3A_1407 : vector<16xf32>
      %add3A_1409 = arith.constant 4 : i32
      %add3A_1410 = arith.addi %mul3A_1357, %add3A_1409 : i32
      %get3A_1411 = arith.index_cast %add3A_1410 : i32 to index
      %get3A_1412 = arith.constant 0 : index
      %get3A_1413 = tpu.vector_load %arg8[%get3A_1411, %get3A_1412] {strides = array<i32>} : memref<1280x32xf32, #tpu.memory_space<vmem>>, vector<1x16xf32>,
      %get3A_1414 = vector.shape_cast %get3A_1413 : vector<1x16xf32> to vector<16xf32>
      %add3A_1415 = arith.addf %add3A_1383, %get3A_1414 : vector<16xf32>
      %add3A_1416 = arith.constant 4 : i32
      %add3A_1417 = arith.addi %mul3A_1357, %add3A_1416 : i32
      %get3A_1418 = arith.index_cast %add3A_1417 : i32 to index
      %get3A_1419 = arith.constant 16 : index
      %get3A_1420 = tpu.vector_load %arg8[%get3A_1418, %get3A_1419] {strides = array<i32>} : memref<1280x32xf32, #tpu.memory_space<vmem>>, vector<1x16xf32>,
      %get3A_1421 = vector.shape_cast %get3A_1420 : vector<1x16xf32> to vector<16xf32>
      %add3A_1422 = arith.addf %add3A_1390, %get3A_1421 : vector<16xf32>
      %add3A_1423 = arith.constant 4 : i32
      %add3A_1424 = arith.addi %mul3A_1357, %add3A_1423 : i32
      %add3A_1425 = arith.constant 1 : i32
      %add3A_1426 = arith.addi %add3A_1424, %add3A_1425 : i32
      %get3A_1427 = arith.index_cast %add3A_1426 : i32 to index
      %get3A_1428 = arith.constant 0 : index
      %get3A_1429 = tpu.vector_load %arg8[%get3A_1427, %get3A_1428] {strides = array<i32>} : memref<1280x32xf32, #tpu.memory_space<vmem>>, vector<1x16xf32>,
      %get3A_1430 = vector.shape_cast %get3A_1429 : vector<1x16xf32> to vector<16xf32>
      %add3A_1431 = arith.addf %add3A_1399, %get3A_1430 : vector<16xf32>
      %add3A_1432 = arith.constant 4 : i32
      %add3A_1433 = arith.addi %mul3A_1357, %add3A_1432 : i32
      %add3A_1434 = arith.constant 1 : i32
      %add3A_1435 = arith.addi %add3A_1433, %add3A_1434 : i32
      %get3A_1436 = arith.index_cast %add3A_1435 : i32 to index
      %get3A_1437 = arith.constant 16 : index
      %get3A_1438 = tpu.vector_load %arg8[%get3A_1436, %get3A_1437] {strides = array<i32>} : memref<1280x32xf32, #tpu.memory_space<vmem>>, vector<1x16xf32>,
      %get3A_1439 = vector.shape_cast %get3A_1438 : vector<1x16xf32> to vector<16xf32>
      %add3A_1440 = arith.addf %add3A_1408, %get3A_1439 : vector<16xf32>
      %add3A_1441 = arith.constant 6 : i32
      %add3A_1442 = arith.addi %mul3A_1357, %add3A_1441 : i32
      %get3A_1443 = arith.index_cast %add3A_1442 : i32 to index
      %get3A_1444 = arith.constant 0 : index
      %get3A_1445 = tpu.vector_load %arg8[%get3A_1443, %get3A_1444] {strides = array<i32>} : memref<1280x32xf32, #tpu.memory_space<vmem>>, vector<1x16xf32>,
      %get3A_1446 = vector.shape_cast %get3A_1445 : vector<1x16xf32> to vector<16xf32>
      %add3A_1447 = arith.addf %add3A_1415, %get3A_1446 : vector<16xf32>
      %add3A_1448 = arith.constant 6 : i32
      %add3A_1449 = arith.addi %mul3A_1357, %add3A_1448 : i32
      %get3A_1450 = arith.index_cast %add3A_1449 : i32 to index
      %get3A_1451 = arith.constant 16 : index
      %get3A_1452 = tpu.vector_load %arg8[%get3A_1450, %get3A_1451] {strides = array<i32>} : memref<1280x32xf32, #tpu.memory_space<vmem>>, vector<1x16xf32>,
      %get3A_1453 = vector.shape_cast %get3A_1452 : vector<1x16xf32> to vector<16xf32>
      %add3A_1454 = arith.addf %add3A_1422, %get3A_1453 : vector<16xf32>
      %add3A_1455 = arith.constant 6 : i32
      %add3A_1456 = arith.addi %mul3A_1357, %add3A_1455 : i32
      %add3A_1457 = arith.constant 1 : i32
      %add3A_1458 = arith.addi %add3A_1456, %add3A_1457 : i32
      %get3A_1459 = arith.index_cast %add3A_1458 : i32 to index
      %get3A_1460 = arith.constant 0 : index
      %get3A_1461 = tpu.vector_load %arg8[%get3A_1459, %get3A_1460] {strides = array<i32>} : memref<1280x32xf32, #tpu.memory_space<vmem>>, vector<1x16xf32>,
      %get3A_1462 = vector.shape_cast %get3A_1461 : vector<1x16xf32> to vector<16xf32>
      %add3A_1463 = arith.addf %add3A_1431, %get3A_1462 : vector<16xf32>
      %add3A_1464 = arith.constant 6 : i32
      %add3A_1465 = arith.addi %mul3A_1357, %add3A_1464 : i32
      %add3A_1466 = arith.constant 1 : i32
      %add3A_1467 = arith.addi %add3A_1465, %add3A_1466 : i32
      %get3A_1468 = arith.index_cast %add3A_1467 : i32 to index
      %get3A_1469 = arith.constant 16 : index
      %get3A_1470 = tpu.vector_load %arg8[%get3A_1468, %get3A_1469] {strides = array<i32>} : memref<1280x32xf32, #tpu.memory_space<vmem>>, vector<1x16xf32>,
      %get3A_1471 = vector.shape_cast %get3A_1470 : vector<1x16xf32> to vector<16xf32>
      %add3A_1472 = arith.addf %add3A_1440, %get3A_1471 : vector<16xf32>
      %add3A_1473 = arith.constant 8 : i32
      %add3A_1474 = arith.addi %mul3A_1357, %add3A_1473 : i32
      %get3A_1475 = arith.index_cast %add3A_1474 : i32 to index
      %get3A_1476 = arith.constant 0 : index
      %get3A_1477 = tpu.vector_load %arg8[%get3A_1475, %get3A_1476] {strides = array<i32>} : memref<1280x32xf32, #tpu.memory_space<vmem>>, vector<1x16xf32>,
      %get3A_1478 = vector.shape_cast %get3A_1477 : vector<1x16xf32> to vector<16xf32>
      %add3A_1479 = arith.addf %add3A_1447, %get3A_1478 : vector<16xf32>
      %add3A_1480 = arith.constant 8 : i32
      %add3A_1481 = arith.addi %mul3A_1357, %add3A_1480 : i32
      %get3A_1482 = arith.index_cast %add3A_1481 : i32 to index
      %get3A_1483 = arith.constant 16 : index
      %get3A_1484 = tpu.vector_load %arg8[%get3A_1482, %get3A_1483] {strides = array<i32>} : memref<1280x32xf32, #tpu.memory_space<vmem>>, vector<1x16xf32>,
      %get3A_1485 = vector.shape_cast %get3A_1484 : vector<1x16xf32> to vector<16xf32>
      %add3A_1486 = arith.addf %add3A_1454, %get3A_1485 : vector<16xf32>
      %add3A_1487 = arith.constant 8 : i32
      %add3A_1488 = arith.addi %mul3A_1357, %add3A_1487 : i32
      %add3A_1489 = arith.constant 1 : i32
      %add3A_1490 = arith.addi %add3A_1488, %add3A_1489 : i32
      %get3A_1491 = arith.index_cast %add3A_1490 : i32 to index
      %get3A_1492 = arith.constant 0 : index
      %get3A_1493 = tpu.vector_load %arg8[%get3A_1491, %get3A_1492] {strides = array<i32>} : memref<1280x32xf32, #tpu.memory_space<vmem>>, vector<1x16xf32>,
      %get3A_1494 = vector.shape_cast %get3A_1493 : vector<1x16xf32> to vector<16xf32>
      %add3A_1495 = arith.addf %add3A_1463, %get3A_1494 : vector<16xf32>
      %add3A_1496 = arith.constant 8 : i32
      %add3A_1497 = arith.addi %mul3A_1357, %add3A_1496 : i32
      %add3A_1498 = arith.constant 1 : i32
      %add3A_1499 = arith.addi %add3A_1497, %add3A_1498 : i32
      %get3A_1500 = arith.index_cast %add3A_1499 : i32 to index
      %get3A_1501 = arith.constant 16 : index
      %get3A_1502 = tpu.vector_load %arg8[%get3A_1500, %get3A_1501] {strides = array<i32>} : memref<1280x32xf32, #tpu.memory_space<vmem>>, vector<1x16xf32>,
      %get3A_1503 = vector.shape_cast %get3A_1502 : vector<1x16xf32> to vector<16xf32>
      %add3A_1504 = arith.addf %add3A_1472, %get3A_1503 : vector<16xf32>
      %add3A_1505 = arith.constant 10 : i32
      %add3A_1506 = arith.addi %mul3A_1357, %add3A_1505 : i32
      %get3A_1507 = arith.index_cast %add3A_1506 : i32 to index
      %get3A_1508 = arith.constant 0 : index
      %get3A_1509 = tpu.vector_load %arg8[%get3A_1507, %get3A_1508] {strides = array<i32>} : memref<1280x32xf32, #tpu.memory_space<vmem>>, vector<1x16xf32>,
      %get3A_1510 = vector.shape_cast %get3A_1509 : vector<1x16xf32> to vector<16xf32>
      %add3A_1511 = arith.addf %add3A_1479, %get3A_1510 : vector<16xf32>
      %add3A_1512 = arith.constant 10 : i32
      %add3A_1513 = arith.addi %mul3A_1357, %add3A_1512 : i32
      %get3A_1514 = arith.index_cast %add3A_1513 : i32 to index
      %get3A_1515 = arith.constant 16 : index
      %get3A_1516 = tpu.vector_load %arg8[%get3A_1514, %get3A_1515] {strides = array<i32>} : memref<1280x32xf32, #tpu.memory_space<vmem>>, vector<1x16xf32>,
      %get3A_1517 = vector.shape_cast %get3A_1516 : vector<1x16xf32> to vector<16xf32>
      %add3A_1518 = arith.addf %add3A_1486, %get3A_1517 : vector<16xf32>
      %add3A_1519 = arith.constant 10 : i32
      %add3A_1520 = arith.addi %mul3A_1357, %add3A_1519 : i32
      %add3A_1521 = arith.constant 1 : i32
      %add3A_1522 = arith.addi %add3A_1520, %add3A_1521 : i32
      %get3A_1523 = arith.index_cast %add3A_1522 : i32 to index
      %get3A_1524 = arith.constant 0 : index
      %get3A_1525 = tpu.vector_load %arg8[%get3A_1523, %get3A_1524] {strides = array<i32>} : memref<1280x32xf32, #tpu.memory_space<vmem>>, vector<1x16xf32>,
      %get3A_1526 = vector.shape_cast %get3A_1525 : vector<1x16xf32> to vector<16xf32>
      %add3A_1527 = arith.addf %add3A_1495, %get3A_1526 : vector<16xf32>
      %add3A_1528 = arith.constant 10 : i32
      %add3A_1529 = arith.addi %mul3A_1357, %add3A_1528 : i32
      %add3A_1530 = arith.constant 1 : i32
      %add3A_1531 = arith.addi %add3A_1529, %add3A_1530 : i32
      %get3A_1532 = arith.index_cast %add3A_1531 : i32 to index
      %get3A_1533 = arith.constant 16 : index
      %get3A_1534 = tpu.vector_load %arg8[%get3A_1532, %get3A_1533] {strides = array<i32>} : memref<1280x32xf32, #tpu.memory_space<vmem>>, vector<1x16xf32>,
      %get3A_1535 = vector.shape_cast %get3A_1534 : vector<1x16xf32> to vector<16xf32>
      %add3A_1536 = arith.addf %add3A_1504, %get3A_1535 : vector<16xf32>
      %add3A_1537 = arith.constant 12 : i32
      %add3A_1538 = arith.addi %mul3A_1357, %add3A_1537 : i32
      %get3A_1539 = arith.index_cast %add3A_1538 : i32 to index
      %get3A_1540 = arith.constant 0 : index
      %get3A_1541 = tpu.vector_load %arg8[%get3A_1539, %get3A_1540] {strides = array<i32>} : memref<1280x32xf32, #tpu.memory_space<vmem>>, vector<1x16xf32>,
      %get3A_1542 = vector.shape_cast %get3A_1541 : vector<1x16xf32> to vector<16xf32>
      %add3A_1543 = arith.addf %add3A_1511, %get3A_1542 : vector<16xf32>
      %add3A_1544 = arith.constant 12 : i32
      %add3A_1545 = arith.addi %mul3A_1357, %add3A_1544 : i32
      %get3A_1546 = arith.index_cast %add3A_1545 : i32 to index
      %get3A_1547 = arith.constant 16 : index
      %get3A_1548 = tpu.vector_load %arg8[%get3A_1546, %get3A_1547] {strides = array<i32>} : memref<1280x32xf32, #tpu.memory_space<vmem>>, vector<1x16xf32>,
      %get3A_1549 = vector.shape_cast %get3A_1548 : vector<1x16xf32> to vector<16xf32>
      %add3A_1550 = arith.addf %add3A_1518, %get3A_1549 : vector<16xf32>
      %add3A_1551 = arith.constant 12 : i32
      %add3A_1552 = arith.addi %mul3A_1357, %add3A_1551 : i32
      %add3A_1553 = arith.constant 1 : i32
      %add3A_1554 = arith.addi %add3A_1552, %add3A_1553 : i32
      %get3A_1555 = arith.index_cast %add3A_1554 : i32 to index
      %get3A_1556 = arith.constant 0 : index
      %get3A_1557 = tpu.vector_load %arg8[%get3A_1555, %get3A_1556] {strides = array<i32>} : memref<1280x32xf32, #tpu.memory_space<vmem>>, vector<1x16xf32>,
      %get3A_1558 = vector.shape_cast %get3A_1557 : vector<1x16xf32> to vector<16xf32>
      %add3A_1559 = arith.addf %add3A_1527, %get3A_1558 : vector<16xf32>
      %add3A_1560 = arith.constant 12 : i32
      %add3A_1561 = arith.addi %mul3A_1357, %add3A_1560 : i32
      %add3A_1562 = arith.constant 1 : i32
      %add3A_1563 = arith.addi %add3A_1561, %add3A_1562 : i32
      %get3A_1564 = arith.index_cast %add3A_1563 : i32 to index
      %get3A_1565 = arith.constant 16 : index
      %get3A_1566 = tpu.vector_load %arg8[%get3A_1564, %get3A_1565] {strides = array<i32>} : memref<1280x32xf32, #tpu.memory_space<vmem>>, vector<1x16xf32>,
      %get3A_1567 = vector.shape_cast %get3A_1566 : vector<1x16xf32> to vector<16xf32>
      %add3A_1568 = arith.addf %add3A_1536, %get3A_1567 : vector<16xf32>
      %add3A_1569 = arith.constant 14 : i32
      %add3A_1570 = arith.addi %mul3A_1357, %add3A_1569 : i32
      %get3A_1571 = arith.index_cast %add3A_1570 : i32 to index
      %get3A_1572 = arith.constant 0 : index
      %get3A_1573 = tpu.vector_load %arg8[%get3A_1571, %get3A_1572] {strides = array<i32>} : memref<1280x32xf32, #tpu.memory_space<vmem>>, vector<1x16xf32>,
      %get3A_1574 = vector.shape_cast %get3A_1573 : vector<1x16xf32> to vector<16xf32>
      %add3A_1575 = arith.addf %add3A_1543, %get3A_1574 : vector<16xf32>
      %add3A_1576 = arith.constant 14 : i32
      %add3A_1577 = arith.addi %mul3A_1357, %add3A_1576 : i32
      %get3A_1578 = arith.index_cast %add3A_1577 : i32 to index
      %get3A_1579 = arith.constant 16 : index
      %get3A_1580 = tpu.vector_load %arg8[%get3A_1578, %get3A_1579] {strides = array<i32>} : memref<1280x32xf32, #tpu.memory_space<vmem>>, vector<1x16xf32>,
      %get3A_1581 = vector.shape_cast %get3A_1580 : vector<1x16xf32> to vector<16xf32>
      %add3A_1582 = arith.addf %add3A_1550, %get3A_1581 : vector<16xf32>
      %add3A_1583 = arith.constant 14 : i32
      %add3A_1584 = arith.addi %mul3A_1357, %add3A_1583 : i32
      %add3A_1585 = arith.constant 1 : i32
      %add3A_1586 = arith.addi %add3A_1584, %add3A_1585 : i32
      %get3A_1587 = arith.index_cast %add3A_1586 : i32 to index
      %get3A_1588 = arith.constant 0 : index
      %get3A_1589 = tpu.vector_load %arg8[%get3A_1587, %get3A_1588] {strides = array<i32>} : memref<1280x32xf32, #tpu.memory_space<vmem>>, vector<1x16xf32>,
      %get3A_1590 = vector.shape_cast %get3A_1589 : vector<1x16xf32> to vector<16xf32>
      %add3A_1591 = arith.addf %add3A_1559, %get3A_1590 : vector<16xf32>
      %add3A_1592 = arith.constant 14 : i32
      %add3A_1593 = arith.addi %mul3A_1357, %add3A_1592 : i32
      %add3A_1594 = arith.constant 1 : i32
      %add3A_1595 = arith.addi %add3A_1593, %add3A_1594 : i32
      %get3A_1596 = arith.index_cast %add3A_1595 : i32 to index
      %get3A_1597 = arith.constant 16 : index
      %get3A_1598 = tpu.vector_load %arg8[%get3A_1596, %get3A_1597] {strides = array<i32>} : memref<1280x32xf32, #tpu.memory_space<vmem>>, vector<1x16xf32>,
      %get3A_1599 = vector.shape_cast %get3A_1598 : vector<1x16xf32> to vector<16xf32>
      %add3A_1600 = arith.addf %add3A_1568, %get3A_1599 : vector<16xf32>
      %add3A_1601 = arith.constant 16 : i32
      %add3A_1602 = arith.addi %mul3A_1357, %add3A_1601 : i32
      %get3A_1603 = arith.index_cast %add3A_1602 : i32 to index
      %get3A_1604 = arith.constant 0 : index
      %get3A_1605 = tpu.vector_load %arg8[%get3A_1603, %get3A_1604] {strides = array<i32>} : memref<1280x32xf32, #tpu.memory_space<vmem>>, vector<1x16xf32>,
      %get3A_1606 = vector.shape_cast %get3A_1605 : vector<1x16xf32> to vector<16xf32>
      %add3A_1607 = arith.addf %add3A_1575, %get3A_1606 : vector<16xf32>
      %add3A_1608 = arith.constant 16 : i32
      %add3A_1609 = arith.addi %mul3A_1357, %add3A_1608 : i32
      %get3A_1610 = arith.index_cast %add3A_1609 : i32 to index
      %get3A_1611 = arith.constant 16 : index
      %get3A_1612 = tpu.vector_load %arg8[%get3A_1610, %get3A_1611] {strides = array<i32>} : memref<1280x32xf32, #tpu.memory_space<vmem>>, vector<1x16xf32>,
      %get3A_1613 = vector.shape_cast %get3A_1612 : vector<1x16xf32> to vector<16xf32>
      %add3A_1614 = arith.addf %add3A_1582, %get3A_1613 : vector<16xf32>
      %add3A_1615 = arith.constant 16 : i32
      %add3A_1616 = arith.addi %mul3A_1357, %add3A_1615 : i32
      %add3A_1617 = arith.constant 1 : i32
      %add3A_1618 = arith.addi %add3A_1616, %add3A_1617 : i32
      %get3A_1619 = arith.index_cast %add3A_1618 : i32 to index
      %get3A_1620 = arith.constant 0 : index
      %get3A_1621 = tpu.vector_load %arg8[%get3A_1619, %get3A_1620] {strides = array<i32>} : memref<1280x32xf32, #tpu.memory_space<vmem>>, vector<1x16xf32>,
      %get3A_1622 = vector.shape_cast %get3A_1621 : vector<1x16xf32> to vector<16xf32>
      %add3A_1623 = arith.addf %add3A_1591, %get3A_1622 : vector<16xf32>
      %add3A_1624 = arith.constant 16 : i32
      %add3A_1625 = arith.addi %mul3A_1357, %add3A_1624 : i32
      %add3A_1626 = arith.constant 1 : i32
      %add3A_1627 = arith.addi %add3A_1625, %add3A_1626 : i32
      %get3A_1628 = arith.index_cast %add3A_1627 : i32 to index
      %get3A_1629 = arith.constant 16 : index
      %get3A_1630 = tpu.vector_load %arg8[%get3A_1628, %get3A_1629] {strides = array<i32>} : memref<1280x32xf32, #tpu.memory_space<vmem>>, vector<1x16xf32>,
      %get3A_1631 = vector.shape_cast %get3A_1630 : vector<1x16xf32> to vector<16xf32>
      %add3A_1632 = arith.addf %add3A_1600, %get3A_1631 : vector<16xf32>
      %add3A_1633 = arith.constant 18 : i32
      %add3A_1634 = arith.addi %mul3A_1357, %add3A_1633 : i32
      %get3A_1635 = arith.index_cast %add3A_1634 : i32 to index
      %get3A_1636 = arith.constant 0 : index
      %get3A_1637 = tpu.vector_load %arg8[%get3A_1635, %get3A_1636] {strides = array<i32>} : memref<1280x32xf32, #tpu.memory_space<vmem>>, vector<1x16xf32>,
      %get3A_1638 = vector.shape_cast %get3A_1637 : vector<1x16xf32> to vector<16xf32>
      %add3A_1639 = arith.addf %add3A_1607, %get3A_1638 : vector<16xf32>
      %add3A_1640 = arith.constant 18 : i32
      %add3A_1641 = arith.addi %mul3A_1357, %add3A_1640 : i32
      %get3A_1642 = arith.index_cast %add3A_1641 : i32 to index
      %get3A_1643 = arith.constant 16 : index
      %get3A_1644 = tpu.vector_load %arg8[%get3A_1642, %get3A_1643] {strides = array<i32>} : memref<1280x32xf32, #tpu.memory_space<vmem>>, vector<1x16xf32>,
      %get3A_1645 = vector.shape_cast %get3A_1644 : vector<1x16xf32> to vector<16xf32>
      %add3A_1646 = arith.addf %add3A_1614, %get3A_1645 : vector<16xf32>
      %add3A_1647 = arith.constant 18 : i32
      %add3A_1648 = arith.addi %mul3A_1357, %add3A_1647 : i32
      %add3A_1649 = arith.constant 1 : i32
      %add3A_1650 = arith.addi %add3A_1648, %add3A_1649 : i32
      %get3A_1651 = arith.index_cast %add3A_1650 : i32 to index
      %get3A_1652 = arith.constant 0 : index
      %get3A_1653 = tpu.vector_load %arg8[%get3A_1651, %get3A_1652] {strides = array<i32>} : memref<1280x32xf32, #tpu.memory_space<vmem>>, vector<1x16xf32>,
      %get3A_1654 = vector.shape_cast %get3A_1653 : vector<1x16xf32> to vector<16xf32>
      %add3A_1655 = arith.addf %add3A_1623, %get3A_1654 : vector<16xf32>
      %add3A_1656 = arith.constant 18 : i32
      %add3A_1657 = arith.addi %mul3A_1357, %add3A_1656 : i32
      %add3A_1658 = arith.constant 1 : i32
      %add3A_1659 = arith.addi %add3A_1657, %add3A_1658 : i32
      %get3A_1660 = arith.index_cast %add3A_1659 : i32 to index
      %get3A_1661 = arith.constant 16 : index
      %get3A_1662 = tpu.vector_load %arg8[%get3A_1660, %get3A_1661] {strides = array<i32>} : memref<1280x32xf32, #tpu.memory_space<vmem>>, vector<1x16xf32>,
      %get3A_1663 = vector.shape_cast %get3A_1662 : vector<1x16xf32> to vector<16xf32>
      %add3A_1664 = arith.addf %add3A_1632, %get3A_1663 : vector<16xf32>
      %add3A_1665 = arith.addf %add3A_1639, %add3A_1655 : vector<16xf32>
      %add3A_1666 = arith.constant 448 : i32
      %add3A_1667 = arith.addi %add3A_1666, %scan3A_1354 : i32
      %swap3A = arith.index_cast %add3A_1667 : i32 to index
      %swap3A_1668 = arith.constant 0 : index
      %swap3A_1669 = tpu.vector_load %arg9[%swap3A, %swap3A_1668] {strides = array<i32>} : memref<512x32xf32, #tpu.memory_space<vmem>>, vector<1x16xf32>,
      %swap3A_1670 = vector.shape_cast %swap3A_1669 : vector<1x16xf32> to vector<16xf32>
      %swap3A_1671 = vector.shape_cast %add3A_1665 : vector<16xf32> to vector<1x16xf32>
      tpu.vector_store %arg9[%swap3A, %swap3A_1668], %swap3A_1671 {strides = array<i32>} : memref<512x32xf32, #tpu.memory_space<vmem>>, vector<1x16xf32>,
      %add3A_1672 = arith.addf %add3A_1646, %add3A_1664 : vector<16xf32>
      %add3A_1673 = arith.constant 448 : i32
      %add3A_1674 = arith.addi %add3A_1673, %scan3A_1354 : i32
      %swap3A_1675 = arith.index_cast %add3A_1674 : i32 to index
      %swap3A_1676 = arith.constant 16 : index
      %swap3A_1677 = tpu.vector_load %arg9[%swap3A_1675, %swap3A_1676] {strides = array<i32>} : memref<512x32xf32, #tpu.memory_space<vmem>>, vector<1x16xf32>,
      %swap3A_1678 = vector.shape_cast %swap3A_1677 : vector<1x16xf32> to vector<16xf32>
      %swap3A_1679 = vector.shape_cast %add3A_1672 : vector<16xf32> to vector<1x16xf32>
      tpu.vector_store %arg9[%swap3A_1675, %swap3A_1676], %swap3A_1679 {strides = array<i32>} : memref<512x32xf32, #tpu.memory_space<vmem>>, vector<1x16xf32>,
      %scan3A_1680 = arith.constant 0 : i32
      scf.yield %scan3A_1680 : i32
    }
    %scan3A_1351 = arith.constant 64 : i32
    %mul3A_1352 = arith.constant 512 : i32
    %mul3A_1353 = arith.muli %add3A, %mul3A_1352 : i32
    "tpu.region"() ({
      %run_scoped3A = tpu.sem_alloc : memref<!tpu.dma_semaphore, #tpu.memory_space<semaphore_mem>>
      %dma_start3A_1354 = arith.constant 0 : i32
      %dma_start3A_1355 = tpu.memref_slice %arg4[%mul3A_1353, %dma_start3A_1354] : memref<16384x32xf32, #tpu.memory_space<hbm>> -> memref<512x32xf32, #tpu.memory_space<hbm>>
      %dma_start3A_1356 = arith.constant 0 : i32
      %dma_start3A_1357 = tpu.memref_slice %arg4[%mul3A_1353, %dma_start3A_1356] : memref<16384x32xf32, #tpu.memory_space<hbm>> -> memref<512x32xf32, #tpu.memory_space<hbm>>
      tpu.enqueue_dma source(%arg9 : memref<512x32xf32, #tpu.memory_space<vmem>>) target(%dma_start3A_1357 : memref<512x32xf32, #tpu.memory_space<hbm>>) target_semaphore(%run_scoped3A : memref<!tpu.dma_semaphore, #tpu.memory_space<semaphore_mem>>)
      %dma_wait3A_1358 = arith.constant 0 : i32
      %dma_wait3A_1359 = tpu.memref_slice %arg4[%mul3A_1353, %dma_wait3A_1358] : memref<16384x32xf32, #tpu.memory_space<hbm>> -> memref<512x32xf32, #tpu.memory_space<hbm>>
      %dma_wait3A_1360 = arith.constant 0 : i32
      %dma_wait3A_1361 = tpu.memref_slice %arg4[%mul3A_1353, %dma_wait3A_1360] : memref<16384x32xf32, #tpu.memory_space<hbm>> -> memref<512x32xf32, #tpu.memory_space<hbm>>
      tpu.wait_dma2 semaphore(%run_scoped3A : memref<!tpu.dma_semaphore, #tpu.memory_space<semaphore_mem>>) src(%arg9 : memref<512x32xf32, #tpu.memory_space<vmem>>) dst(%dma_wait3A_1361 : memref<512x32xf32, #tpu.memory_space<hbm>>)
      tpu.yield
    }) : () -> ()
    return
  }
}

module attributes {stable_mosaic.version = 14 : i64} {
  func.func @_proj_body(%arg0: i32, %arg1: memref<2048x32xf32, #tpu.memory_space<vmem>>, %arg2: memref<32x128xf32, #tpu.memory_space<vmem>>, %arg3: memref<2048x128xf32, #tpu.memory_space<vmem>>) attributes {dimension_semantics = [#tpu.dimension_semantics<arbitrary>], iteration_bounds = array<i64: 8>, scalar_prefetch = 0 : i64, scratch_operands = 0 : i64, tpu.core_type = #tpu.core_type<tc>, window_params = [{transform_indices = @transform_0, window_bounds = array<i64: 2048, 32>}, {pipeline_mode = #tpu.pipeline_mode<synchronous>, transform_indices = @transform_1, window_bounds = array<i64: 32, 128>}, {transform_indices = @transform_2, window_bounds = array<i64: 2048, 128>}]} {
    %get3A = arith.constant 0 : index
    %get3A_0 = arith.constant 0 : index
    %get3A_1 = vector.load %arg1[%get3A, %get3A_0] : memref<2048x32xf32, #tpu.memory_space<vmem>>, vector<2048x32xf32>
    %get3A_2 = arith.constant 0 : index
    %get3A_3 = arith.constant 0 : index
    %get3A_4 = vector.load %arg2[%get3A_2, %get3A_3] : memref<32x128xf32, #tpu.memory_space<vmem>>, vector<32x128xf32>
    %dot_general3A = arith.constant dense<0.000000e+00> : vector<2048x128xf32>
    %dot_general3A_5 = tpu.matmul %get3A_1, %get3A_4, %dot_general3A {dimension_numbers = #tpu.dot_dimension_numbers<[1], [0], [0], [1], [0, 0, 1, 1], [], []>, transpose_lhs_hint = false} : vector<2048x32xf32>, vector<32x128xf32>, vector<2048x128xf32> -> vector<2048x128xf32>
    %swap3A = arith.constant 0 : index
    %swap3A_6 = arith.constant 0 : index
    %swap3A_7 = vector.load %arg3[%swap3A, %swap3A_6] : memref<2048x128xf32, #tpu.memory_space<vmem>>, vector<2048x128xf32>
    tpu.vector_store %arg3[%swap3A, %swap3A_6], %dot_general3A_5 {strides = array<i32>} : memref<2048x128xf32, #tpu.memory_space<vmem>>, vector<2048x128xf32>,
    return
  }
  func.func @transform_0(%arg0: i32) -> (i32, i32) {
    %c0_i32 = arith.constant 0 : i32
    %c0_i32_0 = arith.constant 0 : i32
    return %arg0, %c0_i32 : i32, i32
  }
  func.func @transform_1(%arg0: i32) -> (i32, i32) {
    %c0_i32 = arith.constant 0 : i32
    %c0_i32_0 = arith.constant 0 : i32
    %c0_i32_1 = arith.constant 0 : i32
    return %c0_i32, %c0_i32_0 : i32, i32
  }
  func.func @transform_2(%arg0: i32) -> (i32, i32) {
    %c0_i32 = arith.constant 0 : i32
    %c0_i32_0 = arith.constant 0 : i32
    return %arg0, %c0_i32 : i32, i32
  }
}

</mosaic_0001>

<sc_bundles>
// kernel: kernel.4.cloned.1.call-start
scs
__scs_entry_jumppad:
0x0: {  	(pc) =	sbr.rel $0x88, $3  }
0x1: {  	(tag) =	ssettag $0x0;
	lr =	simm.s32 $0x1  }
0x2: {  	[smem:$0x3F9E] =	sst lr;
	_ =	strace $0xD0000000  }
0x3: {  	_ = 	snop  }
0x4: {  	_ = 	snop  }
0x5: {  	_ = 	snop  }
0x6: {  	_ = 	snop  }
0x7: {  	_ = 	snop  }
__scs_overlays_trampoline_lowered:
0x8: {  	[smem:$0x3FAD] =	sst s0  }
0x9: {  	[smem:$0x3FAE] =	sst s1  }
0xa: {  	[smem:$0x3FAF] =	sst s2  }
0xb: {  	[smem:$0x3FB0] =	sst s3  }
0xc: {  	[smem:$0x3FB1] =	sst s4  }
0xd: {  	[smem:$0x3FB2] =	sst s5  }
0xe: {  	[smem:$0x3FB3] =	sst s6  }
0xf: {  	[smem:$0x3FB4] =	sst s7  }
0x10: {  	[smem:$0x3FB5] =	sst s8  }
0x11: {  	[smem:$0x3FB6] =	sst s9;
	s0 =	simm.s32 @!p0 $0x0  }
0x12: {  	s1 =	sld [smem:$0x3F9C];
	s0 =	simm.s32 @p0 $0x1  }
0x13: {  	[smem:$0x3FB7] =	sst s0;
	s0 =	simm.s32 @!p1 $0x0  }
0x14: {  	s2 =	sld [smem:$0x3F9B];
	s0 =	simm.s32 @p1 $0x1  }
0x15: {  	[smem:$0x3FB8] =	sst s0;
	s0 =	simm.s32 @!p2 $0x0  }
0x16: {  	s3 =	sld [smem:$0x3FDB];
	s0 =	simm.s32 @p2 $0x1  }
0x17: {  	s4 =	simm.s32 $0x1BF5;
	[smem:$0x3FBA] =	sst s0  }
0x18: {  	s0 =	sld [smem:$0x3F9D];
	_ =	swait.ge [sflag:s4], $0x0  }
0x19: {  	s7 =	sld [smem:$0x3F9E]  }
0x1a: {  	s8 =	sadd.s32 $0xFFFFE003, lr  }
0x1b: {  	s9 =	sadd.s32 $0xFFFFFEF7, lr;
	s5 =	simm.s32 $0xFFFFFFFF;
	p2 =	slt.u32 s8, $0xFFFFF086  }
0x1c: {  	p1 =	slt.u32 s9, $0xF7A;
	s5 =	simm.s32 @!p2 $0x0  }
0x1d: {  	s5 =	simm.s32 @p1 $0x1;
	p0 =	seq.s32 s7, s2  }
0x1e: {  	s7 =	smul.u32 @!p0 $0xF7A, s2;
	p2 =	seq.s32 @!p0 s5, $0x0  }
0x1f: {  	s9 =	smul.u32 $0xF7A, s1;
	s8 =	simm.s32 @!p0 $0x1BF5;
	p2 =	por !p2, p0  }
0x20: {  	[sflag:s8] =	ssyncset.s32 @!p0 $0xFFFFF086;
	s6 =	sadd.s32 @!p0 s3, s7;
	s7 =	simm.s32 @!p0 $0x108  }
0x21: {  	s3 =	sadd.s32 s3, s9;
	s6 =	sadd.s32 @!p0 $0x88, s6;
	s7 =	simm.s32 @p2 $0x1082  }
0x22: {  	[simem:s7], [sflag:s8] =	dma.local @!p0 [hbm:s6], $0xF7A  }
0x23: {  	s9 =	sor.u32 $0xD0000000, s2;
	s6 =	simm.s32 $0x108;
	_ =	swait.ge @!p0 [sflag:s8], $0x0  }
0x24: {  	s3 =	sadd.s32 $0x88, s3;
	s6 =	simm.s32 @!p1 $0x1082;
	[sflag:s4] =	ssyncset.s32 $0xFFFFF086  }
0x25: {  	[simem:s6], [sflag:s4] =	dma.local [hbm:s3], $0xF7A  }
0x26: {  	[smem:$0x3F9E] =	sst s1;
	(tag) =	ssettag s2;
	_ =	strace s9  }
0x27: {  	s1 =	sld [smem:$0x3FAE]  }
0x28: {  	s2 =	sld [smem:$0x3FAF]  }
0x29: {  	s4 =	sld [smem:$0x3FB1]  }
0x2a: {  	p0 =	seq.s32 s5, $0x0;
	s5 =	sld [smem:$0x3FB2]  }
0x2b: {  	s6 =	sld [smem:$0x3FB3]  }
0x2c: {  	s7 =	sld [smem:$0x3FB4]  }
0x2d: {  	s3 =	simm.s32 $0x108;
	s8 =	sld [smem:$0x3FB5]  }
0x2e: {  	s3 =	simm.s32 @!p0 $0x1082;
	s9 =	sld [smem:$0x3FB6]  }
0x2f: {  	lr =	sadd.s32 s0, s3;
	s0 =	sld [smem:$0x3FAD]  }
0x30: {  	s3 =	sld [smem:$0x3FB0]  }
0x31: {  	[smem:$0x3FB9] =	sst s10  }
0x32: {  	s10 =	sld [smem:$0x3FB7];
	_ =	sdelay $0x3  }
0x33: {  	p0 =	seq.s32 s10, $0x1;
	s10 =	sld [smem:$0x3FB9];
	_ =	sdelay $0x3  }
0x34: {  	[smem:$0x3FB9] =	sst s10  }
0x35: {  	s10 =	sld [smem:$0x3FB8];
	_ =	sdelay $0x3  }
0x36: {  	p1 =	seq.s32 s10, $0x1;
	s10 =	sld [smem:$0x3FB9];
	_ =	sdelay $0x3  }
0x37: {  	[smem:$0x3FB9] =	sst s10  }
0x38: {  	s10 =	sld [smem:$0x3FBA]  }
0x39: {  	_ = 	snop;
	(pc) =	sbr.ind lr, $3  }
0x3a: {  	_ = 	snop  }
0x3b: {  	_ = 	snop  }
0x3c: {  	p2 =	seq.s32 s10, $0x1;
	s10 =	sld [smem:$0x3FB9]  }
0x3d: {  	_ =	shalt  }
0x3e: {  	_ =	shalt  }
0x3f: {  	_ =	shalt  }
0x40: {  	_ =	shalt  }
0x41: {  	_ =	shalt  }
0x42: {  	_ =	shalt  }
0x43: {  	_ =	shalt  }
0x44: {  	_ =	shalt  }
0x45: {  	_ =	shalt  }
0x46: {  	_ =	shalt  }
0x47: {  	_ =	shalt  }
0x48: {  	_ =	shalt  }
0x49: {  	_ =	shalt  }
0x4a: {  	_ =	shalt  }
0x4b: {  	_ =	shalt  }
0x4c: {  	_ =	shalt  }
0x4d: {  	_ =	shalt  }
0x4e: {  	_ =	shalt  }
0x4f: {  	_ =	shalt  }
0x50: {  	_ =	shalt  }
0x51: {  	_ =	shalt  }
0x52: {  	_ =	shalt  }
0x53: {  	_ =	shalt  }
0x54: {  	_ =	shalt  }
0x55: {  	_ =	shalt  }
0x56: {  	_ =	shalt  }
0x57: {  	_ =	shalt  }
0x58: {  	_ =	shalt  }
0x59: {  	_ =	shalt  }
0x5a: {  	_ =	shalt  }
0x5b: {  	_ =	shalt  }
0x5c: {  	_ =	shalt  }
0x5d: {  	_ =	shalt  }
0x5e: {  	_ =	shalt  }
0x5f: {  	_ =	shalt  }
0x60: {  	_ =	shalt  }
0x61: {  	_ =	shalt  }
0x62: {  	_ =	shalt  }
0x63: {  	_ =	shalt  }
0x64: {  	_ =	shalt  }
0x65: {  	_ =	shalt  }
0x66: {  	_ =	shalt  }
0x67: {  	_ =	shalt  }
0x68: {  	_ =	shalt  }
0x69: {  	_ =	shalt  }
0x6a: {  	_ =	shalt  }
0x6b: {  	_ =	shalt  }
0x6c: {  	_ =	shalt  }
0x6d: {  	_ =	shalt  }
0x6e: {  	_ =	shalt  }
0x6f: {  	_ =	shalt  }
0x70: {  	_ =	shalt  }
0x71: {  	_ =	shalt  }
0x72: {  	_ =	shalt  }
0x73: {  	_ =	shalt  }
0x74: {  	_ =	shalt  }
0x75: {  	_ =	shalt  }
0x76: {  	_ =	shalt  }
0x77: {  	_ =	shalt  }
0x78: {  	_ =	shalt  }
0x79: {  	_ =	shalt  }
0x7a: {  	_ =	shalt  }
0x7b: {  	_ =	shalt  }
0x7c: {  	_ =	shalt  }
0x7d: {  	_ =	shalt  }
0x7e: {  	_ =	shalt  }
0x7f: {  	_ =	shalt  }
0x80: {  	_ =	shalt  }
0x81: {  	_ =	shalt  }
0x82: {  	_ =	shalt  }
0x83: {  	_ =	shalt  }
0x84: {  	_ =	shalt  }
0x85: {  	_ =	shalt  }
0x86: {  	_ =	shalt  }
0x87: {  	_ =	shalt  }
.Lfunc_end0:
.L_simem_size_0:
called_computation_lowered:
.L_overlay_start_0:
0x88: {  	s2 =	sld [smem:$0x3FD9]  }
0x89: {  	s3 =	sld [smem:$0x3FFE];
	_ =	sdelay $0x1  }
0x8a: {  	s1 =	srdreg.scid  }
0x8b: {  	s0 =	sand.u32 $0x1, s1  }
0x8c: {  	s17 =	sshll.u32 s0, $0xA;
	s2 =	sadd.s32 s3, s2  }
0x8d: {  	s2 =	sadd.s32 s2, s17  }
0x8e: {  	[smem:$0x3FC5] =	sst s2  }
0x8f: {  	_ = 	snop  }
0x90: {  	s2 =	sld [smem:$0x3FD0];
	(tm) =	ssettm $0x1  }
0x91: {  	s18 =	sld [smem:$0x3FFB];
	_ =	sdelay $0x3  }
0x92: {  	_ =	strace s18  }
0x93: {  	s3 =	sld [smem:$0x3FFC];
	_ =	sdelay $0x3  }
0x94: {  	_ =	strace s3  }
0x95: {  	s3 =	sld [smem:$0x3FFD];
	_ =	sdelay $0x3  }
0x96: {  	_ =	strace s3  }
0x97: {  	_ =	strace $0x8FFFFFFF  }
0x98: {  	s19 =	sld [smem:$0x3FDB];
	_ =	sdelay $0x1  }
0x99: {  	s4 =	simm.s32 $_scs_section_size  }
0x9a: {  	s5 =	simm.s32 $_size__tile_overlayer_lowered;
	s6 =	simm.s32 $_tile_overlayer_lowered  }
0x9b: {  	s22 =	simm.s32 $0x1BFF;
	s21 =	sshll.u32 s6, $0x1;
	s3 =	sadd.s32 s4, s19  }
0x9c: {  	s7 =	simm.s32 $0x0;
	s20 =	sshll.u32 s5, $0x1;
	s5 =	sadd.s32 s21, s3  }
0x9d: {  	[timem:s7], [sflag:s22] =	dma.local [hbm:s5], s20  }
0x9e: {  	_ =	swait.ge [sflag:s22], s20  }
0x9f: {  	s4 =	ssub.s32 $0x0, s20;
	[sflag:s22] =	ssyncset.done $0x0  }
0xa0: {  	[sflag:s22] =	ssyncadd.s32 s4;
	_ =	sdelay $0x1  }
0xa1: {  	s23 =	simm.s32 $0x1B8B  }
0xa2: {  	_ =	swait.ge [sflag:s23], $0x1  }
0xa3: {  	[sflag:s23] =	ssyncset.done $0x0  }
0xa4: {  	s25 =	simm.s32 $0x1B8E;
	s24 =	sld [smem:$0x3FFE];
	[sflag:s23] =	ssyncadd.s32 $0xFFFFFFFF  }
0xa5: {  	s26 =	simm.s32 $execute0_lowered;
	[smem:$0x3FD2] =	sst s25  }
0xa6: {  	s5 =	sshll.u32 s26, $0x1;
	_ =	strace $0x80000046;
	[dreg:$0x1] =	wrdreg $0xFFFFFFFF  }
0xa7: {  	s28 =	simm.s32 $_size_execute0_lowered;
	s3 =	sadd.s32 s3, s5;
	[dreg:$0x0] =	wrdreg $0x0  }
0xa8: {  	s5 =	sshll.u32 s28, $0x1;
	[dreg:$0x2] =	wrdreg s3  }
0xa9: {  	[dreg:$0x3] =	wrdreg s5  }
0xaa: {  	[dreg:$0x4] =	wrdreg $0xC0  }
0xab: {  	_ =	task [dreg:s7], $0x5FFFF  }
0xac: {  	[dreg:$0x1] =	wrdreg $0xFFFFFFFF  }
0xad: {  	[dreg:$0x0] =	wrdreg $0x60  }
0xae: {  	[dreg:$0x2] =	wrdreg s24  }
0xaf: {  	[dreg:$0x3] =	wrdreg s2  }
0xb0: {  	[dreg:$0x4] =	wrdreg $0x9  }
0xb1: {  	_ =	task.clear_ibuf [dreg:s7], $0x5FFFF;
	_ =	strace $0x90000046  }
0xb2: {  	s29 =	simm.s32 $0x9;
	_ =	strace $0x80000048  }
0xb3: {  	_ =	swait.ge [sflag:s29], $0x1  }
0xb4: {  	[sflag:s29] =	ssyncadd.s32 $0xFFFFFFFF  }
0xb5: {  	_ =	strace $0x90000048  }
0xb6: {  	_ =	sfence  }
0xb7: {  	s30 =	sld [smem:$0x0];
	_ =	sdelay $0x2  }
0xb8: {  	s31 =	sshll.u32 s1, $0xD;
	s1 =	sshrl.u32 s1, $0x2  }
0xb9: {  	s3 =	sand.u32 $0x4000, s31;
	s1 =	sadd.s32 s1, s30  }
0xba: {  	s0 =	sor.u32 s3, s0;
	s1 =	sshll.u32 s1, $0x11  }
0xbb: {  	s0 =	sor.u32 s1, s0  }
0xbc: {  	s0 =	sadd.s32 $0x8F2B, s0  }
0xbd: {  	[sflag:s0] =	ssyncadd.remote.s32 $0x1  }
0xbe: {  	_ =	sfence.sel $0xFFFF  }
0xbf: {  	[dreg:$0x0] =	wrdreg $0xFFFFFFFF;
	(pc) =	sbr.abs _section_cstart, $3  }
0xc0: {  	[dreg:$0x1] =	wrdreg $0xFFFFFFFF  }
0xc1: {  	_ =	task.clear_ibuf [dreg:s7], $0x2FFFF;
	_ =	strace $0x9FFFFFFF  }
0xc2: {  	(tm) =	ssettm $0x7FFFFFFF  }
0xc3: {  	_ =	shalt  }
tec
execute0_lowered:
.L_overlay_start_1:
0x0: {  	(tag) =	ssettag $0x1  }
0x1: {  	s0 =	srdreg.scid;
	s2 =	rddreg [dreg:$0x0]  }
0x2: {  	s1 =	stileid.u32;
	s4 =	rddreg [dreg:$0x1];
	s30 =	simm.s32 $0x0  }
0x3: {  	s14 =	simm.s32 $0x3;
	s15 =	simm.s32 $0x80;
	s7 =	simm.s32 $0x580  }
0x4: {  	s8 =	simm.s32 $0xBA00;
	s9 =	simm.s32 $0x600;
	s10 =	simm.s32 $0xCA00  }
0x5: {  	s11 =	simm.s32 $0x680;
	s12 =	simm.s32 $0xDA00;
	s13 =	simm.s32 $0x700  }
0x6: {  	s16 =	simm.s32 $0x780;
	s0 =	sand.u32 $0x1, s0;
	s1 =	sshll.u32 s1, $0x1  }
0x7: {  	s17 =	simm.s32 $0xFA00;
	s18 =	simm.s32 $0x800;
	s1 =	sor.u32 s0, s1  }
0x8: {  	[smem:$0x7FF] =	sst s30;
	s0 =	ssub.s32 $0x2, s0;
	s3 =	smul.u32 $0x2800, s1  }
0x9: {  	_ =	strace $0x80000047;
	s6 =	sshrl.u32 s0, $0x1;
	s1 =	sshll.u32 s1, $0xB  }
0xa: {  	s0 =	ssub.s32 s0, s6;
	s1 =	sadd.s32 s4, s1;
	s3 =	sshrl.u32 s3, $0x3  }
0xb: {  	[dreg:$0xb] =	wrdreg s1;
	s0 =	smax.u32 s0, $0x1;
	s5 =	sadd.s32 s3, s2  }
0xc: {  	s19 =	simm.s32 $0x10A00;
	[dreg:$0xc] =	wrdreg s0;
	s20 =	sadd.s32 $0x800, s5  }
0xd: {  	s28 =	simm.s32 $0x2;
	s21 =	sadd.s32 $0x8A0, s5;
	[dreg:$0x3] =	wrdreg s20  }
0xe: {  	s29 =	simm.s32 $0x0;
	s22 =	sadd.s32 $0x940, s5;
	[dreg:$0x4] =	wrdreg s21  }
0xf: {  	s4 =	simm.s32 $0x9A00;
	s23 =	sadd.s32 $0x9E0, s5;
	[dreg:$0x5] =	wrdreg s22  }
0x10: {  	s6 =	simm.s32 $0xAA00;
	s24 =	sadd.s32 $0xA80, s5;
	[dreg:$0x6] =	wrdreg s23  }
0x11: {  	s3 =	sadd.s32 $0xF42C00, s2;
	s25 =	sadd.s32 $0xB20, s5;
	[dreg:$0x7] =	wrdreg s24  }
0x12: {  	s0 =	simm.s32 $0x480;
	s26 =	sadd.s32 $0xBC0, s5;
	[dreg:$0x8] =	wrdreg s25  }
0x13: {  	s2 =	simm.s32 $0xEA00;
	s31 =	sadd.s32 $0xC60, s5;
	[dreg:$0x9] =	wrdreg s26  }
0x14: {  	s5 =	simm.s32 $0x500;
	[dreg:$0xa] =	wrdreg s31;
	s20 =	simm.s32 $0x880  }
0x15: {  	s21 =	simm.s32 $0x11A00;
	s22 =	simm.s32 $0x900;
	s23 =	simm.s32 $0x12A00  }
0x16: {  	s24 =	simm.s32 $0x980;
	s25 =	simm.s32 $0x13A00;
	s26 =	simm.s32 $0x1  }
.LBB2_1:
0x17: {  	s1 =	rddreg [dreg:$0x3]  }
0x18: {  	[tilespmem:s30], [sflag:$0x3] =	stream.linear.gather [hbm4b:s1+s30], $0x500, $0x38;
	[tilespmem:$0x18A00] =	vst v63  }
0x19: {  	_ =	swait.ge [sflag:s14], $0x500  }
0x1a: {  	[sflag:s14] =	ssyncset.done $0x0  }
0x1b: {  	s1 =	simm.s32 $0xA00;
	[sflag:s14] =	ssyncadd.s32 $0xFFFFFB00  }
0x1c: {  	[tilespmem:s1], [sflag:$0x1] =	stream.indirect.gather [hbm4b:s3+s15], $0x20, s30, s15, $0xb8;
	[tilespmem:$0x18A00] =	vst v63  }
0x1d: {  	s1 =	simm.s32 $0x1A00  }
0x1e: {  	[tilespmem:s1], [sflag:$0x1] =	stream.indirect.gather [hbm4b:s3+s15], $0x20, s15, s15, $0xb8;
	[tilespmem:$0x18A00] =	vst v63  }
0x1f: {  	s31 =	simm.s32 $0x2A00;
	s1 =	simm.s32 $0x100  }
0x20: {  	[tilespmem:s31], [sflag:$0x1] =	stream.indirect.gather [hbm4b:s3+s15], $0x20, s1, s15, $0xb8;
	[tilespmem:$0x18A00] =	vst v63  }
0x21: {  	s1 =	simm.s32 $0x180;
	s31 =	simm.s32 $0x3A00  }
0x22: {  	[tilespmem:s31], [sflag:$0x1] =	stream.indirect.gather [hbm4b:s3+s15], $0x20, s1, s15, $0xb8;
	[tilespmem:$0x18A00] =	vst v63  }
0x23: {  	s1 =	simm.s32 $0x200;
	s31 =	simm.s32 $0x4A00  }
0x24: {  	[tilespmem:s31], [sflag:$0x1] =	stream.indirect.gather [hbm4b:s3+s15], $0x20, s1, s15, $0xb8;
	[tilespmem:$0x18A00] =	vst v63  }
0x25: {  	s1 =	simm.s32 $0x280;
	s31 =	simm.s32 $0x5A00  }
0x26: {  	[tilespmem:s31], [sflag:$0x1] =	stream.indirect.gather [hbm4b:s3+s15], $0x20, s1, s15, $0xb8;
	[tilespmem:$0x18A00] =	vst v63  }
0x27: {  	s1 =	simm.s32 $0x300;
	s31 =	simm.s32 $0x6A00  }
0x28: {  	[tilespmem:s31], [sflag:$0x1] =	stream.indirect.gather [hbm4b:s3+s15], $0x20, s1, s15, $0xb8;
	[tilespmem:$0x18A00] =	vst v63  }
0x29: {  	s1 =	simm.s32 $0x380;
	s31 =	simm.s32 $0x7A00  }
0x2a: {  	[tilespmem:s31], [sflag:$0x1] =	stream.indirect.gather [hbm4b:s3+s15], $0x20, s1, s15, $0xb8;
	[tilespmem:$0x18A00] =	vst v63  }
0x2b: {  	s1 =	simm.s32 $0x400;
	s31 =	simm.s32 $0x8A00  }
0x2c: {  	[tilespmem:s31], [sflag:$0x1] =	stream.indirect.gather [hbm4b:s3+s15], $0x20, s1, s15, $0xb8;
	[tilespmem:$0x18A00] =	vst v63  }
0x2d: {  	_ = 	snop  }
0x2e: {  	[tilespmem:s4], [sflag:$0x1] =	stream.indirect.gather [hbm4b:s3+s15], $0x20, s0, s15, $0xb8;
	[tilespmem:$0x18A00] =	vst v63  }
0x2f: {  	s1 =	rddreg [dreg:$0x4]  }
0x30: {  	[tilespmem:s5], [sflag:$0x3] =	stream.linear.gather [hbm4b:s1+s30], $0x500, $0x38;
	[tilespmem:$0x18A00] =	vst v63  }
0x31: {  	_ =	swait.ge [sflag:s14], $0x500  }
0x32: {  	[sflag:s14] =	ssyncset.done $0x0  }
0x33: {  	[sflag:s14] =	ssyncadd.s32 $0xFFFFFB00  }
0x34: {  	[tilespmem:s6], [sflag:$0x2] =	stream.indirect.gather [hbm4b:s3+s15], $0x20, s5, s15, $0xb8;
	[tilespmem:$0x18A00] =	vst v63  }
0x35: {  	_ = 	snop  }
0x36: {  	[tilespmem:s8], [sflag:$0x2] =	stream.indirect.gather [hbm4b:s3+s15], $0x20, s7, s15, $0xb8;
	[tilespmem:$0x18A00] =	vst v63  }
0x37: {  	_ = 	snop  }
0x38: {  	[tilespmem:s10], [sflag:$0x2] =	stream.indirect.gather [hbm4b:s3+s15], $0x20, s9, s15, $0xb8;
	[tilespmem:$0x18A00] =	vst v63  }
0x39: {  	_ = 	snop  }
0x3a: {  	[tilespmem:s12], [sflag:$0x2] =	stream.indirect.gather [hbm4b:s3+s15], $0x20, s11, s15, $0xb8;
	[tilespmem:$0x18A00] =	vst v63  }
0x3b: {  	_ = 	snop  }
0x3c: {  	[tilespmem:s2], [sflag:$0x2] =	stream.indirect.gather [hbm4b:s3+s15], $0x20, s13, s15, $0xb8;
	[tilespmem:$0x18A00] =	vst v63  }
0x3d: {  	_ = 	snop  }
0x3e: {  	[tilespmem:s17], [sflag:$0x2] =	stream.indirect.gather [hbm4b:s3+s15], $0x20, s16, s15, $0xb8;
	[tilespmem:$0x18A00] =	vst v63  }
0x3f: {  	_ = 	snop  }
0x40: {  	[tilespmem:s19], [sflag:$0x2] =	stream.indirect.gather [hbm4b:s3+s15], $0x20, s18, s15, $0xb8;
	[tilespmem:$0x18A00] =	vst v63  }
0x41: {  	_ = 	snop  }
0x42: {  	[tilespmem:s21], [sflag:$0x2] =	stream.indirect.gather [hbm4b:s3+s15], $0x20, s20, s15, $0xb8;
	[tilespmem:$0x18A00] =	vst v63  }
0x43: {  	_ = 	snop  }
0x44: {  	[tilespmem:s23], [sflag:$0x2] =	stream.indirect.gather [hbm4b:s3+s15], $0x20, s22, s15, $0xb8;
	[tilespmem:$0x18A00] =	vst v63  }
0x45: {  	_ = 	snop  }
0x46: {  	[tilespmem:s25], [sflag:$0x2] =	stream.indirect.gather [hbm4b:s3+s15], $0x20, s24, s15, $0xb8;
	[tilespmem:$0x18A00] =	vst v63  }
0x47: {  	_ =	swait.ge [sflag:s26], $0x1000  }
0x48: {  	[sflag:s26] =	ssyncset.done $0x0  }
0x49: {  	[sflag:s26] =	ssyncadd.s32 $0xFFFFF000  }
0x4a: {  	_ =	swait.ge [sflag:s26], $0x1000  }
0x4b: {  	[sflag:s26] =	ssyncset.done $0x0  }
0x4c: {  	[sflag:s26] =	ssyncadd.s32 $0xFFFFF000  }
0x4d: {  	_ =	swait.ge [sflag:s26], $0x1000  }
0x4e: {  	[sflag:s26] =	ssyncset.done $0x0  }
0x4f: {  	[sflag:s26] =	ssyncadd.s32 $0xFFFFF000  }
0x50: {  	_ =	swait.ge [sflag:s26], $0x1000  }
0x51: {  	[sflag:s26] =	ssyncset.done $0x0  }
0x52: {  	[sflag:s26] =	ssyncadd.s32 $0xFFFFF000  }
0x53: {  	_ =	swait.ge [sflag:s26], $0x1000  }
0x54: {  	[sflag:s26] =	ssyncset.done $0x0  }
0x55: {  	[sflag:s26] =	ssyncadd.s32 $0xFFFFF000  }
0x56: {  	_ =	swait.ge [sflag:s26], $0x1000  }
0x57: {  	[sflag:s26] =	ssyncset.done $0x0  }
0x58: {  	[sflag:s26] =	ssyncadd.s32 $0xFFFFF000  }
0x59: {  	_ =	swait.ge [sflag:s26], $0x1000  }
0x5a: {  	[sflag:s26] =	ssyncset.done $0x0  }
0x5b: {  	[sflag:s26] =	ssyncadd.s32 $0xFFFFF000  }
0x5c: {  	_ =	swait.ge [sflag:s26], $0x1000  }
0x5d: {  	[sflag:s26] =	ssyncset.done $0x0  }
0x5e: {  	[sflag:s26] =	ssyncadd.s32 $0xFFFFF000  }
0x5f: {  	_ =	swait.ge [sflag:s26], $0x1000  }
0x60: {  	[sflag:s26] =	ssyncset.done $0x0  }
0x61: {  	[sflag:s26] =	ssyncadd.s32 $0xFFFFF000  }
0x62: {  	_ =	swait.ge [sflag:s26], $0x1000  }
0x63: {  	[sflag:s26] =	ssyncset.done $0x0  }
0x64: {  	s30 =	simm.s32 $0xB40;
	[sflag:s26] =	ssyncadd.s32 $0xFFFFF000  }
0x65: {  	v0 =	vld [tilespmem:s30+$0x20]  }
0x66: {  	v1 =	vld [tilespmem:s30+$0x30]  }
0x67: {  	v2 =	vld [tilespmem:s30+$0x0]  }
0x68: {  	v3 =	vld [tilespmem:s30+$0x100]  }
0x69: {  	v4 =	vld [tilespmem:s30+$0xC0]  }
0x6a: {  	v5 =	vld [tilespmem:s30+$0xFFFFFFF0]  }
0x6b: {  	v6 =	vld [tilespmem:s30+$0x80]  }
0x6c: {  	v7 =	vld [tilespmem:s30+$0x40]  }
0x6d: {  	v8 =	vld [tilespmem:s30+$0xFFFFFFC0]  }
0x6e: {  	v9 =	vld [tilespmem:s30+$0xFFFFFF80]  }
0x6f: {  	v10 =	vld [tilespmem:s30+$0xFFFFFF40]  }
0x70: {  	v11 =	vld [tilespmem:s30+$0xFFFFFFA0]  }
0x71: {  	v12 =	vld [tilespmem:s30+$0xFFFFFFB0]  }
0x72: {  	v13 =	vld [tilespmem:s30+$0xFFFFFFE0]  }
0x73: {  	v14 =	vld [tilespmem:s30+$0xFFFFFEC0]  }
0x74: {  	v15 =	vld [tilespmem:s30+$0xFFFFFF70]  }
0x75: {  	v16 =	vld [tilespmem:s30+$0xFFFFFF60]  }
0x76: {  	v17 =	vld [tilespmem:s30+$0xFFFFFEF0]  }
0x77: {  	v18 =	vld [tilespmem:s30+$0xFFFFFF00]  }
0x78: {  	v19 =	vld [tilespmem:s30+$0xFFFFFF20]  }
0x79: {  	v20 =	vld [tilespmem:s30+$0xFFFFFEE0]  }
0x7a: {  	v21 =	vld [tilespmem:s30+$0xFFFFFF30]  }
0x7b: {  	v22 =	vld [tilespmem:s30+$0xFFFFFF10]  }
0x7c: {  	v23 =	vld [tilespmem:s30+$0xFFFFFED0]  }
0x7d: {  	v24 =	vld [tilespmem:s30+$0x60]  }
0x7e: {  	v40 =	vld [tilespmem:s30+$0xFFFFFF50];
	v14 =	vadd.f32 v18, v14  }
0x7f: {  	v41 =	vld [tilespmem:s30+$0x70];
	v39 =	vadd.f32 v19, v20  }
0x80: {  	v43 =	vld [tilespmem:s30+$0xFFFFFF90];
	v17 =	vadd.f32 v21, v17;
	v10 =	vadd.f32 v10, v14  }
0x81: {  	v45 =	vld [tilespmem:s30+$0xA0];
	v44 =	vadd.f32 v22, v23;
	v42 =	vadd.f32 v16, v39  }
0x82: {  	v47 =	vld [tilespmem:s30+$0xFFFFFFD0];
	v48 =	vadd.f32 v15, v17;
	v9 =	vadd.f32 v9, v10  }
0x83: {  	v50 =	vld [tilespmem:s30+$0xB0];
	v49 =	vadd.f32 v40, v44;
	v46 =	vadd.f32 v11, v42  }
0x84: {  	v52 =	vld [tilespmem:s30+$0x10];
	v12 =	vadd.f32 v12, v48;
	v8 =	vadd.f32 v8, v9  }
0x85: {  	v54 =	vld [tilespmem:s30+$0xE0];
	v53 =	vadd.f32 v43, v49;
	v51 =	vadd.f32 v13, v46  }
0x86: {  	v55 =	vld [tilespmem:s30+$0x50];
	v5 =	vadd.f32 v5, v12;
	v2 =	vadd.f32 v2, v8  }
0x87: {  	v57 =	vld [tilespmem:s30+$0x120];
	v56 =	vadd.f32 v47, v53;
	v0 =	vadd.f32 v0, v51  }
0x88: {  	v58 =	vld [tilespmem:s30+$0x90];
	v1 =	vadd.f32 v1, v5;
	v2 =	vadd.f32 v7, v2  }
0x89: {  	v60 =	vld [tilespmem:s30+$0xF0];
	v59 =	vadd.f32 v52, v56;
	v0 =	vadd.f32 v24, v0  }
0x8a: {  	v61 =	vld [tilespmem:s30+$0xD0];
	v1 =	vadd.f32 v41, v1;
	v2 =	vadd.f32 v6, v2  }
0x8b: {  	v62 =	vld [tilespmem:s30+$0x130];
	v5 =	vadd.f32 v55, v59;
	v0 =	vadd.f32 v45, v0  }
0x8c: {  	v63 =	vld [tilespmem:s30+$0x110];
	v1 =	vadd.f32 v50, v1;
	v2 =	vadd.f32 v4, v2  }
0x8d: {  	v5 =	vadd.f32 v58, v5;
	v0 =	vadd.f32 v54, v0  }
0x8e: {  	v1 =	vadd.f32 v60, v1;
	v2 =	vadd.f32 v3, v2  }
0x8f: {  	v0 =	vadd.f32 v57, v0;
	v3 =	vadd.f32 v61, v5  }
0x90: {  	v1 =	vadd.f32 v62, v1  }
0x91: {  	v0 =	vadd.f32 v0, v2;
	v2 =	vadd.f32 v63, v3  }
0x92: {  	s1 =	simm.s32 $0x0  }
0x93: {  	s31 =	simm.s32 $0x80;
	[tilespmem:s1+$0x14A00] =	vst v0;
	v0 =	vadd.f32 v1, v2  }
.LBB2_2:
0x94: {  	p0 =	sne.s32 s31, $0x1F80  }
0x95: {  	s30 =	sadd.s32 $0x280, s30;
	[tilespmem:s1+$0x14A10] =	vst v0;
	s1 =	smov.u32 s31;
	s31 =	sadd.s32 $0x80, s31  }
0x96: {  	v0 =	vld [tilespmem:s30+$0x20]  }
0x97: {  	v1 =	vld [tilespmem:s30+$0x30]  }
0x98: {  	v2 =	vld [tilespmem:s30+$0x0]  }
0x99: {  	v3 =	vld [tilespmem:s30+$0x100]  }
0x9a: {  	v4 =	vld [tilespmem:s30+$0xC0]  }
0x9b: {  	v5 =	vld [tilespmem:s30+$0xFFFFFFF0]  }
0x9c: {  	v6 =	vld [tilespmem:s30+$0x80]  }
0x9d: {  	v7 =	vld [tilespmem:s30+$0x40]  }
0x9e: {  	v8 =	vld [tilespmem:s30+$0xFFFFFFC0]  }
0x9f: {  	v9 =	vld [tilespmem:s30+$0xFFFFFF80]  }
0xa0: {  	v10 =	vld [tilespmem:s30+$0xFFFFFF40]  }
0xa1: {  	v11 =	vld [tilespmem:s30+$0xFFFFFFA0]  }
0xa2: {  	v12 =	vld [tilespmem:s30+$0xFFFFFFB0]  }
0xa3: {  	v13 =	vld [tilespmem:s30+$0xFFFFFFE0]  }
0xa4: {  	v14 =	vld [tilespmem:s30+$0xFFFFFEC0]  }
0xa5: {  	v15 =	vld [tilespmem:s30+$0xFFFFFF70]  }
0xa6: {  	v16 =	vld [tilespmem:s30+$0xFFFFFF60]  }
0xa7: {  	v17 =	vld [tilespmem:s30+$0xFFFFFEF0]  }
0xa8: {  	v18 =	vld [tilespmem:s30+$0xFFFFFF00]  }
0xa9: {  	v19 =	vld [tilespmem:s30+$0xFFFFFF20]  }
0xaa: {  	v20 =	vld [tilespmem:s30+$0xFFFFFEE0]  }
0xab: {  	v21 =	vld [tilespmem:s30+$0xFFFFFF30]  }
0xac: {  	v22 =	vld [tilespmem:s30+$0xFFFFFF10]  }
0xad: {  	v23 =	vld [tilespmem:s30+$0xFFFFFED0];
	v14 =	vadd.f32 v18, v14  }
0xae: {  	v18 =	vld [tilespmem:s30+$0x60]  }
0xaf: {  	v19 =	vadd.f32 v19, v20;
	v20 =	vld [tilespmem:s30+$0xFFFFFF50]  }
0xb0: {  	v10 =	vadd.f32 v10, v14;
	v17 =	vadd.f32 v21, v17;
	v14 =	vld [tilespmem:s30+$0x70]  }
0xb1: {  	v16 =	vadd.f32 v16, v19;
	v19 =	vld [tilespmem:s30+$0xFFFFFF90]  }
0xb2: {  	v9 =	vadd.f32 v9, v10;
	v21 =	vadd.f32 v22, v23;
	v10 =	vld [tilespmem:s30+$0xA0]  }
0xb3: {  	v15 =	vadd.f32 v15, v17;
	v11 =	vadd.f32 v11, v16;
	v16 =	vld [tilespmem:s30+$0xFFFFFFD0]  }
0xb4: {  	v8 =	vadd.f32 v8, v9;
	v17 =	vadd.f32 v20, v21;
	v9 =	vld [tilespmem:s30+$0xB0]  }
0xb5: {  	v12 =	vadd.f32 v12, v15;
	v11 =	vadd.f32 v13, v11;
	v13 =	vld [tilespmem:s30+$0x10]  }
0xb6: {  	v2 =	vadd.f32 v2, v8;
	v15 =	vadd.f32 v19, v17;
	v8 =	vld [tilespmem:s30+$0xE0]  }
0xb7: {  	v5 =	vadd.f32 v5, v12;
	v0 =	vadd.f32 v0, v11;
	v11 =	vld [tilespmem:s30+$0x50]  }
0xb8: {  	v2 =	vadd.f32 v7, v2;
	v12 =	vadd.f32 v16, v15;
	v7 =	vld [tilespmem:s30+$0x120]  }
0xb9: {  	v1 =	vadd.f32 v1, v5;
	v0 =	vadd.f32 v18, v0;
	v5 =	vld [tilespmem:s30+$0x90]  }
0xba: {  	v2 =	vadd.f32 v6, v2;
	v12 =	vadd.f32 v13, v12;
	v6 =	vld [tilespmem:s30+$0xF0]  }
0xbb: {  	v1 =	vadd.f32 v14, v1;
	v0 =	vadd.f32 v10, v0;
	v10 =	vld [tilespmem:s30+$0xD0]  }
0xbc: {  	v2 =	vadd.f32 v4, v2;
	v11 =	vadd.f32 v11, v12;
	v4 =	vld [tilespmem:s30+$0x130]  }
0xbd: {  	v1 =	vadd.f32 v9, v1;
	v0 =	vadd.f32 v8, v0;
	v8 =	vld [tilespmem:s30+$0x110]  }
0xbe: {  	v2 =	vadd.f32 v3, v2;
	v5 =	vadd.f32 v5, v11  }
0xbf: {  	v1 =	vadd.f32 v6, v1;
	v0 =	vadd.f32 v7, v0  }
.Ltmp0:
0xc0: {  	v3 =	vadd.f32 v10, v5;
	(pc) =	sbr.rel @p0 .LBB2_2-.Ltmp0, $4  }
0xc1: {  	v0 =	vadd.f32 v0, v2  }
0xc2: {  	s1 =	sshra.s32 s1, $0x2;
	v1 =	vadd.f32 v4, v1;
	v2 =	vadd.f32 v8, v3  }
0xc3: {  	[tilespmem:s1+$0x14A00] =	vst v0  }
0xc4: {  	v0 =	vadd.f32 v1, v2  }
0xc5: {  	_ = 	snop  }
0xc6: {  	s30 =	rddreg [dreg:$0x5];
	[tilespmem:s1+$0x14A10] =	vst v0;
	s1 =	simm.s32 $0x0  }
0xc7: {  	[tilespmem:s1], [sflag:$0x3] =	stream.linear.gather [hbm4b:s30+s1], $0x500, $0x38;
	[tilespmem:$0x18A00] =	vst v63  }
0xc8: {  	_ =	swait.ge [sflag:s14], $0x500  }
0xc9: {  	[sflag:s14] =	ssyncset.done $0x0  }
0xca: {  	s30 =	simm.s32 $0xA00;
	[sflag:s14] =	ssyncadd.s32 $0xFFFFFB00  }
0xcb: {  	[tilespmem:s30], [sflag:$0x1] =	stream.indirect.gather [hbm4b:s3+s15], $0x20, s1, s15, $0xb8;
	[tilespmem:$0x18A00] =	vst v63  }
0xcc: {  	s1 =	simm.s32 $0x1A00  }
0xcd: {  	[tilespmem:s1], [sflag:$0x1] =	stream.indirect.gather [hbm4b:s3+s15], $0x20, s15, s15, $0xb8;
	[tilespmem:$0x18A00] =	vst v63  }
0xce: {  	s30 =	simm.s32 $0x2A00;
	s1 =	simm.s32 $0x100  }
0xcf: {  	[tilespmem:s30], [sflag:$0x1] =	stream.indirect.gather [hbm4b:s3+s15], $0x20, s1, s15, $0xb8;
	[tilespmem:$0x18A00] =	vst v63  }
0xd0: {  	s1 =	simm.s32 $0x180;
	s30 =	simm.s32 $0x3A00  }
0xd1: {  	[tilespmem:s30], [sflag:$0x1] =	stream.indirect.gather [hbm4b:s3+s15], $0x20, s1, s15, $0xb8;
	[tilespmem:$0x18A00] =	vst v63  }
0xd2: {  	s1 =	simm.s32 $0x200;
	s30 =	simm.s32 $0x4A00  }
0xd3: {  	[tilespmem:s30], [sflag:$0x1] =	stream.indirect.gather [hbm4b:s3+s15], $0x20, s1, s15, $0xb8;
	[tilespmem:$0x18A00] =	vst v63  }
0xd4: {  	s1 =	simm.s32 $0x280;
	s30 =	simm.s32 $0x5A00  }
0xd5: {  	[tilespmem:s30], [sflag:$0x1] =	stream.indirect.gather [hbm4b:s3+s15], $0x20, s1, s15, $0xb8;
	[tilespmem:$0x18A00] =	vst v63  }
0xd6: {  	s1 =	simm.s32 $0x300;
	s30 =	simm.s32 $0x6A00  }
0xd7: {  	[tilespmem:s30], [sflag:$0x1] =	stream.indirect.gather [hbm4b:s3+s15], $0x20, s1, s15, $0xb8;
	[tilespmem:$0x18A00] =	vst v63  }
0xd8: {  	s1 =	simm.s32 $0x380;
	s30 =	simm.s32 $0x7A00  }
0xd9: {  	[tilespmem:s30], [sflag:$0x1] =	stream.indirect.gather [hbm4b:s3+s15], $0x20, s1, s15, $0xb8;
	[tilespmem:$0x18A00] =	vst v63  }
0xda: {  	s1 =	simm.s32 $0x400;
	s30 =	simm.s32 $0x8A00  }
0xdb: {  	[tilespmem:s30], [sflag:$0x1] =	stream.indirect.gather [hbm4b:s3+s15], $0x20, s1, s15, $0xb8;
	[tilespmem:$0x18A00] =	vst v63  }
0xdc: {  	_ = 	snop  }
0xdd: {  	[tilespmem:s4], [sflag:$0x1] =	stream.indirect.gather [hbm4b:s3+s15], $0x20, s0, s15, $0xb8;
	[tilespmem:$0x18A00] =	vst v63  }
0xde: {  	_ =	swait.ge [sflag:s28], $0x1000  }
0xdf: {  	[sflag:s28] =	ssyncset.done $0x0  }
0xe0: {  	[sflag:s28] =	ssyncadd.s32 $0xFFFFF000  }
0xe1: {  	_ =	swait.ge [sflag:s28], $0x1000  }
0xe2: {  	[sflag:s28] =	ssyncset.done $0x0  }
0xe3: {  	[sflag:s28] =	ssyncadd.s32 $0xFFFFF000  }
0xe4: {  	_ =	swait.ge [sflag:s28], $0x1000  }
0xe5: {  	[sflag:s28] =	ssyncset.done $0x0  }
0xe6: {  	[sflag:s28] =	ssyncadd.s32 $0xFFFFF000  }
0xe7: {  	_ =	swait.ge [sflag:s28], $0x1000  }
0xe8: {  	[sflag:s28] =	ssyncset.done $0x0  }
0xe9: {  	[sflag:s28] =	ssyncadd.s32 $0xFFFFF000  }
0xea: {  	_ =	swait.ge [sflag:s28], $0x1000  }
0xeb: {  	[sflag:s28] =	ssyncset.done $0x0  }
0xec: {  	[sflag:s28] =	ssyncadd.s32 $0xFFFFF000  }
0xed: {  	_ =	swait.ge [sflag:s28], $0x1000  }
0xee: {  	[sflag:s28] =	ssyncset.done $0x0  }
0xef: {  	[sflag:s28] =	ssyncadd.s32 $0xFFFFF000  }
0xf0: {  	_ =	swait.ge [sflag:s28], $0x1000  }
0xf1: {  	[sflag:s28] =	ssyncset.done $0x0  }
0xf2: {  	[sflag:s28] =	ssyncadd.s32 $0xFFFFF000  }
0xf3: {  	_ =	swait.ge [sflag:s28], $0x1000  }
0xf4: {  	[sflag:s28] =	ssyncset.done $0x0  }
0xf5: {  	[sflag:s28] =	ssyncadd.s32 $0xFFFFF000  }
0xf6: {  	_ =	swait.ge [sflag:s28], $0x1000  }
0xf7: {  	[sflag:s28] =	ssyncset.done $0x0  }
0xf8: {  	[sflag:s28] =	ssyncadd.s32 $0xFFFFF000  }
0xf9: {  	_ =	swait.ge [sflag:s28], $0x1000  }
0xfa: {  	[sflag:s28] =	ssyncset.done $0x0  }
0xfb: {  	s30 =	simm.s32 $0xAB40;
	[sflag:s28] =	ssyncadd.s32 $0xFFFFF000  }
0xfc: {  	v0 =	vld [tilespmem:s30+$0x20]  }
0xfd: {  	v1 =	vld [tilespmem:s30+$0x30]  }
0xfe: {  	v2 =	vld [tilespmem:s30+$0x0]  }
0xff: {  	v3 =	vld [tilespmem:s30+$0x100]  }
0x100: {  	v4 =	vld [tilespmem:s30+$0xC0]  }
0x101: {  	v5 =	vld [tilespmem:s30+$0xFFFFFFF0]  }
0x102: {  	v6 =	vld [tilespmem:s30+$0x80]  }
0x103: {  	v7 =	vld [tilespmem:s30+$0x40]  }
0x104: {  	v8 =	vld [tilespmem:s30+$0xFFFFFFC0]  }
0x105: {  	v9 =	vld [tilespmem:s30+$0xFFFFFF80]  }
0x106: {  	v10 =	vld [tilespmem:s30+$0xFFFFFF40]  }
0x107: {  	v11 =	vld [tilespmem:s30+$0xFFFFFFA0]  }
0x108: {  	v12 =	vld [tilespmem:s30+$0xFFFFFFB0]  }
0x109: {  	v13 =	vld [tilespmem:s30+$0xFFFFFFE0]  }
0x10a: {  	v14 =	vld [tilespmem:s30+$0xFFFFFEC0]  }
0x10b: {  	v15 =	vld [tilespmem:s30+$0xFFFFFF70]  }
0x10c: {  	v16 =	vld [tilespmem:s30+$0xFFFFFF60]  }
0x10d: {  	v17 =	vld [tilespmem:s30+$0xFFFFFEF0]  }
0x10e: {  	v18 =	vld [tilespmem:s30+$0xFFFFFF00]  }
0x10f: {  	v19 =	vld [tilespmem:s30+$0xFFFFFF20]  }
0x110: {  	v20 =	vld [tilespmem:s30+$0xFFFFFEE0]  }
0x111: {  	v21 =	vld [tilespmem:s30+$0xFFFFFF30]  }
0x112: {  	v22 =	vld [tilespmem:s30+$0xFFFFFF10]  }
0x113: {  	v23 =	vld [tilespmem:s30+$0xFFFFFED0]  }
0x114: {  	v24 =	vld [tilespmem:s30+$0x60]  }
0x115: {  	v40 =	vld [tilespmem:s30+$0xFFFFFF50];
	v14 =	vadd.f32 v18, v14  }
0x116: {  	v41 =	vld [tilespmem:s30+$0x70];
	v39 =	vadd.f32 v19, v20  }
0x117: {  	v43 =	vld [tilespmem:s30+$0xFFFFFF90];
	v17 =	vadd.f32 v21, v17;
	v10 =	vadd.f32 v10, v14  }
0x118: {  	v45 =	vld [tilespmem:s30+$0xA0];
	v44 =	vadd.f32 v22, v23;
	v42 =	vadd.f32 v16, v39  }
0x119: {  	v47 =	vld [tilespmem:s30+$0xFFFFFFD0];
	v48 =	vadd.f32 v15, v17;
	v9 =	vadd.f32 v9, v10  }
0x11a: {  	v50 =	vld [tilespmem:s30+$0xB0];
	v49 =	vadd.f32 v40, v44;
	v46 =	vadd.f32 v11, v42  }
0x11b: {  	v52 =	vld [tilespmem:s30+$0x10];
	v12 =	vadd.f32 v12, v48;
	v8 =	vadd.f32 v8, v9  }
0x11c: {  	v54 =	vld [tilespmem:s30+$0xE0];
	v53 =	vadd.f32 v43, v49;
	v51 =	vadd.f32 v13, v46  }
0x11d: {  	v55 =	vld [tilespmem:s30+$0x50];
	v5 =	vadd.f32 v5, v12;
	v2 =	vadd.f32 v2, v8  }
0x11e: {  	v57 =	vld [tilespmem:s30+$0x120];
	v56 =	vadd.f32 v47, v53;
	v0 =	vadd.f32 v0, v51  }
0x11f: {  	v58 =	vld [tilespmem:s30+$0x90];
	v1 =	vadd.f32 v1, v5;
	v2 =	vadd.f32 v7, v2  }
0x120: {  	v60 =	vld [tilespmem:s30+$0xF0];
	v59 =	vadd.f32 v52, v56;
	v0 =	vadd.f32 v24, v0  }
0x121: {  	v61 =	vld [tilespmem:s30+$0xD0];
	v1 =	vadd.f32 v41, v1;
	v2 =	vadd.f32 v6, v2  }
0x122: {  	v62 =	vld [tilespmem:s30+$0x130];
	v5 =	vadd.f32 v55, v59;
	v0 =	vadd.f32 v45, v0  }
0x123: {  	v63 =	vld [tilespmem:s30+$0x110];
	v1 =	vadd.f32 v50, v1;
	v2 =	vadd.f32 v4, v2  }
0x124: {  	v5 =	vadd.f32 v58, v5;
	v0 =	vadd.f32 v54, v0  }
0x125: {  	v1 =	vadd.f32 v60, v1;
	v2 =	vadd.f32 v3, v2  }
0x126: {  	v0 =	vadd.f32 v57, v0;
	v3 =	vadd.f32 v61, v5  }
0x127: {  	v1 =	vadd.f32 v62, v1  }
0x128: {  	v0 =	vadd.f32 v0, v2;
	v2 =	vadd.f32 v63, v3  }
0x129: {  	s1 =	simm.s32 $0x0  }
0x12a: {  	s31 =	simm.s32 $0x80;
	[tilespmem:s1+$0x15200] =	vst v0;
	v0 =	vadd.f32 v1, v2  }
.LBB2_4:
0x12b: {  	p0 =	sne.s32 s31, $0x1F80  }
0x12c: {  	s30 =	sadd.s32 $0x280, s30;
	[tilespmem:s1+$0x15210] =	vst v0;
	s1 =	smov.u32 s31;
	s31 =	sadd.s32 $0x80, s31  }
0x12d: {  	v0 =	vld [tilespmem:s30+$0x20]  }
0x12e: {  	v1 =	vld [tilespmem:s30+$0x30]  }
0x12f: {  	v2 =	vld [tilespmem:s30+$0x0]  }
0x130: {  	v3 =	vld [tilespmem:s30+$0x100]  }
0x131: {  	v4 =	vld [tilespmem:s30+$0xC0]  }
0x132: {  	v5 =	vld [tilespmem:s30+$0xFFFFFFF0]  }
0x133: {  	v6 =	vld [tilespmem:s30+$0x80]  }
0x134: {  	v7 =	vld [tilespmem:s30+$0x40]  }
0x135: {  	v8 =	vld [tilespmem:s30+$0xFFFFFFC0]  }
0x136: {  	v9 =	vld [tilespmem:s30+$0xFFFFFF80]  }
0x137: {  	v10 =	vld [tilespmem:s30+$0xFFFFFF40]  }
0x138: {  	v11 =	vld [tilespmem:s30+$0xFFFFFFA0]  }
0x139: {  	v12 =	vld [tilespmem:s30+$0xFFFFFFB0]  }
0x13a: {  	v13 =	vld [tilespmem:s30+$0xFFFFFFE0]  }
0x13b: {  	v14 =	vld [tilespmem:s30+$0xFFFFFEC0]  }
0x13c: {  	v15 =	vld [tilespmem:s30+$0xFFFFFF70]  }
0x13d: {  	v16 =	vld [tilespmem:s30+$0xFFFFFF60]  }
0x13e: {  	v17 =	vld [tilespmem:s30+$0xFFFFFEF0]  }
0x13f: {  	v18 =	vld [tilespmem:s30+$0xFFFFFF00]  }
0x140: {  	v19 =	vld [tilespmem:s30+$0xFFFFFF20]  }
0x141: {  	v20 =	vld [tilespmem:s30+$0xFFFFFEE0]  }
0x142: {  	v21 =	vld [tilespmem:s30+$0xFFFFFF30]  }
0x143: {  	v22 =	vld [tilespmem:s30+$0xFFFFFF10]  }
0x144: {  	v23 =	vld [tilespmem:s30+$0xFFFFFED0];
	v14 =	vadd.f32 v18, v14  }
0x145: {  	v18 =	vld [tilespmem:s30+$0x60]  }
0x146: {  	v19 =	vadd.f32 v19, v20;
	v20 =	vld [tilespmem:s30+$0xFFFFFF50]  }
0x147: {  	v10 =	vadd.f32 v10, v14;
	v17 =	vadd.f32 v21, v17;
	v14 =	vld [tilespmem:s30+$0x70]  }
0x148: {  	v16 =	vadd.f32 v16, v19;
	v19 =	vld [tilespmem:s30+$0xFFFFFF90]  }
0x149: {  	v9 =	vadd.f32 v9, v10;
	v21 =	vadd.f32 v22, v23;
	v10 =	vld [tilespmem:s30+$0xA0]  }
0x14a: {  	v15 =	vadd.f32 v15, v17;
	v11 =	vadd.f32 v11, v16;
	v16 =	vld [tilespmem:s30+$0xFFFFFFD0]  }
0x14b: {  	v8 =	vadd.f32 v8, v9;
	v17 =	vadd.f32 v20, v21;
	v9 =	vld [tilespmem:s30+$0xB0]  }
0x14c: {  	v12 =	vadd.f32 v12, v15;
	v11 =	vadd.f32 v13, v11;
	v13 =	vld [tilespmem:s30+$0x10]  }
0x14d: {  	v2 =	vadd.f32 v2, v8;
	v15 =	vadd.f32 v19, v17;
	v8 =	vld [tilespmem:s30+$0xE0]  }
0x14e: {  	v5 =	vadd.f32 v5, v12;
	v0 =	vadd.f32 v0, v11;
	v11 =	vld [tilespmem:s30+$0x50]  }
0x14f: {  	v2 =	vadd.f32 v7, v2;
	v12 =	vadd.f32 v16, v15;
	v7 =	vld [tilespmem:s30+$0x120]  }
0x150: {  	v1 =	vadd.f32 v1, v5;
	v0 =	vadd.f32 v18, v0;
	v5 =	vld [tilespmem:s30+$0x90]  }
0x151: {  	v2 =	vadd.f32 v6, v2;
	v12 =	vadd.f32 v13, v12;
	v6 =	vld [tilespmem:s30+$0xF0]  }
0x152: {  	v1 =	vadd.f32 v14, v1;
	v0 =	vadd.f32 v10, v0;
	v10 =	vld [tilespmem:s30+$0xD0]  }
0x153: {  	v2 =	vadd.f32 v4, v2;
	v11 =	vadd.f32 v11, v12;
	v4 =	vld [tilespmem:s30+$0x130]  }
0x154: {  	v1 =	vadd.f32 v9, v1;
	v0 =	vadd.f32 v8, v0;
	v8 =	vld [tilespmem:s30+$0x110]  }
0x155: {  	v2 =	vadd.f32 v3, v2;
	v5 =	vadd.f32 v5, v11  }
0x156: {  	v1 =	vadd.f32 v6, v1;
	v0 =	vadd.f32 v7, v0  }
.Ltmp1:
0x157: {  	v3 =	vadd.f32 v10, v5;
	(pc) =	sbr.rel @p0 .LBB2_4-.Ltmp1, $4  }
0x158: {  	v0 =	vadd.f32 v0, v2  }
0x159: {  	s1 =	sshra.s32 s1, $0x2;
	v1 =	vadd.f32 v4, v1;
	v2 =	vadd.f32 v8, v3  }
0x15a: {  	[tilespmem:s1+$0x15200] =	vst v0  }
0x15b: {  	v0 =	vadd.f32 v1, v2  }
0x15c: {  	_ = 	snop  }
0x15d: {  	s30 =	rddreg [dreg:$0x6];
	[tilespmem:s1+$0x15210] =	vst v0;
	s1 =	simm.s32 $0x0  }
0x15e: {  	[tilespmem:s5], [sflag:$0x3] =	stream.linear.gather [hbm4b:s30+s1], $0x500, $0x38;
	[tilespmem:$0x18A00] =	vst v63  }
0x15f: {  	_ =	swait.ge [sflag:s14], $0x500  }
0x160: {  	[sflag:s14] =	ssyncset.done $0x0  }
0x161: {  	[sflag:s14] =	ssyncadd.s32 $0xFFFFFB00  }
0x162: {  	[tilespmem:s6], [sflag:$0x2] =	stream.indirect.gather [hbm4b:s3+s15], $0x20, s5, s15, $0xb8;
	[tilespmem:$0x18A00] =	vst v63  }
0x163: {  	_ = 	snop  }
0x164: {  	[tilespmem:s8], [sflag:$0x2] =	stream.indirect.gather [hbm4b:s3+s15], $0x20, s7, s15, $0xb8;
	[tilespmem:$0x18A00] =	vst v63  }
0x165: {  	_ = 	snop  }
0x166: {  	[tilespmem:s10], [sflag:$0x2] =	stream.indirect.gather [hbm4b:s3+s15], $0x20, s9, s15, $0xb8;
	[tilespmem:$0x18A00] =	vst v63  }
0x167: {  	_ = 	snop  }
0x168: {  	[tilespmem:s12], [sflag:$0x2] =	stream.indirect.gather [hbm4b:s3+s15], $0x20, s11, s15, $0xb8;
	[tilespmem:$0x18A00] =	vst v63  }
0x169: {  	_ = 	snop  }
0x16a: {  	[tilespmem:s2], [sflag:$0x2] =	stream.indirect.gather [hbm4b:s3+s15], $0x20, s13, s15, $0xb8;
	[tilespmem:$0x18A00] =	vst v63  }
0x16b: {  	_ = 	snop  }
0x16c: {  	[tilespmem:s17], [sflag:$0x2] =	stream.indirect.gather [hbm4b:s3+s15], $0x20, s16, s15, $0xb8;
	[tilespmem:$0x18A00] =	vst v63  }
0x16d: {  	_ = 	snop  }
0x16e: {  	[tilespmem:s19], [sflag:$0x2] =	stream.indirect.gather [hbm4b:s3+s15], $0x20, s18, s15, $0xb8;
	[tilespmem:$0x18A00] =	vst v63  }
0x16f: {  	_ = 	snop  }
0x170: {  	[tilespmem:s21], [sflag:$0x2] =	stream.indirect.gather [hbm4b:s3+s15], $0x20, s20, s15, $0xb8;
	[tilespmem:$0x18A00] =	vst v63  }
0x171: {  	_ = 	snop  }
0x172: {  	[tilespmem:s23], [sflag:$0x2] =	stream.indirect.gather [hbm4b:s3+s15], $0x20, s22, s15, $0xb8;
	[tilespmem:$0x18A00] =	vst v63  }
0x173: {  	_ = 	snop  }
0x174: {  	[tilespmem:s25], [sflag:$0x2] =	stream.indirect.gather [hbm4b:s3+s15], $0x20, s24, s15, $0xb8;
	[tilespmem:$0x18A00] =	vst v63  }
0x175: {  	_ =	swait.ge [sflag:s26], $0x1000  }
0x176: {  	[sflag:s26] =	ssyncset.done $0x0  }
0x177: {  	[sflag:s26] =	ssyncadd.s32 $0xFFFFF000  }
0x178: {  	_ =	swait.ge [sflag:s26], $0x1000  }
0x179: {  	[sflag:s26] =	ssyncset.done $0x0  }
0x17a: {  	[sflag:s26] =	ssyncadd.s32 $0xFFFFF000  }
0x17b: {  	_ =	swait.ge [sflag:s26], $0x1000  }
0x17c: {  	[sflag:s26] =	ssyncset.done $0x0  }
0x17d: {  	[sflag:s26] =	ssyncadd.s32 $0xFFFFF000  }
0x17e: {  	_ =	swait.ge [sflag:s26], $0x1000  }
0x17f: {  	[sflag:s26] =	ssyncset.done $0x0  }
0x180: {  	[sflag:s26] =	ssyncadd.s32 $0xFFFFF000  }
0x181: {  	_ =	swait.ge [sflag:s26], $0x1000  }
0x182: {  	[sflag:s26] =	ssyncset.done $0x0  }
0x183: {  	[sflag:s26] =	ssyncadd.s32 $0xFFFFF000  }
0x184: {  	_ =	swait.ge [sflag:s26], $0x1000  }
0x185: {  	[sflag:s26] =	ssyncset.done $0x0  }
0x186: {  	[sflag:s26] =	ssyncadd.s32 $0xFFFFF000  }
0x187: {  	_ =	swait.ge [sflag:s26], $0x1000  }
0x188: {  	[sflag:s26] =	ssyncset.done $0x0  }
0x189: {  	[sflag:s26] =	ssyncadd.s32 $0xFFFFF000  }
0x18a: {  	_ =	swait.ge [sflag:s26], $0x1000  }
0x18b: {  	[sflag:s26] =	ssyncset.done $0x0  }
0x18c: {  	[sflag:s26] =	ssyncadd.s32 $0xFFFFF000  }
0x18d: {  	_ =	swait.ge [sflag:s26], $0x1000  }
0x18e: {  	[sflag:s26] =	ssyncset.done $0x0  }
0x18f: {  	[sflag:s26] =	ssyncadd.s32 $0xFFFFF000  }
0x190: {  	_ =	swait.ge [sflag:s26], $0x1000  }
0x191: {  	[sflag:s26] =	ssyncset.done $0x0  }
0x192: {  	s30 =	simm.s32 $0xB40;
	[sflag:s26] =	ssyncadd.s32 $0xFFFFF000  }
0x193: {  	v0 =	vld [tilespmem:s30+$0x20]  }
0x194: {  	v1 =	vld [tilespmem:s30+$0x30]  }
0x195: {  	v2 =	vld [tilespmem:s30+$0x0]  }
0x196: {  	v3 =	vld [tilespmem:s30+$0x100]  }
0x197: {  	v4 =	vld [tilespmem:s30+$0xC0]  }
0x198: {  	v5 =	vld [tilespmem:s30+$0xFFFFFFF0]  }
0x199: {  	v6 =	vld [tilespmem:s30+$0x80]  }
0x19a: {  	v7 =	vld [tilespmem:s30+$0x40]  }
0x19b: {  	v8 =	vld [tilespmem:s30+$0xFFFFFFC0]  }
0x19c: {  	v9 =	vld [tilespmem:s30+$0xFFFFFF80]  }
0x19d: {  	v10 =	vld [tilespmem:s30+$0xFFFFFF40]  }
0x19e: {  	v11 =	vld [tilespmem:s30+$0xFFFFFFA0]  }
0x19f: {  	v12 =	vld [tilespmem:s30+$0xFFFFFFB0]  }
0x1a0: {  	v13 =	vld [tilespmem:s30+$0xFFFFFFE0]  }
0x1a1: {  	v14 =	vld [tilespmem:s30+$0xFFFFFEC0]  }
0x1a2: {  	v15 =	vld [tilespmem:s30+$0xFFFFFF70]  }
0x1a3: {  	v16 =	vld [tilespmem:s30+$0xFFFFFF60]  }
0x1a4: {  	v17 =	vld [tilespmem:s30+$0xFFFFFEF0]  }
0x1a5: {  	v18 =	vld [tilespmem:s30+$0xFFFFFF00]  }
0x1a6: {  	v19 =	vld [tilespmem:s30+$0xFFFFFF20]  }
0x1a7: {  	v20 =	vld [tilespmem:s30+$0xFFFFFEE0]  }
0x1a8: {  	v21 =	vld [tilespmem:s30+$0xFFFFFF30]  }
0x1a9: {  	v22 =	vld [tilespmem:s30+$0xFFFFFF10]  }
0x1aa: {  	v23 =	vld [tilespmem:s30+$0xFFFFFED0]  }
0x1ab: {  	v24 =	vld [tilespmem:s30+$0x60]  }
0x1ac: {  	v40 =	vld [tilespmem:s30+$0xFFFFFF50];
	v14 =	vadd.f32 v18, v14  }
0x1ad: {  	v41 =	vld [tilespmem:s30+$0x70];
	v39 =	vadd.f32 v19, v20  }
0x1ae: {  	v43 =	vld [tilespmem:s30+$0xFFFFFF90];
	v17 =	vadd.f32 v21, v17;
	v10 =	vadd.f32 v10, v14  }
0x1af: {  	v45 =	vld [tilespmem:s30+$0xA0];
	v44 =	vadd.f32 v22, v23;
	v42 =	vadd.f32 v16, v39  }
0x1b0: {  	v47 =	vld [tilespmem:s30+$0xFFFFFFD0];
	v48 =	vadd.f32 v15, v17;
	v9 =	vadd.f32 v9, v10  }
0x1b1: {  	v50 =	vld [tilespmem:s30+$0xB0];
	v49 =	vadd.f32 v40, v44;
	v46 =	vadd.f32 v11, v42  }
0x1b2: {  	v52 =	vld [tilespmem:s30+$0x10];
	v12 =	vadd.f32 v12, v48;
	v8 =	vadd.f32 v8, v9  }
0x1b3: {  	v54 =	vld [tilespmem:s30+$0xE0];
	v53 =	vadd.f32 v43, v49;
	v51 =	vadd.f32 v13, v46  }
0x1b4: {  	v55 =	vld [tilespmem:s30+$0x50];
	v5 =	vadd.f32 v5, v12;
	v2 =	vadd.f32 v2, v8  }
0x1b5: {  	v57 =	vld [tilespmem:s30+$0x120];
	v56 =	vadd.f32 v47, v53;
	v0 =	vadd.f32 v0, v51  }
0x1b6: {  	v58 =	vld [tilespmem:s30+$0x90];
	v1 =	vadd.f32 v1, v5;
	v2 =	vadd.f32 v7, v2  }
0x1b7: {  	v60 =	vld [tilespmem:s30+$0xF0];
	v59 =	vadd.f32 v52, v56;
	v0 =	vadd.f32 v24, v0  }
0x1b8: {  	v61 =	vld [tilespmem:s30+$0xD0];
	v1 =	vadd.f32 v41, v1;
	v2 =	vadd.f32 v6, v2  }
0x1b9: {  	v62 =	vld [tilespmem:s30+$0x130];
	v5 =	vadd.f32 v55, v59;
	v0 =	vadd.f32 v45, v0  }
0x1ba: {  	v63 =	vld [tilespmem:s30+$0x110];
	v1 =	vadd.f32 v50, v1;
	v2 =	vadd.f32 v4, v2  }
0x1bb: {  	v5 =	vadd.f32 v58, v5;
	v0 =	vadd.f32 v54, v0  }
0x1bc: {  	v1 =	vadd.f32 v60, v1;
	v2 =	vadd.f32 v3, v2  }
0x1bd: {  	v0 =	vadd.f32 v57, v0;
	v3 =	vadd.f32 v61, v5  }
0x1be: {  	v1 =	vadd.f32 v62, v1  }
0x1bf: {  	v0 =	vadd.f32 v0, v2;
	v2 =	vadd.f32 v63, v3  }
0x1c0: {  	s1 =	simm.s32 $0x0  }
0x1c1: {  	s31 =	simm.s32 $0x80;
	[tilespmem:s1+$0x15A00] =	vst v0;
	v0 =	vadd.f32 v1, v2  }
.LBB2_6:
0x1c2: {  	p0 =	sne.s32 s31, $0x1F80  }
0x1c3: {  	s30 =	sadd.s32 $0x280, s30;
	[tilespmem:s1+$0x15A10] =	vst v0;
	s1 =	smov.u32 s31;
	s31 =	sadd.s32 $0x80, s31  }
0x1c4: {  	v0 =	vld [tilespmem:s30+$0x20]  }
0x1c5: {  	v1 =	vld [tilespmem:s30+$0x30]  }
0x1c6: {  	v2 =	vld [tilespmem:s30+$0x0]  }
0x1c7: {  	v3 =	vld [tilespmem:s30+$0x100]  }
0x1c8: {  	v4 =	vld [tilespmem:s30+$0xC0]  }
0x1c9: {  	v5 =	vld [tilespmem:s30+$0xFFFFFFF0]  }
0x1ca: {  	v6 =	vld [tilespmem:s30+$0x80]  }
0x1cb: {  	v7 =	vld [tilespmem:s30+$0x40]  }
0x1cc: {  	v8 =	vld [tilespmem:s30+$0xFFFFFFC0]  }
0x1cd: {  	v9 =	vld [tilespmem:s30+$0xFFFFFF80]  }
0x1ce: {  	v10 =	vld [tilespmem:s30+$0xFFFFFF40]  }
0x1cf: {  	v11 =	vld [tilespmem:s30+$0xFFFFFFA0]  }
0x1d0: {  	v12 =	vld [tilespmem:s30+$0xFFFFFFB0]  }
0x1d1: {  	v13 =	vld [tilespmem:s30+$0xFFFFFFE0]  }
0x1d2: {  	v14 =	vld [tilespmem:s30+$0xFFFFFEC0]  }
0x1d3: {  	v15 =	vld [tilespmem:s30+$0xFFFFFF70]  }
0x1d4: {  	v16 =	vld [tilespmem:s30+$0xFFFFFF60]  }
0x1d5: {  	v17 =	vld [tilespmem:s30+$0xFFFFFEF0]  }
0x1d6: {  	v18 =	vld [tilespmem:s30+$0xFFFFFF00]  }
0x1d7: {  	v19 =	vld [tilespmem:s30+$0xFFFFFF20]  }
0x1d8: {  	v20 =	vld [tilespmem:s30+$0xFFFFFEE0]  }
0x1d9: {  	v21 =	vld [tilespmem:s30+$0xFFFFFF30]  }
0x1da: {  	v22 =	vld [tilespmem:s30+$0xFFFFFF10]  }
0x1db: {  	v23 =	vld [tilespmem:s30+$0xFFFFFED0];
	v14 =	vadd.f32 v18, v14  }
0x1dc: {  	v18 =	vld [tilespmem:s30+$0x60]  }
0x1dd: {  	v19 =	vadd.f32 v19, v20;
	v20 =	vld [tilespmem:s30+$0xFFFFFF50]  }
0x1de: {  	v10 =	vadd.f32 v10, v14;
	v17 =	vadd.f32 v21, v17;
	v14 =	vld [tilespmem:s30+$0x70]  }
0x1df: {  	v16 =	vadd.f32 v16, v19;
	v19 =	vld [tilespmem:s30+$0xFFFFFF90]  }
0x1e0: {  	v9 =	vadd.f32 v9, v10;
	v21 =	vadd.f32 v22, v23;
	v10 =	vld [tilespmem:s30+$0xA0]  }
0x1e1: {  	v15 =	vadd.f32 v15, v17;
	v11 =	vadd.f32 v11, v16;
	v16 =	vld [tilespmem:s30+$0xFFFFFFD0]  }
0x1e2: {  	v8 =	vadd.f32 v8, v9;
	v17 =	vadd.f32 v20, v21;
	v9 =	vld [tilespmem:s30+$0xB0]  }
0x1e3: {  	v12 =	vadd.f32 v12, v15;
	v11 =	vadd.f32 v13, v11;
	v13 =	vld [tilespmem:s30+$0x10]  }
0x1e4: {  	v2 =	vadd.f32 v2, v8;
	v15 =	vadd.f32 v19, v17;
	v8 =	vld [tilespmem:s30+$0xE0]  }
0x1e5: {  	v5 =	vadd.f32 v5, v12;
	v0 =	vadd.f32 v0, v11;
	v11 =	vld [tilespmem:s30+$0x50]  }
0x1e6: {  	v2 =	vadd.f32 v7, v2;
	v12 =	vadd.f32 v16, v15;
	v7 =	vld [tilespmem:s30+$0x120]  }
0x1e7: {  	v1 =	vadd.f32 v1, v5;
	v0 =	vadd.f32 v18, v0;
	v5 =	vld [tilespmem:s30+$0x90]  }
0x1e8: {  	v2 =	vadd.f32 v6, v2;
	v12 =	vadd.f32 v13, v12;
	v6 =	vld [tilespmem:s30+$0xF0]  }
0x1e9: {  	v1 =	vadd.f32 v14, v1;
	v0 =	vadd.f32 v10, v0;
	v10 =	vld [tilespmem:s30+$0xD0]  }
0x1ea: {  	v2 =	vadd.f32 v4, v2;
	v11 =	vadd.f32 v11, v12;
	v4 =	vld [tilespmem:s30+$0x130]  }
0x1eb: {  	v1 =	vadd.f32 v9, v1;
	v0 =	vadd.f32 v8, v0;
	v8 =	vld [tilespmem:s30+$0x110]  }
0x1ec: {  	v2 =	vadd.f32 v3, v2;
	v5 =	vadd.f32 v5, v11  }
0x1ed: {  	v1 =	vadd.f32 v6, v1;
	v0 =	vadd.f32 v7, v0  }
.Ltmp2:
0x1ee: {  	v3 =	vadd.f32 v10, v5;
	(pc) =	sbr.rel @p0 .LBB2_6-.Ltmp2, $4  }
0x1ef: {  	v0 =	vadd.f32 v0, v2  }
0x1f0: {  	s1 =	sshra.s32 s1, $0x2;
	v1 =	vadd.f32 v4, v1;
	v2 =	vadd.f32 v8, v3  }
0x1f1: {  	[tilespmem:s1+$0x15A00] =	vst v0  }
0x1f2: {  	v0 =	vadd.f32 v1, v2  }
0x1f3: {  	_ = 	snop  }
0x1f4: {  	s30 =	rddreg [dreg:$0x7];
	[tilespmem:s1+$0x15A10] =	vst v0;
	s1 =	simm.s32 $0x0  }
0x1f5: {  	[tilespmem:s1], [sflag:$0x3] =	stream.linear.gather [hbm4b:s30+s1], $0x500, $0x38;
	[tilespmem:$0x18A00] =	vst v63  }
0x1f6: {  	_ =	swait.ge [sflag:s14], $0x500  }
0x1f7: {  	[sflag:s14] =	ssyncset.done $0x0  }
0x1f8: {  	s30 =	simm.s32 $0xA00;
	[sflag:s14] =	ssyncadd.s32 $0xFFFFFB00  }
0x1f9: {  	[tilespmem:s30], [sflag:$0x1] =	stream.indirect.gather [hbm4b:s3+s15], $0x20, s1, s15, $0xb8;
	[tilespmem:$0x18A00] =	vst v63  }
0x1fa: {  	s1 =	simm.s32 $0x1A00  }
0x1fb: {  	[tilespmem:s1], [sflag:$0x1] =	stream.indirect.gather [hbm4b:s3+s15], $0x20, s15, s15, $0xb8;
	[tilespmem:$0x18A00] =	vst v63  }
0x1fc: {  	s30 =	simm.s32 $0x2A00;
	s1 =	simm.s32 $0x100  }
0x1fd: {  	[tilespmem:s30], [sflag:$0x1] =	stream.indirect.gather [hbm4b:s3+s15], $0x20, s1, s15, $0xb8;
	[tilespmem:$0x18A00] =	vst v63  }
0x1fe: {  	s1 =	simm.s32 $0x180;
	s30 =	simm.s32 $0x3A00  }
0x1ff: {  	[tilespmem:s30], [sflag:$0x1] =	stream.indirect.gather [hbm4b:s3+s15], $0x20, s1, s15, $0xb8;
	[tilespmem:$0x18A00] =	vst v63  }
0x200: {  	s1 =	simm.s32 $0x200;
	s30 =	simm.s32 $0x4A00  }
0x201: {  	[tilespmem:s30], [sflag:$0x1] =	stream.indirect.gather [hbm4b:s3+s15], $0x20, s1, s15, $0xb8;
	[tilespmem:$0x18A00] =	vst v63  }
0x202: {  	s1 =	simm.s32 $0x280;
	s30 =	simm.s32 $0x5A00  }
0x203: {  	[tilespmem:s30], [sflag:$0x1] =	stream.indirect.gather [hbm4b:s3+s15], $0x20, s1, s15, $0xb8;
	[tilespmem:$0x18A00] =	vst v63  }
0x204: {  	s1 =	simm.s32 $0x300;
	s30 =	simm.s32 $0x6A00  }
0x205: {  	[tilespmem:s30], [sflag:$0x1] =	stream.indirect.gather [hbm4b:s3+s15], $0x20, s1, s15, $0xb8;
	[tilespmem:$0x18A00] =	vst v63  }
0x206: {  	s1 =	simm.s32 $0x380;
	s30 =	simm.s32 $0x7A00  }
0x207: {  	[tilespmem:s30], [sflag:$0x1] =	stream.indirect.gather [hbm4b:s3+s15], $0x20, s1, s15, $0xb8;
	[tilespmem:$0x18A00] =	vst v63  }
0x208: {  	s1 =	simm.s32 $0x400;
	s30 =	simm.s32 $0x8A00  }
0x209: {  	[tilespmem:s30], [sflag:$0x1] =	stream.indirect.gather [hbm4b:s3+s15], $0x20, s1, s15, $0xb8;
	[tilespmem:$0x18A00] =	vst v63  }
0x20a: {  	_ = 	snop  }
0x20b: {  	[tilespmem:s4], [sflag:$0x1] =	stream.indirect.gather [hbm4b:s3+s15], $0x20, s0, s15, $0xb8;
	[tilespmem:$0x18A00] =	vst v63  }
0x20c: {  	_ =	swait.ge [sflag:s28], $0x1000  }
0x20d: {  	[sflag:s28] =	ssyncset.done $0x0  }
0x20e: {  	[sflag:s28] =	ssyncadd.s32 $0xFFFFF000  }
0x20f: {  	_ =	swait.ge [sflag:s28], $0x1000  }
0x210: {  	[sflag:s28] =	ssyncset.done $0x0  }
0x211: {  	[sflag:s28] =	ssyncadd.s32 $0xFFFFF000  }
0x212: {  	_ =	swait.ge [sflag:s28], $0x1000  }
0x213: {  	[sflag:s28] =	ssyncset.done $0x0  }
0x214: {  	[sflag:s28] =	ssyncadd.s32 $0xFFFFF000  }
0x215: {  	_ =	swait.ge [sflag:s28], $0x1000  }
0x216: {  	[sflag:s28] =	ssyncset.done $0x0  }
0x217: {  	[sflag:s28] =	ssyncadd.s32 $0xFFFFF000  }
0x218: {  	_ =	swait.ge [sflag:s28], $0x1000  }
0x219: {  	[sflag:s28] =	ssyncset.done $0x0  }
0x21a: {  	[sflag:s28] =	ssyncadd.s32 $0xFFFFF000  }
0x21b: {  	_ =	swait.ge [sflag:s28], $0x1000  }
0x21c: {  	[sflag:s28] =	ssyncset.done $0x0  }
0x21d: {  	[sflag:s28] =	ssyncadd.s32 $0xFFFFF000  }
0x21e: {  	_ =	swait.ge [sflag:s28], $0x1000  }
0x21f: {  	[sflag:s28] =	ssyncset.done $0x0  }
0x220: {  	[sflag:s28] =	ssyncadd.s32 $0xFFFFF000  }
0x221: {  	_ =	swait.ge [sflag:s28], $0x1000  }
0x222: {  	[sflag:s28] =	ssyncset.done $0x0  }
0x223: {  	[sflag:s28] =	ssyncadd.s32 $0xFFFFF000  }
0x224: {  	_ =	swait.ge [sflag:s28], $0x1000  }
0x225: {  	[sflag:s28] =	ssyncset.done $0x0  }
0x226: {  	[sflag:s28] =	ssyncadd.s32 $0xFFFFF000  }
0x227: {  	_ =	swait.ge [sflag:s28], $0x1000  }
0x228: {  	[sflag:s28] =	ssyncset.done $0x0  }
0x229: {  	s30 =	simm.s32 $0xAB40;
	[sflag:s28] =	ssyncadd.s32 $0xFFFFF000  }
0x22a: {  	v0 =	vld [tilespmem:s30+$0x20]  }
0x22b: {  	v1 =	vld [tilespmem:s30+$0x30]  }
0x22c: {  	v2 =	vld [tilespmem:s30+$0x0]  }
0x22d: {  	v3 =	vld [tilespmem:s30+$0x100]  }
0x22e: {  	v4 =	vld [tilespmem:s30+$0xC0]  }
0x22f: {  	v5 =	vld [tilespmem:s30+$0xFFFFFFF0]  }
0x230: {  	v6 =	vld [tilespmem:s30+$0x80]  }
0x231: {  	v7 =	vld [tilespmem:s30+$0x40]  }
0x232: {  	v8 =	vld [tilespmem:s30+$0xFFFFFFC0]  }
0x233: {  	v9 =	vld [tilespmem:s30+$0xFFFFFF80]  }
0x234: {  	v10 =	vld [tilespmem:s30+$0xFFFFFF40]  }
0x235: {  	v11 =	vld [tilespmem:s30+$0xFFFFFFA0]  }
0x236: {  	v12 =	vld [tilespmem:s30+$0xFFFFFFB0]  }
0x237: {  	v13 =	vld [tilespmem:s30+$0xFFFFFFE0]  }
0x238: {  	v14 =	vld [tilespmem:s30+$0xFFFFFEC0]  }
0x239: {  	v15 =	vld [tilespmem:s30+$0xFFFFFF70]  }
0x23a: {  	v16 =	vld [tilespmem:s30+$0xFFFFFF60]  }
0x23b: {  	v17 =	vld [tilespmem:s30+$0xFFFFFEF0]  }
0x23c: {  	v18 =	vld [tilespmem:s30+$0xFFFFFF00]  }
0x23d: {  	v19 =	vld [tilespmem:s30+$0xFFFFFF20]  }
0x23e: {  	v20 =	vld [tilespmem:s30+$0xFFFFFEE0]  }
0x23f: {  	v21 =	vld [tilespmem:s30+$0xFFFFFF30]  }
0x240: {  	v22 =	vld [tilespmem:s30+$0xFFFFFF10]  }
0x241: {  	v23 =	vld [tilespmem:s30+$0xFFFFFED0]  }
0x242: {  	v24 =	vld [tilespmem:s30+$0x60]  }
0x243: {  	v40 =	vld [tilespmem:s30+$0xFFFFFF50];
	v14 =	vadd.f32 v18, v14  }
0x244: {  	v41 =	vld [tilespmem:s30+$0x70];
	v39 =	vadd.f32 v19, v20  }
0x245: {  	v43 =	vld [tilespmem:s30+$0xFFFFFF90];
	v17 =	vadd.f32 v21, v17;
	v10 =	vadd.f32 v10, v14  }
0x246: {  	v45 =	vld [tilespmem:s30+$0xA0];
	v44 =	vadd.f32 v22, v23;
	v42 =	vadd.f32 v16, v39  }
0x247: {  	v47 =	vld [tilespmem:s30+$0xFFFFFFD0];
	v48 =	vadd.f32 v15, v17;
	v9 =	vadd.f32 v9, v10  }
0x248: {  	v50 =	vld [tilespmem:s30+$0xB0];
	v49 =	vadd.f32 v40, v44;
	v46 =	vadd.f32 v11, v42  }
0x249: {  	v52 =	vld [tilespmem:s30+$0x10];
	v12 =	vadd.f32 v12, v48;
	v8 =	vadd.f32 v8, v9  }
0x24a: {  	v54 =	vld [tilespmem:s30+$0xE0];
	v53 =	vadd.f32 v43, v49;
	v51 =	vadd.f32 v13, v46  }
0x24b: {  	v55 =	vld [tilespmem:s30+$0x50];
	v5 =	vadd.f32 v5, v12;
	v2 =	vadd.f32 v2, v8  }
0x24c: {  	v57 =	vld [tilespmem:s30+$0x120];
	v56 =	vadd.f32 v47, v53;
	v0 =	vadd.f32 v0, v51  }
0x24d: {  	v58 =	vld [tilespmem:s30+$0x90];
	v1 =	vadd.f32 v1, v5;
	v2 =	vadd.f32 v7, v2  }
0x24e: {  	v60 =	vld [tilespmem:s30+$0xF0];
	v59 =	vadd.f32 v52, v56;
	v0 =	vadd.f32 v24, v0  }
0x24f: {  	v61 =	vld [tilespmem:s30+$0xD0];
	v1 =	vadd.f32 v41, v1;
	v2 =	vadd.f32 v6, v2  }
0x250: {  	v62 =	vld [tilespmem:s30+$0x130];
	v5 =	vadd.f32 v55, v59;
	v0 =	vadd.f32 v45, v0  }
0x251: {  	v63 =	vld [tilespmem:s30+$0x110];
	v1 =	vadd.f32 v50, v1;
	v2 =	vadd.f32 v4, v2  }
0x252: {  	v5 =	vadd.f32 v58, v5;
	v0 =	vadd.f32 v54, v0  }
0x253: {  	v1 =	vadd.f32 v60, v1;
	v2 =	vadd.f32 v3, v2  }
0x254: {  	v0 =	vadd.f32 v57, v0;
	v3 =	vadd.f32 v61, v5  }
0x255: {  	v1 =	vadd.f32 v62, v1  }
0x256: {  	v0 =	vadd.f32 v0, v2;
	v2 =	vadd.f32 v63, v3  }
0x257: {  	s1 =	simm.s32 $0x0  }
0x258: {  	s31 =	simm.s32 $0x80;
	[tilespmem:s1+$0x16200] =	vst v0;
	v0 =	vadd.f32 v1, v2  }
.LBB2_8:
0x259: {  	p0 =	sne.s32 s31, $0x1F80  }
0x25a: {  	s30 =	sadd.s32 $0x280, s30;
	[tilespmem:s1+$0x16210] =	vst v0;
	s1 =	smov.u32 s31;
	s31 =	sadd.s32 $0x80, s31  }
0x25b: {  	v0 =	vld [tilespmem:s30+$0x20]  }
0x25c: {  	v1 =	vld [tilespmem:s30+$0x30]  }
0x25d: {  	v2 =	vld [tilespmem:s30+$0x0]  }
0x25e: {  	v3 =	vld [tilespmem:s30+$0x100]  }
0x25f: {  	v4 =	vld [tilespmem:s30+$0xC0]  }
0x260: {  	v5 =	vld [tilespmem:s30+$0xFFFFFFF0]  }
0x261: {  	v6 =	vld [tilespmem:s30+$0x80]  }
0x262: {  	v7 =	vld [tilespmem:s30+$0x40]  }
0x263: {  	v8 =	vld [tilespmem:s30+$0xFFFFFFC0]  }
0x264: {  	v9 =	vld [tilespmem:s30+$0xFFFFFF80]  }
0x265: {  	v10 =	vld [tilespmem:s30+$0xFFFFFF40]  }
0x266: {  	v11 =	vld [tilespmem:s30+$0xFFFFFFA0]  }
0x267: {  	v12 =	vld [tilespmem:s30+$0xFFFFFFB0]  }
0x268: {  	v13 =	vld [tilespmem:s30+$0xFFFFFFE0]  }
0x269: {  	v14 =	vld [tilespmem:s30+$0xFFFFFEC0]  }
0x26a: {  	v15 =	vld [tilespmem:s30+$0xFFFFFF70]  }
0x26b: {  	v16 =	vld [tilespmem:s30+$0xFFFFFF60]  }
0x26c: {  	v17 =	vld [tilespmem:s30+$0xFFFFFEF0]  }
0x26d: {  	v18 =	vld [tilespmem:s30+$0xFFFFFF00]  }
0x26e: {  	v19 =	vld [tilespmem:s30+$0xFFFFFF20]  }
0x26f: {  	v20 =	vld [tilespmem:s30+$0xFFFFFEE0]  }
0x270: {  	v21 =	vld [tilespmem:s30+$0xFFFFFF30]  }
0x271: {  	v22 =	vld [tilespmem:s30+$0xFFFFFF10]  }
0x272: {  	v23 =	vld [tilespmem:s30+$0xFFFFFED0];
	v14 =	vadd.f32 v18, v14  }
0x273: {  	v18 =	vld [tilespmem:s30+$0x60]  }
0x274: {  	v19 =	vadd.f32 v19, v20;
	v20 =	vld [tilespmem:s30+$0xFFFFFF50]  }
0x275: {  	v10 =	vadd.f32 v10, v14;
	v17 =	vadd.f32 v21, v17;
	v14 =	vld [tilespmem:s30+$0x70]  }
0x276: {  	v16 =	vadd.f32 v16, v19;
	v19 =	vld [tilespmem:s30+$0xFFFFFF90]  }
0x277: {  	v9 =	vadd.f32 v9, v10;
	v21 =	vadd.f32 v22, v23;
	v10 =	vld [tilespmem:s30+$0xA0]  }
0x278: {  	v15 =	vadd.f32 v15, v17;
	v11 =	vadd.f32 v11, v16;
	v16 =	vld [tilespmem:s30+$0xFFFFFFD0]  }
0x279: {  	v8 =	vadd.f32 v8, v9;
	v17 =	vadd.f32 v20, v21;
	v9 =	vld [tilespmem:s30+$0xB0]  }
0x27a: {  	v12 =	vadd.f32 v12, v15;
	v11 =	vadd.f32 v13, v11;
	v13 =	vld [tilespmem:s30+$0x10]  }
0x27b: {  	v2 =	vadd.f32 v2, v8;
	v15 =	vadd.f32 v19, v17;
	v8 =	vld [tilespmem:s30+$0xE0]  }
0x27c: {  	v5 =	vadd.f32 v5, v12;
	v0 =	vadd.f32 v0, v11;
	v11 =	vld [tilespmem:s30+$0x50]  }
0x27d: {  	v2 =	vadd.f32 v7, v2;
	v12 =	vadd.f32 v16, v15;
	v7 =	vld [tilespmem:s30+$0x120]  }
0x27e: {  	v1 =	vadd.f32 v1, v5;
	v0 =	vadd.f32 v18, v0;
	v5 =	vld [tilespmem:s30+$0x90]  }
0x27f: {  	v2 =	vadd.f32 v6, v2;
	v12 =	vadd.f32 v13, v12;
	v6 =	vld [tilespmem:s30+$0xF0]  }
0x280: {  	v1 =	vadd.f32 v14, v1;
	v0 =	vadd.f32 v10, v0;
	v10 =	vld [tilespmem:s30+$0xD0]  }
0x281: {  	v2 =	vadd.f32 v4, v2;
	v11 =	vadd.f32 v11, v12;
	v4 =	vld [tilespmem:s30+$0x130]  }
0x282: {  	v1 =	vadd.f32 v9, v1;
	v0 =	vadd.f32 v8, v0;
	v8 =	vld [tilespmem:s30+$0x110]  }
0x283: {  	v2 =	vadd.f32 v3, v2;
	v5 =	vadd.f32 v5, v11  }
0x284: {  	v1 =	vadd.f32 v6, v1;
	v0 =	vadd.f32 v7, v0  }
.Ltmp3:
0x285: {  	v3 =	vadd.f32 v10, v5;
	(pc) =	sbr.rel @p0 .LBB2_8-.Ltmp3, $4  }
0x286: {  	v0 =	vadd.f32 v0, v2  }
0x287: {  	s1 =	sshra.s32 s1, $0x2;
	v1 =	vadd.f32 v4, v1;
	v2 =	vadd.f32 v8, v3  }
0x288: {  	[tilespmem:s1+$0x16200] =	vst v0  }
0x289: {  	v0 =	vadd.f32 v1, v2  }
0x28a: {  	_ = 	snop  }
0x28b: {  	s30 =	rddreg [dreg:$0x8];
	[tilespmem:s1+$0x16210] =	vst v0;
	s1 =	simm.s32 $0x0  }
0x28c: {  	[tilespmem:s5], [sflag:$0x3] =	stream.linear.gather [hbm4b:s30+s1], $0x500, $0x38;
	[tilespmem:$0x18A00] =	vst v63  }
0x28d: {  	_ =	swait.ge [sflag:s14], $0x500  }
0x28e: {  	[sflag:s14] =	ssyncset.done $0x0  }
0x28f: {  	[sflag:s14] =	ssyncadd.s32 $0xFFFFFB00  }
0x290: {  	[tilespmem:s6], [sflag:$0x2] =	stream.indirect.gather [hbm4b:s3+s15], $0x20, s5, s15, $0xb8;
	[tilespmem:$0x18A00] =	vst v63  }
0x291: {  	_ = 	snop  }
0x292: {  	[tilespmem:s8], [sflag:$0x2] =	stream.indirect.gather [hbm4b:s3+s15], $0x20, s7, s15, $0xb8;
	[tilespmem:$0x18A00] =	vst v63  }
0x293: {  	_ = 	snop  }
0x294: {  	[tilespmem:s10], [sflag:$0x2] =	stream.indirect.gather [hbm4b:s3+s15], $0x20, s9, s15, $0xb8;
	[tilespmem:$0x18A00] =	vst v63  }
0x295: {  	_ = 	snop  }
0x296: {  	[tilespmem:s12], [sflag:$0x2] =	stream.indirect.gather [hbm4b:s3+s15], $0x20, s11, s15, $0xb8;
	[tilespmem:$0x18A00] =	vst v63  }
0x297: {  	_ = 	snop  }
0x298: {  	[tilespmem:s2], [sflag:$0x2] =	stream.indirect.gather [hbm4b:s3+s15], $0x20, s13, s15, $0xb8;
	[tilespmem:$0x18A00] =	vst v63  }
0x299: {  	_ = 	snop  }
0x29a: {  	[tilespmem:s17], [sflag:$0x2] =	stream.indirect.gather [hbm4b:s3+s15], $0x20, s16, s15, $0xb8;
	[tilespmem:$0x18A00] =	vst v63  }
0x29b: {  	_ = 	snop  }
0x29c: {  	[tilespmem:s19], [sflag:$0x2] =	stream.indirect.gather [hbm4b:s3+s15], $0x20, s18, s15, $0xb8;
	[tilespmem:$0x18A00] =	vst v63  }
0x29d: {  	_ = 	snop  }
0x29e: {  	[tilespmem:s21], [sflag:$0x2] =	stream.indirect.gather [hbm4b:s3+s15], $0x20, s20, s15, $0xb8;
	[tilespmem:$0x18A00] =	vst v63  }
0x29f: {  	_ = 	snop  }
0x2a0: {  	[tilespmem:s23], [sflag:$0x2] =	stream.indirect.gather [hbm4b:s3+s15], $0x20, s22, s15, $0xb8;
	[tilespmem:$0x18A00] =	vst v63  }
0x2a1: {  	_ = 	snop  }
0x2a2: {  	[tilespmem:s25], [sflag:$0x2] =	stream.indirect.gather [hbm4b:s3+s15], $0x20, s24, s15, $0xb8;
	[tilespmem:$0x18A00] =	vst v63  }
0x2a3: {  	_ =	swait.ge [sflag:s26], $0x1000  }
0x2a4: {  	[sflag:s26] =	ssyncset.done $0x0  }
0x2a5: {  	[sflag:s26] =	ssyncadd.s32 $0xFFFFF000  }
0x2a6: {  	_ =	swait.ge [sflag:s26], $0x1000  }
0x2a7: {  	[sflag:s26] =	ssyncset.done $0x0  }
0x2a8: {  	[sflag:s26] =	ssyncadd.s32 $0xFFFFF000  }
0x2a9: {  	_ =	swait.ge [sflag:s26], $0x1000  }
0x2aa: {  	[sflag:s26] =	ssyncset.done $0x0  }
0x2ab: {  	[sflag:s26] =	ssyncadd.s32 $0xFFFFF000  }
0x2ac: {  	_ =	swait.ge [sflag:s26], $0x1000  }
0x2ad: {  	[sflag:s26] =	ssyncset.done $0x0  }
0x2ae: {  	[sflag:s26] =	ssyncadd.s32 $0xFFFFF000  }
0x2af: {  	_ =	swait.ge [sflag:s26], $0x1000  }
0x2b0: {  	[sflag:s26] =	ssyncset.done $0x0  }
0x2b1: {  	[sflag:s26] =	ssyncadd.s32 $0xFFFFF000  }
0x2b2: {  	_ =	swait.ge [sflag:s26], $0x1000  }
0x2b3: {  	[sflag:s26] =	ssyncset.done $0x0  }
0x2b4: {  	[sflag:s26] =	ssyncadd.s32 $0xFFFFF000  }
0x2b5: {  	_ =	swait.ge [sflag:s26], $0x1000  }
0x2b6: {  	[sflag:s26] =	ssyncset.done $0x0  }
0x2b7: {  	[sflag:s26] =	ssyncadd.s32 $0xFFFFF000  }
0x2b8: {  	_ =	swait.ge [sflag:s26], $0x1000  }
0x2b9: {  	[sflag:s26] =	ssyncset.done $0x0  }
0x2ba: {  	[sflag:s26] =	ssyncadd.s32 $0xFFFFF000  }
0x2bb: {  	_ =	swait.ge [sflag:s26], $0x1000  }
0x2bc: {  	[sflag:s26] =	ssyncset.done $0x0  }
0x2bd: {  	[sflag:s26] =	ssyncadd.s32 $0xFFFFF000  }
0x2be: {  	_ =	swait.ge [sflag:s26], $0x1000  }
0x2bf: {  	[sflag:s26] =	ssyncset.done $0x0  }
0x2c0: {  	s30 =	simm.s32 $0xB40;
	[sflag:s26] =	ssyncadd.s32 $0xFFFFF000  }
0x2c1: {  	v0 =	vld [tilespmem:s30+$0x20]  }
0x2c2: {  	v1 =	vld [tilespmem:s30+$0x30]  }
0x2c3: {  	v2 =	vld [tilespmem:s30+$0x0]  }
0x2c4: {  	v3 =	vld [tilespmem:s30+$0x100]  }
0x2c5: {  	v4 =	vld [tilespmem:s30+$0xC0]  }
0x2c6: {  	v5 =	vld [tilespmem:s30+$0xFFFFFFF0]  }
0x2c7: {  	v6 =	vld [tilespmem:s30+$0x80]  }
0x2c8: {  	v7 =	vld [tilespmem:s30+$0x40]  }
0x2c9: {  	v8 =	vld [tilespmem:s30+$0xFFFFFFC0]  }
0x2ca: {  	v9 =	vld [tilespmem:s30+$0xFFFFFF80]  }
0x2cb: {  	v10 =	vld [tilespmem:s30+$0xFFFFFF40]  }
0x2cc: {  	v11 =	vld [tilespmem:s30+$0xFFFFFFA0]  }
0x2cd: {  	v12 =	vld [tilespmem:s30+$0xFFFFFFB0]  }
0x2ce: {  	v13 =	vld [tilespmem:s30+$0xFFFFFFE0]  }
0x2cf: {  	v14 =	vld [tilespmem:s30+$0xFFFFFEC0]  }
0x2d0: {  	v15 =	vld [tilespmem:s30+$0xFFFFFF70]  }
0x2d1: {  	v16 =	vld [tilespmem:s30+$0xFFFFFF60]  }
0x2d2: {  	v17 =	vld [tilespmem:s30+$0xFFFFFEF0]  }
0x2d3: {  	v18 =	vld [tilespmem:s30+$0xFFFFFF00]  }
0x2d4: {  	v19 =	vld [tilespmem:s30+$0xFFFFFF20]  }
0x2d5: {  	v20 =	vld [tilespmem:s30+$0xFFFFFEE0]  }
0x2d6: {  	v21 =	vld [tilespmem:s30+$0xFFFFFF30]  }
0x2d7: {  	v22 =	vld [tilespmem:s30+$0xFFFFFF10]  }
0x2d8: {  	v23 =	vld [tilespmem:s30+$0xFFFFFED0]  }
0x2d9: {  	v24 =	vld [tilespmem:s30+$0x60]  }
0x2da: {  	v40 =	vld [tilespmem:s30+$0xFFFFFF50];
	v14 =	vadd.f32 v18, v14  }
0x2db: {  	v41 =	vld [tilespmem:s30+$0x70];
	v39 =	vadd.f32 v19, v20  }
0x2dc: {  	v43 =	vld [tilespmem:s30+$0xFFFFFF90];
	v17 =	vadd.f32 v21, v17;
	v10 =	vadd.f32 v10, v14  }
0x2dd: {  	v45 =	vld [tilespmem:s30+$0xA0];
	v44 =	vadd.f32 v22, v23;
	v42 =	vadd.f32 v16, v39  }
0x2de: {  	v47 =	vld [tilespmem:s30+$0xFFFFFFD0];
	v48 =	vadd.f32 v15, v17;
	v9 =	vadd.f32 v9, v10  }
0x2df: {  	v50 =	vld [tilespmem:s30+$0xB0];
	v49 =	vadd.f32 v40, v44;
	v46 =	vadd.f32 v11, v42  }
0x2e0: {  	v52 =	vld [tilespmem:s30+$0x10];
	v12 =	vadd.f32 v12, v48;
	v8 =	vadd.f32 v8, v9  }
0x2e1: {  	v54 =	vld [tilespmem:s30+$0xE0];
	v53 =	vadd.f32 v43, v49;
	v51 =	vadd.f32 v13, v46  }
0x2e2: {  	v55 =	vld [tilespmem:s30+$0x50];
	v5 =	vadd.f32 v5, v12;
	v2 =	vadd.f32 v2, v8  }
0x2e3: {  	v57 =	vld [tilespmem:s30+$0x120];
	v56 =	vadd.f32 v47, v53;
	v0 =	vadd.f32 v0, v51  }
0x2e4: {  	v58 =	vld [tilespmem:s30+$0x90];
	v1 =	vadd.f32 v1, v5;
	v2 =	vadd.f32 v7, v2  }
0x2e5: {  	v60 =	vld [tilespmem:s30+$0xF0];
	v59 =	vadd.f32 v52, v56;
	v0 =	vadd.f32 v24, v0  }
0x2e6: {  	v61 =	vld [tilespmem:s30+$0xD0];
	v1 =	vadd.f32 v41, v1;
	v2 =	vadd.f32 v6, v2  }
0x2e7: {  	v62 =	vld [tilespmem:s30+$0x130];
	v5 =	vadd.f32 v55, v59;
	v0 =	vadd.f32 v45, v0  }
0x2e8: {  	v63 =	vld [tilespmem:s30+$0x110];
	v1 =	vadd.f32 v50, v1;
	v2 =	vadd.f32 v4, v2  }
0x2e9: {  	v5 =	vadd.f32 v58, v5;
	v0 =	vadd.f32 v54, v0  }
0x2ea: {  	v1 =	vadd.f32 v60, v1;
	v2 =	vadd.f32 v3, v2  }
0x2eb: {  	v0 =	vadd.f32 v57, v0;
	v3 =	vadd.f32 v61, v5  }
0x2ec: {  	v1 =	vadd.f32 v62, v1  }
0x2ed: {  	v0 =	vadd.f32 v0, v2;
	v2 =	vadd.f32 v63, v3  }
0x2ee: {  	s1 =	simm.s32 $0x0  }
0x2ef: {  	s31 =	simm.s32 $0x80;
	[tilespmem:s1+$0x16A00] =	vst v0;
	v0 =	vadd.f32 v1, v2  }
.LBB2_10:
0x2f0: {  	p0 =	sne.s32 s31, $0x1F80  }
0x2f1: {  	s30 =	sadd.s32 $0x280, s30;
	[tilespmem:s1+$0x16A10] =	vst v0;
	s1 =	smov.u32 s31;
	s31 =	sadd.s32 $0x80, s31  }
0x2f2: {  	v0 =	vld [tilespmem:s30+$0x20]  }
0x2f3: {  	v1 =	vld [tilespmem:s30+$0x30]  }
0x2f4: {  	v2 =	vld [tilespmem:s30+$0x0]  }
0x2f5: {  	v3 =	vld [tilespmem:s30+$0x100]  }
0x2f6: {  	v4 =	vld [tilespmem:s30+$0xC0]  }
0x2f7: {  	v5 =	vld [tilespmem:s30+$0xFFFFFFF0]  }
0x2f8: {  	v6 =	vld [tilespmem:s30+$0x80]  }
0x2f9: {  	v7 =	vld [tilespmem:s30+$0x40]  }
0x2fa: {  	v8 =	vld [tilespmem:s30+$0xFFFFFFC0]  }
0x2fb: {  	v9 =	vld [tilespmem:s30+$0xFFFFFF80]  }
0x2fc: {  	v10 =	vld [tilespmem:s30+$0xFFFFFF40]  }
0x2fd: {  	v11 =	vld [tilespmem:s30+$0xFFFFFFA0]  }
0x2fe: {  	v12 =	vld [tilespmem:s30+$0xFFFFFFB0]  }
0x2ff: {  	v13 =	vld [tilespmem:s30+$0xFFFFFFE0]  }
0x300: {  	v14 =	vld [tilespmem:s30+$0xFFFFFEC0]  }
0x301: {  	v15 =	vld [tilespmem:s30+$0xFFFFFF70]  }
0x302: {  	v16 =	vld [tilespmem:s30+$0xFFFFFF60]  }
0x303: {  	v17 =	vld [tilespmem:s30+$0xFFFFFEF0]  }
0x304: {  	v18 =	vld [tilespmem:s30+$0xFFFFFF00]  }
0x305: {  	v19 =	vld [tilespmem:s30+$0xFFFFFF20]  }
0x306: {  	v20 =	vld [tilespmem:s30+$0xFFFFFEE0]  }
0x307: {  	v21 =	vld [tilespmem:s30+$0xFFFFFF30]  }
0x308: {  	v22 =	vld [tilespmem:s30+$0xFFFFFF10]  }
0x309: {  	v23 =	vld [tilespmem:s30+$0xFFFFFED0];
	v14 =	vadd.f32 v18, v14  }
0x30a: {  	v18 =	vld [tilespmem:s30+$0x60]  }
0x30b: {  	v19 =	vadd.f32 v19, v20;
	v20 =	vld [tilespmem:s30+$0xFFFFFF50]  }
0x30c: {  	v10 =	vadd.f32 v10, v14;
	v17 =	vadd.f32 v21, v17;
	v14 =	vld [tilespmem:s30+$0x70]  }
0x30d: {  	v16 =	vadd.f32 v16, v19;
	v19 =	vld [tilespmem:s30+$0xFFFFFF90]  }
0x30e: {  	v9 =	vadd.f32 v9, v10;
	v21 =	vadd.f32 v22, v23;
	v10 =	vld [tilespmem:s30+$0xA0]  }
0x30f: {  	v15 =	vadd.f32 v15, v17;
	v11 =	vadd.f32 v11, v16;
	v16 =	vld [tilespmem:s30+$0xFFFFFFD0]  }
0x310: {  	v8 =	vadd.f32 v8, v9;
	v17 =	vadd.f32 v20, v21;
	v9 =	vld [tilespmem:s30+$0xB0]  }
0x311: {  	v12 =	vadd.f32 v12, v15;
	v11 =	vadd.f32 v13, v11;
	v13 =	vld [tilespmem:s30+$0x10]  }
0x312: {  	v2 =	vadd.f32 v2, v8;
	v15 =	vadd.f32 v19, v17;
	v8 =	vld [tilespmem:s30+$0xE0]  }
0x313: {  	v5 =	vadd.f32 v5, v12;
	v0 =	vadd.f32 v0, v11;
	v11 =	vld [tilespmem:s30+$0x50]  }
0x314: {  	v2 =	vadd.f32 v7, v2;
	v12 =	vadd.f32 v16, v15;
	v7 =	vld [tilespmem:s30+$0x120]  }
0x315: {  	v1 =	vadd.f32 v1, v5;
	v0 =	vadd.f32 v18, v0;
	v5 =	vld [tilespmem:s30+$0x90]  }
0x316: {  	v2 =	vadd.f32 v6, v2;
	v12 =	vadd.f32 v13, v12;
	v6 =	vld [tilespmem:s30+$0xF0]  }
0x317: {  	v1 =	vadd.f32 v14, v1;
	v0 =	vadd.f32 v10, v0;
	v10 =	vld [tilespmem:s30+$0xD0]  }
0x318: {  	v2 =	vadd.f32 v4, v2;
	v11 =	vadd.f32 v11, v12;
	v4 =	vld [tilespmem:s30+$0x130]  }
0x319: {  	v1 =	vadd.f32 v9, v1;
	v0 =	vadd.f32 v8, v0;
	v8 =	vld [tilespmem:s30+$0x110]  }
0x31a: {  	v2 =	vadd.f32 v3, v2;
	v5 =	vadd.f32 v5, v11  }
0x31b: {  	v1 =	vadd.f32 v6, v1;
	v0 =	vadd.f32 v7, v0  }
.Ltmp4:
0x31c: {  	v3 =	vadd.f32 v10, v5;
	(pc) =	sbr.rel @p0 .LBB2_10-.Ltmp4, $4  }
0x31d: {  	v0 =	vadd.f32 v0, v2  }
0x31e: {  	s1 =	sshra.s32 s1, $0x2;
	v1 =	vadd.f32 v4, v1;
	v2 =	vadd.f32 v8, v3  }
0x31f: {  	[tilespmem:s1+$0x16A00] =	vst v0  }
0x320: {  	v0 =	vadd.f32 v1, v2  }
0x321: {  	_ = 	snop  }
0x322: {  	s30 =	rddreg [dreg:$0x9];
	[tilespmem:s1+$0x16A10] =	vst v0;
	s1 =	simm.s32 $0x0  }
0x323: {  	[tilespmem:s1], [sflag:$0x3] =	stream.linear.gather [hbm4b:s30+s1], $0x500, $0x38;
	[tilespmem:$0x18A00] =	vst v63  }
0x324: {  	_ =	swait.ge [sflag:s14], $0x500  }
0x325: {  	[sflag:s14] =	ssyncset.done $0x0  }
0x326: {  	s30 =	simm.s32 $0xA00;
	[sflag:s14] =	ssyncadd.s32 $0xFFFFFB00  }
0x327: {  	[tilespmem:s30], [sflag:$0x1] =	stream.indirect.gather [hbm4b:s3+s15], $0x20, s1, s15, $0xb8;
	[tilespmem:$0x18A00] =	vst v63  }
0x328: {  	s1 =	simm.s32 $0x1A00  }
0x329: {  	[tilespmem:s1], [sflag:$0x1] =	stream.indirect.gather [hbm4b:s3+s15], $0x20, s15, s15, $0xb8;
	[tilespmem:$0x18A00] =	vst v63  }
0x32a: {  	s30 =	simm.s32 $0x2A00;
	s1 =	simm.s32 $0x100  }
0x32b: {  	[tilespmem:s30], [sflag:$0x1] =	stream.indirect.gather [hbm4b:s3+s15], $0x20, s1, s15, $0xb8;
	[tilespmem:$0x18A00] =	vst v63  }
0x32c: {  	s1 =	simm.s32 $0x180;
	s30 =	simm.s32 $0x3A00  }
0x32d: {  	[tilespmem:s30], [sflag:$0x1] =	stream.indirect.gather [hbm4b:s3+s15], $0x20, s1, s15, $0xb8;
	[tilespmem:$0x18A00] =	vst v63  }
0x32e: {  	s1 =	simm.s32 $0x200;
	s30 =	simm.s32 $0x4A00  }
0x32f: {  	[tilespmem:s30], [sflag:$0x1] =	stream.indirect.gather [hbm4b:s3+s15], $0x20, s1, s15, $0xb8;
	[tilespmem:$0x18A00] =	vst v63  }
0x330: {  	s1 =	simm.s32 $0x280;
	s30 =	simm.s32 $0x5A00  }
0x331: {  	[tilespmem:s30], [sflag:$0x1] =	stream.indirect.gather [hbm4b:s3+s15], $0x20, s1, s15, $0xb8;
	[tilespmem:$0x18A00] =	vst v63  }
0x332: {  	s1 =	simm.s32 $0x300;
	s30 =	simm.s32 $0x6A00  }
0x333: {  	[tilespmem:s30], [sflag:$0x1] =	stream.indirect.gather [hbm4b:s3+s15], $0x20, s1, s15, $0xb8;
	[tilespmem:$0x18A00] =	vst v63  }
0x334: {  	s1 =	simm.s32 $0x380;
	s30 =	simm.s32 $0x7A00  }
0x335: {  	[tilespmem:s30], [sflag:$0x1] =	stream.indirect.gather [hbm4b:s3+s15], $0x20, s1, s15, $0xb8;
	[tilespmem:$0x18A00] =	vst v63  }
0x336: {  	s1 =	simm.s32 $0x400;
	s30 =	simm.s32 $0x8A00  }
0x337: {  	[tilespmem:s30], [sflag:$0x1] =	stream.indirect.gather [hbm4b:s3+s15], $0x20, s1, s15, $0xb8;
	[tilespmem:$0x18A00] =	vst v63  }
0x338: {  	_ = 	snop  }
0x339: {  	[tilespmem:s4], [sflag:$0x1] =	stream.indirect.gather [hbm4b:s3+s15], $0x20, s0, s15, $0xb8;
	[tilespmem:$0x18A00] =	vst v63  }
0x33a: {  	_ =	swait.ge [sflag:s28], $0x1000  }
0x33b: {  	[sflag:s28] =	ssyncset.done $0x0  }
0x33c: {  	[sflag:s28] =	ssyncadd.s32 $0xFFFFF000  }
0x33d: {  	_ =	swait.ge [sflag:s28], $0x1000  }
0x33e: {  	[sflag:s28] =	ssyncset.done $0x0  }
0x33f: {  	[sflag:s28] =	ssyncadd.s32 $0xFFFFF000  }
0x340: {  	_ =	swait.ge [sflag:s28], $0x1000  }
0x341: {  	[sflag:s28] =	ssyncset.done $0x0  }
0x342: {  	[sflag:s28] =	ssyncadd.s32 $0xFFFFF000  }
0x343: {  	_ =	swait.ge [sflag:s28], $0x1000  }
0x344: {  	[sflag:s28] =	ssyncset.done $0x0  }
0x345: {  	[sflag:s28] =	ssyncadd.s32 $0xFFFFF000  }
0x346: {  	_ =	swait.ge [sflag:s28], $0x1000  }
0x347: {  	[sflag:s28] =	ssyncset.done $0x0  }
0x348: {  	[sflag:s28] =	ssyncadd.s32 $0xFFFFF000  }
0x349: {  	_ =	swait.ge [sflag:s28], $0x1000  }
0x34a: {  	[sflag:s28] =	ssyncset.done $0x0  }
0x34b: {  	[sflag:s28] =	ssyncadd.s32 $0xFFFFF000  }
0x34c: {  	_ =	swait.ge [sflag:s28], $0x1000  }
0x34d: {  	[sflag:s28] =	ssyncset.done $0x0  }
0x34e: {  	[sflag:s28] =	ssyncadd.s32 $0xFFFFF000  }
0x34f: {  	_ =	swait.ge [sflag:s28], $0x1000  }
0x350: {  	[sflag:s28] =	ssyncset.done $0x0  }
0x351: {  	[sflag:s28] =	ssyncadd.s32 $0xFFFFF000  }
0x352: {  	_ =	swait.ge [sflag:s28], $0x1000  }
0x353: {  	[sflag:s28] =	ssyncset.done $0x0  }
0x354: {  	[sflag:s28] =	ssyncadd.s32 $0xFFFFF000  }
0x355: {  	_ =	swait.ge [sflag:s28], $0x1000  }
0x356: {  	[sflag:s28] =	ssyncset.done $0x0  }
0x357: {  	s30 =	simm.s32 $0xAB40;
	[sflag:s28] =	ssyncadd.s32 $0xFFFFF000  }
0x358: {  	v0 =	vld [tilespmem:s30+$0x20]  }
0x359: {  	v1 =	vld [tilespmem:s30+$0x30]  }
0x35a: {  	v2 =	vld [tilespmem:s30+$0x0]  }
0x35b: {  	v3 =	vld [tilespmem:s30+$0x100]  }
0x35c: {  	v4 =	vld [tilespmem:s30+$0xC0]  }
0x35d: {  	v5 =	vld [tilespmem:s30+$0xFFFFFFF0]  }
0x35e: {  	v6 =	vld [tilespmem:s30+$0x80]  }
0x35f: {  	v7 =	vld [tilespmem:s30+$0x40]  }
0x360: {  	v8 =	vld [tilespmem:s30+$0xFFFFFFC0]  }
0x361: {  	v9 =	vld [tilespmem:s30+$0xFFFFFF80]  }
0x362: {  	v10 =	vld [tilespmem:s30+$0xFFFFFF40]  }
0x363: {  	v11 =	vld [tilespmem:s30+$0xFFFFFFA0]  }
0x364: {  	v12 =	vld [tilespmem:s30+$0xFFFFFFB0]  }
0x365: {  	v13 =	vld [tilespmem:s30+$0xFFFFFFE0]  }
0x366: {  	v14 =	vld [tilespmem:s30+$0xFFFFFEC0]  }
0x367: {  	v15 =	vld [tilespmem:s30+$0xFFFFFF70]  }
0x368: {  	v16 =	vld [tilespmem:s30+$0xFFFFFF60]  }
0x369: {  	v17 =	vld [tilespmem:s30+$0xFFFFFEF0]  }
0x36a: {  	v18 =	vld [tilespmem:s30+$0xFFFFFF00]  }
0x36b: {  	v19 =	vld [tilespmem:s30+$0xFFFFFF20]  }
0x36c: {  	v20 =	vld [tilespmem:s30+$0xFFFFFEE0]  }
0x36d: {  	v21 =	vld [tilespmem:s30+$0xFFFFFF30]  }
0x36e: {  	v22 =	vld [tilespmem:s30+$0xFFFFFF10]  }
0x36f: {  	v23 =	vld [tilespmem:s30+$0xFFFFFED0]  }
0x370: {  	v24 =	vld [tilespmem:s30+$0x60]  }
0x371: {  	v40 =	vld [tilespmem:s30+$0xFFFFFF50];
	v14 =	vadd.f32 v18, v14  }
0x372: {  	v41 =	vld [tilespmem:s30+$0x70];
	v39 =	vadd.f32 v19, v20  }
0x373: {  	v43 =	vld [tilespmem:s30+$0xFFFFFF90];
	v17 =	vadd.f32 v21, v17;
	v10 =	vadd.f32 v10, v14  }
0x374: {  	v45 =	vld [tilespmem:s30+$0xA0];
	v44 =	vadd.f32 v22, v23;
	v42 =	vadd.f32 v16, v39  }
0x375: {  	v47 =	vld [tilespmem:s30+$0xFFFFFFD0];
	v48 =	vadd.f32 v15, v17;
	v9 =	vadd.f32 v9, v10  }
0x376: {  	v50 =	vld [tilespmem:s30+$0xB0];
	v49 =	vadd.f32 v40, v44;
	v46 =	vadd.f32 v11, v42  }
0x377: {  	v52 =	vld [tilespmem:s30+$0x10];
	v12 =	vadd.f32 v12, v48;
	v8 =	vadd.f32 v8, v9  }
0x378: {  	v54 =	vld [tilespmem:s30+$0xE0];
	v53 =	vadd.f32 v43, v49;
	v51 =	vadd.f32 v13, v46  }
0x379: {  	v55 =	vld [tilespmem:s30+$0x50];
	v5 =	vadd.f32 v5, v12;
	v2 =	vadd.f32 v2, v8  }
0x37a: {  	v57 =	vld [tilespmem:s30+$0x120];
	v56 =	vadd.f32 v47, v53;
	v0 =	vadd.f32 v0, v51  }
0x37b: {  	v58 =	vld [tilespmem:s30+$0x90];
	v1 =	vadd.f32 v1, v5;
	v2 =	vadd.f32 v7, v2  }
0x37c: {  	v60 =	vld [tilespmem:s30+$0xF0];
	v59 =	vadd.f32 v52, v56;
	v0 =	vadd.f32 v24, v0  }
0x37d: {  	v61 =	vld [tilespmem:s30+$0xD0];
	v1 =	vadd.f32 v41, v1;
	v2 =	vadd.f32 v6, v2  }
0x37e: {  	v62 =	vld [tilespmem:s30+$0x130];
	v5 =	vadd.f32 v55, v59;
	v0 =	vadd.f32 v45, v0  }
0x37f: {  	v63 =	vld [tilespmem:s30+$0x110];
	v1 =	vadd.f32 v50, v1;
	v2 =	vadd.f32 v4, v2  }
0x380: {  	v5 =	vadd.f32 v58, v5;
	v0 =	vadd.f32 v54, v0  }
0x381: {  	v1 =	vadd.f32 v60, v1;
	v2 =	vadd.f32 v3, v2  }
0x382: {  	v0 =	vadd.f32 v57, v0;
	v3 =	vadd.f32 v61, v5  }
0x383: {  	v1 =	vadd.f32 v62, v1  }
0x384: {  	v0 =	vadd.f32 v0, v2;
	v2 =	vadd.f32 v63, v3  }
0x385: {  	s1 =	simm.s32 $0x0  }
0x386: {  	s31 =	simm.s32 $0x80;
	[tilespmem:s1+$0x17200] =	vst v0;
	v0 =	vadd.f32 v1, v2  }
.LBB2_12:
0x387: {  	p0 =	sne.s32 s31, $0x1F80  }
0x388: {  	s30 =	sadd.s32 $0x280, s30;
	[tilespmem:s1+$0x17210] =	vst v0;
	s1 =	smov.u32 s31;
	s31 =	sadd.s32 $0x80, s31  }
0x389: {  	v0 =	vld [tilespmem:s30+$0x20]  }
0x38a: {  	v1 =	vld [tilespmem:s30+$0x30]  }
0x38b: {  	v2 =	vld [tilespmem:s30+$0x0]  }
0x38c: {  	v3 =	vld [tilespmem:s30+$0x100]  }
0x38d: {  	v4 =	vld [tilespmem:s30+$0xC0]  }
0x38e: {  	v5 =	vld [tilespmem:s30+$0xFFFFFFF0]  }
0x38f: {  	v6 =	vld [tilespmem:s30+$0x80]  }
0x390: {  	v7 =	vld [tilespmem:s30+$0x40]  }
0x391: {  	v8 =	vld [tilespmem:s30+$0xFFFFFFC0]  }
0x392: {  	v9 =	vld [tilespmem:s30+$0xFFFFFF80]  }
0x393: {  	v10 =	vld [tilespmem:s30+$0xFFFFFF40]  }
0x394: {  	v11 =	vld [tilespmem:s30+$0xFFFFFFA0]  }
0x395: {  	v12 =	vld [tilespmem:s30+$0xFFFFFFB0]  }
0x396: {  	v13 =	vld [tilespmem:s30+$0xFFFFFFE0]  }
0x397: {  	v14 =	vld [tilespmem:s30+$0xFFFFFEC0]  }
0x398: {  	v15 =	vld [tilespmem:s30+$0xFFFFFF70]  }
0x399: {  	v16 =	vld [tilespmem:s30+$0xFFFFFF60]  }
0x39a: {  	v17 =	vld [tilespmem:s30+$0xFFFFFEF0]  }
0x39b: {  	v18 =	vld [tilespmem:s30+$0xFFFFFF00]  }
0x39c: {  	v19 =	vld [tilespmem:s30+$0xFFFFFF20]  }
0x39d: {  	v20 =	vld [tilespmem:s30+$0xFFFFFEE0]  }
0x39e: {  	v21 =	vld [tilespmem:s30+$0xFFFFFF30]  }
0x39f: {  	v22 =	vld [tilespmem:s30+$0xFFFFFF10]  }
0x3a0: {  	v23 =	vld [tilespmem:s30+$0xFFFFFED0];
	v14 =	vadd.f32 v18, v14  }
0x3a1: {  	v18 =	vld [tilespmem:s30+$0x60]  }
0x3a2: {  	v19 =	vadd.f32 v19, v20;
	v20 =	vld [tilespmem:s30+$0xFFFFFF50]  }
0x3a3: {  	v10 =	vadd.f32 v10, v14;
	v17 =	vadd.f32 v21, v17;
	v14 =	vld [tilespmem:s30+$0x70]  }
0x3a4: {  	v16 =	vadd.f32 v16, v19;
	v19 =	vld [tilespmem:s30+$0xFFFFFF90]  }
0x3a5: {  	v9 =	vadd.f32 v9, v10;
	v21 =	vadd.f32 v22, v23;
	v10 =	vld [tilespmem:s30+$0xA0]  }
0x3a6: {  	v15 =	vadd.f32 v15, v17;
	v11 =	vadd.f32 v11, v16;
	v16 =	vld [tilespmem:s30+$0xFFFFFFD0]  }
0x3a7: {  	v8 =	vadd.f32 v8, v9;
	v17 =	vadd.f32 v20, v21;
	v9 =	vld [tilespmem:s30+$0xB0]  }
0x3a8: {  	v12 =	vadd.f32 v12, v15;
	v11 =	vadd.f32 v13, v11;
	v13 =	vld [tilespmem:s30+$0x10]  }
0x3a9: {  	v2 =	vadd.f32 v2, v8;
	v15 =	vadd.f32 v19, v17;
	v8 =	vld [tilespmem:s30+$0xE0]  }
0x3aa: {  	v5 =	vadd.f32 v5, v12;
	v0 =	vadd.f32 v0, v11;
	v11 =	vld [tilespmem:s30+$0x50]  }
0x3ab: {  	v2 =	vadd.f32 v7, v2;
	v12 =	vadd.f32 v16, v15;
	v7 =	vld [tilespmem:s30+$0x120]  }
0x3ac: {  	v1 =	vadd.f32 v1, v5;
	v0 =	vadd.f32 v18, v0;
	v5 =	vld [tilespmem:s30+$0x90]  }
0x3ad: {  	v2 =	vadd.f32 v6, v2;
	v12 =	vadd.f32 v13, v12;
	v6 =	vld [tilespmem:s30+$0xF0]  }
0x3ae: {  	v1 =	vadd.f32 v14, v1;
	v0 =	vadd.f32 v10, v0;
	v10 =	vld [tilespmem:s30+$0xD0]  }
0x3af: {  	v2 =	vadd.f32 v4, v2;
	v11 =	vadd.f32 v11, v12;
	v4 =	vld [tilespmem:s30+$0x130]  }
0x3b0: {  	v1 =	vadd.f32 v9, v1;
	v0 =	vadd.f32 v8, v0;
	v8 =	vld [tilespmem:s30+$0x110]  }
0x3b1: {  	v2 =	vadd.f32 v3, v2;
	v5 =	vadd.f32 v5, v11  }
0x3b2: {  	v1 =	vadd.f32 v6, v1;
	v0 =	vadd.f32 v7, v0  }
.Ltmp5:
0x3b3: {  	v3 =	vadd.f32 v10, v5;
	(pc) =	sbr.rel @p0 .LBB2_12-.Ltmp5, $4  }
0x3b4: {  	v0 =	vadd.f32 v0, v2  }
0x3b5: {  	s1 =	sshra.s32 s1, $0x2;
	v1 =	vadd.f32 v4, v1;
	v2 =	vadd.f32 v8, v3  }
0x3b6: {  	[tilespmem:s1+$0x17200] =	vst v0  }
0x3b7: {  	v0 =	vadd.f32 v1, v2  }
0x3b8: {  	_ = 	snop  }
0x3b9: {  	s30 =	rddreg [dreg:$0xa];
	[tilespmem:s1+$0x17210] =	vst v0;
	s1 =	simm.s32 $0x0  }
0x3ba: {  	[tilespmem:s5], [sflag:$0x3] =	stream.linear.gather [hbm4b:s30+s1], $0x500, $0x38;
	[tilespmem:$0x18A00] =	vst v63  }
0x3bb: {  	_ =	swait.ge [sflag:s14], $0x500  }
0x3bc: {  	[sflag:s14] =	ssyncset.done $0x0  }
0x3bd: {  	[sflag:s14] =	ssyncadd.s32 $0xFFFFFB00  }
0x3be: {  	[tilespmem:s6], [sflag:$0x2] =	stream.indirect.gather [hbm4b:s3+s15], $0x20, s5, s15, $0xb8;
	[tilespmem:$0x18A00] =	vst v63  }
0x3bf: {  	_ = 	snop  }
0x3c0: {  	[tilespmem:s8], [sflag:$0x2] =	stream.indirect.gather [hbm4b:s3+s15], $0x20, s7, s15, $0xb8;
	[tilespmem:$0x18A00] =	vst v63  }
0x3c1: {  	_ = 	snop  }
0x3c2: {  	[tilespmem:s10], [sflag:$0x2] =	stream.indirect.gather [hbm4b:s3+s15], $0x20, s9, s15, $0xb8;
	[tilespmem:$0x18A00] =	vst v63  }
0x3c3: {  	_ = 	snop  }
0x3c4: {  	[tilespmem:s12], [sflag:$0x2] =	stream.indirect.gather [hbm4b:s3+s15], $0x20, s11, s15, $0xb8;
	[tilespmem:$0x18A00] =	vst v63  }
0x3c5: {  	_ = 	snop  }
0x3c6: {  	[tilespmem:s2], [sflag:$0x2] =	stream.indirect.gather [hbm4b:s3+s15], $0x20, s13, s15, $0xb8;
	[tilespmem:$0x18A00] =	vst v63  }
0x3c7: {  	_ = 	snop  }
0x3c8: {  	[tilespmem:s17], [sflag:$0x2] =	stream.indirect.gather [hbm4b:s3+s15], $0x20, s16, s15, $0xb8;
	[tilespmem:$0x18A00] =	vst v63  }
0x3c9: {  	_ = 	snop  }
0x3ca: {  	[tilespmem:s19], [sflag:$0x2] =	stream.indirect.gather [hbm4b:s3+s15], $0x20, s18, s15, $0xb8;
	[tilespmem:$0x18A00] =	vst v63  }
0x3cb: {  	_ = 	snop  }
0x3cc: {  	[tilespmem:s21], [sflag:$0x2] =	stream.indirect.gather [hbm4b:s3+s15], $0x20, s20, s15, $0xb8;
	[tilespmem:$0x18A00] =	vst v63  }
0x3cd: {  	_ = 	snop  }
0x3ce: {  	[tilespmem:s23], [sflag:$0x2] =	stream.indirect.gather [hbm4b:s3+s15], $0x20, s22, s15, $0xb8;
	[tilespmem:$0x18A00] =	vst v63  }
0x3cf: {  	_ = 	snop  }
0x3d0: {  	[tilespmem:s25], [sflag:$0x2] =	stream.indirect.gather [hbm4b:s3+s15], $0x20, s24, s15, $0xb8;
	[tilespmem:$0x18A00] =	vst v63  }
0x3d1: {  	_ =	swait.ge [sflag:s26], $0x1000  }
0x3d2: {  	[sflag:s26] =	ssyncset.done $0x0  }
0x3d3: {  	[sflag:s26] =	ssyncadd.s32 $0xFFFFF000  }
0x3d4: {  	_ =	swait.ge [sflag:s26], $0x1000  }
0x3d5: {  	[sflag:s26] =	ssyncset.done $0x0  }
0x3d6: {  	[sflag:s26] =	ssyncadd.s32 $0xFFFFF000  }
0x3d7: {  	_ =	swait.ge [sflag:s26], $0x1000  }
0x3d8: {  	[sflag:s26] =	ssyncset.done $0x0  }
0x3d9: {  	[sflag:s26] =	ssyncadd.s32 $0xFFFFF000  }
0x3da: {  	_ =	swait.ge [sflag:s26], $0x1000  }
0x3db: {  	[sflag:s26] =	ssyncset.done $0x0  }
0x3dc: {  	[sflag:s26] =	ssyncadd.s32 $0xFFFFF000  }
0x3dd: {  	_ =	swait.ge [sflag:s26], $0x1000  }
0x3de: {  	[sflag:s26] =	ssyncset.done $0x0  }
0x3df: {  	[sflag:s26] =	ssyncadd.s32 $0xFFFFF000  }
0x3e0: {  	_ =	swait.ge [sflag:s26], $0x1000  }
0x3e1: {  	[sflag:s26] =	ssyncset.done $0x0  }
0x3e2: {  	[sflag:s26] =	ssyncadd.s32 $0xFFFFF000  }
0x3e3: {  	_ =	swait.ge [sflag:s26], $0x1000  }
0x3e4: {  	[sflag:s26] =	ssyncset.done $0x0  }
0x3e5: {  	[sflag:s26] =	ssyncadd.s32 $0xFFFFF000  }
0x3e6: {  	_ =	swait.ge [sflag:s26], $0x1000  }
0x3e7: {  	[sflag:s26] =	ssyncset.done $0x0  }
0x3e8: {  	[sflag:s26] =	ssyncadd.s32 $0xFFFFF000  }
0x3e9: {  	_ =	swait.ge [sflag:s26], $0x1000  }
0x3ea: {  	[sflag:s26] =	ssyncset.done $0x0  }
0x3eb: {  	[sflag:s26] =	ssyncadd.s32 $0xFFFFF000  }
0x3ec: {  	_ =	swait.ge [sflag:s26], $0x1000  }
0x3ed: {  	[sflag:s26] =	ssyncset.done $0x0  }
0x3ee: {  	s30 =	simm.s32 $0xB40;
	[sflag:s26] =	ssyncadd.s32 $0xFFFFF000  }
0x3ef: {  	v0 =	vld [tilespmem:s30+$0x20]  }
0x3f0: {  	v1 =	vld [tilespmem:s30+$0x30]  }
0x3f1: {  	v2 =	vld [tilespmem:s30+$0x0]  }
0x3f2: {  	v3 =	vld [tilespmem:s30+$0x100]  }
0x3f3: {  	v4 =	vld [tilespmem:s30+$0xC0]  }
0x3f4: {  	v5 =	vld [tilespmem:s30+$0xFFFFFFF0]  }
0x3f5: {  	v6 =	vld [tilespmem:s30+$0x80]  }
0x3f6: {  	v7 =	vld [tilespmem:s30+$0x40]  }
0x3f7: {  	v8 =	vld [tilespmem:s30+$0xFFFFFFC0]  }
0x3f8: {  	v9 =	vld [tilespmem:s30+$0xFFFFFF80]  }
0x3f9: {  	v10 =	vld [tilespmem:s30+$0xFFFFFF40]  }
0x3fa: {  	v11 =	vld [tilespmem:s30+$0xFFFFFFA0]  }
0x3fb: {  	v12 =	vld [tilespmem:s30+$0xFFFFFFB0]  }
0x3fc: {  	v13 =	vld [tilespmem:s30+$0xFFFFFFE0]  }
0x3fd: {  	v14 =	vld [tilespmem:s30+$0xFFFFFEC0]  }
0x3fe: {  	v15 =	vld [tilespmem:s30+$0xFFFFFF70]  }
0x3ff: {  	v16 =	vld [tilespmem:s30+$0xFFFFFF60]  }
0x400: {  	v17 =	vld [tilespmem:s30+$0xFFFFFEF0]  }
0x401: {  	v18 =	vld [tilespmem:s30+$0xFFFFFF00]  }
0x402: {  	v19 =	vld [tilespmem:s30+$0xFFFFFF20]  }
0x403: {  	v20 =	vld [tilespmem:s30+$0xFFFFFEE0]  }
0x404: {  	v21 =	vld [tilespmem:s30+$0xFFFFFF30]  }
0x405: {  	v22 =	vld [tilespmem:s30+$0xFFFFFF10]  }
0x406: {  	v23 =	vld [tilespmem:s30+$0xFFFFFED0]  }
0x407: {  	v24 =	vld [tilespmem:s30+$0x60]  }
0x408: {  	v40 =	vld [tilespmem:s30+$0xFFFFFF50];
	v14 =	vadd.f32 v18, v14  }
0x409: {  	v41 =	vld [tilespmem:s30+$0x70];
	v39 =	vadd.f32 v19, v20  }
0x40a: {  	v43 =	vld [tilespmem:s30+$0xFFFFFF90];
	v17 =	vadd.f32 v21, v17;
	v10 =	vadd.f32 v10, v14  }
0x40b: {  	v45 =	vld [tilespmem:s30+$0xA0];
	v44 =	vadd.f32 v22, v23;
	v42 =	vadd.f32 v16, v39  }
0x40c: {  	v47 =	vld [tilespmem:s30+$0xFFFFFFD0];
	v48 =	vadd.f32 v15, v17;
	v9 =	vadd.f32 v9, v10  }
0x40d: {  	v50 =	vld [tilespmem:s30+$0xB0];
	v49 =	vadd.f32 v40, v44;
	v46 =	vadd.f32 v11, v42  }
0x40e: {  	v52 =	vld [tilespmem:s30+$0x10];
	v12 =	vadd.f32 v12, v48;
	v8 =	vadd.f32 v8, v9  }
0x40f: {  	v54 =	vld [tilespmem:s30+$0xE0];
	v53 =	vadd.f32 v43, v49;
	v51 =	vadd.f32 v13, v46  }
0x410: {  	v55 =	vld [tilespmem:s30+$0x50];
	v5 =	vadd.f32 v5, v12;
	v2 =	vadd.f32 v2, v8  }
0x411: {  	v57 =	vld [tilespmem:s30+$0x120];
	v56 =	vadd.f32 v47, v53;
	v0 =	vadd.f32 v0, v51  }
0x412: {  	v58 =	vld [tilespmem:s30+$0x90];
	v1 =	vadd.f32 v1, v5;
	v2 =	vadd.f32 v7, v2  }
0x413: {  	v60 =	vld [tilespmem:s30+$0xF0];
	v59 =	vadd.f32 v52, v56;
	v0 =	vadd.f32 v24, v0  }
0x414: {  	v61 =	vld [tilespmem:s30+$0xD0];
	v1 =	vadd.f32 v41, v1;
	v2 =	vadd.f32 v6, v2  }
0x415: {  	v62 =	vld [tilespmem:s30+$0x130];
	v5 =	vadd.f32 v55, v59;
	v0 =	vadd.f32 v45, v0  }
0x416: {  	v63 =	vld [tilespmem:s30+$0x110];
	v1 =	vadd.f32 v50, v1;
	v2 =	vadd.f32 v4, v2  }
0x417: {  	v5 =	vadd.f32 v58, v5;
	v0 =	vadd.f32 v54, v0  }
0x418: {  	v1 =	vadd.f32 v60, v1;
	v2 =	vadd.f32 v3, v2  }
0x419: {  	v0 =	vadd.f32 v57, v0;
	v3 =	vadd.f32 v61, v5  }
0x41a: {  	v1 =	vadd.f32 v62, v1  }
0x41b: {  	v0 =	vadd.f32 v0, v2;
	v2 =	vadd.f32 v63, v3  }
0x41c: {  	s1 =	simm.s32 $0x0  }
0x41d: {  	s31 =	simm.s32 $0x80;
	[tilespmem:s1+$0x17A00] =	vst v0;
	v0 =	vadd.f32 v1, v2  }
.LBB2_14:
0x41e: {  	p0 =	sne.s32 s31, $0x1F80  }
0x41f: {  	s30 =	sadd.s32 $0x280, s30;
	[tilespmem:s1+$0x17A10] =	vst v0;
	s1 =	smov.u32 s31;
	s31 =	sadd.s32 $0x80, s31  }
0x420: {  	v0 =	vld [tilespmem:s30+$0x20]  }
0x421: {  	v1 =	vld [tilespmem:s30+$0x30]  }
0x422: {  	v2 =	vld [tilespmem:s30+$0x0]  }
0x423: {  	v3 =	vld [tilespmem:s30+$0x100]  }
0x424: {  	v4 =	vld [tilespmem:s30+$0xC0]  }
0x425: {  	v5 =	vld [tilespmem:s30+$0xFFFFFFF0]  }
0x426: {  	v6 =	vld [tilespmem:s30+$0x80]  }
0x427: {  	v7 =	vld [tilespmem:s30+$0x40]  }
0x428: {  	v8 =	vld [tilespmem:s30+$0xFFFFFFC0]  }
0x429: {  	v9 =	vld [tilespmem:s30+$0xFFFFFF80]  }
0x42a: {  	v10 =	vld [tilespmem:s30+$0xFFFFFF40]  }
0x42b: {  	v11 =	vld [tilespmem:s30+$0xFFFFFFA0]  }
0x42c: {  	v12 =	vld [tilespmem:s30+$0xFFFFFFB0]  }
0x42d: {  	v13 =	vld [tilespmem:s30+$0xFFFFFFE0]  }
0x42e: {  	v14 =	vld [tilespmem:s30+$0xFFFFFEC0]  }
0x42f: {  	v15 =	vld [tilespmem:s30+$0xFFFFFF70]  }
0x430: {  	v16 =	vld [tilespmem:s30+$0xFFFFFF60]  }
0x431: {  	v17 =	vld [tilespmem:s30+$0xFFFFFEF0]  }
0x432: {  	v18 =	vld [tilespmem:s30+$0xFFFFFF00]  }
0x433: {  	v19 =	vld [tilespmem:s30+$0xFFFFFF20]  }
0x434: {  	v20 =	vld [tilespmem:s30+$0xFFFFFEE0]  }
0x435: {  	v21 =	vld [tilespmem:s30+$0xFFFFFF30]  }
0x436: {  	v22 =	vld [tilespmem:s30+$0xFFFFFF10]  }
0x437: {  	v23 =	vld [tilespmem:s30+$0xFFFFFED0];
	v14 =	vadd.f32 v18, v14  }
0x438: {  	v18 =	vld [tilespmem:s30+$0x60]  }
0x439: {  	v19 =	vadd.f32 v19, v20;
	v20 =	vld [tilespmem:s30+$0xFFFFFF50]  }
0x43a: {  	v10 =	vadd.f32 v10, v14;
	v17 =	vadd.f32 v21, v17;
	v14 =	vld [tilespmem:s30+$0x70]  }
0x43b: {  	v16 =	vadd.f32 v16, v19;
	v19 =	vld [tilespmem:s30+$0xFFFFFF90]  }
0x43c: {  	v9 =	vadd.f32 v9, v10;
	v21 =	vadd.f32 v22, v23;
	v10 =	vld [tilespmem:s30+$0xA0]  }
0x43d: {  	v15 =	vadd.f32 v15, v17;
	v11 =	vadd.f32 v11, v16;
	v16 =	vld [tilespmem:s30+$0xFFFFFFD0]  }
0x43e: {  	v8 =	vadd.f32 v8, v9;
	v17 =	vadd.f32 v20, v21;
	v9 =	vld [tilespmem:s30+$0xB0]  }
0x43f: {  	v12 =	vadd.f32 v12, v15;
	v11 =	vadd.f32 v13, v11;
	v13 =	vld [tilespmem:s30+$0x10]  }
0x440: {  	v2 =	vadd.f32 v2, v8;
	v15 =	vadd.f32 v19, v17;
	v8 =	vld [tilespmem:s30+$0xE0]  }
0x441: {  	v5 =	vadd.f32 v5, v12;
	v0 =	vadd.f32 v0, v11;
	v11 =	vld [tilespmem:s30+$0x50]  }
0x442: {  	v2 =	vadd.f32 v7, v2;
	v12 =	vadd.f32 v16, v15;
	v7 =	vld [tilespmem:s30+$0x120]  }
0x443: {  	v1 =	vadd.f32 v1, v5;
	v0 =	vadd.f32 v18, v0;
	v5 =	vld [tilespmem:s30+$0x90]  }
0x444: {  	v2 =	vadd.f32 v6, v2;
	v12 =	vadd.f32 v13, v12;
	v6 =	vld [tilespmem:s30+$0xF0]  }
0x445: {  	v1 =	vadd.f32 v14, v1;
	v0 =	vadd.f32 v10, v0;
	v10 =	vld [tilespmem:s30+$0xD0]  }
0x446: {  	v2 =	vadd.f32 v4, v2;
	v11 =	vadd.f32 v11, v12;
	v4 =	vld [tilespmem:s30+$0x130]  }
0x447: {  	v1 =	vadd.f32 v9, v1;
	v0 =	vadd.f32 v8, v0;
	v8 =	vld [tilespmem:s30+$0x110]  }
0x448: {  	v2 =	vadd.f32 v3, v2;
	v5 =	vadd.f32 v5, v11  }
0x449: {  	v1 =	vadd.f32 v6, v1;
	v0 =	vadd.f32 v7, v0  }
.Ltmp6:
0x44a: {  	v3 =	vadd.f32 v10, v5;
	(pc) =	sbr.rel @p0 .LBB2_14-.Ltmp6, $4  }
0x44b: {  	v0 =	vadd.f32 v0, v2  }
0x44c: {  	s1 =	sshra.s32 s1, $0x2;
	v1 =	vadd.f32 v4, v1;
	v2 =	vadd.f32 v8, v3  }
0x44d: {  	[tilespmem:s1+$0x17A00] =	vst v0  }
0x44e: {  	v0 =	vadd.f32 v1, v2  }
0x44f: {  	_ = 	snop  }
0x450: {  	[tilespmem:s1+$0x17A10] =	vst v0  }
0x451: {  	_ =	swait.ge [sflag:s28], $0x1000  }
0x452: {  	[sflag:s28] =	ssyncset.done $0x0  }
0x453: {  	[sflag:s28] =	ssyncadd.s32 $0xFFFFF000  }
0x454: {  	_ =	swait.ge [sflag:s28], $0x1000  }
0x455: {  	[sflag:s28] =	ssyncset.done $0x0  }
0x456: {  	[sflag:s28] =	ssyncadd.s32 $0xFFFFF000  }
0x457: {  	_ =	swait.ge [sflag:s28], $0x1000  }
0x458: {  	[sflag:s28] =	ssyncset.done $0x0  }
0x459: {  	[sflag:s28] =	ssyncadd.s32 $0xFFFFF000  }
0x45a: {  	_ =	swait.ge [sflag:s28], $0x1000  }
0x45b: {  	[sflag:s28] =	ssyncset.done $0x0  }
0x45c: {  	[sflag:s28] =	ssyncadd.s32 $0xFFFFF000  }
0x45d: {  	_ =	swait.ge [sflag:s28], $0x1000  }
0x45e: {  	[sflag:s28] =	ssyncset.done $0x0  }
0x45f: {  	[sflag:s28] =	ssyncadd.s32 $0xFFFFF000  }
0x460: {  	_ =	swait.ge [sflag:s28], $0x1000  }
0x461: {  	[sflag:s28] =	ssyncset.done $0x0  }
0x462: {  	[sflag:s28] =	ssyncadd.s32 $0xFFFFF000  }
0x463: {  	_ =	swait.ge [sflag:s28], $0x1000  }
0x464: {  	[sflag:s28] =	ssyncset.done $0x0  }
0x465: {  	[sflag:s28] =	ssyncadd.s32 $0xFFFFF000  }
0x466: {  	_ =	swait.ge [sflag:s28], $0x1000  }
0x467: {  	[sflag:s28] =	ssyncset.done $0x0  }
0x468: {  	[sflag:s28] =	ssyncadd.s32 $0xFFFFF000  }
0x469: {  	_ =	swait.ge [sflag:s28], $0x1000  }
0x46a: {  	[sflag:s28] =	ssyncset.done $0x0  }
0x46b: {  	[sflag:s28] =	ssyncadd.s32 $0xFFFFF000  }
0x46c: {  	_ =	swait.ge [sflag:s28], $0x1000  }
0x46d: {  	[sflag:s28] =	ssyncset.done $0x0  }
0x46e: {  	s30 =	simm.s32 $0xAB40;
	[sflag:s28] =	ssyncadd.s32 $0xFFFFF000  }
0x46f: {  	v0 =	vld [tilespmem:s30+$0x20]  }
0x470: {  	v1 =	vld [tilespmem:s30+$0x30]  }
0x471: {  	v2 =	vld [tilespmem:s30+$0x0]  }
0x472: {  	v3 =	vld [tilespmem:s30+$0x100]  }
0x473: {  	v4 =	vld [tilespmem:s30+$0xC0]  }
0x474: {  	v5 =	vld [tilespmem:s30+$0xFFFFFFF0]  }
0x475: {  	v6 =	vld [tilespmem:s30+$0x80]  }
0x476: {  	v7 =	vld [tilespmem:s30+$0x40]  }
0x477: {  	v8 =	vld [tilespmem:s30+$0xFFFFFFC0]  }
0x478: {  	v9 =	vld [tilespmem:s30+$0xFFFFFF80]  }
0x479: {  	v10 =	vld [tilespmem:s30+$0xFFFFFF40]  }
0x47a: {  	v11 =	vld [tilespmem:s30+$0xFFFFFFA0]  }
0x47b: {  	v12 =	vld [tilespmem:s30+$0xFFFFFFB0]  }
0x47c: {  	v13 =	vld [tilespmem:s30+$0xFFFFFFE0]  }
0x47d: {  	v14 =	vld [tilespmem:s30+$0xFFFFFEC0]  }
0x47e: {  	v15 =	vld [tilespmem:s30+$0xFFFFFF70]  }
0x47f: {  	v16 =	vld [tilespmem:s30+$0xFFFFFF60]  }
0x480: {  	v17 =	vld [tilespmem:s30+$0xFFFFFEF0]  }
0x481: {  	v18 =	vld [tilespmem:s30+$0xFFFFFF00]  }
0x482: {  	v19 =	vld [tilespmem:s30+$0xFFFFFF20]  }
0x483: {  	v20 =	vld [tilespmem:s30+$0xFFFFFEE0]  }
0x484: {  	v21 =	vld [tilespmem:s30+$0xFFFFFF30]  }
0x485: {  	v22 =	vld [tilespmem:s30+$0xFFFFFF10]  }
0x486: {  	v23 =	vld [tilespmem:s30+$0xFFFFFED0]  }
0x487: {  	v24 =	vld [tilespmem:s30+$0x60]  }
0x488: {  	v40 =	vld [tilespmem:s30+$0xFFFFFF50];
	v14 =	vadd.f32 v18, v14  }
0x489: {  	v41 =	vld [tilespmem:s30+$0x70];
	v39 =	vadd.f32 v19, v20  }
0x48a: {  	v43 =	vld [tilespmem:s30+$0xFFFFFF90];
	v17 =	vadd.f32 v21, v17;
	v10 =	vadd.f32 v10, v14  }
0x48b: {  	v45 =	vld [tilespmem:s30+$0xA0];
	v44 =	vadd.f32 v22, v23;
	v42 =	vadd.f32 v16, v39  }
0x48c: {  	v47 =	vld [tilespmem:s30+$0xFFFFFFD0];
	v48 =	vadd.f32 v15, v17;
	v9 =	vadd.f32 v9, v10  }
0x48d: {  	v50 =	vld [tilespmem:s30+$0xB0];
	v49 =	vadd.f32 v40, v44;
	v46 =	vadd.f32 v11, v42  }
0x48e: {  	v52 =	vld [tilespmem:s30+$0x10];
	v12 =	vadd.f32 v12, v48;
	v8 =	vadd.f32 v8, v9  }
0x48f: {  	v54 =	vld [tilespmem:s30+$0xE0];
	v53 =	vadd.f32 v43, v49;
	v51 =	vadd.f32 v13, v46  }
0x490: {  	v55 =	vld [tilespmem:s30+$0x50];
	v5 =	vadd.f32 v5, v12;
	v2 =	vadd.f32 v2, v8  }
0x491: {  	v57 =	vld [tilespmem:s30+$0x120];
	v56 =	vadd.f32 v47, v53;
	v0 =	vadd.f32 v0, v51  }
0x492: {  	v58 =	vld [tilespmem:s30+$0x90];
	v1 =	vadd.f32 v1, v5;
	v2 =	vadd.f32 v7, v2  }
0x493: {  	v60 =	vld [tilespmem:s30+$0xF0];
	v59 =	vadd.f32 v52, v56;
	v0 =	vadd.f32 v24, v0  }
0x494: {  	v61 =	vld [tilespmem:s30+$0xD0];
	v1 =	vadd.f32 v41, v1;
	v2 =	vadd.f32 v6, v2  }
0x495: {  	v62 =	vld [tilespmem:s30+$0x130];
	v5 =	vadd.f32 v55, v59;
	v0 =	vadd.f32 v45, v0  }
0x496: {  	v63 =	vld [tilespmem:s30+$0x110];
	v1 =	vadd.f32 v50, v1;
	v2 =	vadd.f32 v4, v2  }
0x497: {  	v5 =	vadd.f32 v58, v5;
	v0 =	vadd.f32 v54, v0  }
0x498: {  	v1 =	vadd.f32 v60, v1;
	v2 =	vadd.f32 v3, v2  }
0x499: {  	v0 =	vadd.f32 v57, v0;
	v3 =	vadd.f32 v61, v5  }
0x49a: {  	v1 =	vadd.f32 v62, v1  }
0x49b: {  	v0 =	vadd.f32 v0, v2;
	v2 =	vadd.f32 v63, v3  }
0x49c: {  	s1 =	simm.s32 $0x0  }
0x49d: {  	s31 =	simm.s32 $0x80;
	[tilespmem:s1+$0x18200] =	vst v0;
	v0 =	vadd.f32 v1, v2  }
.LBB2_16:
0x49e: {  	p0 =	sne.s32 s31, $0x1F80  }
0x49f: {  	s30 =	sadd.s32 $0x280, s30;
	[tilespmem:s1+$0x18210] =	vst v0;
	s1 =	smov.u32 s31;
	s31 =	sadd.s32 $0x80, s31  }
0x4a0: {  	v0 =	vld [tilespmem:s30+$0x20]  }
0x4a1: {  	v1 =	vld [tilespmem:s30+$0x30]  }
0x4a2: {  	v2 =	vld [tilespmem:s30+$0x0]  }
0x4a3: {  	v3 =	vld [tilespmem:s30+$0x100]  }
0x4a4: {  	v4 =	vld [tilespmem:s30+$0xC0]  }
0x4a5: {  	v5 =	vld [tilespmem:s30+$0xFFFFFFF0]  }
0x4a6: {  	v6 =	vld [tilespmem:s30+$0x80]  }
0x4a7: {  	v7 =	vld [tilespmem:s30+$0x40]  }
0x4a8: {  	v8 =	vld [tilespmem:s30+$0xFFFFFFC0]  }
0x4a9: {  	v9 =	vld [tilespmem:s30+$0xFFFFFF80]  }
0x4aa: {  	v10 =	vld [tilespmem:s30+$0xFFFFFF40]  }
0x4ab: {  	v11 =	vld [tilespmem:s30+$0xFFFFFFA0]  }
0x4ac: {  	v12 =	vld [tilespmem:s30+$0xFFFFFFB0]  }
0x4ad: {  	v13 =	vld [tilespmem:s30+$0xFFFFFFE0]  }
0x4ae: {  	v14 =	vld [tilespmem:s30+$0xFFFFFEC0]  }
0x4af: {  	v15 =	vld [tilespmem:s30+$0xFFFFFF70]  }
0x4b0: {  	v16 =	vld [tilespmem:s30+$0xFFFFFF60]  }
0x4b1: {  	v17 =	vld [tilespmem:s30+$0xFFFFFEF0]  }
0x4b2: {  	v18 =	vld [tilespmem:s30+$0xFFFFFF00]  }
0x4b3: {  	v19 =	vld [tilespmem:s30+$0xFFFFFF20]  }
0x4b4: {  	v20 =	vld [tilespmem:s30+$0xFFFFFEE0]  }
0x4b5: {  	v21 =	vld [tilespmem:s30+$0xFFFFFF30]  }
0x4b6: {  	v22 =	vld [tilespmem:s30+$0xFFFFFF10]  }
0x4b7: {  	v23 =	vld [tilespmem:s30+$0xFFFFFED0];
	v14 =	vadd.f32 v18, v14  }
0x4b8: {  	v18 =	vld [tilespmem:s30+$0x60]  }
0x4b9: {  	v19 =	vadd.f32 v19, v20;
	v20 =	vld [tilespmem:s30+$0xFFFFFF50]  }
0x4ba: {  	v10 =	vadd.f32 v10, v14;
	v17 =	vadd.f32 v21, v17;
	v14 =	vld [tilespmem:s30+$0x70]  }
0x4bb: {  	v16 =	vadd.f32 v16, v19;
	v19 =	vld [tilespmem:s30+$0xFFFFFF90]  }
0x4bc: {  	v9 =	vadd.f32 v9, v10;
	v21 =	vadd.f32 v22, v23;
	v10 =	vld [tilespmem:s30+$0xA0]  }
0x4bd: {  	v15 =	vadd.f32 v15, v17;
	v11 =	vadd.f32 v11, v16;
	v16 =	vld [tilespmem:s30+$0xFFFFFFD0]  }
0x4be: {  	v8 =	vadd.f32 v8, v9;
	v17 =	vadd.f32 v20, v21;
	v9 =	vld [tilespmem:s30+$0xB0]  }
0x4bf: {  	v12 =	vadd.f32 v12, v15;
	v11 =	vadd.f32 v13, v11;
	v13 =	vld [tilespmem:s30+$0x10]  }
0x4c0: {  	v2 =	vadd.f32 v2, v8;
	v15 =	vadd.f32 v19, v17;
	v8 =	vld [tilespmem:s30+$0xE0]  }
0x4c1: {  	v5 =	vadd.f32 v5, v12;
	v0 =	vadd.f32 v0, v11;
	v11 =	vld [tilespmem:s30+$0x50]  }
0x4c2: {  	v2 =	vadd.f32 v7, v2;
	v12 =	vadd.f32 v16, v15;
	v7 =	vld [tilespmem:s30+$0x120]  }
0x4c3: {  	v1 =	vadd.f32 v1, v5;
	v0 =	vadd.f32 v18, v0;
	v5 =	vld [tilespmem:s30+$0x90]  }
0x4c4: {  	v2 =	vadd.f32 v6, v2;
	v12 =	vadd.f32 v13, v12;
	v6 =	vld [tilespmem:s30+$0xF0]  }
0x4c5: {  	v1 =	vadd.f32 v14, v1;
	v0 =	vadd.f32 v10, v0;
	v10 =	vld [tilespmem:s30+$0xD0]  }
0x4c6: {  	v2 =	vadd.f32 v4, v2;
	v11 =	vadd.f32 v11, v12;
	v4 =	vld [tilespmem:s30+$0x130]  }
0x4c7: {  	v1 =	vadd.f32 v9, v1;
	v0 =	vadd.f32 v8, v0;
	v8 =	vld [tilespmem:s30+$0x110]  }
0x4c8: {  	v2 =	vadd.f32 v3, v2;
	v5 =	vadd.f32 v5, v11  }
0x4c9: {  	v1 =	vadd.f32 v6, v1;
	v0 =	vadd.f32 v7, v0  }
.Ltmp7:
0x4ca: {  	v3 =	vadd.f32 v10, v5;
	(pc) =	sbr.rel @p0 .LBB2_16-.Ltmp7, $4  }
0x4cb: {  	v0 =	vadd.f32 v0, v2  }
0x4cc: {  	s1 =	sshra.s32 s1, $0x2;
	v1 =	vadd.f32 v4, v1;
	v2 =	vadd.f32 v8, v3  }
0x4cd: {  	[tilespmem:s1+$0x18200] =	vst v0  }
0x4ce: {  	v0 =	vadd.f32 v1, v2  }
0x4cf: {  	_ = 	snop  }
0x4d0: {  	s30 =	simm.s32 $0x0;
	s31 =	simm.s32 $0x14A00;
	[tilespmem:s1+$0x18210] =	vst v0;
	s1 =	rddreg [dreg:$0xb]  }
0x4d1: {  	[hbm4b:s1+s30] =	stream.linear.scatter [tilespmem:s31], [sflag:$0x3], $0x4000, $0x38;
	[tilespmem:$0x18A00] =	vst v63  }
0x4d2: {  	_ =	swait.ge [sflag:s14], $0x4000  }
0x4d3: {  	s29 =	sadd.s32 $0x1, s29;
	s31 =	rddreg [dreg:$0xc]  }
0x4d4: {  	p0 =	sne.s32 s29, s31  }
.Ltmp8:
0x4d5: {  	_ = 	snop;
	(pc) =	sbr.rel @p0 .LBB2_1-.Ltmp8, $3  }
0x4d6: {  	_ =	sdelay $0x1  }
0x4d7: {  	[sflag:s14] =	ssyncset.done $0x0  }
0x4d8: {  	[sflag:s14] =	ssyncadd.s32 $0xFFFFC000  }
0x4d9: {  	_ =	sfence.sel $0x180000  }
0x4da: {  	[bflag:$0x0] =	sbarrier.arrive $0xFFFF  }
0x4db: {  	_ =	strace $0x90000047  }
0x4dc: {  	s0 =	stileid.u32;
	[bflag:$0x2] =	sbarrier.arrive $0xFFFF  }
0x4dd: {  	p0 =	sne.s32 s0, $0x0;
	s0 =	rddreg [dreg:$0x2]  }
0x4de: {  	s0 =	sadd.s32 @!p0 $0x100000, s0  }
0x4df: {  	[sflag:s0] =	ssyncadd.tile.s32 @!p0 $0x1;
	_ =	shalt  }
.Lfunc_end2:
_tile_overlayer_lowered:
.L_overlay_start_2:
0x4e0: {  	(tag) =	ssettag $0x2  }
0x4e1: {  	s0 =	rddreg [dreg:$0x0];
	s2 =	stileid.u32  }
0x4e2: {  	s1 =	rddreg [dreg:$0x1];
	p0 =	sne.s32 s2, $0x0  }
0x4e3: {  	s3 =	rddreg [dreg:$0x2];
	[bflag:$0x3] =	sbarrier.arrive $0xFFFF;
	s2 =	simm.s32 @!p0 $0x1C03  }
0x4e4: {  	[timem:s3], [sflag:s2] =	dma.local @!p0 [hbm:s0], s1  }
0x4e5: {  	s0 =	simm.s32 @!p0 $0x3  }
0x4e6: {  	_ =	swait.ge @!p0 [sflag:s0], s1  }
0x4e7: {  	s1 =	ssub.s32 @!p0 $0x0, s1;
	[sflag:s0] =	ssyncset.done @!p0 $0x0  }
0x4e8: {  	[sflag:s0] =	ssyncadd.s32 @!p0 s1  }
0x4e9: {  	[bflag:$0x3] =	sbarrier.arrive $0xFFFF  }
0x4ea: {  	_ =	shalt  }

</sc_bundles>
